<compile_context>
chip_gen: v7x
topology: tpu7x:2x2x1
jax: 0.10.2.dev20260603
libtpu: 0.0.44.dev20260713+nightly
codegen_flags: <defaults>
</compile_context>

<pallas_src>
import functools

import jax
import jax.numpy as jnp
from jax import lax
from jax.experimental import pallas as pl
from jax.experimental.pallas import tpu as pltpu
from jax.experimental.pallas import tpu_sc as plsc

_B = 16384
_D = 64
_NC = 2
_NS = 16
_NW = _NC * _NS
_BPW = _B // _NW
_L = 16
_CH = 32
_NCHUNK = _BPW // _CH


def _scalar(vec, k):
    return jnp.squeeze(lax.slice(vec, (k,), (k + 1,)))


def _mf_body(q_hbm, i_hbm, eq_hbm, ei_hbm, out_hbm,
             qidx_v, iidx_v, qblk_v, iblk_v, part_v, scores_v, sem_q, sem_i):
    wid = lax.axis_index("s") * _NC + lax.axis_index("c")
    base = wid * _BPW

    pltpu.sync_copy(q_hbm.at[pl.ds(base, _BPW)], qidx_v)
    pltpu.sync_copy(i_hbm.at[pl.ds(base, _BPW)], iidx_v)

    col0 = lax.iota(jnp.int32, _L) * _L

    def chunk(c, carry):
        r0 = c * _CH
        copies = []
        for g in range(_CH // _L):
            qv = qidx_v[pl.ds(r0 + g * _L, _L)]
            iv = iidx_v[pl.ds(r0 + g * _L, _L)]
            qb_vec = jnp.right_shift(qv, 3)
            ib_vec = jnp.right_shift(iv, 3)
            qs_vec = jnp.bitwise_and(qv, 7)
            is_vec = jnp.bitwise_and(iv, 7)
            for k in range(_L):
                kk = g * _L + k
                qb = _scalar(qb_vec, k)
                ib = _scalar(ib_vec, k)
                qs = _scalar(qs_vec, k)
                us = _scalar(is_vec, k)
                copies.append(pltpu.async_copy(eq_hbm.at[qb, qs], qblk_v.at[kk], sem_q))
                copies.append(pltpu.async_copy(ei_hbm.at[ib, us], iblk_v.at[kk], sem_i))
        for cp in copies:
            cp.wait()
        for g in range(_CH // _L):
            for k in range(_L):
                kk = g * _L + k
                acc = qblk_v[kk, pl.ds(0, _L)] * iblk_v[kk, pl.ds(0, _L)]
                for cc in range(1, _D // _L):
                    acc = acc + (qblk_v[kk, pl.ds(cc * _L, _L)]
                                 * iblk_v[kk, pl.ds(cc * _L, _L)])
                part_v[pl.ds(k * _L, _L)] = acc
            scores = plsc.load_gather(part_v, [col0])
            for l in range(1, _L):
                scores = scores + plsc.load_gather(part_v, [col0 + l])
            scores_v[pl.ds(r0 + g * _L, _L)] = 1.0 / (1.0 + jnp.exp(-scores))
        return carry

    lax.fori_loop(0, _NCHUNK, chunk, 0)

    pltpu.sync_copy(scores_v, out_hbm.at[pl.ds(base, _BPW)])


@jax.jit
def kernel(querys, items, embedding_query, embedding_item):
    eq3 = embedding_query.reshape(1000000 // 8, 8, _D)
    ei3 = embedding_item.reshape(1000000 // 8, 8, _D)
    mesh = plsc.VectorSubcoreMesh(
        core_axis_name="c", subcore_axis_name="s",
        num_cores=_NC, num_subcores=_NS)
    k = functools.partial(
        pl.kernel,
        out_type=jax.ShapeDtypeStruct((_B,), jnp.float32),
        mesh=mesh,
        compiler_params=pltpu.CompilerParams(needs_layout_passes=False),
        scratch_types=[
            pltpu.VMEM((_BPW,), jnp.int32),
            pltpu.VMEM((_BPW,), jnp.int32),
            pltpu.VMEM((_CH, _D), jnp.float32),
            pltpu.VMEM((_CH, _D), jnp.float32),
            pltpu.VMEM((_L * _L,), jnp.float32),
            pltpu.VMEM((_BPW,), jnp.float32),
            pltpu.SemaphoreType.DMA,
            pltpu.SemaphoreType.DMA,
        ],
    )(_mf_body)
    return k(querys, items, eq3, ei3)

# --- scband reference (transcript-rebuilt; emitter-appended) ---
"""Pipeline reference for scband-pure-mf-74380243632512 (READ-ONLY COPY).

The authoritative reference and input builder live on the scoring server;
editing this copy changes nothing except your own understanding.
"""

import jax, jax.numpy as jnp
import numpy as np

NUM_QUERYS = 1000000
NUM_ITEMS = 1000000
LATENT_DIM = 64
BATCH = 16384

def setup_inputs(seed: int = 0) -> dict:
    key = jax.random.key(seed)
    k1, k2, k3, k4 = jax.random.split(key, 4)
    querys = jax.random.randint(k1, (BATCH,), 0, NUM_QUERYS, dtype=jnp.int64 if jax.config.jax_enable_x64 else jnp.int32).astype(jnp.int32)
    items = jax.random.randint(k2, (BATCH,), 0, NUM_ITEMS, dtype=jnp.int32)
    embedding_query = jax.random.normal(k3, (NUM_QUERYS, LATENT_DIM), dtype=jnp.float32)
    embedding_item = jax.random.normal(k4, (NUM_ITEMS, LATENT_DIM), dtype=jnp.float32)
    return {"querys": querys, "items": items, "embedding_query": embedding_query, "embedding_item": embedding_item}

def reference(querys, items, embedding_query, embedding_item):
    # PureMF.forward: gather query and item embeddings, elementwise dot, sigmoid
    querys_emb = jnp.take(embedding_query, querys, axis=0)   # [B, D] gather
    items_emb = jnp.take(embedding_item, items, axis=0)      # [B, D] gather
    scores = jnp.sum(querys_emb * items_emb, axis=1)         # [B]
    return jax.nn.sigmoid(scores)

if __name__ == "__main__":
    import jax
    _d = setup_inputs()
    print(jax.jit(kernel)(*tuple(_d.values())))

</pallas_src>

<mosaic_0001>
#map = affine_map<(d0, d1) -> (0)>
#map1 = affine_map<(d0, d1) -> (0, 0, 0)>
module attributes {stable_mosaic.version = 14 : i64} {
  func.func @_mf_body(%arg0: i32, %arg1: i32, %arg2: memref<16384xi32, #tpu.memory_space<hbm>>, %arg3: memref<16384xi32, #tpu.memory_space<hbm>>, %arg4: memref<125000x8x64xf32, #tpu.memory_space<hbm>>, %arg5: memref<125000x8x64xf32, #tpu.memory_space<hbm>>, %arg6: memref<16384xf32, #tpu.memory_space<hbm>>, %arg7: memref<512xi32, #tpu.memory_space<vmem>>, %arg8: memref<512xi32, #tpu.memory_space<vmem>>, %arg9: memref<32x64xf32, #tpu.memory_space<vmem>>, %arg10: memref<32x64xf32, #tpu.memory_space<vmem>>, %arg11: memref<256xf32, #tpu.memory_space<vmem>>, %arg12: memref<512xf32, #tpu.memory_space<vmem>>, %arg13: memref<!tpu.dma_semaphore, #tpu.memory_space<semaphore_mem>>, %arg14: memref<!tpu.dma_semaphore, #tpu.memory_space<semaphore_mem>>) attributes {dimension_semantics = [#tpu.dimension_semantics<core_parallel>, #tpu.dimension_semantics<subcore_parallel>], iteration_bounds = array<i64: 2, 16>, scalar_prefetch = 0 : i64, scratch_operands = 8 : i64, tpu.core_type = #tpu.core_type<sc_vector_subcore>, window_params = [{transform_indices = #map}, {transform_indices = #map}, {transform_indices = #map1}, {transform_indices = #map1}, {transform_indices = #map}]} {
    %mul3A = arith.constant 2 : i32
    %mul3A_0 = arith.muli %arg1, %mul3A : i32
    %add3A = arith.addi %mul3A_0, %arg0 : i32
    %mul3A_1 = arith.constant 512 : i32
    %mul3A_2 = arith.muli %add3A, %mul3A_1 : i32
    "tpu.region"() ({
      %run_scoped3A = tpu.sem_alloc : memref<!tpu.dma_semaphore, #tpu.memory_space<semaphore_mem>>
      %dma_start3A = tpu.memref_slice %arg2[%mul3A_2] : memref<16384xi32, #tpu.memory_space<hbm>> -> memref<512xi32, #tpu.memory_space<hbm>>
      %dma_start3A_11 = tpu.memref_slice %arg2[%mul3A_2] : memref<16384xi32, #tpu.memory_space<hbm>> -> memref<512xi32, #tpu.memory_space<hbm>>
      tpu.enqueue_dma source(%dma_start3A_11 : memref<512xi32, #tpu.memory_space<hbm>>) target(%arg7 : memref<512xi32, #tpu.memory_space<vmem>>) target_semaphore(%run_scoped3A : memref<!tpu.dma_semaphore, #tpu.memory_space<semaphore_mem>>)
      %dma_wait3A = tpu.memref_slice %arg2[%mul3A_2] : memref<16384xi32, #tpu.memory_space<hbm>> -> memref<512xi32, #tpu.memory_space<hbm>>
      %dma_wait3A_12 = tpu.memref_slice %arg2[%mul3A_2] : memref<16384xi32, #tpu.memory_space<hbm>> -> memref<512xi32, #tpu.memory_space<hbm>>
      tpu.wait_dma2 semaphore(%run_scoped3A : memref<!tpu.dma_semaphore, #tpu.memory_space<semaphore_mem>>) src(%dma_wait3A_12 : memref<512xi32, #tpu.memory_space<hbm>>) dst(%arg7 : memref<512xi32, #tpu.memory_space<vmem>>)
      tpu.yield
    }) : () -> ()
    "tpu.region"() ({
      %run_scoped3A = tpu.sem_alloc : memref<!tpu.dma_semaphore, #tpu.memory_space<semaphore_mem>>
      %dma_start3A = tpu.memref_slice %arg3[%mul3A_2] : memref<16384xi32, #tpu.memory_space<hbm>> -> memref<512xi32, #tpu.memory_space<hbm>>
      %dma_start3A_11 = tpu.memref_slice %arg3[%mul3A_2] : memref<16384xi32, #tpu.memory_space<hbm>> -> memref<512xi32, #tpu.memory_space<hbm>>
      tpu.enqueue_dma source(%dma_start3A_11 : memref<512xi32, #tpu.memory_space<hbm>>) target(%arg8 : memref<512xi32, #tpu.memory_space<vmem>>) target_semaphore(%run_scoped3A : memref<!tpu.dma_semaphore, #tpu.memory_space<semaphore_mem>>)
      %dma_wait3A = tpu.memref_slice %arg3[%mul3A_2] : memref<16384xi32, #tpu.memory_space<hbm>> -> memref<512xi32, #tpu.memory_space<hbm>>
      %dma_wait3A_12 = tpu.memref_slice %arg3[%mul3A_2] : memref<16384xi32, #tpu.memory_space<hbm>> -> memref<512xi32, #tpu.memory_space<hbm>>
      tpu.wait_dma2 semaphore(%run_scoped3A : memref<!tpu.dma_semaphore, #tpu.memory_space<semaphore_mem>>) src(%dma_wait3A_12 : memref<512xi32, #tpu.memory_space<hbm>>) dst(%arg8 : memref<512xi32, #tpu.memory_space<vmem>>)
      tpu.yield
    }) : () -> ()
    %iota3A = tpu.iota {dimensions = array<i32: 0>} : vector<16xi32>
    %mul3A_3 = arith.constant 16 : i32
    %mul3A_4 = vector.broadcast %mul3A_3 : i32 to vector<16xi32>
    %mul3A_5 = arith.muli %iota3A, %mul3A_4 : vector<16xi32>
    %scan3A = arith.constant 0 : i32
    %scan3A_6 = arith.constant 0 : i32
    %scan3A_7 = arith.constant 16 : i32
    %scan3A_8 = arith.addi %scan3A_6, %scan3A_7 : i32
    %scan3A_9 = arith.constant 1 : i32
    scf.for %scan3A_11 = %scan3A_6 to %scan3A_8 step %scan3A_9  : i32 {
      %mul3A_12 = arith.constant 32 : i32
      %mul3A_13 = arith.muli %scan3A_11, %mul3A_12 : i32
      %add3A_14 = arith.constant 0 : i32
      %add3A_15 = arith.addi %mul3A_13, %add3A_14 : i32
      %get3A = arith.index_cast %add3A_15 : i32 to index
      %get3A_16 = tpu.vector_load %arg7[%get3A] {strides = array<i32>} : memref<512xi32, #tpu.memory_space<vmem>>, vector<16xi32>,
      %add3A_17 = arith.constant 0 : i32
      %add3A_18 = arith.addi %mul3A_13, %add3A_17 : i32
      %get3A_19 = arith.index_cast %add3A_18 : i32 to index
      %get3A_20 = tpu.vector_load %arg8[%get3A_19] {strides = array<i32>} : memref<512xi32, #tpu.memory_space<vmem>>, vector<16xi32>,
      %shift_right_arithmetic3A = arith.constant 3 : i32
      %shift_right_arithmetic3A_21 = vector.broadcast %shift_right_arithmetic3A : i32 to vector<16xi32>
      %shift_right_arithmetic3A_22 = arith.shrsi %get3A_16, %shift_right_arithmetic3A_21 : vector<16xi32>
      %shift_right_arithmetic3A_23 = arith.constant 3 : i32
      %shift_right_arithmetic3A_24 = vector.broadcast %shift_right_arithmetic3A_23 : i32 to vector<16xi32>
      %shift_right_arithmetic3A_25 = arith.shrsi %get3A_20, %shift_right_arithmetic3A_24 : vector<16xi32>
      %and3A = arith.constant 7 : i32
      %and3A_26 = vector.broadcast %and3A : i32 to vector<16xi32>
      %and3A_27 = arith.andi %get3A_16, %and3A_26 : vector<16xi32>
      %and3A_28 = arith.constant 7 : i32
      %and3A_29 = vector.broadcast %and3A_28 : i32 to vector<16xi32>
      %and3A_30 = arith.andi %get3A_20, %and3A_29 : vector<16xi32>
      %slice3A = vector.extract_strided_slice %shift_right_arithmetic3A_22 {offsets = [0], sizes = [1], strides = [1]} : vector<16xi32> to vector<1xi32>
      %squeeze3A = vector.extract %slice3A[0] : i32 from vector<1xi32>
      %slice3A_31 = vector.extract_strided_slice %shift_right_arithmetic3A_25 {offsets = [0], sizes = [1], strides = [1]} : vector<16xi32> to vector<1xi32>
      %squeeze3A_32 = vector.extract %slice3A_31[0] : i32 from vector<1xi32>
      %slice3A_33 = vector.extract_strided_slice %and3A_27 {offsets = [0], sizes = [1], strides = [1]} : vector<16xi32> to vector<1xi32>
      %squeeze3A_34 = vector.extract %slice3A_33[0] : i32 from vector<1xi32>
      %slice3A_35 = vector.extract_strided_slice %and3A_30 {offsets = [0], sizes = [1], strides = [1]} : vector<16xi32> to vector<1xi32>
      %squeeze3A_36 = vector.extract %slice3A_35[0] : i32 from vector<1xi32>
      %dma_start3A = arith.constant 0 : i32
      %dma_start3A_37 = arith.constant 0 : i32
      %dma_start3A_38 = tpu.memref_slice %arg9[%dma_start3A, %dma_start3A_37] : memref<32x64xf32, #tpu.memory_space<vmem>> -> memref<1x64xf32, #tpu.memory_space<vmem>>
      %dma_start3A_39 = tpu.memref_squeeze %dma_start3A_38 : memref<1x64xf32, #tpu.memory_space<vmem>> -> memref<64xf32, #tpu.memory_space<vmem>>
      %dma_start3A_40 = arith.constant 0 : i32
      %dma_start3A_41 = tpu.memref_slice %arg4[%squeeze3A, %squeeze3A_34, %dma_start3A_40] : memref<125000x8x64xf32, #tpu.memory_space<hbm>> -> memref<1x1x64xf32, #tpu.memory_space<hbm>>
      %dma_start3A_42 = tpu.memref_squeeze %dma_start3A_41 : memref<1x1x64xf32, #tpu.memory_space<hbm>> -> memref<64xf32, #tpu.memory_space<hbm>>
      %dma_start3A_43 = arith.constant 0 : i32
      %dma_start3A_44 = tpu.memref_slice %arg9[%dma_start3A, %dma_start3A_43] : memref<32x64xf32, #tpu.memory_space<vmem>> -> memref<1x64xf32, #tpu.memory_space<vmem>>
      %dma_start3A_45 = tpu.memref_squeeze %dma_start3A_44 : memref<1x64xf32, #tpu.memory_space<vmem>> -> memref<64xf32, #tpu.memory_space<vmem>>
      %dma_start3A_46 = arith.constant 0 : i32
      %dma_start3A_47 = tpu.memref_slice %arg4[%squeeze3A, %squeeze3A_34, %dma_start3A_46] : memref<125000x8x64xf32, #tpu.memory_space<hbm>> -> memref<1x1x64xf32, #tpu.memory_space<hbm>>
      %dma_start3A_48 = tpu.memref_squeeze %dma_start3A_47 : memref<1x1x64xf32, #tpu.memory_space<hbm>> -> memref<64xf32, #tpu.memory_space<hbm>>
      tpu.enqueue_dma source(%dma_start3A_48 : memref<64xf32, #tpu.memory_space<hbm>>) target(%dma_start3A_45 : memref<64xf32, #tpu.memory_space<vmem>>) target_semaphore(%arg13 : memref<!tpu.dma_semaphore, #tpu.memory_space<semaphore_mem>>)
      %dma_start3A_49 = arith.constant 0 : i32
      %dma_start3A_50 = arith.constant 0 : i32
      %dma_start3A_51 = tpu.memref_slice %arg10[%dma_start3A_49, %dma_start3A_50] : memref<32x64xf32, #tpu.memory_space<vmem>> -> memref<1x64xf32, #tpu.memory_space<vmem>>
      %dma_start3A_52 = tpu.memref_squeeze %dma_start3A_51 : memref<1x64xf32, #tpu.memory_space<vmem>> -> memref<64xf32, #tpu.memory_space<vmem>>
      %dma_start3A_53 = arith.constant 0 : i32
      %dma_start3A_54 = tpu.memref_slice %arg5[%squeeze3A_32, %squeeze3A_36, %dma_start3A_53] : memref<125000x8x64xf32, #tpu.memory_space<hbm>> -> memref<1x1x64xf32, #tpu.memory_space<hbm>>
      %dma_start3A_55 = tpu.memref_squeeze %dma_start3A_54 : memref<1x1x64xf32, #tpu.memory_space<hbm>> -> memref<64xf32, #tpu.memory_space<hbm>>
      %dma_start3A_56 = arith.constant 0 : i32
      %dma_start3A_57 = tpu.memref_slice %arg10[%dma_start3A_49, %dma_start3A_56] : memref<32x64xf32, #tpu.memory_space<vmem>> -> memref<1x64xf32, #tpu.memory_space<vmem>>
      %dma_start3A_58 = tpu.memref_squeeze %dma_start3A_57 : memref<1x64xf32, #tpu.memory_space<vmem>> -> memref<64xf32, #tpu.memory_space<vmem>>
      %dma_start3A_59 = arith.constant 0 : i32
      %dma_start3A_60 = tpu.memref_slice %arg5[%squeeze3A_32, %squeeze3A_36, %dma_start3A_59] : memref<125000x8x64xf32, #tpu.memory_space<hbm>> -> memref<1x1x64xf32, #tpu.memory_space<hbm>>
      %dma_start3A_61 = tpu.memref_squeeze %dma_start3A_60 : memref<1x1x64xf32, #tpu.memory_space<hbm>> -> memref<64xf32, #tpu.memory_space<hbm>>
      tpu.enqueue_dma source(%dma_start3A_61 : memref<64xf32, #tpu.memory_space<hbm>>) target(%dma_start3A_58 : memref<64xf32, #tpu.memory_space<vmem>>) target_semaphore(%arg14 : memref<!tpu.dma_semaphore, #tpu.memory_space<semaphore_mem>>)
      %slice3A_62 = vector.extract_strided_slice %shift_right_arithmetic3A_22 {offsets = [1], sizes = [1], strides = [1]} : vector<16xi32> to vector<1xi32>
      %squeeze3A_63 = vector.extract %slice3A_62[0] : i32 from vector<1xi32>
      %slice3A_64 = vector.extract_strided_slice %shift_right_arithmetic3A_25 {offsets = [1], sizes = [1], strides = [1]} : vector<16xi32> to vector<1xi32>
      %squeeze3A_65 = vector.extract %slice3A_64[0] : i32 from vector<1xi32>
      %slice3A_66 = vector.extract_strided_slice %and3A_27 {offsets = [1], sizes = [1], strides = [1]} : vector<16xi32> to vector<1xi32>
      %squeeze3A_67 = vector.extract %slice3A_66[0] : i32 from vector<1xi32>
      %slice3A_68 = vector.extract_strided_slice %and3A_30 {offsets = [1], sizes = [1], strides = [1]} : vector<16xi32> to vector<1xi32>
      %squeeze3A_69 = vector.extract %slice3A_68[0] : i32 from vector<1xi32>
      %dma_start3A_70 = arith.constant 1 : i32
      %dma_start3A_71 = arith.constant 0 : i32
      %dma_start3A_72 = tpu.memref_slice %arg9[%dma_start3A_70, %dma_start3A_71] : memref<32x64xf32, #tpu.memory_space<vmem>> -> memref<1x64xf32, #tpu.memory_space<vmem>>
      %dma_start3A_73 = tpu.memref_squeeze %dma_start3A_72 : memref<1x64xf32, #tpu.memory_space<vmem>> -> memref<64xf32, #tpu.memory_space<vmem>>
      %dma_start3A_74 = arith.constant 0 : i32
      %dma_start3A_75 = tpu.memref_slice %arg4[%squeeze3A_63, %squeeze3A_67, %dma_start3A_74] : memref<125000x8x64xf32, #tpu.memory_space<hbm>> -> memref<1x1x64xf32, #tpu.memory_space<hbm>>
      %dma_start3A_76 = tpu.memref_squeeze %dma_start3A_75 : memref<1x1x64xf32, #tpu.memory_space<hbm>> -> memref<64xf32, #tpu.memory_space<hbm>>
      %dma_start3A_77 = arith.constant 0 : i32
      %dma_start3A_78 = tpu.memref_slice %arg9[%dma_start3A_70, %dma_start3A_77] : memref<32x64xf32, #tpu.memory_space<vmem>> -> memref<1x64xf32, #tpu.memory_space<vmem>>
      %dma_start3A_79 = tpu.memref_squeeze %dma_start3A_78 : memref<1x64xf32, #tpu.memory_space<vmem>> -> memref<64xf32, #tpu.memory_space<vmem>>
      %dma_start3A_80 = arith.constant 0 : i32
      %dma_start3A_81 = tpu.memref_slice %arg4[%squeeze3A_63, %squeeze3A_67, %dma_start3A_80] : memref<125000x8x64xf32, #tpu.memory_space<hbm>> -> memref<1x1x64xf32, #tpu.memory_space<hbm>>
      %dma_start3A_82 = tpu.memref_squeeze %dma_start3A_81 : memref<1x1x64xf32, #tpu.memory_space<hbm>> -> memref<64xf32, #tpu.memory_space<hbm>>
      tpu.enqueue_dma source(%dma_start3A_82 : memref<64xf32, #tpu.memory_space<hbm>>) target(%dma_start3A_79 : memref<64xf32, #tpu.memory_space<vmem>>) target_semaphore(%arg13 : memref<!tpu.dma_semaphore, #tpu.memory_space<semaphore_mem>>)
      %dma_start3A_83 = arith.constant 1 : i32
      %dma_start3A_84 = arith.constant 0 : i32
      %dma_start3A_85 = tpu.memref_slice %arg10[%dma_start3A_83, %dma_start3A_84] : memref<32x64xf32, #tpu.memory_space<vmem>> -> memref<1x64xf32, #tpu.memory_space<vmem>>
      %dma_start3A_86 = tpu.memref_squeeze %dma_start3A_85 : memref<1x64xf32, #tpu.memory_space<vmem>> -> memref<64xf32, #tpu.memory_space<vmem>>
      %dma_start3A_87 = arith.constant 0 : i32
      %dma_start3A_88 = tpu.memref_slice %arg5[%squeeze3A_65, %squeeze3A_69, %dma_start3A_87] : memref<125000x8x64xf32, #tpu.memory_space<hbm>> -> memref<1x1x64xf32, #tpu.memory_space<hbm>>
      %dma_start3A_89 = tpu.memref_squeeze %dma_start3A_88 : memref<1x1x64xf32, #tpu.memory_space<hbm>> -> memref<64xf32, #tpu.memory_space<hbm>>
      %dma_start3A_90 = arith.constant 0 : i32
      %dma_start3A_91 = tpu.memref_slice %arg10[%dma_start3A_83, %dma_start3A_90] : memref<32x64xf32, #tpu.memory_space<vmem>> -> memref<1x64xf32, #tpu.memory_space<vmem>>
      %dma_start3A_92 = tpu.memref_squeeze %dma_start3A_91 : memref<1x64xf32, #tpu.memory_space<vmem>> -> memref<64xf32, #tpu.memory_space<vmem>>
      %dma_start3A_93 = arith.constant 0 : i32
      %dma_start3A_94 = tpu.memref_slice %arg5[%squeeze3A_65, %squeeze3A_69, %dma_start3A_93] : memref<125000x8x64xf32, #tpu.memory_space<hbm>> -> memref<1x1x64xf32, #tpu.memory_space<hbm>>
      %dma_start3A_95 = tpu.memref_squeeze %dma_start3A_94 : memref<1x1x64xf32, #tpu.memory_space<hbm>> -> memref<64xf32, #tpu.memory_space<hbm>>
      tpu.enqueue_dma source(%dma_start3A_95 : memref<64xf32, #tpu.memory_space<hbm>>) target(%dma_start3A_92 : memref<64xf32, #tpu.memory_space<vmem>>) target_semaphore(%arg14 : memref<!tpu.dma_semaphore, #tpu.memory_space<semaphore_mem>>)
      %slice3A_96 = vector.extract_strided_slice %shift_right_arithmetic3A_22 {offsets = [2], sizes = [1], strides = [1]} : vector<16xi32> to vector<1xi32>
      %squeeze3A_97 = vector.extract %slice3A_96[0] : i32 from vector<1xi32>
      %slice3A_98 = vector.extract_strided_slice %shift_right_arithmetic3A_25 {offsets = [2], sizes = [1], strides = [1]} : vector<16xi32> to vector<1xi32>
      %squeeze3A_99 = vector.extract %slice3A_98[0] : i32 from vector<1xi32>
      %slice3A_100 = vector.extract_strided_slice %and3A_27 {offsets = [2], sizes = [1], strides = [1]} : vector<16xi32> to vector<1xi32>
      %squeeze3A_101 = vector.extract %slice3A_100[0] : i32 from vector<1xi32>
      %slice3A_102 = vector.extract_strided_slice %and3A_30 {offsets = [2], sizes = [1], strides = [1]} : vector<16xi32> to vector<1xi32>
      %squeeze3A_103 = vector.extract %slice3A_102[0] : i32 from vector<1xi32>
      %dma_start3A_104 = arith.constant 2 : i32
      %dma_start3A_105 = arith.constant 0 : i32
      %dma_start3A_106 = tpu.memref_slice %arg9[%dma_start3A_104, %dma_start3A_105] : memref<32x64xf32, #tpu.memory_space<vmem>> -> memref<1x64xf32, #tpu.memory_space<vmem>>
      %dma_start3A_107 = tpu.memref_squeeze %dma_start3A_106 : memref<1x64xf32, #tpu.memory_space<vmem>> -> memref<64xf32, #tpu.memory_space<vmem>>
      %dma_start3A_108 = arith.constant 0 : i32
      %dma_start3A_109 = tpu.memref_slice %arg4[%squeeze3A_97, %squeeze3A_101, %dma_start3A_108] : memref<125000x8x64xf32, #tpu.memory_space<hbm>> -> memref<1x1x64xf32, #tpu.memory_space<hbm>>
      %dma_start3A_110 = tpu.memref_squeeze %dma_start3A_109 : memref<1x1x64xf32, #tpu.memory_space<hbm>> -> memref<64xf32, #tpu.memory_space<hbm>>
      %dma_start3A_111 = arith.constant 0 : i32
      %dma_start3A_112 = tpu.memref_slice %arg9[%dma_start3A_104, %dma_start3A_111] : memref<32x64xf32, #tpu.memory_space<vmem>> -> memref<1x64xf32, #tpu.memory_space<vmem>>
      %dma_start3A_113 = tpu.memref_squeeze %dma_start3A_112 : memref<1x64xf32, #tpu.memory_space<vmem>> -> memref<64xf32, #tpu.memory_space<vmem>>
      %dma_start3A_114 = arith.constant 0 : i32
      %dma_start3A_115 = tpu.memref_slice %arg4[%squeeze3A_97, %squeeze3A_101, %dma_start3A_114] : memref<125000x8x64xf32, #tpu.memory_space<hbm>> -> memref<1x1x64xf32, #tpu.memory_space<hbm>>
      %dma_start3A_116 = tpu.memref_squeeze %dma_start3A_115 : memref<1x1x64xf32, #tpu.memory_space<hbm>> -> memref<64xf32, #tpu.memory_space<hbm>>
      tpu.enqueue_dma source(%dma_start3A_116 : memref<64xf32, #tpu.memory_space<hbm>>) target(%dma_start3A_113 : memref<64xf32, #tpu.memory_space<vmem>>) target_semaphore(%arg13 : memref<!tpu.dma_semaphore, #tpu.memory_space<semaphore_mem>>)
      %dma_start3A_117 = arith.constant 2 : i32
      %dma_start3A_118 = arith.constant 0 : i32
      %dma_start3A_119 = tpu.memref_slice %arg10[%dma_start3A_117, %dma_start3A_118] : memref<32x64xf32, #tpu.memory_space<vmem>> -> memref<1x64xf32, #tpu.memory_space<vmem>>
      %dma_start3A_120 = tpu.memref_squeeze %dma_start3A_119 : memref<1x64xf32, #tpu.memory_space<vmem>> -> memref<64xf32, #tpu.memory_space<vmem>>
      %dma_start3A_121 = arith.constant 0 : i32
      %dma_start3A_122 = tpu.memref_slice %arg5[%squeeze3A_99, %squeeze3A_103, %dma_start3A_121] : memref<125000x8x64xf32, #tpu.memory_space<hbm>> -> memref<1x1x64xf32, #tpu.memory_space<hbm>>
      %dma_start3A_123 = tpu.memref_squeeze %dma_start3A_122 : memref<1x1x64xf32, #tpu.memory_space<hbm>> -> memref<64xf32, #tpu.memory_space<hbm>>
      %dma_start3A_124 = arith.constant 0 : i32
      %dma_start3A_125 = tpu.memref_slice %arg10[%dma_start3A_117, %dma_start3A_124] : memref<32x64xf32, #tpu.memory_space<vmem>> -> memref<1x64xf32, #tpu.memory_space<vmem>>
      %dma_start3A_126 = tpu.memref_squeeze %dma_start3A_125 : memref<1x64xf32, #tpu.memory_space<vmem>> -> memref<64xf32, #tpu.memory_space<vmem>>
      %dma_start3A_127 = arith.constant 0 : i32
      %dma_start3A_128 = tpu.memref_slice %arg5[%squeeze3A_99, %squeeze3A_103, %dma_start3A_127] : memref<125000x8x64xf32, #tpu.memory_space<hbm>> -> memref<1x1x64xf32, #tpu.memory_space<hbm>>
      %dma_start3A_129 = tpu.memref_squeeze %dma_start3A_128 : memref<1x1x64xf32, #tpu.memory_space<hbm>> -> memref<64xf32, #tpu.memory_space<hbm>>
      tpu.enqueue_dma source(%dma_start3A_129 : memref<64xf32, #tpu.memory_space<hbm>>) target(%dma_start3A_126 : memref<64xf32, #tpu.memory_space<vmem>>) target_semaphore(%arg14 : memref<!tpu.dma_semaphore, #tpu.memory_space<semaphore_mem>>)
      %slice3A_130 = vector.extract_strided_slice %shift_right_arithmetic3A_22 {offsets = [3], sizes = [1], strides = [1]} : vector<16xi32> to vector<1xi32>
      %squeeze3A_131 = vector.extract %slice3A_130[0] : i32 from vector<1xi32>
      %slice3A_132 = vector.extract_strided_slice %shift_right_arithmetic3A_25 {offsets = [3], sizes = [1], strides = [1]} : vector<16xi32> to vector<1xi32>
      %squeeze3A_133 = vector.extract %slice3A_132[0] : i32 from vector<1xi32>
      %slice3A_134 = vector.extract_strided_slice %and3A_27 {offsets = [3], sizes = [1], strides = [1]} : vector<16xi32> to vector<1xi32>
      %squeeze3A_135 = vector.extract %slice3A_134[0] : i32 from vector<1xi32>
      %slice3A_136 = vector.extract_strided_slice %and3A_30 {offsets = [3], sizes = [1], strides = [1]} : vector<16xi32> to vector<1xi32>
      %squeeze3A_137 = vector.extract %slice3A_136[0] : i32 from vector<1xi32>
      %dma_start3A_138 = arith.constant 3 : i32
      %dma_start3A_139 = arith.constant 0 : i32
      %dma_start3A_140 = tpu.memref_slice %arg9[%dma_start3A_138, %dma_start3A_139] : memref<32x64xf32, #tpu.memory_space<vmem>> -> memref<1x64xf32, #tpu.memory_space<vmem>>
      %dma_start3A_141 = tpu.memref_squeeze %dma_start3A_140 : memref<1x64xf32, #tpu.memory_space<vmem>> -> memref<64xf32, #tpu.memory_space<vmem>>
      %dma_start3A_142 = arith.constant 0 : i32
      %dma_start3A_143 = tpu.memref_slice %arg4[%squeeze3A_131, %squeeze3A_135, %dma_start3A_142] : memref<125000x8x64xf32, #tpu.memory_space<hbm>> -> memref<1x1x64xf32, #tpu.memory_space<hbm>>
      %dma_start3A_144 = tpu.memref_squeeze %dma_start3A_143 : memref<1x1x64xf32, #tpu.memory_space<hbm>> -> memref<64xf32, #tpu.memory_space<hbm>>
      %dma_start3A_145 = arith.constant 0 : i32
      %dma_start3A_146 = tpu.memref_slice %arg9[%dma_start3A_138, %dma_start3A_145] : memref<32x64xf32, #tpu.memory_space<vmem>> -> memref<1x64xf32, #tpu.memory_space<vmem>>
      %dma_start3A_147 = tpu.memref_squeeze %dma_start3A_146 : memref<1x64xf32, #tpu.memory_space<vmem>> -> memref<64xf32, #tpu.memory_space<vmem>>
      %dma_start3A_148 = arith.constant 0 : i32
      %dma_start3A_149 = tpu.memref_slice %arg4[%squeeze3A_131, %squeeze3A_135, %dma_start3A_148] : memref<125000x8x64xf32, #tpu.memory_space<hbm>> -> memref<1x1x64xf32, #tpu.memory_space<hbm>>
      %dma_start3A_150 = tpu.memref_squeeze %dma_start3A_149 : memref<1x1x64xf32, #tpu.memory_space<hbm>> -> memref<64xf32, #tpu.memory_space<hbm>>
      tpu.enqueue_dma source(%dma_start3A_150 : memref<64xf32, #tpu.memory_space<hbm>>) target(%dma_start3A_147 : memref<64xf32, #tpu.memory_space<vmem>>) target_semaphore(%arg13 : memref<!tpu.dma_semaphore, #tpu.memory_space<semaphore_mem>>)
      %dma_start3A_151 = arith.constant 3 : i32
      %dma_start3A_152 = arith.constant 0 : i32
      %dma_start3A_153 = tpu.memref_slice %arg10[%dma_start3A_151, %dma_start3A_152] : memref<32x64xf32, #tpu.memory_space<vmem>> -> memref<1x64xf32, #tpu.memory_space<vmem>>
      %dma_start3A_154 = tpu.memref_squeeze %dma_start3A_153 : memref<1x64xf32, #tpu.memory_space<vmem>> -> memref<64xf32, #tpu.memory_space<vmem>>
      %dma_start3A_155 = arith.constant 0 : i32
      %dma_start3A_156 = tpu.memref_slice %arg5[%squeeze3A_133, %squeeze3A_137, %dma_start3A_155] : memref<125000x8x64xf32, #tpu.memory_space<hbm>> -> memref<1x1x64xf32, #tpu.memory_space<hbm>>
      %dma_start3A_157 = tpu.memref_squeeze %dma_start3A_156 : memref<1x1x64xf32, #tpu.memory_space<hbm>> -> memref<64xf32, #tpu.memory_space<hbm>>
      %dma_start3A_158 = arith.constant 0 : i32
      %dma_start3A_159 = tpu.memref_slice %arg10[%dma_start3A_151, %dma_start3A_158] : memref<32x64xf32, #tpu.memory_space<vmem>> -> memref<1x64xf32, #tpu.memory_space<vmem>>
      %dma_start3A_160 = tpu.memref_squeeze %dma_start3A_159 : memref<1x64xf32, #tpu.memory_space<vmem>> -> memref<64xf32, #tpu.memory_space<vmem>>
      %dma_start3A_161 = arith.constant 0 : i32
      %dma_start3A_162 = tpu.memref_slice %arg5[%squeeze3A_133, %squeeze3A_137, %dma_start3A_161] : memref<125000x8x64xf32, #tpu.memory_space<hbm>> -> memref<1x1x64xf32, #tpu.memory_space<hbm>>
      %dma_start3A_163 = tpu.memref_squeeze %dma_start3A_162 : memref<1x1x64xf32, #tpu.memory_space<hbm>> -> memref<64xf32, #tpu.memory_space<hbm>>
      tpu.enqueue_dma source(%dma_start3A_163 : memref<64xf32, #tpu.memory_space<hbm>>) target(%dma_start3A_160 : memref<64xf32, #tpu.memory_space<vmem>>) target_semaphore(%arg14 : memref<!tpu.dma_semaphore, #tpu.memory_space<semaphore_mem>>)
      %slice3A_164 = vector.extract_strided_slice %shift_right_arithmetic3A_22 {offsets = [4], sizes = [1], strides = [1]} : vector<16xi32> to vector<1xi32>
      %squeeze3A_165 = vector.extract %slice3A_164[0] : i32 from vector<1xi32>
      %slice3A_166 = vector.extract_strided_slice %shift_right_arithmetic3A_25 {offsets = [4], sizes = [1], strides = [1]} : vector<16xi32> to vector<1xi32>
      %squeeze3A_167 = vector.extract %slice3A_166[0] : i32 from vector<1xi32>
      %slice3A_168 = vector.extract_strided_slice %and3A_27 {offsets = [4], sizes = [1], strides = [1]} : vector<16xi32> to vector<1xi32>
      %squeeze3A_169 = vector.extract %slice3A_168[0] : i32 from vector<1xi32>
      %slice3A_170 = vector.extract_strided_slice %and3A_30 {offsets = [4], sizes = [1], strides = [1]} : vector<16xi32> to vector<1xi32>
      %squeeze3A_171 = vector.extract %slice3A_170[0] : i32 from vector<1xi32>
      %dma_start3A_172 = arith.constant 4 : i32
      %dma_start3A_173 = arith.constant 0 : i32
      %dma_start3A_174 = tpu.memref_slice %arg9[%dma_start3A_172, %dma_start3A_173] : memref<32x64xf32, #tpu.memory_space<vmem>> -> memref<1x64xf32, #tpu.memory_space<vmem>>
      %dma_start3A_175 = tpu.memref_squeeze %dma_start3A_174 : memref<1x64xf32, #tpu.memory_space<vmem>> -> memref<64xf32, #tpu.memory_space<vmem>>
      %dma_start3A_176 = arith.constant 0 : i32
      %dma_start3A_177 = tpu.memref_slice %arg4[%squeeze3A_165, %squeeze3A_169, %dma_start3A_176] : memref<125000x8x64xf32, #tpu.memory_space<hbm>> -> memref<1x1x64xf32, #tpu.memory_space<hbm>>
      %dma_start3A_178 = tpu.memref_squeeze %dma_start3A_177 : memref<1x1x64xf32, #tpu.memory_space<hbm>> -> memref<64xf32, #tpu.memory_space<hbm>>
      %dma_start3A_179 = arith.constant 0 : i32
      %dma_start3A_180 = tpu.memref_slice %arg9[%dma_start3A_172, %dma_start3A_179] : memref<32x64xf32, #tpu.memory_space<vmem>> -> memref<1x64xf32, #tpu.memory_space<vmem>>
      %dma_start3A_181 = tpu.memref_squeeze %dma_start3A_180 : memref<1x64xf32, #tpu.memory_space<vmem>> -> memref<64xf32, #tpu.memory_space<vmem>>
      %dma_start3A_182 = arith.constant 0 : i32
      %dma_start3A_183 = tpu.memref_slice %arg4[%squeeze3A_165, %squeeze3A_169, %dma_start3A_182] : memref<125000x8x64xf32, #tpu.memory_space<hbm>> -> memref<1x1x64xf32, #tpu.memory_space<hbm>>
      %dma_start3A_184 = tpu.memref_squeeze %dma_start3A_183 : memref<1x1x64xf32, #tpu.memory_space<hbm>> -> memref<64xf32, #tpu.memory_space<hbm>>
      tpu.enqueue_dma source(%dma_start3A_184 : memref<64xf32, #tpu.memory_space<hbm>>) target(%dma_start3A_181 : memref<64xf32, #tpu.memory_space<vmem>>) target_semaphore(%arg13 : memref<!tpu.dma_semaphore, #tpu.memory_space<semaphore_mem>>)
      %dma_start3A_185 = arith.constant 4 : i32
      %dma_start3A_186 = arith.constant 0 : i32
      %dma_start3A_187 = tpu.memref_slice %arg10[%dma_start3A_185, %dma_start3A_186] : memref<32x64xf32, #tpu.memory_space<vmem>> -> memref<1x64xf32, #tpu.memory_space<vmem>>
      %dma_start3A_188 = tpu.memref_squeeze %dma_start3A_187 : memref<1x64xf32, #tpu.memory_space<vmem>> -> memref<64xf32, #tpu.memory_space<vmem>>
      %dma_start3A_189 = arith.constant 0 : i32
      %dma_start3A_190 = tpu.memref_slice %arg5[%squeeze3A_167, %squeeze3A_171, %dma_start3A_189] : memref<125000x8x64xf32, #tpu.memory_space<hbm>> -> memref<1x1x64xf32, #tpu.memory_space<hbm>>
      %dma_start3A_191 = tpu.memref_squeeze %dma_start3A_190 : memref<1x1x64xf32, #tpu.memory_space<hbm>> -> memref<64xf32, #tpu.memory_space<hbm>>
      %dma_start3A_192 = arith.constant 0 : i32
      %dma_start3A_193 = tpu.memref_slice %arg10[%dma_start3A_185, %dma_start3A_192] : memref<32x64xf32, #tpu.memory_space<vmem>> -> memref<1x64xf32, #tpu.memory_space<vmem>>
      %dma_start3A_194 = tpu.memref_squeeze %dma_start3A_193 : memref<1x64xf32, #tpu.memory_space<vmem>> -> memref<64xf32, #tpu.memory_space<vmem>>
      %dma_start3A_195 = arith.constant 0 : i32
      %dma_start3A_196 = tpu.memref_slice %arg5[%squeeze3A_167, %squeeze3A_171, %dma_start3A_195] : memref<125000x8x64xf32, #tpu.memory_space<hbm>> -> memref<1x1x64xf32, #tpu.memory_space<hbm>>
      %dma_start3A_197 = tpu.memref_squeeze %dma_start3A_196 : memref<1x1x64xf32, #tpu.memory_space<hbm>> -> memref<64xf32, #tpu.memory_space<hbm>>
      tpu.enqueue_dma source(%dma_start3A_197 : memref<64xf32, #tpu.memory_space<hbm>>) target(%dma_start3A_194 : memref<64xf32, #tpu.memory_space<vmem>>) target_semaphore(%arg14 : memref<!tpu.dma_semaphore, #tpu.memory_space<semaphore_mem>>)
      %slice3A_198 = vector.extract_strided_slice %shift_right_arithmetic3A_22 {offsets = [5], sizes = [1], strides = [1]} : vector<16xi32> to vector<1xi32>
      %squeeze3A_199 = vector.extract %slice3A_198[0] : i32 from vector<1xi32>
      %slice3A_200 = vector.extract_strided_slice %shift_right_arithmetic3A_25 {offsets = [5], sizes = [1], strides = [1]} : vector<16xi32> to vector<1xi32>
      %squeeze3A_201 = vector.extract %slice3A_200[0] : i32 from vector<1xi32>
      %slice3A_202 = vector.extract_strided_slice %and3A_27 {offsets = [5], sizes = [1], strides = [1]} : vector<16xi32> to vector<1xi32>
      %squeeze3A_203 = vector.extract %slice3A_202[0] : i32 from vector<1xi32>
      %slice3A_204 = vector.extract_strided_slice %and3A_30 {offsets = [5], sizes = [1], strides = [1]} : vector<16xi32> to vector<1xi32>
      %squeeze3A_205 = vector.extract %slice3A_204[0] : i32 from vector<1xi32>
      %dma_start3A_206 = arith.constant 5 : i32
      %dma_start3A_207 = arith.constant 0 : i32
      %dma_start3A_208 = tpu.memref_slice %arg9[%dma_start3A_206, %dma_start3A_207] : memref<32x64xf32, #tpu.memory_space<vmem>> -> memref<1x64xf32, #tpu.memory_space<vmem>>
      %dma_start3A_209 = tpu.memref_squeeze %dma_start3A_208 : memref<1x64xf32, #tpu.memory_space<vmem>> -> memref<64xf32, #tpu.memory_space<vmem>>
      %dma_start3A_210 = arith.constant 0 : i32
      %dma_start3A_211 = tpu.memref_slice %arg4[%squeeze3A_199, %squeeze3A_203, %dma_start3A_210] : memref<125000x8x64xf32, #tpu.memory_space<hbm>> -> memref<1x1x64xf32, #tpu.memory_space<hbm>>
      %dma_start3A_212 = tpu.memref_squeeze %dma_start3A_211 : memref<1x1x64xf32, #tpu.memory_space<hbm>> -> memref<64xf32, #tpu.memory_space<hbm>>
      %dma_start3A_213 = arith.constant 0 : i32
      %dma_start3A_214 = tpu.memref_slice %arg9[%dma_start3A_206, %dma_start3A_213] : memref<32x64xf32, #tpu.memory_space<vmem>> -> memref<1x64xf32, #tpu.memory_space<vmem>>
      %dma_start3A_215 = tpu.memref_squeeze %dma_start3A_214 : memref<1x64xf32, #tpu.memory_space<vmem>> -> memref<64xf32, #tpu.memory_space<vmem>>
      %dma_start3A_216 = arith.constant 0 : i32
      %dma_start3A_217 = tpu.memref_slice %arg4[%squeeze3A_199, %squeeze3A_203, %dma_start3A_216] : memref<125000x8x64xf32, #tpu.memory_space<hbm>> -> memref<1x1x64xf32, #tpu.memory_space<hbm>>
      %dma_start3A_218 = tpu.memref_squeeze %dma_start3A_217 : memref<1x1x64xf32, #tpu.memory_space<hbm>> -> memref<64xf32, #tpu.memory_space<hbm>>
      tpu.enqueue_dma source(%dma_start3A_218 : memref<64xf32, #tpu.memory_space<hbm>>) target(%dma_start3A_215 : memref<64xf32, #tpu.memory_space<vmem>>) target_semaphore(%arg13 : memref<!tpu.dma_semaphore, #tpu.memory_space<semaphore_mem>>)
      %dma_start3A_219 = arith.constant 5 : i32
      %dma_start3A_220 = arith.constant 0 : i32
      %dma_start3A_221 = tpu.memref_slice %arg10[%dma_start3A_219, %dma_start3A_220] : memref<32x64xf32, #tpu.memory_space<vmem>> -> memref<1x64xf32, #tpu.memory_space<vmem>>
      %dma_start3A_222 = tpu.memref_squeeze %dma_start3A_221 : memref<1x64xf32, #tpu.memory_space<vmem>> -> memref<64xf32, #tpu.memory_space<vmem>>
      %dma_start3A_223 = arith.constant 0 : i32
      %dma_start3A_224 = tpu.memref_slice %arg5[%squeeze3A_201, %squeeze3A_205, %dma_start3A_223] : memref<125000x8x64xf32, #tpu.memory_space<hbm>> -> memref<1x1x64xf32, #tpu.memory_space<hbm>>
      %dma_start3A_225 = tpu.memref_squeeze %dma_start3A_224 : memref<1x1x64xf32, #tpu.memory_space<hbm>> -> memref<64xf32, #tpu.memory_space<hbm>>
      %dma_start3A_226 = arith.constant 0 : i32
      %dma_start3A_227 = tpu.memref_slice %arg10[%dma_start3A_219, %dma_start3A_226] : memref<32x64xf32, #tpu.memory_space<vmem>> -> memref<1x64xf32, #tpu.memory_space<vmem>>
      %dma_start3A_228 = tpu.memref_squeeze %dma_start3A_227 : memref<1x64xf32, #tpu.memory_space<vmem>> -> memref<64xf32, #tpu.memory_space<vmem>>
      %dma_start3A_229 = arith.constant 0 : i32
      %dma_start3A_230 = tpu.memref_slice %arg5[%squeeze3A_201, %squeeze3A_205, %dma_start3A_229] : memref<125000x8x64xf32, #tpu.memory_space<hbm>> -> memref<1x1x64xf32, #tpu.memory_space<hbm>>
      %dma_start3A_231 = tpu.memref_squeeze %dma_start3A_230 : memref<1x1x64xf32, #tpu.memory_space<hbm>> -> memref<64xf32, #tpu.memory_space<hbm>>
      tpu.enqueue_dma source(%dma_start3A_231 : memref<64xf32, #tpu.memory_space<hbm>>) target(%dma_start3A_228 : memref<64xf32, #tpu.memory_space<vmem>>) target_semaphore(%arg14 : memref<!tpu.dma_semaphore, #tpu.memory_space<semaphore_mem>>)
      %slice3A_232 = vector.extract_strided_slice %shift_right_arithmetic3A_22 {offsets = [6], sizes = [1], strides = [1]} : vector<16xi32> to vector<1xi32>
      %squeeze3A_233 = vector.extract %slice3A_232[0] : i32 from vector<1xi32>
      %slice3A_234 = vector.extract_strided_slice %shift_right_arithmetic3A_25 {offsets = [6], sizes = [1], strides = [1]} : vector<16xi32> to vector<1xi32>
      %squeeze3A_235 = vector.extract %slice3A_234[0] : i32 from vector<1xi32>
      %slice3A_236 = vector.extract_strided_slice %and3A_27 {offsets = [6], sizes = [1], strides = [1]} : vector<16xi32> to vector<1xi32>
      %squeeze3A_237 = vector.extract %slice3A_236[0] : i32 from vector<1xi32>
      %slice3A_238 = vector.extract_strided_slice %and3A_30 {offsets = [6], sizes = [1], strides = [1]} : vector<16xi32> to vector<1xi32>
      %squeeze3A_239 = vector.extract %slice3A_238[0] : i32 from vector<1xi32>
      %dma_start3A_240 = arith.constant 6 : i32
      %dma_start3A_241 = arith.constant 0 : i32
      %dma_start3A_242 = tpu.memref_slice %arg9[%dma_start3A_240, %dma_start3A_241] : memref<32x64xf32, #tpu.memory_space<vmem>> -> memref<1x64xf32, #tpu.memory_space<vmem>>
      %dma_start3A_243 = tpu.memref_squeeze %dma_start3A_242 : memref<1x64xf32, #tpu.memory_space<vmem>> -> memref<64xf32, #tpu.memory_space<vmem>>
      %dma_start3A_244 = arith.constant 0 : i32
      %dma_start3A_245 = tpu.memref_slice %arg4[%squeeze3A_233, %squeeze3A_237, %dma_start3A_244] : memref<125000x8x64xf32, #tpu.memory_space<hbm>> -> memref<1x1x64xf32, #tpu.memory_space<hbm>>
      %dma_start3A_246 = tpu.memref_squeeze %dma_start3A_245 : memref<1x1x64xf32, #tpu.memory_space<hbm>> -> memref<64xf32, #tpu.memory_space<hbm>>
      %dma_start3A_247 = arith.constant 0 : i32
      %dma_start3A_248 = tpu.memref_slice %arg9[%dma_start3A_240, %dma_start3A_247] : memref<32x64xf32, #tpu.memory_space<vmem>> -> memref<1x64xf32, #tpu.memory_space<vmem>>
      %dma_start3A_249 = tpu.memref_squeeze %dma_start3A_248 : memref<1x64xf32, #tpu.memory_space<vmem>> -> memref<64xf32, #tpu.memory_space<vmem>>
      %dma_start3A_250 = arith.constant 0 : i32
      %dma_start3A_251 = tpu.memref_slice %arg4[%squeeze3A_233, %squeeze3A_237, %dma_start3A_250] : memref<125000x8x64xf32, #tpu.memory_space<hbm>> -> memref<1x1x64xf32, #tpu.memory_space<hbm>>
      %dma_start3A_252 = tpu.memref_squeeze %dma_start3A_251 : memref<1x1x64xf32, #tpu.memory_space<hbm>> -> memref<64xf32, #tpu.memory_space<hbm>>
      tpu.enqueue_dma source(%dma_start3A_252 : memref<64xf32, #tpu.memory_space<hbm>>) target(%dma_start3A_249 : memref<64xf32, #tpu.memory_space<vmem>>) target_semaphore(%arg13 : memref<!tpu.dma_semaphore, #tpu.memory_space<semaphore_mem>>)
      %dma_start3A_253 = arith.constant 6 : i32
      %dma_start3A_254 = arith.constant 0 : i32
      %dma_start3A_255 = tpu.memref_slice %arg10[%dma_start3A_253, %dma_start3A_254] : memref<32x64xf32, #tpu.memory_space<vmem>> -> memref<1x64xf32, #tpu.memory_space<vmem>>
      %dma_start3A_256 = tpu.memref_squeeze %dma_start3A_255 : memref<1x64xf32, #tpu.memory_space<vmem>> -> memref<64xf32, #tpu.memory_space<vmem>>
      %dma_start3A_257 = arith.constant 0 : i32
      %dma_start3A_258 = tpu.memref_slice %arg5[%squeeze3A_235, %squeeze3A_239, %dma_start3A_257] : memref<125000x8x64xf32, #tpu.memory_space<hbm>> -> memref<1x1x64xf32, #tpu.memory_space<hbm>>
      %dma_start3A_259 = tpu.memref_squeeze %dma_start3A_258 : memref<1x1x64xf32, #tpu.memory_space<hbm>> -> memref<64xf32, #tpu.memory_space<hbm>>
      %dma_start3A_260 = arith.constant 0 : i32
      %dma_start3A_261 = tpu.memref_slice %arg10[%dma_start3A_253, %dma_start3A_260] : memref<32x64xf32, #tpu.memory_space<vmem>> -> memref<1x64xf32, #tpu.memory_space<vmem>>
      %dma_start3A_262 = tpu.memref_squeeze %dma_start3A_261 : memref<1x64xf32, #tpu.memory_space<vmem>> -> memref<64xf32, #tpu.memory_space<vmem>>
      %dma_start3A_263 = arith.constant 0 : i32
      %dma_start3A_264 = tpu.memref_slice %arg5[%squeeze3A_235, %squeeze3A_239, %dma_start3A_263] : memref<125000x8x64xf32, #tpu.memory_space<hbm>> -> memref<1x1x64xf32, #tpu.memory_space<hbm>>
      %dma_start3A_265 = tpu.memref_squeeze %dma_start3A_264 : memref<1x1x64xf32, #tpu.memory_space<hbm>> -> memref<64xf32, #tpu.memory_space<hbm>>
      tpu.enqueue_dma source(%dma_start3A_265 : memref<64xf32, #tpu.memory_space<hbm>>) target(%dma_start3A_262 : memref<64xf32, #tpu.memory_space<vmem>>) target_semaphore(%arg14 : memref<!tpu.dma_semaphore, #tpu.memory_space<semaphore_mem>>)
      %slice3A_266 = vector.extract_strided_slice %shift_right_arithmetic3A_22 {offsets = [7], sizes = [1], strides = [1]} : vector<16xi32> to vector<1xi32>
      %squeeze3A_267 = vector.extract %slice3A_266[0] : i32 from vector<1xi32>
      %slice3A_268 = vector.extract_strided_slice %shift_right_arithmetic3A_25 {offsets = [7], sizes = [1], strides = [1]} : vector<16xi32> to vector<1xi32>
      %squeeze3A_269 = vector.extract %slice3A_268[0] : i32 from vector<1xi32>
      %slice3A_270 = vector.extract_strided_slice %and3A_27 {offsets = [7], sizes = [1], strides = [1]} : vector<16xi32> to vector<1xi32>
      %squeeze3A_271 = vector.extract %slice3A_270[0] : i32 from vector<1xi32>
      %slice3A_272 = vector.extract_strided_slice %and3A_30 {offsets = [7], sizes = [1], strides = [1]} : vector<16xi32> to vector<1xi32>
      %squeeze3A_273 = vector.extract %slice3A_272[0] : i32 from vector<1xi32>
      %dma_start3A_274 = arith.constant 7 : i32
      %dma_start3A_275 = arith.constant 0 : i32
      %dma_start3A_276 = tpu.memref_slice %arg9[%dma_start3A_274, %dma_start3A_275] : memref<32x64xf32, #tpu.memory_space<vmem>> -> memref<1x64xf32, #tpu.memory_space<vmem>>
      %dma_start3A_277 = tpu.memref_squeeze %dma_start3A_276 : memref<1x64xf32, #tpu.memory_space<vmem>> -> memref<64xf32, #tpu.memory_space<vmem>>
      %dma_start3A_278 = arith.constant 0 : i32
      %dma_start3A_279 = tpu.memref_slice %arg4[%squeeze3A_267, %squeeze3A_271, %dma_start3A_278] : memref<125000x8x64xf32, #tpu.memory_space<hbm>> -> memref<1x1x64xf32, #tpu.memory_space<hbm>>
      %dma_start3A_280 = tpu.memref_squeeze %dma_start3A_279 : memref<1x1x64xf32, #tpu.memory_space<hbm>> -> memref<64xf32, #tpu.memory_space<hbm>>
      %dma_start3A_281 = arith.constant 0 : i32
      %dma_start3A_282 = tpu.memref_slice %arg9[%dma_start3A_274, %dma_start3A_281] : memref<32x64xf32, #tpu.memory_space<vmem>> -> memref<1x64xf32, #tpu.memory_space<vmem>>
      %dma_start3A_283 = tpu.memref_squeeze %dma_start3A_282 : memref<1x64xf32, #tpu.memory_space<vmem>> -> memref<64xf32, #tpu.memory_space<vmem>>
      %dma_start3A_284 = arith.constant 0 : i32
      %dma_start3A_285 = tpu.memref_slice %arg4[%squeeze3A_267, %squeeze3A_271, %dma_start3A_284] : memref<125000x8x64xf32, #tpu.memory_space<hbm>> -> memref<1x1x64xf32, #tpu.memory_space<hbm>>
      %dma_start3A_286 = tpu.memref_squeeze %dma_start3A_285 : memref<1x1x64xf32, #tpu.memory_space<hbm>> -> memref<64xf32, #tpu.memory_space<hbm>>
      tpu.enqueue_dma source(%dma_start3A_286 : memref<64xf32, #tpu.memory_space<hbm>>) target(%dma_start3A_283 : memref<64xf32, #tpu.memory_space<vmem>>) target_semaphore(%arg13 : memref<!tpu.dma_semaphore, #tpu.memory_space<semaphore_mem>>)
      %dma_start3A_287 = arith.constant 7 : i32
      %dma_start3A_288 = arith.constant 0 : i32
      %dma_start3A_289 = tpu.memref_slice %arg10[%dma_start3A_287, %dma_start3A_288] : memref<32x64xf32, #tpu.memory_space<vmem>> -> memref<1x64xf32, #tpu.memory_space<vmem>>
      %dma_start3A_290 = tpu.memref_squeeze %dma_start3A_289 : memref<1x64xf32, #tpu.memory_space<vmem>> -> memref<64xf32, #tpu.memory_space<vmem>>
      %dma_start3A_291 = arith.constant 0 : i32
      %dma_start3A_292 = tpu.memref_slice %arg5[%squeeze3A_269, %squeeze3A_273, %dma_start3A_291] : memref<125000x8x64xf32, #tpu.memory_space<hbm>> -> memref<1x1x64xf32, #tpu.memory_space<hbm>>
      %dma_start3A_293 = tpu.memref_squeeze %dma_start3A_292 : memref<1x1x64xf32, #tpu.memory_space<hbm>> -> memref<64xf32, #tpu.memory_space<hbm>>
      %dma_start3A_294 = arith.constant 0 : i32
      %dma_start3A_295 = tpu.memref_slice %arg10[%dma_start3A_287, %dma_start3A_294] : memref<32x64xf32, #tpu.memory_space<vmem>> -> memref<1x64xf32, #tpu.memory_space<vmem>>
      %dma_start3A_296 = tpu.memref_squeeze %dma_start3A_295 : memref<1x64xf32, #tpu.memory_space<vmem>> -> memref<64xf32, #tpu.memory_space<vmem>>
      %dma_start3A_297 = arith.constant 0 : i32
      %dma_start3A_298 = tpu.memref_slice %arg5[%squeeze3A_269, %squeeze3A_273, %dma_start3A_297] : memref<125000x8x64xf32, #tpu.memory_space<hbm>> -> memref<1x1x64xf32, #tpu.memory_space<hbm>>
      %dma_start3A_299 = tpu.memref_squeeze %dma_start3A_298 : memref<1x1x64xf32, #tpu.memory_space<hbm>> -> memref<64xf32, #tpu.memory_space<hbm>>
      tpu.enqueue_dma source(%dma_start3A_299 : memref<64xf32, #tpu.memory_space<hbm>>) target(%dma_start3A_296 : memref<64xf32, #tpu.memory_space<vmem>>) target_semaphore(%arg14 : memref<!tpu.dma_semaphore, #tpu.memory_space<semaphore_mem>>)
      %slice3A_300 = vector.extract_strided_slice %shift_right_arithmetic3A_22 {offsets = [8], sizes = [1], strides = [1]} : vector<16xi32> to vector<1xi32>
      %squeeze3A_301 = vector.extract %slice3A_300[0] : i32 from vector<1xi32>
      %slice3A_302 = vector.extract_strided_slice %shift_right_arithmetic3A_25 {offsets = [8], sizes = [1], strides = [1]} : vector<16xi32> to vector<1xi32>
      %squeeze3A_303 = vector.extract %slice3A_302[0] : i32 from vector<1xi32>
      %slice3A_304 = vector.extract_strided_slice %and3A_27 {offsets = [8], sizes = [1], strides = [1]} : vector<16xi32> to vector<1xi32>
      %squeeze3A_305 = vector.extract %slice3A_304[0] : i32 from vector<1xi32>
      %slice3A_306 = vector.extract_strided_slice %and3A_30 {offsets = [8], sizes = [1], strides = [1]} : vector<16xi32> to vector<1xi32>
      %squeeze3A_307 = vector.extract %slice3A_306[0] : i32 from vector<1xi32>
      %dma_start3A_308 = arith.constant 8 : i32
      %dma_start3A_309 = arith.constant 0 : i32
      %dma_start3A_310 = tpu.memref_slice %arg9[%dma_start3A_308, %dma_start3A_309] : memref<32x64xf32, #tpu.memory_space<vmem>> -> memref<1x64xf32, #tpu.memory_space<vmem>>
      %dma_start3A_311 = tpu.memref_squeeze %dma_start3A_310 : memref<1x64xf32, #tpu.memory_space<vmem>> -> memref<64xf32, #tpu.memory_space<vmem>>
      %dma_start3A_312 = arith.constant 0 : i32
      %dma_start3A_313 = tpu.memref_slice %arg4[%squeeze3A_301, %squeeze3A_305, %dma_start3A_312] : memref<125000x8x64xf32, #tpu.memory_space<hbm>> -> memref<1x1x64xf32, #tpu.memory_space<hbm>>
      %dma_start3A_314 = tpu.memref_squeeze %dma_start3A_313 : memref<1x1x64xf32, #tpu.memory_space<hbm>> -> memref<64xf32, #tpu.memory_space<hbm>>
      %dma_start3A_315 = arith.constant 0 : i32
      %dma_start3A_316 = tpu.memref_slice %arg9[%dma_start3A_308, %dma_start3A_315] : memref<32x64xf32, #tpu.memory_space<vmem>> -> memref<1x64xf32, #tpu.memory_space<vmem>>
      %dma_start3A_317 = tpu.memref_squeeze %dma_start3A_316 : memref<1x64xf32, #tpu.memory_space<vmem>> -> memref<64xf32, #tpu.memory_space<vmem>>
      %dma_start3A_318 = arith.constant 0 : i32
      %dma_start3A_319 = tpu.memref_slice %arg4[%squeeze3A_301, %squeeze3A_305, %dma_start3A_318] : memref<125000x8x64xf32, #tpu.memory_space<hbm>> -> memref<1x1x64xf32, #tpu.memory_space<hbm>>
      %dma_start3A_320 = tpu.memref_squeeze %dma_start3A_319 : memref<1x1x64xf32, #tpu.memory_space<hbm>> -> memref<64xf32, #tpu.memory_space<hbm>>
      tpu.enqueue_dma source(%dma_start3A_320 : memref<64xf32, #tpu.memory_space<hbm>>) target(%dma_start3A_317 : memref<64xf32, #tpu.memory_space<vmem>>) target_semaphore(%arg13 : memref<!tpu.dma_semaphore, #tpu.memory_space<semaphore_mem>>)
      %dma_start3A_321 = arith.constant 8 : i32
      %dma_start3A_322 = arith.constant 0 : i32
      %dma_start3A_323 = tpu.memref_slice %arg10[%dma_start3A_321, %dma_start3A_322] : memref<32x64xf32, #tpu.memory_space<vmem>> -> memref<1x64xf32, #tpu.memory_space<vmem>>
      %dma_start3A_324 = tpu.memref_squeeze %dma_start3A_323 : memref<1x64xf32, #tpu.memory_space<vmem>> -> memref<64xf32, #tpu.memory_space<vmem>>
      %dma_start3A_325 = arith.constant 0 : i32
      %dma_start3A_326 = tpu.memref_slice %arg5[%squeeze3A_303, %squeeze3A_307, %dma_start3A_325] : memref<125000x8x64xf32, #tpu.memory_space<hbm>> -> memref<1x1x64xf32, #tpu.memory_space<hbm>>
      %dma_start3A_327 = tpu.memref_squeeze %dma_start3A_326 : memref<1x1x64xf32, #tpu.memory_space<hbm>> -> memref<64xf32, #tpu.memory_space<hbm>>
      %dma_start3A_328 = arith.constant 0 : i32
      %dma_start3A_329 = tpu.memref_slice %arg10[%dma_start3A_321, %dma_start3A_328] : memref<32x64xf32, #tpu.memory_space<vmem>> -> memref<1x64xf32, #tpu.memory_space<vmem>>
      %dma_start3A_330 = tpu.memref_squeeze %dma_start3A_329 : memref<1x64xf32, #tpu.memory_space<vmem>> -> memref<64xf32, #tpu.memory_space<vmem>>
      %dma_start3A_331 = arith.constant 0 : i32
      %dma_start3A_332 = tpu.memref_slice %arg5[%squeeze3A_303, %squeeze3A_307, %dma_start3A_331] : memref<125000x8x64xf32, #tpu.memory_space<hbm>> -> memref<1x1x64xf32, #tpu.memory_space<hbm>>
      %dma_start3A_333 = tpu.memref_squeeze %dma_start3A_332 : memref<1x1x64xf32, #tpu.memory_space<hbm>> -> memref<64xf32, #tpu.memory_space<hbm>>
      tpu.enqueue_dma source(%dma_start3A_333 : memref<64xf32, #tpu.memory_space<hbm>>) target(%dma_start3A_330 : memref<64xf32, #tpu.memory_space<vmem>>) target_semaphore(%arg14 : memref<!tpu.dma_semaphore, #tpu.memory_space<semaphore_mem>>)
      %slice3A_334 = vector.extract_strided_slice %shift_right_arithmetic3A_22 {offsets = [9], sizes = [1], strides = [1]} : vector<16xi32> to vector<1xi32>
      %squeeze3A_335 = vector.extract %slice3A_334[0] : i32 from vector<1xi32>
      %slice3A_336 = vector.extract_strided_slice %shift_right_arithmetic3A_25 {offsets = [9], sizes = [1], strides = [1]} : vector<16xi32> to vector<1xi32>
      %squeeze3A_337 = vector.extract %slice3A_336[0] : i32 from vector<1xi32>
      %slice3A_338 = vector.extract_strided_slice %and3A_27 {offsets = [9], sizes = [1], strides = [1]} : vector<16xi32> to vector<1xi32>
      %squeeze3A_339 = vector.extract %slice3A_338[0] : i32 from vector<1xi32>
      %slice3A_340 = vector.extract_strided_slice %and3A_30 {offsets = [9], sizes = [1], strides = [1]} : vector<16xi32> to vector<1xi32>
      %squeeze3A_341 = vector.extract %slice3A_340[0] : i32 from vector<1xi32>
      %dma_start3A_342 = arith.constant 9 : i32
      %dma_start3A_343 = arith.constant 0 : i32
      %dma_start3A_344 = tpu.memref_slice %arg9[%dma_start3A_342, %dma_start3A_343] : memref<32x64xf32, #tpu.memory_space<vmem>> -> memref<1x64xf32, #tpu.memory_space<vmem>>
      %dma_start3A_345 = tpu.memref_squeeze %dma_start3A_344 : memref<1x64xf32, #tpu.memory_space<vmem>> -> memref<64xf32, #tpu.memory_space<vmem>>
      %dma_start3A_346 = arith.constant 0 : i32
      %dma_start3A_347 = tpu.memref_slice %arg4[%squeeze3A_335, %squeeze3A_339, %dma_start3A_346] : memref<125000x8x64xf32, #tpu.memory_space<hbm>> -> memref<1x1x64xf32, #tpu.memory_space<hbm>>
      %dma_start3A_348 = tpu.memref_squeeze %dma_start3A_347 : memref<1x1x64xf32, #tpu.memory_space<hbm>> -> memref<64xf32, #tpu.memory_space<hbm>>
      %dma_start3A_349 = arith.constant 0 : i32
      %dma_start3A_350 = tpu.memref_slice %arg9[%dma_start3A_342, %dma_start3A_349] : memref<32x64xf32, #tpu.memory_space<vmem>> -> memref<1x64xf32, #tpu.memory_space<vmem>>
      %dma_start3A_351 = tpu.memref_squeeze %dma_start3A_350 : memref<1x64xf32, #tpu.memory_space<vmem>> -> memref<64xf32, #tpu.memory_space<vmem>>
      %dma_start3A_352 = arith.constant 0 : i32
      %dma_start3A_353 = tpu.memref_slice %arg4[%squeeze3A_335, %squeeze3A_339, %dma_start3A_352] : memref<125000x8x64xf32, #tpu.memory_space<hbm>> -> memref<1x1x64xf32, #tpu.memory_space<hbm>>
      %dma_start3A_354 = tpu.memref_squeeze %dma_start3A_353 : memref<1x1x64xf32, #tpu.memory_space<hbm>> -> memref<64xf32, #tpu.memory_space<hbm>>
      tpu.enqueue_dma source(%dma_start3A_354 : memref<64xf32, #tpu.memory_space<hbm>>) target(%dma_start3A_351 : memref<64xf32, #tpu.memory_space<vmem>>) target_semaphore(%arg13 : memref<!tpu.dma_semaphore, #tpu.memory_space<semaphore_mem>>)
      %dma_start3A_355 = arith.constant 9 : i32
      %dma_start3A_356 = arith.constant 0 : i32
      %dma_start3A_357 = tpu.memref_slice %arg10[%dma_start3A_355, %dma_start3A_356] : memref<32x64xf32, #tpu.memory_space<vmem>> -> memref<1x64xf32, #tpu.memory_space<vmem>>
      %dma_start3A_358 = tpu.memref_squeeze %dma_start3A_357 : memref<1x64xf32, #tpu.memory_space<vmem>> -> memref<64xf32, #tpu.memory_space<vmem>>
      %dma_start3A_359 = arith.constant 0 : i32
      %dma_start3A_360 = tpu.memref_slice %arg5[%squeeze3A_337, %squeeze3A_341, %dma_start3A_359] : memref<125000x8x64xf32, #tpu.memory_space<hbm>> -> memref<1x1x64xf32, #tpu.memory_space<hbm>>
      %dma_start3A_361 = tpu.memref_squeeze %dma_start3A_360 : memref<1x1x64xf32, #tpu.memory_space<hbm>> -> memref<64xf32, #tpu.memory_space<hbm>>
      %dma_start3A_362 = arith.constant 0 : i32
      %dma_start3A_363 = tpu.memref_slice %arg10[%dma_start3A_355, %dma_start3A_362] : memref<32x64xf32, #tpu.memory_space<vmem>> -> memref<1x64xf32, #tpu.memory_space<vmem>>
      %dma_start3A_364 = tpu.memref_squeeze %dma_start3A_363 : memref<1x64xf32, #tpu.memory_space<vmem>> -> memref<64xf32, #tpu.memory_space<vmem>>
      %dma_start3A_365 = arith.constant 0 : i32
      %dma_start3A_366 = tpu.memref_slice %arg5[%squeeze3A_337, %squeeze3A_341, %dma_start3A_365] : memref<125000x8x64xf32, #tpu.memory_space<hbm>> -> memref<1x1x64xf32, #tpu.memory_space<hbm>>
      %dma_start3A_367 = tpu.memref_squeeze %dma_start3A_366 : memref<1x1x64xf32, #tpu.memory_space<hbm>> -> memref<64xf32, #tpu.memory_space<hbm>>
      tpu.enqueue_dma source(%dma_start3A_367 : memref<64xf32, #tpu.memory_space<hbm>>) target(%dma_start3A_364 : memref<64xf32, #tpu.memory_space<vmem>>) target_semaphore(%arg14 : memref<!tpu.dma_semaphore, #tpu.memory_space<semaphore_mem>>)
      %slice3A_368 = vector.extract_strided_slice %shift_right_arithmetic3A_22 {offsets = [10], sizes = [1], strides = [1]} : vector<16xi32> to vector<1xi32>
      %squeeze3A_369 = vector.extract %slice3A_368[0] : i32 from vector<1xi32>
      %slice3A_370 = vector.extract_strided_slice %shift_right_arithmetic3A_25 {offsets = [10], sizes = [1], strides = [1]} : vector<16xi32> to vector<1xi32>
      %squeeze3A_371 = vector.extract %slice3A_370[0] : i32 from vector<1xi32>
      %slice3A_372 = vector.extract_strided_slice %and3A_27 {offsets = [10], sizes = [1], strides = [1]} : vector<16xi32> to vector<1xi32>
      %squeeze3A_373 = vector.extract %slice3A_372[0] : i32 from vector<1xi32>
      %slice3A_374 = vector.extract_strided_slice %and3A_30 {offsets = [10], sizes = [1], strides = [1]} : vector<16xi32> to vector<1xi32>
      %squeeze3A_375 = vector.extract %slice3A_374[0] : i32 from vector<1xi32>
      %dma_start3A_376 = arith.constant 10 : i32
      %dma_start3A_377 = arith.constant 0 : i32
      %dma_start3A_378 = tpu.memref_slice %arg9[%dma_start3A_376, %dma_start3A_377] : memref<32x64xf32, #tpu.memory_space<vmem>> -> memref<1x64xf32, #tpu.memory_space<vmem>>
      %dma_start3A_379 = tpu.memref_squeeze %dma_start3A_378 : memref<1x64xf32, #tpu.memory_space<vmem>> -> memref<64xf32, #tpu.memory_space<vmem>>
      %dma_start3A_380 = arith.constant 0 : i32
      %dma_start3A_381 = tpu.memref_slice %arg4[%squeeze3A_369, %squeeze3A_373, %dma_start3A_380] : memref<125000x8x64xf32, #tpu.memory_space<hbm>> -> memref<1x1x64xf32, #tpu.memory_space<hbm>>
      %dma_start3A_382 = tpu.memref_squeeze %dma_start3A_381 : memref<1x1x64xf32, #tpu.memory_space<hbm>> -> memref<64xf32, #tpu.memory_space<hbm>>
      %dma_start3A_383 = arith.constant 0 : i32
      %dma_start3A_384 = tpu.memref_slice %arg9[%dma_start3A_376, %dma_start3A_383] : memref<32x64xf32, #tpu.memory_space<vmem>> -> memref<1x64xf32, #tpu.memory_space<vmem>>
      %dma_start3A_385 = tpu.memref_squeeze %dma_start3A_384 : memref<1x64xf32, #tpu.memory_space<vmem>> -> memref<64xf32, #tpu.memory_space<vmem>>
      %dma_start3A_386 = arith.constant 0 : i32
      %dma_start3A_387 = tpu.memref_slice %arg4[%squeeze3A_369, %squeeze3A_373, %dma_start3A_386] : memref<125000x8x64xf32, #tpu.memory_space<hbm>> -> memref<1x1x64xf32, #tpu.memory_space<hbm>>
      %dma_start3A_388 = tpu.memref_squeeze %dma_start3A_387 : memref<1x1x64xf32, #tpu.memory_space<hbm>> -> memref<64xf32, #tpu.memory_space<hbm>>
      tpu.enqueue_dma source(%dma_start3A_388 : memref<64xf32, #tpu.memory_space<hbm>>) target(%dma_start3A_385 : memref<64xf32, #tpu.memory_space<vmem>>) target_semaphore(%arg13 : memref<!tpu.dma_semaphore, #tpu.memory_space<semaphore_mem>>)
      %dma_start3A_389 = arith.constant 10 : i32
      %dma_start3A_390 = arith.constant 0 : i32
      %dma_start3A_391 = tpu.memref_slice %arg10[%dma_start3A_389, %dma_start3A_390] : memref<32x64xf32, #tpu.memory_space<vmem>> -> memref<1x64xf32, #tpu.memory_space<vmem>>
      %dma_start3A_392 = tpu.memref_squeeze %dma_start3A_391 : memref<1x64xf32, #tpu.memory_space<vmem>> -> memref<64xf32, #tpu.memory_space<vmem>>
      %dma_start3A_393 = arith.constant 0 : i32
      %dma_start3A_394 = tpu.memref_slice %arg5[%squeeze3A_371, %squeeze3A_375, %dma_start3A_393] : memref<125000x8x64xf32, #tpu.memory_space<hbm>> -> memref<1x1x64xf32, #tpu.memory_space<hbm>>
      %dma_start3A_395 = tpu.memref_squeeze %dma_start3A_394 : memref<1x1x64xf32, #tpu.memory_space<hbm>> -> memref<64xf32, #tpu.memory_space<hbm>>
      %dma_start3A_396 = arith.constant 0 : i32
      %dma_start3A_397 = tpu.memref_slice %arg10[%dma_start3A_389, %dma_start3A_396] : memref<32x64xf32, #tpu.memory_space<vmem>> -> memref<1x64xf32, #tpu.memory_space<vmem>>
      %dma_start3A_398 = tpu.memref_squeeze %dma_start3A_397 : memref<1x64xf32, #tpu.memory_space<vmem>> -> memref<64xf32, #tpu.memory_space<vmem>>
      %dma_start3A_399 = arith.constant 0 : i32
      %dma_start3A_400 = tpu.memref_slice %arg5[%squeeze3A_371, %squeeze3A_375, %dma_start3A_399] : memref<125000x8x64xf32, #tpu.memory_space<hbm>> -> memref<1x1x64xf32, #tpu.memory_space<hbm>>
      %dma_start3A_401 = tpu.memref_squeeze %dma_start3A_400 : memref<1x1x64xf32, #tpu.memory_space<hbm>> -> memref<64xf32, #tpu.memory_space<hbm>>
      tpu.enqueue_dma source(%dma_start3A_401 : memref<64xf32, #tpu.memory_space<hbm>>) target(%dma_start3A_398 : memref<64xf32, #tpu.memory_space<vmem>>) target_semaphore(%arg14 : memref<!tpu.dma_semaphore, #tpu.memory_space<semaphore_mem>>)
      %slice3A_402 = vector.extract_strided_slice %shift_right_arithmetic3A_22 {offsets = [11], sizes = [1], strides = [1]} : vector<16xi32> to vector<1xi32>
      %squeeze3A_403 = vector.extract %slice3A_402[0] : i32 from vector<1xi32>
      %slice3A_404 = vector.extract_strided_slice %shift_right_arithmetic3A_25 {offsets = [11], sizes = [1], strides = [1]} : vector<16xi32> to vector<1xi32>
      %squeeze3A_405 = vector.extract %slice3A_404[0] : i32 from vector<1xi32>
      %slice3A_406 = vector.extract_strided_slice %and3A_27 {offsets = [11], sizes = [1], strides = [1]} : vector<16xi32> to vector<1xi32>
      %squeeze3A_407 = vector.extract %slice3A_406[0] : i32 from vector<1xi32>
      %slice3A_408 = vector.extract_strided_slice %and3A_30 {offsets = [11], sizes = [1], strides = [1]} : vector<16xi32> to vector<1xi32>
      %squeeze3A_409 = vector.extract %slice3A_408[0] : i32 from vector<1xi32>
      %dma_start3A_410 = arith.constant 11 : i32
      %dma_start3A_411 = arith.constant 0 : i32
      %dma_start3A_412 = tpu.memref_slice %arg9[%dma_start3A_410, %dma_start3A_411] : memref<32x64xf32, #tpu.memory_space<vmem>> -> memref<1x64xf32, #tpu.memory_space<vmem>>
      %dma_start3A_413 = tpu.memref_squeeze %dma_start3A_412 : memref<1x64xf32, #tpu.memory_space<vmem>> -> memref<64xf32, #tpu.memory_space<vmem>>
      %dma_start3A_414 = arith.constant 0 : i32
      %dma_start3A_415 = tpu.memref_slice %arg4[%squeeze3A_403, %squeeze3A_407, %dma_start3A_414] : memref<125000x8x64xf32, #tpu.memory_space<hbm>> -> memref<1x1x64xf32, #tpu.memory_space<hbm>>
      %dma_start3A_416 = tpu.memref_squeeze %dma_start3A_415 : memref<1x1x64xf32, #tpu.memory_space<hbm>> -> memref<64xf32, #tpu.memory_space<hbm>>
      %dma_start3A_417 = arith.constant 0 : i32
      %dma_start3A_418 = tpu.memref_slice %arg9[%dma_start3A_410, %dma_start3A_417] : memref<32x64xf32, #tpu.memory_space<vmem>> -> memref<1x64xf32, #tpu.memory_space<vmem>>
      %dma_start3A_419 = tpu.memref_squeeze %dma_start3A_418 : memref<1x64xf32, #tpu.memory_space<vmem>> -> memref<64xf32, #tpu.memory_space<vmem>>
      %dma_start3A_420 = arith.constant 0 : i32
      %dma_start3A_421 = tpu.memref_slice %arg4[%squeeze3A_403, %squeeze3A_407, %dma_start3A_420] : memref<125000x8x64xf32, #tpu.memory_space<hbm>> -> memref<1x1x64xf32, #tpu.memory_space<hbm>>
      %dma_start3A_422 = tpu.memref_squeeze %dma_start3A_421 : memref<1x1x64xf32, #tpu.memory_space<hbm>> -> memref<64xf32, #tpu.memory_space<hbm>>
      tpu.enqueue_dma source(%dma_start3A_422 : memref<64xf32, #tpu.memory_space<hbm>>) target(%dma_start3A_419 : memref<64xf32, #tpu.memory_space<vmem>>) target_semaphore(%arg13 : memref<!tpu.dma_semaphore, #tpu.memory_space<semaphore_mem>>)
      %dma_start3A_423 = arith.constant 11 : i32
      %dma_start3A_424 = arith.constant 0 : i32
      %dma_start3A_425 = tpu.memref_slice %arg10[%dma_start3A_423, %dma_start3A_424] : memref<32x64xf32, #tpu.memory_space<vmem>> -> memref<1x64xf32, #tpu.memory_space<vmem>>
      %dma_start3A_426 = tpu.memref_squeeze %dma_start3A_425 : memref<1x64xf32, #tpu.memory_space<vmem>> -> memref<64xf32, #tpu.memory_space<vmem>>
      %dma_start3A_427 = arith.constant 0 : i32
      %dma_start3A_428 = tpu.memref_slice %arg5[%squeeze3A_405, %squeeze3A_409, %dma_start3A_427] : memref<125000x8x64xf32, #tpu.memory_space<hbm>> -> memref<1x1x64xf32, #tpu.memory_space<hbm>>
      %dma_start3A_429 = tpu.memref_squeeze %dma_start3A_428 : memref<1x1x64xf32, #tpu.memory_space<hbm>> -> memref<64xf32, #tpu.memory_space<hbm>>
      %dma_start3A_430 = arith.constant 0 : i32
      %dma_start3A_431 = tpu.memref_slice %arg10[%dma_start3A_423, %dma_start3A_430] : memref<32x64xf32, #tpu.memory_space<vmem>> -> memref<1x64xf32, #tpu.memory_space<vmem>>
      %dma_start3A_432 = tpu.memref_squeeze %dma_start3A_431 : memref<1x64xf32, #tpu.memory_space<vmem>> -> memref<64xf32, #tpu.memory_space<vmem>>
      %dma_start3A_433 = arith.constant 0 : i32
      %dma_start3A_434 = tpu.memref_slice %arg5[%squeeze3A_405, %squeeze3A_409, %dma_start3A_433] : memref<125000x8x64xf32, #tpu.memory_space<hbm>> -> memref<1x1x64xf32, #tpu.memory_space<hbm>>
      %dma_start3A_435 = tpu.memref_squeeze %dma_start3A_434 : memref<1x1x64xf32, #tpu.memory_space<hbm>> -> memref<64xf32, #tpu.memory_space<hbm>>
      tpu.enqueue_dma source(%dma_start3A_435 : memref<64xf32, #tpu.memory_space<hbm>>) target(%dma_start3A_432 : memref<64xf32, #tpu.memory_space<vmem>>) target_semaphore(%arg14 : memref<!tpu.dma_semaphore, #tpu.memory_space<semaphore_mem>>)
      %slice3A_436 = vector.extract_strided_slice %shift_right_arithmetic3A_22 {offsets = [12], sizes = [1], strides = [1]} : vector<16xi32> to vector<1xi32>
      %squeeze3A_437 = vector.extract %slice3A_436[0] : i32 from vector<1xi32>
      %slice3A_438 = vector.extract_strided_slice %shift_right_arithmetic3A_25 {offsets = [12], sizes = [1], strides = [1]} : vector<16xi32> to vector<1xi32>
      %squeeze3A_439 = vector.extract %slice3A_438[0] : i32 from vector<1xi32>
      %slice3A_440 = vector.extract_strided_slice %and3A_27 {offsets = [12], sizes = [1], strides = [1]} : vector<16xi32> to vector<1xi32>
      %squeeze3A_441 = vector.extract %slice3A_440[0] : i32 from vector<1xi32>
      %slice3A_442 = vector.extract_strided_slice %and3A_30 {offsets = [12], sizes = [1], strides = [1]} : vector<16xi32> to vector<1xi32>
      %squeeze3A_443 = vector.extract %slice3A_442[0] : i32 from vector<1xi32>
      %dma_start3A_444 = arith.constant 12 : i32
      %dma_start3A_445 = arith.constant 0 : i32
      %dma_start3A_446 = tpu.memref_slice %arg9[%dma_start3A_444, %dma_start3A_445] : memref<32x64xf32, #tpu.memory_space<vmem>> -> memref<1x64xf32, #tpu.memory_space<vmem>>
      %dma_start3A_447 = tpu.memref_squeeze %dma_start3A_446 : memref<1x64xf32, #tpu.memory_space<vmem>> -> memref<64xf32, #tpu.memory_space<vmem>>
      %dma_start3A_448 = arith.constant 0 : i32
      %dma_start3A_449 = tpu.memref_slice %arg4[%squeeze3A_437, %squeeze3A_441, %dma_start3A_448] : memref<125000x8x64xf32, #tpu.memory_space<hbm>> -> memref<1x1x64xf32, #tpu.memory_space<hbm>>
      %dma_start3A_450 = tpu.memref_squeeze %dma_start3A_449 : memref<1x1x64xf32, #tpu.memory_space<hbm>> -> memref<64xf32, #tpu.memory_space<hbm>>
      %dma_start3A_451 = arith.constant 0 : i32
      %dma_start3A_452 = tpu.memref_slice %arg9[%dma_start3A_444, %dma_start3A_451] : memref<32x64xf32, #tpu.memory_space<vmem>> -> memref<1x64xf32, #tpu.memory_space<vmem>>
      %dma_start3A_453 = tpu.memref_squeeze %dma_start3A_452 : memref<1x64xf32, #tpu.memory_space<vmem>> -> memref<64xf32, #tpu.memory_space<vmem>>
      %dma_start3A_454 = arith.constant 0 : i32
      %dma_start3A_455 = tpu.memref_slice %arg4[%squeeze3A_437, %squeeze3A_441, %dma_start3A_454] : memref<125000x8x64xf32, #tpu.memory_space<hbm>> -> memref<1x1x64xf32, #tpu.memory_space<hbm>>
      %dma_start3A_456 = tpu.memref_squeeze %dma_start3A_455 : memref<1x1x64xf32, #tpu.memory_space<hbm>> -> memref<64xf32, #tpu.memory_space<hbm>>
      tpu.enqueue_dma source(%dma_start3A_456 : memref<64xf32, #tpu.memory_space<hbm>>) target(%dma_start3A_453 : memref<64xf32, #tpu.memory_space<vmem>>) target_semaphore(%arg13 : memref<!tpu.dma_semaphore, #tpu.memory_space<semaphore_mem>>)
      %dma_start3A_457 = arith.constant 12 : i32
      %dma_start3A_458 = arith.constant 0 : i32
      %dma_start3A_459 = tpu.memref_slice %arg10[%dma_start3A_457, %dma_start3A_458] : memref<32x64xf32, #tpu.memory_space<vmem>> -> memref<1x64xf32, #tpu.memory_space<vmem>>
      %dma_start3A_460 = tpu.memref_squeeze %dma_start3A_459 : memref<1x64xf32, #tpu.memory_space<vmem>> -> memref<64xf32, #tpu.memory_space<vmem>>
      %dma_start3A_461 = arith.constant 0 : i32
      %dma_start3A_462 = tpu.memref_slice %arg5[%squeeze3A_439, %squeeze3A_443, %dma_start3A_461] : memref<125000x8x64xf32, #tpu.memory_space<hbm>> -> memref<1x1x64xf32, #tpu.memory_space<hbm>>
      %dma_start3A_463 = tpu.memref_squeeze %dma_start3A_462 : memref<1x1x64xf32, #tpu.memory_space<hbm>> -> memref<64xf32, #tpu.memory_space<hbm>>
      %dma_start3A_464 = arith.constant 0 : i32
      %dma_start3A_465 = tpu.memref_slice %arg10[%dma_start3A_457, %dma_start3A_464] : memref<32x64xf32, #tpu.memory_space<vmem>> -> memref<1x64xf32, #tpu.memory_space<vmem>>
      %dma_start3A_466 = tpu.memref_squeeze %dma_start3A_465 : memref<1x64xf32, #tpu.memory_space<vmem>> -> memref<64xf32, #tpu.memory_space<vmem>>
      %dma_start3A_467 = arith.constant 0 : i32
      %dma_start3A_468 = tpu.memref_slice %arg5[%squeeze3A_439, %squeeze3A_443, %dma_start3A_467] : memref<125000x8x64xf32, #tpu.memory_space<hbm>> -> memref<1x1x64xf32, #tpu.memory_space<hbm>>
      %dma_start3A_469 = tpu.memref_squeeze %dma_start3A_468 : memref<1x1x64xf32, #tpu.memory_space<hbm>> -> memref<64xf32, #tpu.memory_space<hbm>>
      tpu.enqueue_dma source(%dma_start3A_469 : memref<64xf32, #tpu.memory_space<hbm>>) target(%dma_start3A_466 : memref<64xf32, #tpu.memory_space<vmem>>) target_semaphore(%arg14 : memref<!tpu.dma_semaphore, #tpu.memory_space<semaphore_mem>>)
      %slice3A_470 = vector.extract_strided_slice %shift_right_arithmetic3A_22 {offsets = [13], sizes = [1], strides = [1]} : vector<16xi32> to vector<1xi32>
      %squeeze3A_471 = vector.extract %slice3A_470[0] : i32 from vector<1xi32>
      %slice3A_472 = vector.extract_strided_slice %shift_right_arithmetic3A_25 {offsets = [13], sizes = [1], strides = [1]} : vector<16xi32> to vector<1xi32>
      %squeeze3A_473 = vector.extract %slice3A_472[0] : i32 from vector<1xi32>
      %slice3A_474 = vector.extract_strided_slice %and3A_27 {offsets = [13], sizes = [1], strides = [1]} : vector<16xi32> to vector<1xi32>
      %squeeze3A_475 = vector.extract %slice3A_474[0] : i32 from vector<1xi32>
      %slice3A_476 = vector.extract_strided_slice %and3A_30 {offsets = [13], sizes = [1], strides = [1]} : vector<16xi32> to vector<1xi32>
      %squeeze3A_477 = vector.extract %slice3A_476[0] : i32 from vector<1xi32>
      %dma_start3A_478 = arith.constant 13 : i32
      %dma_start3A_479 = arith.constant 0 : i32
      %dma_start3A_480 = tpu.memref_slice %arg9[%dma_start3A_478, %dma_start3A_479] : memref<32x64xf32, #tpu.memory_space<vmem>> -> memref<1x64xf32, #tpu.memory_space<vmem>>
      %dma_start3A_481 = tpu.memref_squeeze %dma_start3A_480 : memref<1x64xf32, #tpu.memory_space<vmem>> -> memref<64xf32, #tpu.memory_space<vmem>>
      %dma_start3A_482 = arith.constant 0 : i32
      %dma_start3A_483 = tpu.memref_slice %arg4[%squeeze3A_471, %squeeze3A_475, %dma_start3A_482] : memref<125000x8x64xf32, #tpu.memory_space<hbm>> -> memref<1x1x64xf32, #tpu.memory_space<hbm>>
      %dma_start3A_484 = tpu.memref_squeeze %dma_start3A_483 : memref<1x1x64xf32, #tpu.memory_space<hbm>> -> memref<64xf32, #tpu.memory_space<hbm>>
      %dma_start3A_485 = arith.constant 0 : i32
      %dma_start3A_486 = tpu.memref_slice %arg9[%dma_start3A_478, %dma_start3A_485] : memref<32x64xf32, #tpu.memory_space<vmem>> -> memref<1x64xf32, #tpu.memory_space<vmem>>
      %dma_start3A_487 = tpu.memref_squeeze %dma_start3A_486 : memref<1x64xf32, #tpu.memory_space<vmem>> -> memref<64xf32, #tpu.memory_space<vmem>>
      %dma_start3A_488 = arith.constant 0 : i32
      %dma_start3A_489 = tpu.memref_slice %arg4[%squeeze3A_471, %squeeze3A_475, %dma_start3A_488] : memref<125000x8x64xf32, #tpu.memory_space<hbm>> -> memref<1x1x64xf32, #tpu.memory_space<hbm>>
      %dma_start3A_490 = tpu.memref_squeeze %dma_start3A_489 : memref<1x1x64xf32, #tpu.memory_space<hbm>> -> memref<64xf32, #tpu.memory_space<hbm>>
      tpu.enqueue_dma source(%dma_start3A_490 : memref<64xf32, #tpu.memory_space<hbm>>) target(%dma_start3A_487 : memref<64xf32, #tpu.memory_space<vmem>>) target_semaphore(%arg13 : memref<!tpu.dma_semaphore, #tpu.memory_space<semaphore_mem>>)
      %dma_start3A_491 = arith.constant 13 : i32
      %dma_start3A_492 = arith.constant 0 : i32
      %dma_start3A_493 = tpu.memref_slice %arg10[%dma_start3A_491, %dma_start3A_492] : memref<32x64xf32, #tpu.memory_space<vmem>> -> memref<1x64xf32, #tpu.memory_space<vmem>>
      %dma_start3A_494 = tpu.memref_squeeze %dma_start3A_493 : memref<1x64xf32, #tpu.memory_space<vmem>> -> memref<64xf32, #tpu.memory_space<vmem>>
      %dma_start3A_495 = arith.constant 0 : i32
      %dma_start3A_496 = tpu.memref_slice %arg5[%squeeze3A_473, %squeeze3A_477, %dma_start3A_495] : memref<125000x8x64xf32, #tpu.memory_space<hbm>> -> memref<1x1x64xf32, #tpu.memory_space<hbm>>
      %dma_start3A_497 = tpu.memref_squeeze %dma_start3A_496 : memref<1x1x64xf32, #tpu.memory_space<hbm>> -> memref<64xf32, #tpu.memory_space<hbm>>
      %dma_start3A_498 = arith.constant 0 : i32
      %dma_start3A_499 = tpu.memref_slice %arg10[%dma_start3A_491, %dma_start3A_498] : memref<32x64xf32, #tpu.memory_space<vmem>> -> memref<1x64xf32, #tpu.memory_space<vmem>>
      %dma_start3A_500 = tpu.memref_squeeze %dma_start3A_499 : memref<1x64xf32, #tpu.memory_space<vmem>> -> memref<64xf32, #tpu.memory_space<vmem>>
      %dma_start3A_501 = arith.constant 0 : i32
      %dma_start3A_502 = tpu.memref_slice %arg5[%squeeze3A_473, %squeeze3A_477, %dma_start3A_501] : memref<125000x8x64xf32, #tpu.memory_space<hbm>> -> memref<1x1x64xf32, #tpu.memory_space<hbm>>
      %dma_start3A_503 = tpu.memref_squeeze %dma_start3A_502 : memref<1x1x64xf32, #tpu.memory_space<hbm>> -> memref<64xf32, #tpu.memory_space<hbm>>
      tpu.enqueue_dma source(%dma_start3A_503 : memref<64xf32, #tpu.memory_space<hbm>>) target(%dma_start3A_500 : memref<64xf32, #tpu.memory_space<vmem>>) target_semaphore(%arg14 : memref<!tpu.dma_semaphore, #tpu.memory_space<semaphore_mem>>)
      %slice3A_504 = vector.extract_strided_slice %shift_right_arithmetic3A_22 {offsets = [14], sizes = [1], strides = [1]} : vector<16xi32> to vector<1xi32>
      %squeeze3A_505 = vector.extract %slice3A_504[0] : i32 from vector<1xi32>
      %slice3A_506 = vector.extract_strided_slice %shift_right_arithmetic3A_25 {offsets = [14], sizes = [1], strides = [1]} : vector<16xi32> to vector<1xi32>
      %squeeze3A_507 = vector.extract %slice3A_506[0] : i32 from vector<1xi32>
      %slice3A_508 = vector.extract_strided_slice %and3A_27 {offsets = [14], sizes = [1], strides = [1]} : vector<16xi32> to vector<1xi32>
      %squeeze3A_509 = vector.extract %slice3A_508[0] : i32 from vector<1xi32>
      %slice3A_510 = vector.extract_strided_slice %and3A_30 {offsets = [14], sizes = [1], strides = [1]} : vector<16xi32> to vector<1xi32>
      %squeeze3A_511 = vector.extract %slice3A_510[0] : i32 from vector<1xi32>
      %dma_start3A_512 = arith.constant 14 : i32
      %dma_start3A_513 = arith.constant 0 : i32
      %dma_start3A_514 = tpu.memref_slice %arg9[%dma_start3A_512, %dma_start3A_513] : memref<32x64xf32, #tpu.memory_space<vmem>> -> memref<1x64xf32, #tpu.memory_space<vmem>>
      %dma_start3A_515 = tpu.memref_squeeze %dma_start3A_514 : memref<1x64xf32, #tpu.memory_space<vmem>> -> memref<64xf32, #tpu.memory_space<vmem>>
      %dma_start3A_516 = arith.constant 0 : i32
      %dma_start3A_517 = tpu.memref_slice %arg4[%squeeze3A_505, %squeeze3A_509, %dma_start3A_516] : memref<125000x8x64xf32, #tpu.memory_space<hbm>> -> memref<1x1x64xf32, #tpu.memory_space<hbm>>
      %dma_start3A_518 = tpu.memref_squeeze %dma_start3A_517 : memref<1x1x64xf32, #tpu.memory_space<hbm>> -> memref<64xf32, #tpu.memory_space<hbm>>
      %dma_start3A_519 = arith.constant 0 : i32
      %dma_start3A_520 = tpu.memref_slice %arg9[%dma_start3A_512, %dma_start3A_519] : memref<32x64xf32, #tpu.memory_space<vmem>> -> memref<1x64xf32, #tpu.memory_space<vmem>>
      %dma_start3A_521 = tpu.memref_squeeze %dma_start3A_520 : memref<1x64xf32, #tpu.memory_space<vmem>> -> memref<64xf32, #tpu.memory_space<vmem>>
      %dma_start3A_522 = arith.constant 0 : i32
      %dma_start3A_523 = tpu.memref_slice %arg4[%squeeze3A_505, %squeeze3A_509, %dma_start3A_522] : memref<125000x8x64xf32, #tpu.memory_space<hbm>> -> memref<1x1x64xf32, #tpu.memory_space<hbm>>
      %dma_start3A_524 = tpu.memref_squeeze %dma_start3A_523 : memref<1x1x64xf32, #tpu.memory_space<hbm>> -> memref<64xf32, #tpu.memory_space<hbm>>
      tpu.enqueue_dma source(%dma_start3A_524 : memref<64xf32, #tpu.memory_space<hbm>>) target(%dma_start3A_521 : memref<64xf32, #tpu.memory_space<vmem>>) target_semaphore(%arg13 : memref<!tpu.dma_semaphore, #tpu.memory_space<semaphore_mem>>)
      %dma_start3A_525 = arith.constant 14 : i32
      %dma_start3A_526 = arith.constant 0 : i32
      %dma_start3A_527 = tpu.memref_slice %arg10[%dma_start3A_525, %dma_start3A_526] : memref<32x64xf32, #tpu.memory_space<vmem>> -> memref<1x64xf32, #tpu.memory_space<vmem>>
      %dma_start3A_528 = tpu.memref_squeeze %dma_start3A_527 : memref<1x64xf32, #tpu.memory_space<vmem>> -> memref<64xf32, #tpu.memory_space<vmem>>
      %dma_start3A_529 = arith.constant 0 : i32
      %dma_start3A_530 = tpu.memref_slice %arg5[%squeeze3A_507, %squeeze3A_511, %dma_start3A_529] : memref<125000x8x64xf32, #tpu.memory_space<hbm>> -> memref<1x1x64xf32, #tpu.memory_space<hbm>>
      %dma_start3A_531 = tpu.memref_squeeze %dma_start3A_530 : memref<1x1x64xf32, #tpu.memory_space<hbm>> -> memref<64xf32, #tpu.memory_space<hbm>>
      %dma_start3A_532 = arith.constant 0 : i32
      %dma_start3A_533 = tpu.memref_slice %arg10[%dma_start3A_525, %dma_start3A_532] : memref<32x64xf32, #tpu.memory_space<vmem>> -> memref<1x64xf32, #tpu.memory_space<vmem>>
      %dma_start3A_534 = tpu.memref_squeeze %dma_start3A_533 : memref<1x64xf32, #tpu.memory_space<vmem>> -> memref<64xf32, #tpu.memory_space<vmem>>
      %dma_start3A_535 = arith.constant 0 : i32
      %dma_start3A_536 = tpu.memref_slice %arg5[%squeeze3A_507, %squeeze3A_511, %dma_start3A_535] : memref<125000x8x64xf32, #tpu.memory_space<hbm>> -> memref<1x1x64xf32, #tpu.memory_space<hbm>>
      %dma_start3A_537 = tpu.memref_squeeze %dma_start3A_536 : memref<1x1x64xf32, #tpu.memory_space<hbm>> -> memref<64xf32, #tpu.memory_space<hbm>>
      tpu.enqueue_dma source(%dma_start3A_537 : memref<64xf32, #tpu.memory_space<hbm>>) target(%dma_start3A_534 : memref<64xf32, #tpu.memory_space<vmem>>) target_semaphore(%arg14 : memref<!tpu.dma_semaphore, #tpu.memory_space<semaphore_mem>>)
      %slice3A_538 = vector.extract_strided_slice %shift_right_arithmetic3A_22 {offsets = [15], sizes = [1], strides = [1]} : vector<16xi32> to vector<1xi32>
      %squeeze3A_539 = vector.extract %slice3A_538[0] : i32 from vector<1xi32>
      %slice3A_540 = vector.extract_strided_slice %shift_right_arithmetic3A_25 {offsets = [15], sizes = [1], strides = [1]} : vector<16xi32> to vector<1xi32>
      %squeeze3A_541 = vector.extract %slice3A_540[0] : i32 from vector<1xi32>
      %slice3A_542 = vector.extract_strided_slice %and3A_27 {offsets = [15], sizes = [1], strides = [1]} : vector<16xi32> to vector<1xi32>
      %squeeze3A_543 = vector.extract %slice3A_542[0] : i32 from vector<1xi32>
      %slice3A_544 = vector.extract_strided_slice %and3A_30 {offsets = [15], sizes = [1], strides = [1]} : vector<16xi32> to vector<1xi32>
      %squeeze3A_545 = vector.extract %slice3A_544[0] : i32 from vector<1xi32>
      %dma_start3A_546 = arith.constant 15 : i32
      %dma_start3A_547 = arith.constant 0 : i32
      %dma_start3A_548 = tpu.memref_slice %arg9[%dma_start3A_546, %dma_start3A_547] : memref<32x64xf32, #tpu.memory_space<vmem>> -> memref<1x64xf32, #tpu.memory_space<vmem>>
      %dma_start3A_549 = tpu.memref_squeeze %dma_start3A_548 : memref<1x64xf32, #tpu.memory_space<vmem>> -> memref<64xf32, #tpu.memory_space<vmem>>
      %dma_start3A_550 = arith.constant 0 : i32
      %dma_start3A_551 = tpu.memref_slice %arg4[%squeeze3A_539, %squeeze3A_543, %dma_start3A_550] : memref<125000x8x64xf32, #tpu.memory_space<hbm>> -> memref<1x1x64xf32, #tpu.memory_space<hbm>>
      %dma_start3A_552 = tpu.memref_squeeze %dma_start3A_551 : memref<1x1x64xf32, #tpu.memory_space<hbm>> -> memref<64xf32, #tpu.memory_space<hbm>>
      %dma_start3A_553 = arith.constant 0 : i32
      %dma_start3A_554 = tpu.memref_slice %arg9[%dma_start3A_546, %dma_start3A_553] : memref<32x64xf32, #tpu.memory_space<vmem>> -> memref<1x64xf32, #tpu.memory_space<vmem>>
      %dma_start3A_555 = tpu.memref_squeeze %dma_start3A_554 : memref<1x64xf32, #tpu.memory_space<vmem>> -> memref<64xf32, #tpu.memory_space<vmem>>
      %dma_start3A_556 = arith.constant 0 : i32
      %dma_start3A_557 = tpu.memref_slice %arg4[%squeeze3A_539, %squeeze3A_543, %dma_start3A_556] : memref<125000x8x64xf32, #tpu.memory_space<hbm>> -> memref<1x1x64xf32, #tpu.memory_space<hbm>>
      %dma_start3A_558 = tpu.memref_squeeze %dma_start3A_557 : memref<1x1x64xf32, #tpu.memory_space<hbm>> -> memref<64xf32, #tpu.memory_space<hbm>>
      tpu.enqueue_dma source(%dma_start3A_558 : memref<64xf32, #tpu.memory_space<hbm>>) target(%dma_start3A_555 : memref<64xf32, #tpu.memory_space<vmem>>) target_semaphore(%arg13 : memref<!tpu.dma_semaphore, #tpu.memory_space<semaphore_mem>>)
      %dma_start3A_559 = arith.constant 15 : i32
      %dma_start3A_560 = arith.constant 0 : i32
      %dma_start3A_561 = tpu.memref_slice %arg10[%dma_start3A_559, %dma_start3A_560] : memref<32x64xf32, #tpu.memory_space<vmem>> -> memref<1x64xf32, #tpu.memory_space<vmem>>
      %dma_start3A_562 = tpu.memref_squeeze %dma_start3A_561 : memref<1x64xf32, #tpu.memory_space<vmem>> -> memref<64xf32, #tpu.memory_space<vmem>>
      %dma_start3A_563 = arith.constant 0 : i32
      %dma_start3A_564 = tpu.memref_slice %arg5[%squeeze3A_541, %squeeze3A_545, %dma_start3A_563] : memref<125000x8x64xf32, #tpu.memory_space<hbm>> -> memref<1x1x64xf32, #tpu.memory_space<hbm>>
      %dma_start3A_565 = tpu.memref_squeeze %dma_start3A_564 : memref<1x1x64xf32, #tpu.memory_space<hbm>> -> memref<64xf32, #tpu.memory_space<hbm>>
      %dma_start3A_566 = arith.constant 0 : i32
      %dma_start3A_567 = tpu.memref_slice %arg10[%dma_start3A_559, %dma_start3A_566] : memref<32x64xf32, #tpu.memory_space<vmem>> -> memref<1x64xf32, #tpu.memory_space<vmem>>
      %dma_start3A_568 = tpu.memref_squeeze %dma_start3A_567 : memref<1x64xf32, #tpu.memory_space<vmem>> -> memref<64xf32, #tpu.memory_space<vmem>>
      %dma_start3A_569 = arith.constant 0 : i32
      %dma_start3A_570 = tpu.memref_slice %arg5[%squeeze3A_541, %squeeze3A_545, %dma_start3A_569] : memref<125000x8x64xf32, #tpu.memory_space<hbm>> -> memref<1x1x64xf32, #tpu.memory_space<hbm>>
      %dma_start3A_571 = tpu.memref_squeeze %dma_start3A_570 : memref<1x1x64xf32, #tpu.memory_space<hbm>> -> memref<64xf32, #tpu.memory_space<hbm>>
      tpu.enqueue_dma source(%dma_start3A_571 : memref<64xf32, #tpu.memory_space<hbm>>) target(%dma_start3A_568 : memref<64xf32, #tpu.memory_space<vmem>>) target_semaphore(%arg14 : memref<!tpu.dma_semaphore, #tpu.memory_space<semaphore_mem>>)
      %add3A_572 = arith.constant 16 : i32
      %add3A_573 = arith.addi %mul3A_13, %add3A_572 : i32
      %get3A_574 = arith.index_cast %add3A_573 : i32 to index
      %get3A_575 = tpu.vector_load %arg7[%get3A_574] {strides = array<i32>} : memref<512xi32, #tpu.memory_space<vmem>>, vector<16xi32>,
      %add3A_576 = arith.constant 16 : i32
      %add3A_577 = arith.addi %mul3A_13, %add3A_576 : i32
      %get3A_578 = arith.index_cast %add3A_577 : i32 to index
      %get3A_579 = tpu.vector_load %arg8[%get3A_578] {strides = array<i32>} : memref<512xi32, #tpu.memory_space<vmem>>, vector<16xi32>,
      %shift_right_arithmetic3A_580 = arith.constant 3 : i32
      %shift_right_arithmetic3A_581 = vector.broadcast %shift_right_arithmetic3A_580 : i32 to vector<16xi32>
      %shift_right_arithmetic3A_582 = arith.shrsi %get3A_575, %shift_right_arithmetic3A_581 : vector<16xi32>
      %shift_right_arithmetic3A_583 = arith.constant 3 : i32
      %shift_right_arithmetic3A_584 = vector.broadcast %shift_right_arithmetic3A_583 : i32 to vector<16xi32>
      %shift_right_arithmetic3A_585 = arith.shrsi %get3A_579, %shift_right_arithmetic3A_584 : vector<16xi32>
      %and3A_586 = arith.constant 7 : i32
      %and3A_587 = vector.broadcast %and3A_586 : i32 to vector<16xi32>
      %and3A_588 = arith.andi %get3A_575, %and3A_587 : vector<16xi32>
      %and3A_589 = arith.constant 7 : i32
      %and3A_590 = vector.broadcast %and3A_589 : i32 to vector<16xi32>
      %and3A_591 = arith.andi %get3A_579, %and3A_590 : vector<16xi32>
      %slice3A_592 = vector.extract_strided_slice %shift_right_arithmetic3A_582 {offsets = [0], sizes = [1], strides = [1]} : vector<16xi32> to vector<1xi32>
      %squeeze3A_593 = vector.extract %slice3A_592[0] : i32 from vector<1xi32>
      %slice3A_594 = vector.extract_strided_slice %shift_right_arithmetic3A_585 {offsets = [0], sizes = [1], strides = [1]} : vector<16xi32> to vector<1xi32>
      %squeeze3A_595 = vector.extract %slice3A_594[0] : i32 from vector<1xi32>
      %slice3A_596 = vector.extract_strided_slice %and3A_588 {offsets = [0], sizes = [1], strides = [1]} : vector<16xi32> to vector<1xi32>
      %squeeze3A_597 = vector.extract %slice3A_596[0] : i32 from vector<1xi32>
      %slice3A_598 = vector.extract_strided_slice %and3A_591 {offsets = [0], sizes = [1], strides = [1]} : vector<16xi32> to vector<1xi32>
      %squeeze3A_599 = vector.extract %slice3A_598[0] : i32 from vector<1xi32>
      %dma_start3A_600 = arith.constant 16 : i32
      %dma_start3A_601 = arith.constant 0 : i32
      %dma_start3A_602 = tpu.memref_slice %arg9[%dma_start3A_600, %dma_start3A_601] : memref<32x64xf32, #tpu.memory_space<vmem>> -> memref<1x64xf32, #tpu.memory_space<vmem>>
      %dma_start3A_603 = tpu.memref_squeeze %dma_start3A_602 : memref<1x64xf32, #tpu.memory_space<vmem>> -> memref<64xf32, #tpu.memory_space<vmem>>
      %dma_start3A_604 = arith.constant 0 : i32
      %dma_start3A_605 = tpu.memref_slice %arg4[%squeeze3A_593, %squeeze3A_597, %dma_start3A_604] : memref<125000x8x64xf32, #tpu.memory_space<hbm>> -> memref<1x1x64xf32, #tpu.memory_space<hbm>>
      %dma_start3A_606 = tpu.memref_squeeze %dma_start3A_605 : memref<1x1x64xf32, #tpu.memory_space<hbm>> -> memref<64xf32, #tpu.memory_space<hbm>>
      %dma_start3A_607 = arith.constant 0 : i32
      %dma_start3A_608 = tpu.memref_slice %arg9[%dma_start3A_600, %dma_start3A_607] : memref<32x64xf32, #tpu.memory_space<vmem>> -> memref<1x64xf32, #tpu.memory_space<vmem>>
      %dma_start3A_609 = tpu.memref_squeeze %dma_start3A_608 : memref<1x64xf32, #tpu.memory_space<vmem>> -> memref<64xf32, #tpu.memory_space<vmem>>
      %dma_start3A_610 = arith.constant 0 : i32
      %dma_start3A_611 = tpu.memref_slice %arg4[%squeeze3A_593, %squeeze3A_597, %dma_start3A_610] : memref<125000x8x64xf32, #tpu.memory_space<hbm>> -> memref<1x1x64xf32, #tpu.memory_space<hbm>>
      %dma_start3A_612 = tpu.memref_squeeze %dma_start3A_611 : memref<1x1x64xf32, #tpu.memory_space<hbm>> -> memref<64xf32, #tpu.memory_space<hbm>>
      tpu.enqueue_dma source(%dma_start3A_612 : memref<64xf32, #tpu.memory_space<hbm>>) target(%dma_start3A_609 : memref<64xf32, #tpu.memory_space<vmem>>) target_semaphore(%arg13 : memref<!tpu.dma_semaphore, #tpu.memory_space<semaphore_mem>>)
      %dma_start3A_613 = arith.constant 16 : i32
      %dma_start3A_614 = arith.constant 0 : i32
      %dma_start3A_615 = tpu.memref_slice %arg10[%dma_start3A_613, %dma_start3A_614] : memref<32x64xf32, #tpu.memory_space<vmem>> -> memref<1x64xf32, #tpu.memory_space<vmem>>
      %dma_start3A_616 = tpu.memref_squeeze %dma_start3A_615 : memref<1x64xf32, #tpu.memory_space<vmem>> -> memref<64xf32, #tpu.memory_space<vmem>>
      %dma_start3A_617 = arith.constant 0 : i32
      %dma_start3A_618 = tpu.memref_slice %arg5[%squeeze3A_595, %squeeze3A_599, %dma_start3A_617] : memref<125000x8x64xf32, #tpu.memory_space<hbm>> -> memref<1x1x64xf32, #tpu.memory_space<hbm>>
      %dma_start3A_619 = tpu.memref_squeeze %dma_start3A_618 : memref<1x1x64xf32, #tpu.memory_space<hbm>> -> memref<64xf32, #tpu.memory_space<hbm>>
      %dma_start3A_620 = arith.constant 0 : i32
      %dma_start3A_621 = tpu.memref_slice %arg10[%dma_start3A_613, %dma_start3A_620] : memref<32x64xf32, #tpu.memory_space<vmem>> -> memref<1x64xf32, #tpu.memory_space<vmem>>
      %dma_start3A_622 = tpu.memref_squeeze %dma_start3A_621 : memref<1x64xf32, #tpu.memory_space<vmem>> -> memref<64xf32, #tpu.memory_space<vmem>>
      %dma_start3A_623 = arith.constant 0 : i32
      %dma_start3A_624 = tpu.memref_slice %arg5[%squeeze3A_595, %squeeze3A_599, %dma_start3A_623] : memref<125000x8x64xf32, #tpu.memory_space<hbm>> -> memref<1x1x64xf32, #tpu.memory_space<hbm>>
      %dma_start3A_625 = tpu.memref_squeeze %dma_start3A_624 : memref<1x1x64xf32, #tpu.memory_space<hbm>> -> memref<64xf32, #tpu.memory_space<hbm>>
      tpu.enqueue_dma source(%dma_start3A_625 : memref<64xf32, #tpu.memory_space<hbm>>) target(%dma_start3A_622 : memref<64xf32, #tpu.memory_space<vmem>>) target_semaphore(%arg14 : memref<!tpu.dma_semaphore, #tpu.memory_space<semaphore_mem>>)
      %slice3A_626 = vector.extract_strided_slice %shift_right_arithmetic3A_582 {offsets = [1], sizes = [1], strides = [1]} : vector<16xi32> to vector<1xi32>
      %squeeze3A_627 = vector.extract %slice3A_626[0] : i32 from vector<1xi32>
      %slice3A_628 = vector.extract_strided_slice %shift_right_arithmetic3A_585 {offsets = [1], sizes = [1], strides = [1]} : vector<16xi32> to vector<1xi32>
      %squeeze3A_629 = vector.extract %slice3A_628[0] : i32 from vector<1xi32>
      %slice3A_630 = vector.extract_strided_slice %and3A_588 {offsets = [1], sizes = [1], strides = [1]} : vector<16xi32> to vector<1xi32>
      %squeeze3A_631 = vector.extract %slice3A_630[0] : i32 from vector<1xi32>
      %slice3A_632 = vector.extract_strided_slice %and3A_591 {offsets = [1], sizes = [1], strides = [1]} : vector<16xi32> to vector<1xi32>
      %squeeze3A_633 = vector.extract %slice3A_632[0] : i32 from vector<1xi32>
      %dma_start3A_634 = arith.constant 17 : i32
      %dma_start3A_635 = arith.constant 0 : i32
      %dma_start3A_636 = tpu.memref_slice %arg9[%dma_start3A_634, %dma_start3A_635] : memref<32x64xf32, #tpu.memory_space<vmem>> -> memref<1x64xf32, #tpu.memory_space<vmem>>
      %dma_start3A_637 = tpu.memref_squeeze %dma_start3A_636 : memref<1x64xf32, #tpu.memory_space<vmem>> -> memref<64xf32, #tpu.memory_space<vmem>>
      %dma_start3A_638 = arith.constant 0 : i32
      %dma_start3A_639 = tpu.memref_slice %arg4[%squeeze3A_627, %squeeze3A_631, %dma_start3A_638] : memref<125000x8x64xf32, #tpu.memory_space<hbm>> -> memref<1x1x64xf32, #tpu.memory_space<hbm>>
      %dma_start3A_640 = tpu.memref_squeeze %dma_start3A_639 : memref<1x1x64xf32, #tpu.memory_space<hbm>> -> memref<64xf32, #tpu.memory_space<hbm>>
      %dma_start3A_641 = arith.constant 0 : i32
      %dma_start3A_642 = tpu.memref_slice %arg9[%dma_start3A_634, %dma_start3A_641] : memref<32x64xf32, #tpu.memory_space<vmem>> -> memref<1x64xf32, #tpu.memory_space<vmem>>
      %dma_start3A_643 = tpu.memref_squeeze %dma_start3A_642 : memref<1x64xf32, #tpu.memory_space<vmem>> -> memref<64xf32, #tpu.memory_space<vmem>>
      %dma_start3A_644 = arith.constant 0 : i32
      %dma_start3A_645 = tpu.memref_slice %arg4[%squeeze3A_627, %squeeze3A_631, %dma_start3A_644] : memref<125000x8x64xf32, #tpu.memory_space<hbm>> -> memref<1x1x64xf32, #tpu.memory_space<hbm>>
      %dma_start3A_646 = tpu.memref_squeeze %dma_start3A_645 : memref<1x1x64xf32, #tpu.memory_space<hbm>> -> memref<64xf32, #tpu.memory_space<hbm>>
      tpu.enqueue_dma source(%dma_start3A_646 : memref<64xf32, #tpu.memory_space<hbm>>) target(%dma_start3A_643 : memref<64xf32, #tpu.memory_space<vmem>>) target_semaphore(%arg13 : memref<!tpu.dma_semaphore, #tpu.memory_space<semaphore_mem>>)
      %dma_start3A_647 = arith.constant 17 : i32
      %dma_start3A_648 = arith.constant 0 : i32
      %dma_start3A_649 = tpu.memref_slice %arg10[%dma_start3A_647, %dma_start3A_648] : memref<32x64xf32, #tpu.memory_space<vmem>> -> memref<1x64xf32, #tpu.memory_space<vmem>>
      %dma_start3A_650 = tpu.memref_squeeze %dma_start3A_649 : memref<1x64xf32, #tpu.memory_space<vmem>> -> memref<64xf32, #tpu.memory_space<vmem>>
      %dma_start3A_651 = arith.constant 0 : i32
      %dma_start3A_652 = tpu.memref_slice %arg5[%squeeze3A_629, %squeeze3A_633, %dma_start3A_651] : memref<125000x8x64xf32, #tpu.memory_space<hbm>> -> memref<1x1x64xf32, #tpu.memory_space<hbm>>
      %dma_start3A_653 = tpu.memref_squeeze %dma_start3A_652 : memref<1x1x64xf32, #tpu.memory_space<hbm>> -> memref<64xf32, #tpu.memory_space<hbm>>
      %dma_start3A_654 = arith.constant 0 : i32
      %dma_start3A_655 = tpu.memref_slice %arg10[%dma_start3A_647, %dma_start3A_654] : memref<32x64xf32, #tpu.memory_space<vmem>> -> memref<1x64xf32, #tpu.memory_space<vmem>>
      %dma_start3A_656 = tpu.memref_squeeze %dma_start3A_655 : memref<1x64xf32, #tpu.memory_space<vmem>> -> memref<64xf32, #tpu.memory_space<vmem>>
      %dma_start3A_657 = arith.constant 0 : i32
      %dma_start3A_658 = tpu.memref_slice %arg5[%squeeze3A_629, %squeeze3A_633, %dma_start3A_657] : memref<125000x8x64xf32, #tpu.memory_space<hbm>> -> memref<1x1x64xf32, #tpu.memory_space<hbm>>
      %dma_start3A_659 = tpu.memref_squeeze %dma_start3A_658 : memref<1x1x64xf32, #tpu.memory_space<hbm>> -> memref<64xf32, #tpu.memory_space<hbm>>
      tpu.enqueue_dma source(%dma_start3A_659 : memref<64xf32, #tpu.memory_space<hbm>>) target(%dma_start3A_656 : memref<64xf32, #tpu.memory_space<vmem>>) target_semaphore(%arg14 : memref<!tpu.dma_semaphore, #tpu.memory_space<semaphore_mem>>)
      %slice3A_660 = vector.extract_strided_slice %shift_right_arithmetic3A_582 {offsets = [2], sizes = [1], strides = [1]} : vector<16xi32> to vector<1xi32>
      %squeeze3A_661 = vector.extract %slice3A_660[0] : i32 from vector<1xi32>
      %slice3A_662 = vector.extract_strided_slice %shift_right_arithmetic3A_585 {offsets = [2], sizes = [1], strides = [1]} : vector<16xi32> to vector<1xi32>
      %squeeze3A_663 = vector.extract %slice3A_662[0] : i32 from vector<1xi32>
      %slice3A_664 = vector.extract_strided_slice %and3A_588 {offsets = [2], sizes = [1], strides = [1]} : vector<16xi32> to vector<1xi32>
      %squeeze3A_665 = vector.extract %slice3A_664[0] : i32 from vector<1xi32>
      %slice3A_666 = vector.extract_strided_slice %and3A_591 {offsets = [2], sizes = [1], strides = [1]} : vector<16xi32> to vector<1xi32>
      %squeeze3A_667 = vector.extract %slice3A_666[0] : i32 from vector<1xi32>
      %dma_start3A_668 = arith.constant 18 : i32
      %dma_start3A_669 = arith.constant 0 : i32
      %dma_start3A_670 = tpu.memref_slice %arg9[%dma_start3A_668, %dma_start3A_669] : memref<32x64xf32, #tpu.memory_space<vmem>> -> memref<1x64xf32, #tpu.memory_space<vmem>>
      %dma_start3A_671 = tpu.memref_squeeze %dma_start3A_670 : memref<1x64xf32, #tpu.memory_space<vmem>> -> memref<64xf32, #tpu.memory_space<vmem>>
      %dma_start3A_672 = arith.constant 0 : i32
      %dma_start3A_673 = tpu.memref_slice %arg4[%squeeze3A_661, %squeeze3A_665, %dma_start3A_672] : memref<125000x8x64xf32, #tpu.memory_space<hbm>> -> memref<1x1x64xf32, #tpu.memory_space<hbm>>
      %dma_start3A_674 = tpu.memref_squeeze %dma_start3A_673 : memref<1x1x64xf32, #tpu.memory_space<hbm>> -> memref<64xf32, #tpu.memory_space<hbm>>
      %dma_start3A_675 = arith.constant 0 : i32
      %dma_start3A_676 = tpu.memref_slice %arg9[%dma_start3A_668, %dma_start3A_675] : memref<32x64xf32, #tpu.memory_space<vmem>> -> memref<1x64xf32, #tpu.memory_space<vmem>>
      %dma_start3A_677 = tpu.memref_squeeze %dma_start3A_676 : memref<1x64xf32, #tpu.memory_space<vmem>> -> memref<64xf32, #tpu.memory_space<vmem>>
      %dma_start3A_678 = arith.constant 0 : i32
      %dma_start3A_679 = tpu.memref_slice %arg4[%squeeze3A_661, %squeeze3A_665, %dma_start3A_678] : memref<125000x8x64xf32, #tpu.memory_space<hbm>> -> memref<1x1x64xf32, #tpu.memory_space<hbm>>
      %dma_start3A_680 = tpu.memref_squeeze %dma_start3A_679 : memref<1x1x64xf32, #tpu.memory_space<hbm>> -> memref<64xf32, #tpu.memory_space<hbm>>
      tpu.enqueue_dma source(%dma_start3A_680 : memref<64xf32, #tpu.memory_space<hbm>>) target(%dma_start3A_677 : memref<64xf32, #tpu.memory_space<vmem>>) target_semaphore(%arg13 : memref<!tpu.dma_semaphore, #tpu.memory_space<semaphore_mem>>)
      %dma_start3A_681 = arith.constant 18 : i32
      %dma_start3A_682 = arith.constant 0 : i32
      %dma_start3A_683 = tpu.memref_slice %arg10[%dma_start3A_681, %dma_start3A_682] : memref<32x64xf32, #tpu.memory_space<vmem>> -> memref<1x64xf32, #tpu.memory_space<vmem>>
      %dma_start3A_684 = tpu.memref_squeeze %dma_start3A_683 : memref<1x64xf32, #tpu.memory_space<vmem>> -> memref<64xf32, #tpu.memory_space<vmem>>
      %dma_start3A_685 = arith.constant 0 : i32
      %dma_start3A_686 = tpu.memref_slice %arg5[%squeeze3A_663, %squeeze3A_667, %dma_start3A_685] : memref<125000x8x64xf32, #tpu.memory_space<hbm>> -> memref<1x1x64xf32, #tpu.memory_space<hbm>>
      %dma_start3A_687 = tpu.memref_squeeze %dma_start3A_686 : memref<1x1x64xf32, #tpu.memory_space<hbm>> -> memref<64xf32, #tpu.memory_space<hbm>>
      %dma_start3A_688 = arith.constant 0 : i32
      %dma_start3A_689 = tpu.memref_slice %arg10[%dma_start3A_681, %dma_start3A_688] : memref<32x64xf32, #tpu.memory_space<vmem>> -> memref<1x64xf32, #tpu.memory_space<vmem>>
      %dma_start3A_690 = tpu.memref_squeeze %dma_start3A_689 : memref<1x64xf32, #tpu.memory_space<vmem>> -> memref<64xf32, #tpu.memory_space<vmem>>
      %dma_start3A_691 = arith.constant 0 : i32
      %dma_start3A_692 = tpu.memref_slice %arg5[%squeeze3A_663, %squeeze3A_667, %dma_start3A_691] : memref<125000x8x64xf32, #tpu.memory_space<hbm>> -> memref<1x1x64xf32, #tpu.memory_space<hbm>>
      %dma_start3A_693 = tpu.memref_squeeze %dma_start3A_692 : memref<1x1x64xf32, #tpu.memory_space<hbm>> -> memref<64xf32, #tpu.memory_space<hbm>>
      tpu.enqueue_dma source(%dma_start3A_693 : memref<64xf32, #tpu.memory_space<hbm>>) target(%dma_start3A_690 : memref<64xf32, #tpu.memory_space<vmem>>) target_semaphore(%arg14 : memref<!tpu.dma_semaphore, #tpu.memory_space<semaphore_mem>>)
      %slice3A_694 = vector.extract_strided_slice %shift_right_arithmetic3A_582 {offsets = [3], sizes = [1], strides = [1]} : vector<16xi32> to vector<1xi32>
      %squeeze3A_695 = vector.extract %slice3A_694[0] : i32 from vector<1xi32>
      %slice3A_696 = vector.extract_strided_slice %shift_right_arithmetic3A_585 {offsets = [3], sizes = [1], strides = [1]} : vector<16xi32> to vector<1xi32>
      %squeeze3A_697 = vector.extract %slice3A_696[0] : i32 from vector<1xi32>
      %slice3A_698 = vector.extract_strided_slice %and3A_588 {offsets = [3], sizes = [1], strides = [1]} : vector<16xi32> to vector<1xi32>
      %squeeze3A_699 = vector.extract %slice3A_698[0] : i32 from vector<1xi32>
      %slice3A_700 = vector.extract_strided_slice %and3A_591 {offsets = [3], sizes = [1], strides = [1]} : vector<16xi32> to vector<1xi32>
      %squeeze3A_701 = vector.extract %slice3A_700[0] : i32 from vector<1xi32>
      %dma_start3A_702 = arith.constant 19 : i32
      %dma_start3A_703 = arith.constant 0 : i32
      %dma_start3A_704 = tpu.memref_slice %arg9[%dma_start3A_702, %dma_start3A_703] : memref<32x64xf32, #tpu.memory_space<vmem>> -> memref<1x64xf32, #tpu.memory_space<vmem>>
      %dma_start3A_705 = tpu.memref_squeeze %dma_start3A_704 : memref<1x64xf32, #tpu.memory_space<vmem>> -> memref<64xf32, #tpu.memory_space<vmem>>
      %dma_start3A_706 = arith.constant 0 : i32
      %dma_start3A_707 = tpu.memref_slice %arg4[%squeeze3A_695, %squeeze3A_699, %dma_start3A_706] : memref<125000x8x64xf32, #tpu.memory_space<hbm>> -> memref<1x1x64xf32, #tpu.memory_space<hbm>>
      %dma_start3A_708 = tpu.memref_squeeze %dma_start3A_707 : memref<1x1x64xf32, #tpu.memory_space<hbm>> -> memref<64xf32, #tpu.memory_space<hbm>>
      %dma_start3A_709 = arith.constant 0 : i32
      %dma_start3A_710 = tpu.memref_slice %arg9[%dma_start3A_702, %dma_start3A_709] : memref<32x64xf32, #tpu.memory_space<vmem>> -> memref<1x64xf32, #tpu.memory_space<vmem>>
      %dma_start3A_711 = tpu.memref_squeeze %dma_start3A_710 : memref<1x64xf32, #tpu.memory_space<vmem>> -> memref<64xf32, #tpu.memory_space<vmem>>
      %dma_start3A_712 = arith.constant 0 : i32
      %dma_start3A_713 = tpu.memref_slice %arg4[%squeeze3A_695, %squeeze3A_699, %dma_start3A_712] : memref<125000x8x64xf32, #tpu.memory_space<hbm>> -> memref<1x1x64xf32, #tpu.memory_space<hbm>>
      %dma_start3A_714 = tpu.memref_squeeze %dma_start3A_713 : memref<1x1x64xf32, #tpu.memory_space<hbm>> -> memref<64xf32, #tpu.memory_space<hbm>>
      tpu.enqueue_dma source(%dma_start3A_714 : memref<64xf32, #tpu.memory_space<hbm>>) target(%dma_start3A_711 : memref<64xf32, #tpu.memory_space<vmem>>) target_semaphore(%arg13 : memref<!tpu.dma_semaphore, #tpu.memory_space<semaphore_mem>>)
      %dma_start3A_715 = arith.constant 19 : i32
      %dma_start3A_716 = arith.constant 0 : i32
      %dma_start3A_717 = tpu.memref_slice %arg10[%dma_start3A_715, %dma_start3A_716] : memref<32x64xf32, #tpu.memory_space<vmem>> -> memref<1x64xf32, #tpu.memory_space<vmem>>
      %dma_start3A_718 = tpu.memref_squeeze %dma_start3A_717 : memref<1x64xf32, #tpu.memory_space<vmem>> -> memref<64xf32, #tpu.memory_space<vmem>>
      %dma_start3A_719 = arith.constant 0 : i32
      %dma_start3A_720 = tpu.memref_slice %arg5[%squeeze3A_697, %squeeze3A_701, %dma_start3A_719] : memref<125000x8x64xf32, #tpu.memory_space<hbm>> -> memref<1x1x64xf32, #tpu.memory_space<hbm>>
      %dma_start3A_721 = tpu.memref_squeeze %dma_start3A_720 : memref<1x1x64xf32, #tpu.memory_space<hbm>> -> memref<64xf32, #tpu.memory_space<hbm>>
      %dma_start3A_722 = arith.constant 0 : i32
      %dma_start3A_723 = tpu.memref_slice %arg10[%dma_start3A_715, %dma_start3A_722] : memref<32x64xf32, #tpu.memory_space<vmem>> -> memref<1x64xf32, #tpu.memory_space<vmem>>
      %dma_start3A_724 = tpu.memref_squeeze %dma_start3A_723 : memref<1x64xf32, #tpu.memory_space<vmem>> -> memref<64xf32, #tpu.memory_space<vmem>>
      %dma_start3A_725 = arith.constant 0 : i32
      %dma_start3A_726 = tpu.memref_slice %arg5[%squeeze3A_697, %squeeze3A_701, %dma_start3A_725] : memref<125000x8x64xf32, #tpu.memory_space<hbm>> -> memref<1x1x64xf32, #tpu.memory_space<hbm>>
      %dma_start3A_727 = tpu.memref_squeeze %dma_start3A_726 : memref<1x1x64xf32, #tpu.memory_space<hbm>> -> memref<64xf32, #tpu.memory_space<hbm>>
      tpu.enqueue_dma source(%dma_start3A_727 : memref<64xf32, #tpu.memory_space<hbm>>) target(%dma_start3A_724 : memref<64xf32, #tpu.memory_space<vmem>>) target_semaphore(%arg14 : memref<!tpu.dma_semaphore, #tpu.memory_space<semaphore_mem>>)
      %slice3A_728 = vector.extract_strided_slice %shift_right_arithmetic3A_582 {offsets = [4], sizes = [1], strides = [1]} : vector<16xi32> to vector<1xi32>
      %squeeze3A_729 = vector.extract %slice3A_728[0] : i32 from vector<1xi32>
      %slice3A_730 = vector.extract_strided_slice %shift_right_arithmetic3A_585 {offsets = [4], sizes = [1], strides = [1]} : vector<16xi32> to vector<1xi32>
      %squeeze3A_731 = vector.extract %slice3A_730[0] : i32 from vector<1xi32>
      %slice3A_732 = vector.extract_strided_slice %and3A_588 {offsets = [4], sizes = [1], strides = [1]} : vector<16xi32> to vector<1xi32>
      %squeeze3A_733 = vector.extract %slice3A_732[0] : i32 from vector<1xi32>
      %slice3A_734 = vector.extract_strided_slice %and3A_591 {offsets = [4], sizes = [1], strides = [1]} : vector<16xi32> to vector<1xi32>
      %squeeze3A_735 = vector.extract %slice3A_734[0] : i32 from vector<1xi32>
      %dma_start3A_736 = arith.constant 20 : i32
      %dma_start3A_737 = arith.constant 0 : i32
      %dma_start3A_738 = tpu.memref_slice %arg9[%dma_start3A_736, %dma_start3A_737] : memref<32x64xf32, #tpu.memory_space<vmem>> -> memref<1x64xf32, #tpu.memory_space<vmem>>
      %dma_start3A_739 = tpu.memref_squeeze %dma_start3A_738 : memref<1x64xf32, #tpu.memory_space<vmem>> -> memref<64xf32, #tpu.memory_space<vmem>>
      %dma_start3A_740 = arith.constant 0 : i32
      %dma_start3A_741 = tpu.memref_slice %arg4[%squeeze3A_729, %squeeze3A_733, %dma_start3A_740] : memref<125000x8x64xf32, #tpu.memory_space<hbm>> -> memref<1x1x64xf32, #tpu.memory_space<hbm>>
      %dma_start3A_742 = tpu.memref_squeeze %dma_start3A_741 : memref<1x1x64xf32, #tpu.memory_space<hbm>> -> memref<64xf32, #tpu.memory_space<hbm>>
      %dma_start3A_743 = arith.constant 0 : i32
      %dma_start3A_744 = tpu.memref_slice %arg9[%dma_start3A_736, %dma_start3A_743] : memref<32x64xf32, #tpu.memory_space<vmem>> -> memref<1x64xf32, #tpu.memory_space<vmem>>
      %dma_start3A_745 = tpu.memref_squeeze %dma_start3A_744 : memref<1x64xf32, #tpu.memory_space<vmem>> -> memref<64xf32, #tpu.memory_space<vmem>>
      %dma_start3A_746 = arith.constant 0 : i32
      %dma_start3A_747 = tpu.memref_slice %arg4[%squeeze3A_729, %squeeze3A_733, %dma_start3A_746] : memref<125000x8x64xf32, #tpu.memory_space<hbm>> -> memref<1x1x64xf32, #tpu.memory_space<hbm>>
      %dma_start3A_748 = tpu.memref_squeeze %dma_start3A_747 : memref<1x1x64xf32, #tpu.memory_space<hbm>> -> memref<64xf32, #tpu.memory_space<hbm>>
      tpu.enqueue_dma source(%dma_start3A_748 : memref<64xf32, #tpu.memory_space<hbm>>) target(%dma_start3A_745 : memref<64xf32, #tpu.memory_space<vmem>>) target_semaphore(%arg13 : memref<!tpu.dma_semaphore, #tpu.memory_space<semaphore_mem>>)
      %dma_start3A_749 = arith.constant 20 : i32
      %dma_start3A_750 = arith.constant 0 : i32
      %dma_start3A_751 = tpu.memref_slice %arg10[%dma_start3A_749, %dma_start3A_750] : memref<32x64xf32, #tpu.memory_space<vmem>> -> memref<1x64xf32, #tpu.memory_space<vmem>>
      %dma_start3A_752 = tpu.memref_squeeze %dma_start3A_751 : memref<1x64xf32, #tpu.memory_space<vmem>> -> memref<64xf32, #tpu.memory_space<vmem>>
      %dma_start3A_753 = arith.constant 0 : i32
      %dma_start3A_754 = tpu.memref_slice %arg5[%squeeze3A_731, %squeeze3A_735, %dma_start3A_753] : memref<125000x8x64xf32, #tpu.memory_space<hbm>> -> memref<1x1x64xf32, #tpu.memory_space<hbm>>
      %dma_start3A_755 = tpu.memref_squeeze %dma_start3A_754 : memref<1x1x64xf32, #tpu.memory_space<hbm>> -> memref<64xf32, #tpu.memory_space<hbm>>
      %dma_start3A_756 = arith.constant 0 : i32
      %dma_start3A_757 = tpu.memref_slice %arg10[%dma_start3A_749, %dma_start3A_756] : memref<32x64xf32, #tpu.memory_space<vmem>> -> memref<1x64xf32, #tpu.memory_space<vmem>>
      %dma_start3A_758 = tpu.memref_squeeze %dma_start3A_757 : memref<1x64xf32, #tpu.memory_space<vmem>> -> memref<64xf32, #tpu.memory_space<vmem>>
      %dma_start3A_759 = arith.constant 0 : i32
      %dma_start3A_760 = tpu.memref_slice %arg5[%squeeze3A_731, %squeeze3A_735, %dma_start3A_759] : memref<125000x8x64xf32, #tpu.memory_space<hbm>> -> memref<1x1x64xf32, #tpu.memory_space<hbm>>
      %dma_start3A_761 = tpu.memref_squeeze %dma_start3A_760 : memref<1x1x64xf32, #tpu.memory_space<hbm>> -> memref<64xf32, #tpu.memory_space<hbm>>
      tpu.enqueue_dma source(%dma_start3A_761 : memref<64xf32, #tpu.memory_space<hbm>>) target(%dma_start3A_758 : memref<64xf32, #tpu.memory_space<vmem>>) target_semaphore(%arg14 : memref<!tpu.dma_semaphore, #tpu.memory_space<semaphore_mem>>)
      %slice3A_762 = vector.extract_strided_slice %shift_right_arithmetic3A_582 {offsets = [5], sizes = [1], strides = [1]} : vector<16xi32> to vector<1xi32>
      %squeeze3A_763 = vector.extract %slice3A_762[0] : i32 from vector<1xi32>
      %slice3A_764 = vector.extract_strided_slice %shift_right_arithmetic3A_585 {offsets = [5], sizes = [1], strides = [1]} : vector<16xi32> to vector<1xi32>
      %squeeze3A_765 = vector.extract %slice3A_764[0] : i32 from vector<1xi32>
      %slice3A_766 = vector.extract_strided_slice %and3A_588 {offsets = [5], sizes = [1], strides = [1]} : vector<16xi32> to vector<1xi32>
      %squeeze3A_767 = vector.extract %slice3A_766[0] : i32 from vector<1xi32>
      %slice3A_768 = vector.extract_strided_slice %and3A_591 {offsets = [5], sizes = [1], strides = [1]} : vector<16xi32> to vector<1xi32>
      %squeeze3A_769 = vector.extract %slice3A_768[0] : i32 from vector<1xi32>
      %dma_start3A_770 = arith.constant 21 : i32
      %dma_start3A_771 = arith.constant 0 : i32
      %dma_start3A_772 = tpu.memref_slice %arg9[%dma_start3A_770, %dma_start3A_771] : memref<32x64xf32, #tpu.memory_space<vmem>> -> memref<1x64xf32, #tpu.memory_space<vmem>>
      %dma_start3A_773 = tpu.memref_squeeze %dma_start3A_772 : memref<1x64xf32, #tpu.memory_space<vmem>> -> memref<64xf32, #tpu.memory_space<vmem>>
      %dma_start3A_774 = arith.constant 0 : i32
      %dma_start3A_775 = tpu.memref_slice %arg4[%squeeze3A_763, %squeeze3A_767, %dma_start3A_774] : memref<125000x8x64xf32, #tpu.memory_space<hbm>> -> memref<1x1x64xf32, #tpu.memory_space<hbm>>
      %dma_start3A_776 = tpu.memref_squeeze %dma_start3A_775 : memref<1x1x64xf32, #tpu.memory_space<hbm>> -> memref<64xf32, #tpu.memory_space<hbm>>
      %dma_start3A_777 = arith.constant 0 : i32
      %dma_start3A_778 = tpu.memref_slice %arg9[%dma_start3A_770, %dma_start3A_777] : memref<32x64xf32, #tpu.memory_space<vmem>> -> memref<1x64xf32, #tpu.memory_space<vmem>>
      %dma_start3A_779 = tpu.memref_squeeze %dma_start3A_778 : memref<1x64xf32, #tpu.memory_space<vmem>> -> memref<64xf32, #tpu.memory_space<vmem>>
      %dma_start3A_780 = arith.constant 0 : i32
      %dma_start3A_781 = tpu.memref_slice %arg4[%squeeze3A_763, %squeeze3A_767, %dma_start3A_780] : memref<125000x8x64xf32, #tpu.memory_space<hbm>> -> memref<1x1x64xf32, #tpu.memory_space<hbm>>
      %dma_start3A_782 = tpu.memref_squeeze %dma_start3A_781 : memref<1x1x64xf32, #tpu.memory_space<hbm>> -> memref<64xf32, #tpu.memory_space<hbm>>
      tpu.enqueue_dma source(%dma_start3A_782 : memref<64xf32, #tpu.memory_space<hbm>>) target(%dma_start3A_779 : memref<64xf32, #tpu.memory_space<vmem>>) target_semaphore(%arg13 : memref<!tpu.dma_semaphore, #tpu.memory_space<semaphore_mem>>)
      %dma_start3A_783 = arith.constant 21 : i32
      %dma_start3A_784 = arith.constant 0 : i32
      %dma_start3A_785 = tpu.memref_slice %arg10[%dma_start3A_783, %dma_start3A_784] : memref<32x64xf32, #tpu.memory_space<vmem>> -> memref<1x64xf32, #tpu.memory_space<vmem>>
      %dma_start3A_786 = tpu.memref_squeeze %dma_start3A_785 : memref<1x64xf32, #tpu.memory_space<vmem>> -> memref<64xf32, #tpu.memory_space<vmem>>
      %dma_start3A_787 = arith.constant 0 : i32
      %dma_start3A_788 = tpu.memref_slice %arg5[%squeeze3A_765, %squeeze3A_769, %dma_start3A_787] : memref<125000x8x64xf32, #tpu.memory_space<hbm>> -> memref<1x1x64xf32, #tpu.memory_space<hbm>>
      %dma_start3A_789 = tpu.memref_squeeze %dma_start3A_788 : memref<1x1x64xf32, #tpu.memory_space<hbm>> -> memref<64xf32, #tpu.memory_space<hbm>>
      %dma_start3A_790 = arith.constant 0 : i32
      %dma_start3A_791 = tpu.memref_slice %arg10[%dma_start3A_783, %dma_start3A_790] : memref<32x64xf32, #tpu.memory_space<vmem>> -> memref<1x64xf32, #tpu.memory_space<vmem>>
      %dma_start3A_792 = tpu.memref_squeeze %dma_start3A_791 : memref<1x64xf32, #tpu.memory_space<vmem>> -> memref<64xf32, #tpu.memory_space<vmem>>
      %dma_start3A_793 = arith.constant 0 : i32
      %dma_start3A_794 = tpu.memref_slice %arg5[%squeeze3A_765, %squeeze3A_769, %dma_start3A_793] : memref<125000x8x64xf32, #tpu.memory_space<hbm>> -> memref<1x1x64xf32, #tpu.memory_space<hbm>>
      %dma_start3A_795 = tpu.memref_squeeze %dma_start3A_794 : memref<1x1x64xf32, #tpu.memory_space<hbm>> -> memref<64xf32, #tpu.memory_space<hbm>>
      tpu.enqueue_dma source(%dma_start3A_795 : memref<64xf32, #tpu.memory_space<hbm>>) target(%dma_start3A_792 : memref<64xf32, #tpu.memory_space<vmem>>) target_semaphore(%arg14 : memref<!tpu.dma_semaphore, #tpu.memory_space<semaphore_mem>>)
      %slice3A_796 = vector.extract_strided_slice %shift_right_arithmetic3A_582 {offsets = [6], sizes = [1], strides = [1]} : vector<16xi32> to vector<1xi32>
      %squeeze3A_797 = vector.extract %slice3A_796[0] : i32 from vector<1xi32>
      %slice3A_798 = vector.extract_strided_slice %shift_right_arithmetic3A_585 {offsets = [6], sizes = [1], strides = [1]} : vector<16xi32> to vector<1xi32>
      %squeeze3A_799 = vector.extract %slice3A_798[0] : i32 from vector<1xi32>
      %slice3A_800 = vector.extract_strided_slice %and3A_588 {offsets = [6], sizes = [1], strides = [1]} : vector<16xi32> to vector<1xi32>
      %squeeze3A_801 = vector.extract %slice3A_800[0] : i32 from vector<1xi32>
      %slice3A_802 = vector.extract_strided_slice %and3A_591 {offsets = [6], sizes = [1], strides = [1]} : vector<16xi32> to vector<1xi32>
      %squeeze3A_803 = vector.extract %slice3A_802[0] : i32 from vector<1xi32>
      %dma_start3A_804 = arith.constant 22 : i32
      %dma_start3A_805 = arith.constant 0 : i32
      %dma_start3A_806 = tpu.memref_slice %arg9[%dma_start3A_804, %dma_start3A_805] : memref<32x64xf32, #tpu.memory_space<vmem>> -> memref<1x64xf32, #tpu.memory_space<vmem>>
      %dma_start3A_807 = tpu.memref_squeeze %dma_start3A_806 : memref<1x64xf32, #tpu.memory_space<vmem>> -> memref<64xf32, #tpu.memory_space<vmem>>
      %dma_start3A_808 = arith.constant 0 : i32
      %dma_start3A_809 = tpu.memref_slice %arg4[%squeeze3A_797, %squeeze3A_801, %dma_start3A_808] : memref<125000x8x64xf32, #tpu.memory_space<hbm>> -> memref<1x1x64xf32, #tpu.memory_space<hbm>>
      %dma_start3A_810 = tpu.memref_squeeze %dma_start3A_809 : memref<1x1x64xf32, #tpu.memory_space<hbm>> -> memref<64xf32, #tpu.memory_space<hbm>>
      %dma_start3A_811 = arith.constant 0 : i32
      %dma_start3A_812 = tpu.memref_slice %arg9[%dma_start3A_804, %dma_start3A_811] : memref<32x64xf32, #tpu.memory_space<vmem>> -> memref<1x64xf32, #tpu.memory_space<vmem>>
      %dma_start3A_813 = tpu.memref_squeeze %dma_start3A_812 : memref<1x64xf32, #tpu.memory_space<vmem>> -> memref<64xf32, #tpu.memory_space<vmem>>
      %dma_start3A_814 = arith.constant 0 : i32
      %dma_start3A_815 = tpu.memref_slice %arg4[%squeeze3A_797, %squeeze3A_801, %dma_start3A_814] : memref<125000x8x64xf32, #tpu.memory_space<hbm>> -> memref<1x1x64xf32, #tpu.memory_space<hbm>>
      %dma_start3A_816 = tpu.memref_squeeze %dma_start3A_815 : memref<1x1x64xf32, #tpu.memory_space<hbm>> -> memref<64xf32, #tpu.memory_space<hbm>>
      tpu.enqueue_dma source(%dma_start3A_816 : memref<64xf32, #tpu.memory_space<hbm>>) target(%dma_start3A_813 : memref<64xf32, #tpu.memory_space<vmem>>) target_semaphore(%arg13 : memref<!tpu.dma_semaphore, #tpu.memory_space<semaphore_mem>>)
      %dma_start3A_817 = arith.constant 22 : i32
      %dma_start3A_818 = arith.constant 0 : i32
      %dma_start3A_819 = tpu.memref_slice %arg10[%dma_start3A_817, %dma_start3A_818] : memref<32x64xf32, #tpu.memory_space<vmem>> -> memref<1x64xf32, #tpu.memory_space<vmem>>
      %dma_start3A_820 = tpu.memref_squeeze %dma_start3A_819 : memref<1x64xf32, #tpu.memory_space<vmem>> -> memref<64xf32, #tpu.memory_space<vmem>>
      %dma_start3A_821 = arith.constant 0 : i32
      %dma_start3A_822 = tpu.memref_slice %arg5[%squeeze3A_799, %squeeze3A_803, %dma_start3A_821] : memref<125000x8x64xf32, #tpu.memory_space<hbm>> -> memref<1x1x64xf32, #tpu.memory_space<hbm>>
      %dma_start3A_823 = tpu.memref_squeeze %dma_start3A_822 : memref<1x1x64xf32, #tpu.memory_space<hbm>> -> memref<64xf32, #tpu.memory_space<hbm>>
      %dma_start3A_824 = arith.constant 0 : i32
      %dma_start3A_825 = tpu.memref_slice %arg10[%dma_start3A_817, %dma_start3A_824] : memref<32x64xf32, #tpu.memory_space<vmem>> -> memref<1x64xf32, #tpu.memory_space<vmem>>
      %dma_start3A_826 = tpu.memref_squeeze %dma_start3A_825 : memref<1x64xf32, #tpu.memory_space<vmem>> -> memref<64xf32, #tpu.memory_space<vmem>>
      %dma_start3A_827 = arith.constant 0 : i32
      %dma_start3A_828 = tpu.memref_slice %arg5[%squeeze3A_799, %squeeze3A_803, %dma_start3A_827] : memref<125000x8x64xf32, #tpu.memory_space<hbm>> -> memref<1x1x64xf32, #tpu.memory_space<hbm>>
      %dma_start3A_829 = tpu.memref_squeeze %dma_start3A_828 : memref<1x1x64xf32, #tpu.memory_space<hbm>> -> memref<64xf32, #tpu.memory_space<hbm>>
      tpu.enqueue_dma source(%dma_start3A_829 : memref<64xf32, #tpu.memory_space<hbm>>) target(%dma_start3A_826 : memref<64xf32, #tpu.memory_space<vmem>>) target_semaphore(%arg14 : memref<!tpu.dma_semaphore, #tpu.memory_space<semaphore_mem>>)
      %slice3A_830 = vector.extract_strided_slice %shift_right_arithmetic3A_582 {offsets = [7], sizes = [1], strides = [1]} : vector<16xi32> to vector<1xi32>
      %squeeze3A_831 = vector.extract %slice3A_830[0] : i32 from vector<1xi32>
      %slice3A_832 = vector.extract_strided_slice %shift_right_arithmetic3A_585 {offsets = [7], sizes = [1], strides = [1]} : vector<16xi32> to vector<1xi32>
      %squeeze3A_833 = vector.extract %slice3A_832[0] : i32 from vector<1xi32>
      %slice3A_834 = vector.extract_strided_slice %and3A_588 {offsets = [7], sizes = [1], strides = [1]} : vector<16xi32> to vector<1xi32>
      %squeeze3A_835 = vector.extract %slice3A_834[0] : i32 from vector<1xi32>
      %slice3A_836 = vector.extract_strided_slice %and3A_591 {offsets = [7], sizes = [1], strides = [1]} : vector<16xi32> to vector<1xi32>
      %squeeze3A_837 = vector.extract %slice3A_836[0] : i32 from vector<1xi32>
      %dma_start3A_838 = arith.constant 23 : i32
      %dma_start3A_839 = arith.constant 0 : i32
      %dma_start3A_840 = tpu.memref_slice %arg9[%dma_start3A_838, %dma_start3A_839] : memref<32x64xf32, #tpu.memory_space<vmem>> -> memref<1x64xf32, #tpu.memory_space<vmem>>
      %dma_start3A_841 = tpu.memref_squeeze %dma_start3A_840 : memref<1x64xf32, #tpu.memory_space<vmem>> -> memref<64xf32, #tpu.memory_space<vmem>>
      %dma_start3A_842 = arith.constant 0 : i32
      %dma_start3A_843 = tpu.memref_slice %arg4[%squeeze3A_831, %squeeze3A_835, %dma_start3A_842] : memref<125000x8x64xf32, #tpu.memory_space<hbm>> -> memref<1x1x64xf32, #tpu.memory_space<hbm>>
      %dma_start3A_844 = tpu.memref_squeeze %dma_start3A_843 : memref<1x1x64xf32, #tpu.memory_space<hbm>> -> memref<64xf32, #tpu.memory_space<hbm>>
      %dma_start3A_845 = arith.constant 0 : i32
      %dma_start3A_846 = tpu.memref_slice %arg9[%dma_start3A_838, %dma_start3A_845] : memref<32x64xf32, #tpu.memory_space<vmem>> -> memref<1x64xf32, #tpu.memory_space<vmem>>
      %dma_start3A_847 = tpu.memref_squeeze %dma_start3A_846 : memref<1x64xf32, #tpu.memory_space<vmem>> -> memref<64xf32, #tpu.memory_space<vmem>>
      %dma_start3A_848 = arith.constant 0 : i32
      %dma_start3A_849 = tpu.memref_slice %arg4[%squeeze3A_831, %squeeze3A_835, %dma_start3A_848] : memref<125000x8x64xf32, #tpu.memory_space<hbm>> -> memref<1x1x64xf32, #tpu.memory_space<hbm>>
      %dma_start3A_850 = tpu.memref_squeeze %dma_start3A_849 : memref<1x1x64xf32, #tpu.memory_space<hbm>> -> memref<64xf32, #tpu.memory_space<hbm>>
      tpu.enqueue_dma source(%dma_start3A_850 : memref<64xf32, #tpu.memory_space<hbm>>) target(%dma_start3A_847 : memref<64xf32, #tpu.memory_space<vmem>>) target_semaphore(%arg13 : memref<!tpu.dma_semaphore, #tpu.memory_space<semaphore_mem>>)
      %dma_start3A_851 = arith.constant 23 : i32
      %dma_start3A_852 = arith.constant 0 : i32
      %dma_start3A_853 = tpu.memref_slice %arg10[%dma_start3A_851, %dma_start3A_852] : memref<32x64xf32, #tpu.memory_space<vmem>> -> memref<1x64xf32, #tpu.memory_space<vmem>>
      %dma_start3A_854 = tpu.memref_squeeze %dma_start3A_853 : memref<1x64xf32, #tpu.memory_space<vmem>> -> memref<64xf32, #tpu.memory_space<vmem>>
      %dma_start3A_855 = arith.constant 0 : i32
      %dma_start3A_856 = tpu.memref_slice %arg5[%squeeze3A_833, %squeeze3A_837, %dma_start3A_855] : memref<125000x8x64xf32, #tpu.memory_space<hbm>> -> memref<1x1x64xf32, #tpu.memory_space<hbm>>
      %dma_start3A_857 = tpu.memref_squeeze %dma_start3A_856 : memref<1x1x64xf32, #tpu.memory_space<hbm>> -> memref<64xf32, #tpu.memory_space<hbm>>
      %dma_start3A_858 = arith.constant 0 : i32
      %dma_start3A_859 = tpu.memref_slice %arg10[%dma_start3A_851, %dma_start3A_858] : memref<32x64xf32, #tpu.memory_space<vmem>> -> memref<1x64xf32, #tpu.memory_space<vmem>>
      %dma_start3A_860 = tpu.memref_squeeze %dma_start3A_859 : memref<1x64xf32, #tpu.memory_space<vmem>> -> memref<64xf32, #tpu.memory_space<vmem>>
      %dma_start3A_861 = arith.constant 0 : i32
      %dma_start3A_862 = tpu.memref_slice %arg5[%squeeze3A_833, %squeeze3A_837, %dma_start3A_861] : memref<125000x8x64xf32, #tpu.memory_space<hbm>> -> memref<1x1x64xf32, #tpu.memory_space<hbm>>
      %dma_start3A_863 = tpu.memref_squeeze %dma_start3A_862 : memref<1x1x64xf32, #tpu.memory_space<hbm>> -> memref<64xf32, #tpu.memory_space<hbm>>
      tpu.enqueue_dma source(%dma_start3A_863 : memref<64xf32, #tpu.memory_space<hbm>>) target(%dma_start3A_860 : memref<64xf32, #tpu.memory_space<vmem>>) target_semaphore(%arg14 : memref<!tpu.dma_semaphore, #tpu.memory_space<semaphore_mem>>)
      %slice3A_864 = vector.extract_strided_slice %shift_right_arithmetic3A_582 {offsets = [8], sizes = [1], strides = [1]} : vector<16xi32> to vector<1xi32>
      %squeeze3A_865 = vector.extract %slice3A_864[0] : i32 from vector<1xi32>
      %slice3A_866 = vector.extract_strided_slice %shift_right_arithmetic3A_585 {offsets = [8], sizes = [1], strides = [1]} : vector<16xi32> to vector<1xi32>
      %squeeze3A_867 = vector.extract %slice3A_866[0] : i32 from vector<1xi32>
      %slice3A_868 = vector.extract_strided_slice %and3A_588 {offsets = [8], sizes = [1], strides = [1]} : vector<16xi32> to vector<1xi32>
      %squeeze3A_869 = vector.extract %slice3A_868[0] : i32 from vector<1xi32>
      %slice3A_870 = vector.extract_strided_slice %and3A_591 {offsets = [8], sizes = [1], strides = [1]} : vector<16xi32> to vector<1xi32>
      %squeeze3A_871 = vector.extract %slice3A_870[0] : i32 from vector<1xi32>
      %dma_start3A_872 = arith.constant 24 : i32
      %dma_start3A_873 = arith.constant 0 : i32
      %dma_start3A_874 = tpu.memref_slice %arg9[%dma_start3A_872, %dma_start3A_873] : memref<32x64xf32, #tpu.memory_space<vmem>> -> memref<1x64xf32, #tpu.memory_space<vmem>>
      %dma_start3A_875 = tpu.memref_squeeze %dma_start3A_874 : memref<1x64xf32, #tpu.memory_space<vmem>> -> memref<64xf32, #tpu.memory_space<vmem>>
      %dma_start3A_876 = arith.constant 0 : i32
      %dma_start3A_877 = tpu.memref_slice %arg4[%squeeze3A_865, %squeeze3A_869, %dma_start3A_876] : memref<125000x8x64xf32, #tpu.memory_space<hbm>> -> memref<1x1x64xf32, #tpu.memory_space<hbm>>
      %dma_start3A_878 = tpu.memref_squeeze %dma_start3A_877 : memref<1x1x64xf32, #tpu.memory_space<hbm>> -> memref<64xf32, #tpu.memory_space<hbm>>
      %dma_start3A_879 = arith.constant 0 : i32
      %dma_start3A_880 = tpu.memref_slice %arg9[%dma_start3A_872, %dma_start3A_879] : memref<32x64xf32, #tpu.memory_space<vmem>> -> memref<1x64xf32, #tpu.memory_space<vmem>>
      %dma_start3A_881 = tpu.memref_squeeze %dma_start3A_880 : memref<1x64xf32, #tpu.memory_space<vmem>> -> memref<64xf32, #tpu.memory_space<vmem>>
      %dma_start3A_882 = arith.constant 0 : i32
      %dma_start3A_883 = tpu.memref_slice %arg4[%squeeze3A_865, %squeeze3A_869, %dma_start3A_882] : memref<125000x8x64xf32, #tpu.memory_space<hbm>> -> memref<1x1x64xf32, #tpu.memory_space<hbm>>
      %dma_start3A_884 = tpu.memref_squeeze %dma_start3A_883 : memref<1x1x64xf32, #tpu.memory_space<hbm>> -> memref<64xf32, #tpu.memory_space<hbm>>
      tpu.enqueue_dma source(%dma_start3A_884 : memref<64xf32, #tpu.memory_space<hbm>>) target(%dma_start3A_881 : memref<64xf32, #tpu.memory_space<vmem>>) target_semaphore(%arg13 : memref<!tpu.dma_semaphore, #tpu.memory_space<semaphore_mem>>)
      %dma_start3A_885 = arith.constant 24 : i32
      %dma_start3A_886 = arith.constant 0 : i32
      %dma_start3A_887 = tpu.memref_slice %arg10[%dma_start3A_885, %dma_start3A_886] : memref<32x64xf32, #tpu.memory_space<vmem>> -> memref<1x64xf32, #tpu.memory_space<vmem>>
      %dma_start3A_888 = tpu.memref_squeeze %dma_start3A_887 : memref<1x64xf32, #tpu.memory_space<vmem>> -> memref<64xf32, #tpu.memory_space<vmem>>
      %dma_start3A_889 = arith.constant 0 : i32
      %dma_start3A_890 = tpu.memref_slice %arg5[%squeeze3A_867, %squeeze3A_871, %dma_start3A_889] : memref<125000x8x64xf32, #tpu.memory_space<hbm>> -> memref<1x1x64xf32, #tpu.memory_space<hbm>>
      %dma_start3A_891 = tpu.memref_squeeze %dma_start3A_890 : memref<1x1x64xf32, #tpu.memory_space<hbm>> -> memref<64xf32, #tpu.memory_space<hbm>>
      %dma_start3A_892 = arith.constant 0 : i32
      %dma_start3A_893 = tpu.memref_slice %arg10[%dma_start3A_885, %dma_start3A_892] : memref<32x64xf32, #tpu.memory_space<vmem>> -> memref<1x64xf32, #tpu.memory_space<vmem>>
      %dma_start3A_894 = tpu.memref_squeeze %dma_start3A_893 : memref<1x64xf32, #tpu.memory_space<vmem>> -> memref<64xf32, #tpu.memory_space<vmem>>
      %dma_start3A_895 = arith.constant 0 : i32
      %dma_start3A_896 = tpu.memref_slice %arg5[%squeeze3A_867, %squeeze3A_871, %dma_start3A_895] : memref<125000x8x64xf32, #tpu.memory_space<hbm>> -> memref<1x1x64xf32, #tpu.memory_space<hbm>>
      %dma_start3A_897 = tpu.memref_squeeze %dma_start3A_896 : memref<1x1x64xf32, #tpu.memory_space<hbm>> -> memref<64xf32, #tpu.memory_space<hbm>>
      tpu.enqueue_dma source(%dma_start3A_897 : memref<64xf32, #tpu.memory_space<hbm>>) target(%dma_start3A_894 : memref<64xf32, #tpu.memory_space<vmem>>) target_semaphore(%arg14 : memref<!tpu.dma_semaphore, #tpu.memory_space<semaphore_mem>>)
      %slice3A_898 = vector.extract_strided_slice %shift_right_arithmetic3A_582 {offsets = [9], sizes = [1], strides = [1]} : vector<16xi32> to vector<1xi32>
      %squeeze3A_899 = vector.extract %slice3A_898[0] : i32 from vector<1xi32>
      %slice3A_900 = vector.extract_strided_slice %shift_right_arithmetic3A_585 {offsets = [9], sizes = [1], strides = [1]} : vector<16xi32> to vector<1xi32>
      %squeeze3A_901 = vector.extract %slice3A_900[0] : i32 from vector<1xi32>
      %slice3A_902 = vector.extract_strided_slice %and3A_588 {offsets = [9], sizes = [1], strides = [1]} : vector<16xi32> to vector<1xi32>
      %squeeze3A_903 = vector.extract %slice3A_902[0] : i32 from vector<1xi32>
      %slice3A_904 = vector.extract_strided_slice %and3A_591 {offsets = [9], sizes = [1], strides = [1]} : vector<16xi32> to vector<1xi32>
      %squeeze3A_905 = vector.extract %slice3A_904[0] : i32 from vector<1xi32>
      %dma_start3A_906 = arith.constant 25 : i32
      %dma_start3A_907 = arith.constant 0 : i32
      %dma_start3A_908 = tpu.memref_slice %arg9[%dma_start3A_906, %dma_start3A_907] : memref<32x64xf32, #tpu.memory_space<vmem>> -> memref<1x64xf32, #tpu.memory_space<vmem>>
      %dma_start3A_909 = tpu.memref_squeeze %dma_start3A_908 : memref<1x64xf32, #tpu.memory_space<vmem>> -> memref<64xf32, #tpu.memory_space<vmem>>
      %dma_start3A_910 = arith.constant 0 : i32
      %dma_start3A_911 = tpu.memref_slice %arg4[%squeeze3A_899, %squeeze3A_903, %dma_start3A_910] : memref<125000x8x64xf32, #tpu.memory_space<hbm>> -> memref<1x1x64xf32, #tpu.memory_space<hbm>>
      %dma_start3A_912 = tpu.memref_squeeze %dma_start3A_911 : memref<1x1x64xf32, #tpu.memory_space<hbm>> -> memref<64xf32, #tpu.memory_space<hbm>>
      %dma_start3A_913 = arith.constant 0 : i32
      %dma_start3A_914 = tpu.memref_slice %arg9[%dma_start3A_906, %dma_start3A_913] : memref<32x64xf32, #tpu.memory_space<vmem>> -> memref<1x64xf32, #tpu.memory_space<vmem>>
      %dma_start3A_915 = tpu.memref_squeeze %dma_start3A_914 : memref<1x64xf32, #tpu.memory_space<vmem>> -> memref<64xf32, #tpu.memory_space<vmem>>
      %dma_start3A_916 = arith.constant 0 : i32
      %dma_start3A_917 = tpu.memref_slice %arg4[%squeeze3A_899, %squeeze3A_903, %dma_start3A_916] : memref<125000x8x64xf32, #tpu.memory_space<hbm>> -> memref<1x1x64xf32, #tpu.memory_space<hbm>>
      %dma_start3A_918 = tpu.memref_squeeze %dma_start3A_917 : memref<1x1x64xf32, #tpu.memory_space<hbm>> -> memref<64xf32, #tpu.memory_space<hbm>>
      tpu.enqueue_dma source(%dma_start3A_918 : memref<64xf32, #tpu.memory_space<hbm>>) target(%dma_start3A_915 : memref<64xf32, #tpu.memory_space<vmem>>) target_semaphore(%arg13 : memref<!tpu.dma_semaphore, #tpu.memory_space<semaphore_mem>>)
      %dma_start3A_919 = arith.constant 25 : i32
      %dma_start3A_920 = arith.constant 0 : i32
      %dma_start3A_921 = tpu.memref_slice %arg10[%dma_start3A_919, %dma_start3A_920] : memref<32x64xf32, #tpu.memory_space<vmem>> -> memref<1x64xf32, #tpu.memory_space<vmem>>
      %dma_start3A_922 = tpu.memref_squeeze %dma_start3A_921 : memref<1x64xf32, #tpu.memory_space<vmem>> -> memref<64xf32, #tpu.memory_space<vmem>>
      %dma_start3A_923 = arith.constant 0 : i32
      %dma_start3A_924 = tpu.memref_slice %arg5[%squeeze3A_901, %squeeze3A_905, %dma_start3A_923] : memref<125000x8x64xf32, #tpu.memory_space<hbm>> -> memref<1x1x64xf32, #tpu.memory_space<hbm>>
      %dma_start3A_925 = tpu.memref_squeeze %dma_start3A_924 : memref<1x1x64xf32, #tpu.memory_space<hbm>> -> memref<64xf32, #tpu.memory_space<hbm>>
      %dma_start3A_926 = arith.constant 0 : i32
      %dma_start3A_927 = tpu.memref_slice %arg10[%dma_start3A_919, %dma_start3A_926] : memref<32x64xf32, #tpu.memory_space<vmem>> -> memref<1x64xf32, #tpu.memory_space<vmem>>
      %dma_start3A_928 = tpu.memref_squeeze %dma_start3A_927 : memref<1x64xf32, #tpu.memory_space<vmem>> -> memref<64xf32, #tpu.memory_space<vmem>>
      %dma_start3A_929 = arith.constant 0 : i32
      %dma_start3A_930 = tpu.memref_slice %arg5[%squeeze3A_901, %squeeze3A_905, %dma_start3A_929] : memref<125000x8x64xf32, #tpu.memory_space<hbm>> -> memref<1x1x64xf32, #tpu.memory_space<hbm>>
      %dma_start3A_931 = tpu.memref_squeeze %dma_start3A_930 : memref<1x1x64xf32, #tpu.memory_space<hbm>> -> memref<64xf32, #tpu.memory_space<hbm>>
      tpu.enqueue_dma source(%dma_start3A_931 : memref<64xf32, #tpu.memory_space<hbm>>) target(%dma_start3A_928 : memref<64xf32, #tpu.memory_space<vmem>>) target_semaphore(%arg14 : memref<!tpu.dma_semaphore, #tpu.memory_space<semaphore_mem>>)
      %slice3A_932 = vector.extract_strided_slice %shift_right_arithmetic3A_582 {offsets = [10], sizes = [1], strides = [1]} : vector<16xi32> to vector<1xi32>
      %squeeze3A_933 = vector.extract %slice3A_932[0] : i32 from vector<1xi32>
      %slice3A_934 = vector.extract_strided_slice %shift_right_arithmetic3A_585 {offsets = [10], sizes = [1], strides = [1]} : vector<16xi32> to vector<1xi32>
      %squeeze3A_935 = vector.extract %slice3A_934[0] : i32 from vector<1xi32>
      %slice3A_936 = vector.extract_strided_slice %and3A_588 {offsets = [10], sizes = [1], strides = [1]} : vector<16xi32> to vector<1xi32>
      %squeeze3A_937 = vector.extract %slice3A_936[0] : i32 from vector<1xi32>
      %slice3A_938 = vector.extract_strided_slice %and3A_591 {offsets = [10], sizes = [1], strides = [1]} : vector<16xi32> to vector<1xi32>
      %squeeze3A_939 = vector.extract %slice3A_938[0] : i32 from vector<1xi32>
      %dma_start3A_940 = arith.constant 26 : i32
      %dma_start3A_941 = arith.constant 0 : i32
      %dma_start3A_942 = tpu.memref_slice %arg9[%dma_start3A_940, %dma_start3A_941] : memref<32x64xf32, #tpu.memory_space<vmem>> -> memref<1x64xf32, #tpu.memory_space<vmem>>
      %dma_start3A_943 = tpu.memref_squeeze %dma_start3A_942 : memref<1x64xf32, #tpu.memory_space<vmem>> -> memref<64xf32, #tpu.memory_space<vmem>>
      %dma_start3A_944 = arith.constant 0 : i32
      %dma_start3A_945 = tpu.memref_slice %arg4[%squeeze3A_933, %squeeze3A_937, %dma_start3A_944] : memref<125000x8x64xf32, #tpu.memory_space<hbm>> -> memref<1x1x64xf32, #tpu.memory_space<hbm>>
      %dma_start3A_946 = tpu.memref_squeeze %dma_start3A_945 : memref<1x1x64xf32, #tpu.memory_space<hbm>> -> memref<64xf32, #tpu.memory_space<hbm>>
      %dma_start3A_947 = arith.constant 0 : i32
      %dma_start3A_948 = tpu.memref_slice %arg9[%dma_start3A_940, %dma_start3A_947] : memref<32x64xf32, #tpu.memory_space<vmem>> -> memref<1x64xf32, #tpu.memory_space<vmem>>
      %dma_start3A_949 = tpu.memref_squeeze %dma_start3A_948 : memref<1x64xf32, #tpu.memory_space<vmem>> -> memref<64xf32, #tpu.memory_space<vmem>>
      %dma_start3A_950 = arith.constant 0 : i32
      %dma_start3A_951 = tpu.memref_slice %arg4[%squeeze3A_933, %squeeze3A_937, %dma_start3A_950] : memref<125000x8x64xf32, #tpu.memory_space<hbm>> -> memref<1x1x64xf32, #tpu.memory_space<hbm>>
      %dma_start3A_952 = tpu.memref_squeeze %dma_start3A_951 : memref<1x1x64xf32, #tpu.memory_space<hbm>> -> memref<64xf32, #tpu.memory_space<hbm>>
      tpu.enqueue_dma source(%dma_start3A_952 : memref<64xf32, #tpu.memory_space<hbm>>) target(%dma_start3A_949 : memref<64xf32, #tpu.memory_space<vmem>>) target_semaphore(%arg13 : memref<!tpu.dma_semaphore, #tpu.memory_space<semaphore_mem>>)
      %dma_start3A_953 = arith.constant 26 : i32
      %dma_start3A_954 = arith.constant 0 : i32
      %dma_start3A_955 = tpu.memref_slice %arg10[%dma_start3A_953, %dma_start3A_954] : memref<32x64xf32, #tpu.memory_space<vmem>> -> memref<1x64xf32, #tpu.memory_space<vmem>>
      %dma_start3A_956 = tpu.memref_squeeze %dma_start3A_955 : memref<1x64xf32, #tpu.memory_space<vmem>> -> memref<64xf32, #tpu.memory_space<vmem>>
      %dma_start3A_957 = arith.constant 0 : i32
      %dma_start3A_958 = tpu.memref_slice %arg5[%squeeze3A_935, %squeeze3A_939, %dma_start3A_957] : memref<125000x8x64xf32, #tpu.memory_space<hbm>> -> memref<1x1x64xf32, #tpu.memory_space<hbm>>
      %dma_start3A_959 = tpu.memref_squeeze %dma_start3A_958 : memref<1x1x64xf32, #tpu.memory_space<hbm>> -> memref<64xf32, #tpu.memory_space<hbm>>
      %dma_start3A_960 = arith.constant 0 : i32
      %dma_start3A_961 = tpu.memref_slice %arg10[%dma_start3A_953, %dma_start3A_960] : memref<32x64xf32, #tpu.memory_space<vmem>> -> memref<1x64xf32, #tpu.memory_space<vmem>>
      %dma_start3A_962 = tpu.memref_squeeze %dma_start3A_961 : memref<1x64xf32, #tpu.memory_space<vmem>> -> memref<64xf32, #tpu.memory_space<vmem>>
      %dma_start3A_963 = arith.constant 0 : i32
      %dma_start3A_964 = tpu.memref_slice %arg5[%squeeze3A_935, %squeeze3A_939, %dma_start3A_963] : memref<125000x8x64xf32, #tpu.memory_space<hbm>> -> memref<1x1x64xf32, #tpu.memory_space<hbm>>
      %dma_start3A_965 = tpu.memref_squeeze %dma_start3A_964 : memref<1x1x64xf32, #tpu.memory_space<hbm>> -> memref<64xf32, #tpu.memory_space<hbm>>
      tpu.enqueue_dma source(%dma_start3A_965 : memref<64xf32, #tpu.memory_space<hbm>>) target(%dma_start3A_962 : memref<64xf32, #tpu.memory_space<vmem>>) target_semaphore(%arg14 : memref<!tpu.dma_semaphore, #tpu.memory_space<semaphore_mem>>)
      %slice3A_966 = vector.extract_strided_slice %shift_right_arithmetic3A_582 {offsets = [11], sizes = [1], strides = [1]} : vector<16xi32> to vector<1xi32>
      %squeeze3A_967 = vector.extract %slice3A_966[0] : i32 from vector<1xi32>
      %slice3A_968 = vector.extract_strided_slice %shift_right_arithmetic3A_585 {offsets = [11], sizes = [1], strides = [1]} : vector<16xi32> to vector<1xi32>
      %squeeze3A_969 = vector.extract %slice3A_968[0] : i32 from vector<1xi32>
      %slice3A_970 = vector.extract_strided_slice %and3A_588 {offsets = [11], sizes = [1], strides = [1]} : vector<16xi32> to vector<1xi32>
      %squeeze3A_971 = vector.extract %slice3A_970[0] : i32 from vector<1xi32>
      %slice3A_972 = vector.extract_strided_slice %and3A_591 {offsets = [11], sizes = [1], strides = [1]} : vector<16xi32> to vector<1xi32>
      %squeeze3A_973 = vector.extract %slice3A_972[0] : i32 from vector<1xi32>
      %dma_start3A_974 = arith.constant 27 : i32
      %dma_start3A_975 = arith.constant 0 : i32
      %dma_start3A_976 = tpu.memref_slice %arg9[%dma_start3A_974, %dma_start3A_975] : memref<32x64xf32, #tpu.memory_space<vmem>> -> memref<1x64xf32, #tpu.memory_space<vmem>>
      %dma_start3A_977 = tpu.memref_squeeze %dma_start3A_976 : memref<1x64xf32, #tpu.memory_space<vmem>> -> memref<64xf32, #tpu.memory_space<vmem>>
      %dma_start3A_978 = arith.constant 0 : i32
      %dma_start3A_979 = tpu.memref_slice %arg4[%squeeze3A_967, %squeeze3A_971, %dma_start3A_978] : memref<125000x8x64xf32, #tpu.memory_space<hbm>> -> memref<1x1x64xf32, #tpu.memory_space<hbm>>
      %dma_start3A_980 = tpu.memref_squeeze %dma_start3A_979 : memref<1x1x64xf32, #tpu.memory_space<hbm>> -> memref<64xf32, #tpu.memory_space<hbm>>
      %dma_start3A_981 = arith.constant 0 : i32
      %dma_start3A_982 = tpu.memref_slice %arg9[%dma_start3A_974, %dma_start3A_981] : memref<32x64xf32, #tpu.memory_space<vmem>> -> memref<1x64xf32, #tpu.memory_space<vmem>>
      %dma_start3A_983 = tpu.memref_squeeze %dma_start3A_982 : memref<1x64xf32, #tpu.memory_space<vmem>> -> memref<64xf32, #tpu.memory_space<vmem>>
      %dma_start3A_984 = arith.constant 0 : i32
      %dma_start3A_985 = tpu.memref_slice %arg4[%squeeze3A_967, %squeeze3A_971, %dma_start3A_984] : memref<125000x8x64xf32, #tpu.memory_space<hbm>> -> memref<1x1x64xf32, #tpu.memory_space<hbm>>
      %dma_start3A_986 = tpu.memref_squeeze %dma_start3A_985 : memref<1x1x64xf32, #tpu.memory_space<hbm>> -> memref<64xf32, #tpu.memory_space<hbm>>
      tpu.enqueue_dma source(%dma_start3A_986 : memref<64xf32, #tpu.memory_space<hbm>>) target(%dma_start3A_983 : memref<64xf32, #tpu.memory_space<vmem>>) target_semaphore(%arg13 : memref<!tpu.dma_semaphore, #tpu.memory_space<semaphore_mem>>)
      %dma_start3A_987 = arith.constant 27 : i32
      %dma_start3A_988 = arith.constant 0 : i32
      %dma_start3A_989 = tpu.memref_slice %arg10[%dma_start3A_987, %dma_start3A_988] : memref<32x64xf32, #tpu.memory_space<vmem>> -> memref<1x64xf32, #tpu.memory_space<vmem>>
      %dma_start3A_990 = tpu.memref_squeeze %dma_start3A_989 : memref<1x64xf32, #tpu.memory_space<vmem>> -> memref<64xf32, #tpu.memory_space<vmem>>
      %dma_start3A_991 = arith.constant 0 : i32
      %dma_start3A_992 = tpu.memref_slice %arg5[%squeeze3A_969, %squeeze3A_973, %dma_start3A_991] : memref<125000x8x64xf32, #tpu.memory_space<hbm>> -> memref<1x1x64xf32, #tpu.memory_space<hbm>>
      %dma_start3A_993 = tpu.memref_squeeze %dma_start3A_992 : memref<1x1x64xf32, #tpu.memory_space<hbm>> -> memref<64xf32, #tpu.memory_space<hbm>>
      %dma_start3A_994 = arith.constant 0 : i32
      %dma_start3A_995 = tpu.memref_slice %arg10[%dma_start3A_987, %dma_start3A_994] : memref<32x64xf32, #tpu.memory_space<vmem>> -> memref<1x64xf32, #tpu.memory_space<vmem>>
      %dma_start3A_996 = tpu.memref_squeeze %dma_start3A_995 : memref<1x64xf32, #tpu.memory_space<vmem>> -> memref<64xf32, #tpu.memory_space<vmem>>
      %dma_start3A_997 = arith.constant 0 : i32
      %dma_start3A_998 = tpu.memref_slice %arg5[%squeeze3A_969, %squeeze3A_973, %dma_start3A_997] : memref<125000x8x64xf32, #tpu.memory_space<hbm>> -> memref<1x1x64xf32, #tpu.memory_space<hbm>>
      %dma_start3A_999 = tpu.memref_squeeze %dma_start3A_998 : memref<1x1x64xf32, #tpu.memory_space<hbm>> -> memref<64xf32, #tpu.memory_space<hbm>>
      tpu.enqueue_dma source(%dma_start3A_999 : memref<64xf32, #tpu.memory_space<hbm>>) target(%dma_start3A_996 : memref<64xf32, #tpu.memory_space<vmem>>) target_semaphore(%arg14 : memref<!tpu.dma_semaphore, #tpu.memory_space<semaphore_mem>>)
      %slice3A_1000 = vector.extract_strided_slice %shift_right_arithmetic3A_582 {offsets = [12], sizes = [1], strides = [1]} : vector<16xi32> to vector<1xi32>
      %squeeze3A_1001 = vector.extract %slice3A_1000[0] : i32 from vector<1xi32>
      %slice3A_1002 = vector.extract_strided_slice %shift_right_arithmetic3A_585 {offsets = [12], sizes = [1], strides = [1]} : vector<16xi32> to vector<1xi32>
      %squeeze3A_1003 = vector.extract %slice3A_1002[0] : i32 from vector<1xi32>
      %slice3A_1004 = vector.extract_strided_slice %and3A_588 {offsets = [12], sizes = [1], strides = [1]} : vector<16xi32> to vector<1xi32>
      %squeeze3A_1005 = vector.extract %slice3A_1004[0] : i32 from vector<1xi32>
      %slice3A_1006 = vector.extract_strided_slice %and3A_591 {offsets = [12], sizes = [1], strides = [1]} : vector<16xi32> to vector<1xi32>
      %squeeze3A_1007 = vector.extract %slice3A_1006[0] : i32 from vector<1xi32>
      %dma_start3A_1008 = arith.constant 28 : i32
      %dma_start3A_1009 = arith.constant 0 : i32
      %dma_start3A_1010 = tpu.memref_slice %arg9[%dma_start3A_1008, %dma_start3A_1009] : memref<32x64xf32, #tpu.memory_space<vmem>> -> memref<1x64xf32, #tpu.memory_space<vmem>>
      %dma_start3A_1011 = tpu.memref_squeeze %dma_start3A_1010 : memref<1x64xf32, #tpu.memory_space<vmem>> -> memref<64xf32, #tpu.memory_space<vmem>>
      %dma_start3A_1012 = arith.constant 0 : i32
      %dma_start3A_1013 = tpu.memref_slice %arg4[%squeeze3A_1001, %squeeze3A_1005, %dma_start3A_1012] : memref<125000x8x64xf32, #tpu.memory_space<hbm>> -> memref<1x1x64xf32, #tpu.memory_space<hbm>>
      %dma_start3A_1014 = tpu.memref_squeeze %dma_start3A_1013 : memref<1x1x64xf32, #tpu.memory_space<hbm>> -> memref<64xf32, #tpu.memory_space<hbm>>
      %dma_start3A_1015 = arith.constant 0 : i32
      %dma_start3A_1016 = tpu.memref_slice %arg9[%dma_start3A_1008, %dma_start3A_1015] : memref<32x64xf32, #tpu.memory_space<vmem>> -> memref<1x64xf32, #tpu.memory_space<vmem>>
      %dma_start3A_1017 = tpu.memref_squeeze %dma_start3A_1016 : memref<1x64xf32, #tpu.memory_space<vmem>> -> memref<64xf32, #tpu.memory_space<vmem>>
      %dma_start3A_1018 = arith.constant 0 : i32
      %dma_start3A_1019 = tpu.memref_slice %arg4[%squeeze3A_1001, %squeeze3A_1005, %dma_start3A_1018] : memref<125000x8x64xf32, #tpu.memory_space<hbm>> -> memref<1x1x64xf32, #tpu.memory_space<hbm>>
      %dma_start3A_1020 = tpu.memref_squeeze %dma_start3A_1019 : memref<1x1x64xf32, #tpu.memory_space<hbm>> -> memref<64xf32, #tpu.memory_space<hbm>>
      tpu.enqueue_dma source(%dma_start3A_1020 : memref<64xf32, #tpu.memory_space<hbm>>) target(%dma_start3A_1017 : memref<64xf32, #tpu.memory_space<vmem>>) target_semaphore(%arg13 : memref<!tpu.dma_semaphore, #tpu.memory_space<semaphore_mem>>)
      %dma_start3A_1021 = arith.constant 28 : i32
      %dma_start3A_1022 = arith.constant 0 : i32
      %dma_start3A_1023 = tpu.memref_slice %arg10[%dma_start3A_1021, %dma_start3A_1022] : memref<32x64xf32, #tpu.memory_space<vmem>> -> memref<1x64xf32, #tpu.memory_space<vmem>>
      %dma_start3A_1024 = tpu.memref_squeeze %dma_start3A_1023 : memref<1x64xf32, #tpu.memory_space<vmem>> -> memref<64xf32, #tpu.memory_space<vmem>>
      %dma_start3A_1025 = arith.constant 0 : i32
      %dma_start3A_1026 = tpu.memref_slice %arg5[%squeeze3A_1003, %squeeze3A_1007, %dma_start3A_1025] : memref<125000x8x64xf32, #tpu.memory_space<hbm>> -> memref<1x1x64xf32, #tpu.memory_space<hbm>>
      %dma_start3A_1027 = tpu.memref_squeeze %dma_start3A_1026 : memref<1x1x64xf32, #tpu.memory_space<hbm>> -> memref<64xf32, #tpu.memory_space<hbm>>
      %dma_start3A_1028 = arith.constant 0 : i32
      %dma_start3A_1029 = tpu.memref_slice %arg10[%dma_start3A_1021, %dma_start3A_1028] : memref<32x64xf32, #tpu.memory_space<vmem>> -> memref<1x64xf32, #tpu.memory_space<vmem>>
      %dma_start3A_1030 = tpu.memref_squeeze %dma_start3A_1029 : memref<1x64xf32, #tpu.memory_space<vmem>> -> memref<64xf32, #tpu.memory_space<vmem>>
      %dma_start3A_1031 = arith.constant 0 : i32
      %dma_start3A_1032 = tpu.memref_slice %arg5[%squeeze3A_1003, %squeeze3A_1007, %dma_start3A_1031] : memref<125000x8x64xf32, #tpu.memory_space<hbm>> -> memref<1x1x64xf32, #tpu.memory_space<hbm>>
      %dma_start3A_1033 = tpu.memref_squeeze %dma_start3A_1032 : memref<1x1x64xf32, #tpu.memory_space<hbm>> -> memref<64xf32, #tpu.memory_space<hbm>>
      tpu.enqueue_dma source(%dma_start3A_1033 : memref<64xf32, #tpu.memory_space<hbm>>) target(%dma_start3A_1030 : memref<64xf32, #tpu.memory_space<vmem>>) target_semaphore(%arg14 : memref<!tpu.dma_semaphore, #tpu.memory_space<semaphore_mem>>)
      %slice3A_1034 = vector.extract_strided_slice %shift_right_arithmetic3A_582 {offsets = [13], sizes = [1], strides = [1]} : vector<16xi32> to vector<1xi32>
      %squeeze3A_1035 = vector.extract %slice3A_1034[0] : i32 from vector<1xi32>
      %slice3A_1036 = vector.extract_strided_slice %shift_right_arithmetic3A_585 {offsets = [13], sizes = [1], strides = [1]} : vector<16xi32> to vector<1xi32>
      %squeeze3A_1037 = vector.extract %slice3A_1036[0] : i32 from vector<1xi32>
      %slice3A_1038 = vector.extract_strided_slice %and3A_588 {offsets = [13], sizes = [1], strides = [1]} : vector<16xi32> to vector<1xi32>
      %squeeze3A_1039 = vector.extract %slice3A_1038[0] : i32 from vector<1xi32>
      %slice3A_1040 = vector.extract_strided_slice %and3A_591 {offsets = [13], sizes = [1], strides = [1]} : vector<16xi32> to vector<1xi32>
      %squeeze3A_1041 = vector.extract %slice3A_1040[0] : i32 from vector<1xi32>
      %dma_start3A_1042 = arith.constant 29 : i32
      %dma_start3A_1043 = arith.constant 0 : i32
      %dma_start3A_1044 = tpu.memref_slice %arg9[%dma_start3A_1042, %dma_start3A_1043] : memref<32x64xf32, #tpu.memory_space<vmem>> -> memref<1x64xf32, #tpu.memory_space<vmem>>
      %dma_start3A_1045 = tpu.memref_squeeze %dma_start3A_1044 : memref<1x64xf32, #tpu.memory_space<vmem>> -> memref<64xf32, #tpu.memory_space<vmem>>
      %dma_start3A_1046 = arith.constant 0 : i32
      %dma_start3A_1047 = tpu.memref_slice %arg4[%squeeze3A_1035, %squeeze3A_1039, %dma_start3A_1046] : memref<125000x8x64xf32, #tpu.memory_space<hbm>> -> memref<1x1x64xf32, #tpu.memory_space<hbm>>
      %dma_start3A_1048 = tpu.memref_squeeze %dma_start3A_1047 : memref<1x1x64xf32, #tpu.memory_space<hbm>> -> memref<64xf32, #tpu.memory_space<hbm>>
      %dma_start3A_1049 = arith.constant 0 : i32
      %dma_start3A_1050 = tpu.memref_slice %arg9[%dma_start3A_1042, %dma_start3A_1049] : memref<32x64xf32, #tpu.memory_space<vmem>> -> memref<1x64xf32, #tpu.memory_space<vmem>>
      %dma_start3A_1051 = tpu.memref_squeeze %dma_start3A_1050 : memref<1x64xf32, #tpu.memory_space<vmem>> -> memref<64xf32, #tpu.memory_space<vmem>>
      %dma_start3A_1052 = arith.constant 0 : i32
      %dma_start3A_1053 = tpu.memref_slice %arg4[%squeeze3A_1035, %squeeze3A_1039, %dma_start3A_1052] : memref<125000x8x64xf32, #tpu.memory_space<hbm>> -> memref<1x1x64xf32, #tpu.memory_space<hbm>>
      %dma_start3A_1054 = tpu.memref_squeeze %dma_start3A_1053 : memref<1x1x64xf32, #tpu.memory_space<hbm>> -> memref<64xf32, #tpu.memory_space<hbm>>
      tpu.enqueue_dma source(%dma_start3A_1054 : memref<64xf32, #tpu.memory_space<hbm>>) target(%dma_start3A_1051 : memref<64xf32, #tpu.memory_space<vmem>>) target_semaphore(%arg13 : memref<!tpu.dma_semaphore, #tpu.memory_space<semaphore_mem>>)
      %dma_start3A_1055 = arith.constant 29 : i32
      %dma_start3A_1056 = arith.constant 0 : i32
      %dma_start3A_1057 = tpu.memref_slice %arg10[%dma_start3A_1055, %dma_start3A_1056] : memref<32x64xf32, #tpu.memory_space<vmem>> -> memref<1x64xf32, #tpu.memory_space<vmem>>
      %dma_start3A_1058 = tpu.memref_squeeze %dma_start3A_1057 : memref<1x64xf32, #tpu.memory_space<vmem>> -> memref<64xf32, #tpu.memory_space<vmem>>
      %dma_start3A_1059 = arith.constant 0 : i32
      %dma_start3A_1060 = tpu.memref_slice %arg5[%squeeze3A_1037, %squeeze3A_1041, %dma_start3A_1059] : memref<125000x8x64xf32, #tpu.memory_space<hbm>> -> memref<1x1x64xf32, #tpu.memory_space<hbm>>
      %dma_start3A_1061 = tpu.memref_squeeze %dma_start3A_1060 : memref<1x1x64xf32, #tpu.memory_space<hbm>> -> memref<64xf32, #tpu.memory_space<hbm>>
      %dma_start3A_1062 = arith.constant 0 : i32
      %dma_start3A_1063 = tpu.memref_slice %arg10[%dma_start3A_1055, %dma_start3A_1062] : memref<32x64xf32, #tpu.memory_space<vmem>> -> memref<1x64xf32, #tpu.memory_space<vmem>>
      %dma_start3A_1064 = tpu.memref_squeeze %dma_start3A_1063 : memref<1x64xf32, #tpu.memory_space<vmem>> -> memref<64xf32, #tpu.memory_space<vmem>>
      %dma_start3A_1065 = arith.constant 0 : i32
      %dma_start3A_1066 = tpu.memref_slice %arg5[%squeeze3A_1037, %squeeze3A_1041, %dma_start3A_1065] : memref<125000x8x64xf32, #tpu.memory_space<hbm>> -> memref<1x1x64xf32, #tpu.memory_space<hbm>>
      %dma_start3A_1067 = tpu.memref_squeeze %dma_start3A_1066 : memref<1x1x64xf32, #tpu.memory_space<hbm>> -> memref<64xf32, #tpu.memory_space<hbm>>
      tpu.enqueue_dma source(%dma_start3A_1067 : memref<64xf32, #tpu.memory_space<hbm>>) target(%dma_start3A_1064 : memref<64xf32, #tpu.memory_space<vmem>>) target_semaphore(%arg14 : memref<!tpu.dma_semaphore, #tpu.memory_space<semaphore_mem>>)
      %slice3A_1068 = vector.extract_strided_slice %shift_right_arithmetic3A_582 {offsets = [14], sizes = [1], strides = [1]} : vector<16xi32> to vector<1xi32>
      %squeeze3A_1069 = vector.extract %slice3A_1068[0] : i32 from vector<1xi32>
      %slice3A_1070 = vector.extract_strided_slice %shift_right_arithmetic3A_585 {offsets = [14], sizes = [1], strides = [1]} : vector<16xi32> to vector<1xi32>
      %squeeze3A_1071 = vector.extract %slice3A_1070[0] : i32 from vector<1xi32>
      %slice3A_1072 = vector.extract_strided_slice %and3A_588 {offsets = [14], sizes = [1], strides = [1]} : vector<16xi32> to vector<1xi32>
      %squeeze3A_1073 = vector.extract %slice3A_1072[0] : i32 from vector<1xi32>
      %slice3A_1074 = vector.extract_strided_slice %and3A_591 {offsets = [14], sizes = [1], strides = [1]} : vector<16xi32> to vector<1xi32>
      %squeeze3A_1075 = vector.extract %slice3A_1074[0] : i32 from vector<1xi32>
      %dma_start3A_1076 = arith.constant 30 : i32
      %dma_start3A_1077 = arith.constant 0 : i32
      %dma_start3A_1078 = tpu.memref_slice %arg9[%dma_start3A_1076, %dma_start3A_1077] : memref<32x64xf32, #tpu.memory_space<vmem>> -> memref<1x64xf32, #tpu.memory_space<vmem>>
      %dma_start3A_1079 = tpu.memref_squeeze %dma_start3A_1078 : memref<1x64xf32, #tpu.memory_space<vmem>> -> memref<64xf32, #tpu.memory_space<vmem>>
      %dma_start3A_1080 = arith.constant 0 : i32
      %dma_start3A_1081 = tpu.memref_slice %arg4[%squeeze3A_1069, %squeeze3A_1073, %dma_start3A_1080] : memref<125000x8x64xf32, #tpu.memory_space<hbm>> -> memref<1x1x64xf32, #tpu.memory_space<hbm>>
      %dma_start3A_1082 = tpu.memref_squeeze %dma_start3A_1081 : memref<1x1x64xf32, #tpu.memory_space<hbm>> -> memref<64xf32, #tpu.memory_space<hbm>>
      %dma_start3A_1083 = arith.constant 0 : i32
      %dma_start3A_1084 = tpu.memref_slice %arg9[%dma_start3A_1076, %dma_start3A_1083] : memref<32x64xf32, #tpu.memory_space<vmem>> -> memref<1x64xf32, #tpu.memory_space<vmem>>
      %dma_start3A_1085 = tpu.memref_squeeze %dma_start3A_1084 : memref<1x64xf32, #tpu.memory_space<vmem>> -> memref<64xf32, #tpu.memory_space<vmem>>
      %dma_start3A_1086 = arith.constant 0 : i32
      %dma_start3A_1087 = tpu.memref_slice %arg4[%squeeze3A_1069, %squeeze3A_1073, %dma_start3A_1086] : memref<125000x8x64xf32, #tpu.memory_space<hbm>> -> memref<1x1x64xf32, #tpu.memory_space<hbm>>
      %dma_start3A_1088 = tpu.memref_squeeze %dma_start3A_1087 : memref<1x1x64xf32, #tpu.memory_space<hbm>> -> memref<64xf32, #tpu.memory_space<hbm>>
      tpu.enqueue_dma source(%dma_start3A_1088 : memref<64xf32, #tpu.memory_space<hbm>>) target(%dma_start3A_1085 : memref<64xf32, #tpu.memory_space<vmem>>) target_semaphore(%arg13 : memref<!tpu.dma_semaphore, #tpu.memory_space<semaphore_mem>>)
      %dma_start3A_1089 = arith.constant 30 : i32
      %dma_start3A_1090 = arith.constant 0 : i32
      %dma_start3A_1091 = tpu.memref_slice %arg10[%dma_start3A_1089, %dma_start3A_1090] : memref<32x64xf32, #tpu.memory_space<vmem>> -> memref<1x64xf32, #tpu.memory_space<vmem>>
      %dma_start3A_1092 = tpu.memref_squeeze %dma_start3A_1091 : memref<1x64xf32, #tpu.memory_space<vmem>> -> memref<64xf32, #tpu.memory_space<vmem>>
      %dma_start3A_1093 = arith.constant 0 : i32
      %dma_start3A_1094 = tpu.memref_slice %arg5[%squeeze3A_1071, %squeeze3A_1075, %dma_start3A_1093] : memref<125000x8x64xf32, #tpu.memory_space<hbm>> -> memref<1x1x64xf32, #tpu.memory_space<hbm>>
      %dma_start3A_1095 = tpu.memref_squeeze %dma_start3A_1094 : memref<1x1x64xf32, #tpu.memory_space<hbm>> -> memref<64xf32, #tpu.memory_space<hbm>>
      %dma_start3A_1096 = arith.constant 0 : i32
      %dma_start3A_1097 = tpu.memref_slice %arg10[%dma_start3A_1089, %dma_start3A_1096] : memref<32x64xf32, #tpu.memory_space<vmem>> -> memref<1x64xf32, #tpu.memory_space<vmem>>
      %dma_start3A_1098 = tpu.memref_squeeze %dma_start3A_1097 : memref<1x64xf32, #tpu.memory_space<vmem>> -> memref<64xf32, #tpu.memory_space<vmem>>
      %dma_start3A_1099 = arith.constant 0 : i32
      %dma_start3A_1100 = tpu.memref_slice %arg5[%squeeze3A_1071, %squeeze3A_1075, %dma_start3A_1099] : memref<125000x8x64xf32, #tpu.memory_space<hbm>> -> memref<1x1x64xf32, #tpu.memory_space<hbm>>
      %dma_start3A_1101 = tpu.memref_squeeze %dma_start3A_1100 : memref<1x1x64xf32, #tpu.memory_space<hbm>> -> memref<64xf32, #tpu.memory_space<hbm>>
      tpu.enqueue_dma source(%dma_start3A_1101 : memref<64xf32, #tpu.memory_space<hbm>>) target(%dma_start3A_1098 : memref<64xf32, #tpu.memory_space<vmem>>) target_semaphore(%arg14 : memref<!tpu.dma_semaphore, #tpu.memory_space<semaphore_mem>>)
      %slice3A_1102 = vector.extract_strided_slice %shift_right_arithmetic3A_582 {offsets = [15], sizes = [1], strides = [1]} : vector<16xi32> to vector<1xi32>
      %squeeze3A_1103 = vector.extract %slice3A_1102[0] : i32 from vector<1xi32>
      %slice3A_1104 = vector.extract_strided_slice %shift_right_arithmetic3A_585 {offsets = [15], sizes = [1], strides = [1]} : vector<16xi32> to vector<1xi32>
      %squeeze3A_1105 = vector.extract %slice3A_1104[0] : i32 from vector<1xi32>
      %slice3A_1106 = vector.extract_strided_slice %and3A_588 {offsets = [15], sizes = [1], strides = [1]} : vector<16xi32> to vector<1xi32>
      %squeeze3A_1107 = vector.extract %slice3A_1106[0] : i32 from vector<1xi32>
      %slice3A_1108 = vector.extract_strided_slice %and3A_591 {offsets = [15], sizes = [1], strides = [1]} : vector<16xi32> to vector<1xi32>
      %squeeze3A_1109 = vector.extract %slice3A_1108[0] : i32 from vector<1xi32>
      %dma_start3A_1110 = arith.constant 31 : i32
      %dma_start3A_1111 = arith.constant 0 : i32
      %dma_start3A_1112 = tpu.memref_slice %arg9[%dma_start3A_1110, %dma_start3A_1111] : memref<32x64xf32, #tpu.memory_space<vmem>> -> memref<1x64xf32, #tpu.memory_space<vmem>>
      %dma_start3A_1113 = tpu.memref_squeeze %dma_start3A_1112 : memref<1x64xf32, #tpu.memory_space<vmem>> -> memref<64xf32, #tpu.memory_space<vmem>>
      %dma_start3A_1114 = arith.constant 0 : i32
      %dma_start3A_1115 = tpu.memref_slice %arg4[%squeeze3A_1103, %squeeze3A_1107, %dma_start3A_1114] : memref<125000x8x64xf32, #tpu.memory_space<hbm>> -> memref<1x1x64xf32, #tpu.memory_space<hbm>>
      %dma_start3A_1116 = tpu.memref_squeeze %dma_start3A_1115 : memref<1x1x64xf32, #tpu.memory_space<hbm>> -> memref<64xf32, #tpu.memory_space<hbm>>
      %dma_start3A_1117 = arith.constant 0 : i32
      %dma_start3A_1118 = tpu.memref_slice %arg9[%dma_start3A_1110, %dma_start3A_1117] : memref<32x64xf32, #tpu.memory_space<vmem>> -> memref<1x64xf32, #tpu.memory_space<vmem>>
      %dma_start3A_1119 = tpu.memref_squeeze %dma_start3A_1118 : memref<1x64xf32, #tpu.memory_space<vmem>> -> memref<64xf32, #tpu.memory_space<vmem>>
      %dma_start3A_1120 = arith.constant 0 : i32
      %dma_start3A_1121 = tpu.memref_slice %arg4[%squeeze3A_1103, %squeeze3A_1107, %dma_start3A_1120] : memref<125000x8x64xf32, #tpu.memory_space<hbm>> -> memref<1x1x64xf32, #tpu.memory_space<hbm>>
      %dma_start3A_1122 = tpu.memref_squeeze %dma_start3A_1121 : memref<1x1x64xf32, #tpu.memory_space<hbm>> -> memref<64xf32, #tpu.memory_space<hbm>>
      tpu.enqueue_dma source(%dma_start3A_1122 : memref<64xf32, #tpu.memory_space<hbm>>) target(%dma_start3A_1119 : memref<64xf32, #tpu.memory_space<vmem>>) target_semaphore(%arg13 : memref<!tpu.dma_semaphore, #tpu.memory_space<semaphore_mem>>)
      %dma_start3A_1123 = arith.constant 31 : i32
      %dma_start3A_1124 = arith.constant 0 : i32
      %dma_start3A_1125 = tpu.memref_slice %arg10[%dma_start3A_1123, %dma_start3A_1124] : memref<32x64xf32, #tpu.memory_space<vmem>> -> memref<1x64xf32, #tpu.memory_space<vmem>>
      %dma_start3A_1126 = tpu.memref_squeeze %dma_start3A_1125 : memref<1x64xf32, #tpu.memory_space<vmem>> -> memref<64xf32, #tpu.memory_space<vmem>>
      %dma_start3A_1127 = arith.constant 0 : i32
      %dma_start3A_1128 = tpu.memref_slice %arg5[%squeeze3A_1105, %squeeze3A_1109, %dma_start3A_1127] : memref<125000x8x64xf32, #tpu.memory_space<hbm>> -> memref<1x1x64xf32, #tpu.memory_space<hbm>>
      %dma_start3A_1129 = tpu.memref_squeeze %dma_start3A_1128 : memref<1x1x64xf32, #tpu.memory_space<hbm>> -> memref<64xf32, #tpu.memory_space<hbm>>
      %dma_start3A_1130 = arith.constant 0 : i32
      %dma_start3A_1131 = tpu.memref_slice %arg10[%dma_start3A_1123, %dma_start3A_1130] : memref<32x64xf32, #tpu.memory_space<vmem>> -> memref<1x64xf32, #tpu.memory_space<vmem>>
      %dma_start3A_1132 = tpu.memref_squeeze %dma_start3A_1131 : memref<1x64xf32, #tpu.memory_space<vmem>> -> memref<64xf32, #tpu.memory_space<vmem>>
      %dma_start3A_1133 = arith.constant 0 : i32
      %dma_start3A_1134 = tpu.memref_slice %arg5[%squeeze3A_1105, %squeeze3A_1109, %dma_start3A_1133] : memref<125000x8x64xf32, #tpu.memory_space<hbm>> -> memref<1x1x64xf32, #tpu.memory_space<hbm>>
      %dma_start3A_1135 = tpu.memref_squeeze %dma_start3A_1134 : memref<1x1x64xf32, #tpu.memory_space<hbm>> -> memref<64xf32, #tpu.memory_space<hbm>>
      tpu.enqueue_dma source(%dma_start3A_1135 : memref<64xf32, #tpu.memory_space<hbm>>) target(%dma_start3A_1132 : memref<64xf32, #tpu.memory_space<vmem>>) target_semaphore(%arg14 : memref<!tpu.dma_semaphore, #tpu.memory_space<semaphore_mem>>)
      %dma_wait3A = arith.constant 0 : i32
      %dma_wait3A_1136 = arith.constant 0 : i32
      %dma_wait3A_1137 = tpu.memref_slice %arg9[%dma_wait3A, %dma_wait3A_1136] : memref<32x64xf32, #tpu.memory_space<vmem>> -> memref<1x64xf32, #tpu.memory_space<vmem>>
      %dma_wait3A_1138 = tpu.memref_squeeze %dma_wait3A_1137 : memref<1x64xf32, #tpu.memory_space<vmem>> -> memref<64xf32, #tpu.memory_space<vmem>>
      %dma_wait3A_1139 = arith.constant 0 : i32
      %dma_wait3A_1140 = tpu.memref_slice %arg4[%squeeze3A, %squeeze3A_34, %dma_wait3A_1139] : memref<125000x8x64xf32, #tpu.memory_space<hbm>> -> memref<1x1x64xf32, #tpu.memory_space<hbm>>
      %dma_wait3A_1141 = tpu.memref_squeeze %dma_wait3A_1140 : memref<1x1x64xf32, #tpu.memory_space<hbm>> -> memref<64xf32, #tpu.memory_space<hbm>>
      %dma_wait3A_1142 = arith.constant 0 : i32
      %dma_wait3A_1143 = tpu.memref_slice %arg9[%dma_wait3A, %dma_wait3A_1142] : memref<32x64xf32, #tpu.memory_space<vmem>> -> memref<1x64xf32, #tpu.memory_space<vmem>>
      %dma_wait3A_1144 = tpu.memref_squeeze %dma_wait3A_1143 : memref<1x64xf32, #tpu.memory_space<vmem>> -> memref<64xf32, #tpu.memory_space<vmem>>
      %dma_wait3A_1145 = arith.constant 0 : i32
      %dma_wait3A_1146 = tpu.memref_slice %arg4[%squeeze3A, %squeeze3A_34, %dma_wait3A_1145] : memref<125000x8x64xf32, #tpu.memory_space<hbm>> -> memref<1x1x64xf32, #tpu.memory_space<hbm>>
      %dma_wait3A_1147 = tpu.memref_squeeze %dma_wait3A_1146 : memref<1x1x64xf32, #tpu.memory_space<hbm>> -> memref<64xf32, #tpu.memory_space<hbm>>
      tpu.wait_dma2 semaphore(%arg13 : memref<!tpu.dma_semaphore, #tpu.memory_space<semaphore_mem>>) src(%dma_wait3A_1147 : memref<64xf32, #tpu.memory_space<hbm>>) dst(%dma_wait3A_1144 : memref<64xf32, #tpu.memory_space<vmem>>)
      %dma_wait3A_1148 = arith.constant 0 : i32
      %dma_wait3A_1149 = arith.constant 0 : i32
      %dma_wait3A_1150 = tpu.memref_slice %arg10[%dma_wait3A_1148, %dma_wait3A_1149] : memref<32x64xf32, #tpu.memory_space<vmem>> -> memref<1x64xf32, #tpu.memory_space<vmem>>
      %dma_wait3A_1151 = tpu.memref_squeeze %dma_wait3A_1150 : memref<1x64xf32, #tpu.memory_space<vmem>> -> memref<64xf32, #tpu.memory_space<vmem>>
      %dma_wait3A_1152 = arith.constant 0 : i32
      %dma_wait3A_1153 = tpu.memref_slice %arg5[%squeeze3A_32, %squeeze3A_36, %dma_wait3A_1152] : memref<125000x8x64xf32, #tpu.memory_space<hbm>> -> memref<1x1x64xf32, #tpu.memory_space<hbm>>
      %dma_wait3A_1154 = tpu.memref_squeeze %dma_wait3A_1153 : memref<1x1x64xf32, #tpu.memory_space<hbm>> -> memref<64xf32, #tpu.memory_space<hbm>>
      %dma_wait3A_1155 = arith.constant 0 : i32
      %dma_wait3A_1156 = tpu.memref_slice %arg10[%dma_wait3A_1148, %dma_wait3A_1155] : memref<32x64xf32, #tpu.memory_space<vmem>> -> memref<1x64xf32, #tpu.memory_space<vmem>>
      %dma_wait3A_1157 = tpu.memref_squeeze %dma_wait3A_1156 : memref<1x64xf32, #tpu.memory_space<vmem>> -> memref<64xf32, #tpu.memory_space<vmem>>
      %dma_wait3A_1158 = arith.constant 0 : i32
      %dma_wait3A_1159 = tpu.memref_slice %arg5[%squeeze3A_32, %squeeze3A_36, %dma_wait3A_1158] : memref<125000x8x64xf32, #tpu.memory_space<hbm>> -> memref<1x1x64xf32, #tpu.memory_space<hbm>>
      %dma_wait3A_1160 = tpu.memref_squeeze %dma_wait3A_1159 : memref<1x1x64xf32, #tpu.memory_space<hbm>> -> memref<64xf32, #tpu.memory_space<hbm>>
      tpu.wait_dma2 semaphore(%arg14 : memref<!tpu.dma_semaphore, #tpu.memory_space<semaphore_mem>>) src(%dma_wait3A_1160 : memref<64xf32, #tpu.memory_space<hbm>>) dst(%dma_wait3A_1157 : memref<64xf32, #tpu.memory_space<vmem>>)
      %dma_wait3A_1161 = arith.constant 1 : i32
      %dma_wait3A_1162 = arith.constant 0 : i32
      %dma_wait3A_1163 = tpu.memref_slice %arg9[%dma_wait3A_1161, %dma_wait3A_1162] : memref<32x64xf32, #tpu.memory_space<vmem>> -> memref<1x64xf32, #tpu.memory_space<vmem>>
      %dma_wait3A_1164 = tpu.memref_squeeze %dma_wait3A_1163 : memref<1x64xf32, #tpu.memory_space<vmem>> -> memref<64xf32, #tpu.memory_space<vmem>>
      %dma_wait3A_1165 = arith.constant 0 : i32
      %dma_wait3A_1166 = tpu.memref_slice %arg4[%squeeze3A_63, %squeeze3A_67, %dma_wait3A_1165] : memref<125000x8x64xf32, #tpu.memory_space<hbm>> -> memref<1x1x64xf32, #tpu.memory_space<hbm>>
      %dma_wait3A_1167 = tpu.memref_squeeze %dma_wait3A_1166 : memref<1x1x64xf32, #tpu.memory_space<hbm>> -> memref<64xf32, #tpu.memory_space<hbm>>
      %dma_wait3A_1168 = arith.constant 0 : i32
      %dma_wait3A_1169 = tpu.memref_slice %arg9[%dma_wait3A_1161, %dma_wait3A_1168] : memref<32x64xf32, #tpu.memory_space<vmem>> -> memref<1x64xf32, #tpu.memory_space<vmem>>
      %dma_wait3A_1170 = tpu.memref_squeeze %dma_wait3A_1169 : memref<1x64xf32, #tpu.memory_space<vmem>> -> memref<64xf32, #tpu.memory_space<vmem>>
      %dma_wait3A_1171 = arith.constant 0 : i32
      %dma_wait3A_1172 = tpu.memref_slice %arg4[%squeeze3A_63, %squeeze3A_67, %dma_wait3A_1171] : memref<125000x8x64xf32, #tpu.memory_space<hbm>> -> memref<1x1x64xf32, #tpu.memory_space<hbm>>
      %dma_wait3A_1173 = tpu.memref_squeeze %dma_wait3A_1172 : memref<1x1x64xf32, #tpu.memory_space<hbm>> -> memref<64xf32, #tpu.memory_space<hbm>>
      tpu.wait_dma2 semaphore(%arg13 : memref<!tpu.dma_semaphore, #tpu.memory_space<semaphore_mem>>) src(%dma_wait3A_1173 : memref<64xf32, #tpu.memory_space<hbm>>) dst(%dma_wait3A_1170 : memref<64xf32, #tpu.memory_space<vmem>>)
      %dma_wait3A_1174 = arith.constant 1 : i32
      %dma_wait3A_1175 = arith.constant 0 : i32
      %dma_wait3A_1176 = tpu.memref_slice %arg10[%dma_wait3A_1174, %dma_wait3A_1175] : memref<32x64xf32, #tpu.memory_space<vmem>> -> memref<1x64xf32, #tpu.memory_space<vmem>>
      %dma_wait3A_1177 = tpu.memref_squeeze %dma_wait3A_1176 : memref<1x64xf32, #tpu.memory_space<vmem>> -> memref<64xf32, #tpu.memory_space<vmem>>
      %dma_wait3A_1178 = arith.constant 0 : i32
      %dma_wait3A_1179 = tpu.memref_slice %arg5[%squeeze3A_65, %squeeze3A_69, %dma_wait3A_1178] : memref<125000x8x64xf32, #tpu.memory_space<hbm>> -> memref<1x1x64xf32, #tpu.memory_space<hbm>>
      %dma_wait3A_1180 = tpu.memref_squeeze %dma_wait3A_1179 : memref<1x1x64xf32, #tpu.memory_space<hbm>> -> memref<64xf32, #tpu.memory_space<hbm>>
      %dma_wait3A_1181 = arith.constant 0 : i32
      %dma_wait3A_1182 = tpu.memref_slice %arg10[%dma_wait3A_1174, %dma_wait3A_1181] : memref<32x64xf32, #tpu.memory_space<vmem>> -> memref<1x64xf32, #tpu.memory_space<vmem>>
      %dma_wait3A_1183 = tpu.memref_squeeze %dma_wait3A_1182 : memref<1x64xf32, #tpu.memory_space<vmem>> -> memref<64xf32, #tpu.memory_space<vmem>>
      %dma_wait3A_1184 = arith.constant 0 : i32
      %dma_wait3A_1185 = tpu.memref_slice %arg5[%squeeze3A_65, %squeeze3A_69, %dma_wait3A_1184] : memref<125000x8x64xf32, #tpu.memory_space<hbm>> -> memref<1x1x64xf32, #tpu.memory_space<hbm>>
      %dma_wait3A_1186 = tpu.memref_squeeze %dma_wait3A_1185 : memref<1x1x64xf32, #tpu.memory_space<hbm>> -> memref<64xf32, #tpu.memory_space<hbm>>
      tpu.wait_dma2 semaphore(%arg14 : memref<!tpu.dma_semaphore, #tpu.memory_space<semaphore_mem>>) src(%dma_wait3A_1186 : memref<64xf32, #tpu.memory_space<hbm>>) dst(%dma_wait3A_1183 : memref<64xf32, #tpu.memory_space<vmem>>)
      %dma_wait3A_1187 = arith.constant 2 : i32
      %dma_wait3A_1188 = arith.constant 0 : i32
      %dma_wait3A_1189 = tpu.memref_slice %arg9[%dma_wait3A_1187, %dma_wait3A_1188] : memref<32x64xf32, #tpu.memory_space<vmem>> -> memref<1x64xf32, #tpu.memory_space<vmem>>
      %dma_wait3A_1190 = tpu.memref_squeeze %dma_wait3A_1189 : memref<1x64xf32, #tpu.memory_space<vmem>> -> memref<64xf32, #tpu.memory_space<vmem>>
      %dma_wait3A_1191 = arith.constant 0 : i32
      %dma_wait3A_1192 = tpu.memref_slice %arg4[%squeeze3A_97, %squeeze3A_101, %dma_wait3A_1191] : memref<125000x8x64xf32, #tpu.memory_space<hbm>> -> memref<1x1x64xf32, #tpu.memory_space<hbm>>
      %dma_wait3A_1193 = tpu.memref_squeeze %dma_wait3A_1192 : memref<1x1x64xf32, #tpu.memory_space<hbm>> -> memref<64xf32, #tpu.memory_space<hbm>>
      %dma_wait3A_1194 = arith.constant 0 : i32
      %dma_wait3A_1195 = tpu.memref_slice %arg9[%dma_wait3A_1187, %dma_wait3A_1194] : memref<32x64xf32, #tpu.memory_space<vmem>> -> memref<1x64xf32, #tpu.memory_space<vmem>>
      %dma_wait3A_1196 = tpu.memref_squeeze %dma_wait3A_1195 : memref<1x64xf32, #tpu.memory_space<vmem>> -> memref<64xf32, #tpu.memory_space<vmem>>
      %dma_wait3A_1197 = arith.constant 0 : i32
      %dma_wait3A_1198 = tpu.memref_slice %arg4[%squeeze3A_97, %squeeze3A_101, %dma_wait3A_1197] : memref<125000x8x64xf32, #tpu.memory_space<hbm>> -> memref<1x1x64xf32, #tpu.memory_space<hbm>>
      %dma_wait3A_1199 = tpu.memref_squeeze %dma_wait3A_1198 : memref<1x1x64xf32, #tpu.memory_space<hbm>> -> memref<64xf32, #tpu.memory_space<hbm>>
      tpu.wait_dma2 semaphore(%arg13 : memref<!tpu.dma_semaphore, #tpu.memory_space<semaphore_mem>>) src(%dma_wait3A_1199 : memref<64xf32, #tpu.memory_space<hbm>>) dst(%dma_wait3A_1196 : memref<64xf32, #tpu.memory_space<vmem>>)
      %dma_wait3A_1200 = arith.constant 2 : i32
      %dma_wait3A_1201 = arith.constant 0 : i32
      %dma_wait3A_1202 = tpu.memref_slice %arg10[%dma_wait3A_1200, %dma_wait3A_1201] : memref<32x64xf32, #tpu.memory_space<vmem>> -> memref<1x64xf32, #tpu.memory_space<vmem>>
      %dma_wait3A_1203 = tpu.memref_squeeze %dma_wait3A_1202 : memref<1x64xf32, #tpu.memory_space<vmem>> -> memref<64xf32, #tpu.memory_space<vmem>>
      %dma_wait3A_1204 = arith.constant 0 : i32
      %dma_wait3A_1205 = tpu.memref_slice %arg5[%squeeze3A_99, %squeeze3A_103, %dma_wait3A_1204] : memref<125000x8x64xf32, #tpu.memory_space<hbm>> -> memref<1x1x64xf32, #tpu.memory_space<hbm>>
      %dma_wait3A_1206 = tpu.memref_squeeze %dma_wait3A_1205 : memref<1x1x64xf32, #tpu.memory_space<hbm>> -> memref<64xf32, #tpu.memory_space<hbm>>
      %dma_wait3A_1207 = arith.constant 0 : i32
      %dma_wait3A_1208 = tpu.memref_slice %arg10[%dma_wait3A_1200, %dma_wait3A_1207] : memref<32x64xf32, #tpu.memory_space<vmem>> -> memref<1x64xf32, #tpu.memory_space<vmem>>
      %dma_wait3A_1209 = tpu.memref_squeeze %dma_wait3A_1208 : memref<1x64xf32, #tpu.memory_space<vmem>> -> memref<64xf32, #tpu.memory_space<vmem>>
      %dma_wait3A_1210 = arith.constant 0 : i32
      %dma_wait3A_1211 = tpu.memref_slice %arg5[%squeeze3A_99, %squeeze3A_103, %dma_wait3A_1210] : memref<125000x8x64xf32, #tpu.memory_space<hbm>> -> memref<1x1x64xf32, #tpu.memory_space<hbm>>
      %dma_wait3A_1212 = tpu.memref_squeeze %dma_wait3A_1211 : memref<1x1x64xf32, #tpu.memory_space<hbm>> -> memref<64xf32, #tpu.memory_space<hbm>>
      tpu.wait_dma2 semaphore(%arg14 : memref<!tpu.dma_semaphore, #tpu.memory_space<semaphore_mem>>) src(%dma_wait3A_1212 : memref<64xf32, #tpu.memory_space<hbm>>) dst(%dma_wait3A_1209 : memref<64xf32, #tpu.memory_space<vmem>>)
      %dma_wait3A_1213 = arith.constant 3 : i32
      %dma_wait3A_1214 = arith.constant 0 : i32
      %dma_wait3A_1215 = tpu.memref_slice %arg9[%dma_wait3A_1213, %dma_wait3A_1214] : memref<32x64xf32, #tpu.memory_space<vmem>> -> memref<1x64xf32, #tpu.memory_space<vmem>>
      %dma_wait3A_1216 = tpu.memref_squeeze %dma_wait3A_1215 : memref<1x64xf32, #tpu.memory_space<vmem>> -> memref<64xf32, #tpu.memory_space<vmem>>
      %dma_wait3A_1217 = arith.constant 0 : i32
      %dma_wait3A_1218 = tpu.memref_slice %arg4[%squeeze3A_131, %squeeze3A_135, %dma_wait3A_1217] : memref<125000x8x64xf32, #tpu.memory_space<hbm>> -> memref<1x1x64xf32, #tpu.memory_space<hbm>>
      %dma_wait3A_1219 = tpu.memref_squeeze %dma_wait3A_1218 : memref<1x1x64xf32, #tpu.memory_space<hbm>> -> memref<64xf32, #tpu.memory_space<hbm>>
      %dma_wait3A_1220 = arith.constant 0 : i32
      %dma_wait3A_1221 = tpu.memref_slice %arg9[%dma_wait3A_1213, %dma_wait3A_1220] : memref<32x64xf32, #tpu.memory_space<vmem>> -> memref<1x64xf32, #tpu.memory_space<vmem>>
      %dma_wait3A_1222 = tpu.memref_squeeze %dma_wait3A_1221 : memref<1x64xf32, #tpu.memory_space<vmem>> -> memref<64xf32, #tpu.memory_space<vmem>>
      %dma_wait3A_1223 = arith.constant 0 : i32
      %dma_wait3A_1224 = tpu.memref_slice %arg4[%squeeze3A_131, %squeeze3A_135, %dma_wait3A_1223] : memref<125000x8x64xf32, #tpu.memory_space<hbm>> -> memref<1x1x64xf32, #tpu.memory_space<hbm>>
      %dma_wait3A_1225 = tpu.memref_squeeze %dma_wait3A_1224 : memref<1x1x64xf32, #tpu.memory_space<hbm>> -> memref<64xf32, #tpu.memory_space<hbm>>
      tpu.wait_dma2 semaphore(%arg13 : memref<!tpu.dma_semaphore, #tpu.memory_space<semaphore_mem>>) src(%dma_wait3A_1225 : memref<64xf32, #tpu.memory_space<hbm>>) dst(%dma_wait3A_1222 : memref<64xf32, #tpu.memory_space<vmem>>)
      %dma_wait3A_1226 = arith.constant 3 : i32
      %dma_wait3A_1227 = arith.constant 0 : i32
      %dma_wait3A_1228 = tpu.memref_slice %arg10[%dma_wait3A_1226, %dma_wait3A_1227] : memref<32x64xf32, #tpu.memory_space<vmem>> -> memref<1x64xf32, #tpu.memory_space<vmem>>
      %dma_wait3A_1229 = tpu.memref_squeeze %dma_wait3A_1228 : memref<1x64xf32, #tpu.memory_space<vmem>> -> memref<64xf32, #tpu.memory_space<vmem>>
      %dma_wait3A_1230 = arith.constant 0 : i32
      %dma_wait3A_1231 = tpu.memref_slice %arg5[%squeeze3A_133, %squeeze3A_137, %dma_wait3A_1230] : memref<125000x8x64xf32, #tpu.memory_space<hbm>> -> memref<1x1x64xf32, #tpu.memory_space<hbm>>
      %dma_wait3A_1232 = tpu.memref_squeeze %dma_wait3A_1231 : memref<1x1x64xf32, #tpu.memory_space<hbm>> -> memref<64xf32, #tpu.memory_space<hbm>>
      %dma_wait3A_1233 = arith.constant 0 : i32
      %dma_wait3A_1234 = tpu.memref_slice %arg10[%dma_wait3A_1226, %dma_wait3A_1233] : memref<32x64xf32, #tpu.memory_space<vmem>> -> memref<1x64xf32, #tpu.memory_space<vmem>>
      %dma_wait3A_1235 = tpu.memref_squeeze %dma_wait3A_1234 : memref<1x64xf32, #tpu.memory_space<vmem>> -> memref<64xf32, #tpu.memory_space<vmem>>
      %dma_wait3A_1236 = arith.constant 0 : i32
      %dma_wait3A_1237 = tpu.memref_slice %arg5[%squeeze3A_133, %squeeze3A_137, %dma_wait3A_1236] : memref<125000x8x64xf32, #tpu.memory_space<hbm>> -> memref<1x1x64xf32, #tpu.memory_space<hbm>>
      %dma_wait3A_1238 = tpu.memref_squeeze %dma_wait3A_1237 : memref<1x1x64xf32, #tpu.memory_space<hbm>> -> memref<64xf32, #tpu.memory_space<hbm>>
      tpu.wait_dma2 semaphore(%arg14 : memref<!tpu.dma_semaphore, #tpu.memory_space<semaphore_mem>>) src(%dma_wait3A_1238 : memref<64xf32, #tpu.memory_space<hbm>>) dst(%dma_wait3A_1235 : memref<64xf32, #tpu.memory_space<vmem>>)
      %dma_wait3A_1239 = arith.constant 4 : i32
      %dma_wait3A_1240 = arith.constant 0 : i32
      %dma_wait3A_1241 = tpu.memref_slice %arg9[%dma_wait3A_1239, %dma_wait3A_1240] : memref<32x64xf32, #tpu.memory_space<vmem>> -> memref<1x64xf32, #tpu.memory_space<vmem>>
      %dma_wait3A_1242 = tpu.memref_squeeze %dma_wait3A_1241 : memref<1x64xf32, #tpu.memory_space<vmem>> -> memref<64xf32, #tpu.memory_space<vmem>>
      %dma_wait3A_1243 = arith.constant 0 : i32
      %dma_wait3A_1244 = tpu.memref_slice %arg4[%squeeze3A_165, %squeeze3A_169, %dma_wait3A_1243] : memref<125000x8x64xf32, #tpu.memory_space<hbm>> -> memref<1x1x64xf32, #tpu.memory_space<hbm>>
      %dma_wait3A_1245 = tpu.memref_squeeze %dma_wait3A_1244 : memref<1x1x64xf32, #tpu.memory_space<hbm>> -> memref<64xf32, #tpu.memory_space<hbm>>
      %dma_wait3A_1246 = arith.constant 0 : i32
      %dma_wait3A_1247 = tpu.memref_slice %arg9[%dma_wait3A_1239, %dma_wait3A_1246] : memref<32x64xf32, #tpu.memory_space<vmem>> -> memref<1x64xf32, #tpu.memory_space<vmem>>
      %dma_wait3A_1248 = tpu.memref_squeeze %dma_wait3A_1247 : memref<1x64xf32, #tpu.memory_space<vmem>> -> memref<64xf32, #tpu.memory_space<vmem>>
      %dma_wait3A_1249 = arith.constant 0 : i32
      %dma_wait3A_1250 = tpu.memref_slice %arg4[%squeeze3A_165, %squeeze3A_169, %dma_wait3A_1249] : memref<125000x8x64xf32, #tpu.memory_space<hbm>> -> memref<1x1x64xf32, #tpu.memory_space<hbm>>
      %dma_wait3A_1251 = tpu.memref_squeeze %dma_wait3A_1250 : memref<1x1x64xf32, #tpu.memory_space<hbm>> -> memref<64xf32, #tpu.memory_space<hbm>>
      tpu.wait_dma2 semaphore(%arg13 : memref<!tpu.dma_semaphore, #tpu.memory_space<semaphore_mem>>) src(%dma_wait3A_1251 : memref<64xf32, #tpu.memory_space<hbm>>) dst(%dma_wait3A_1248 : memref<64xf32, #tpu.memory_space<vmem>>)
      %dma_wait3A_1252 = arith.constant 4 : i32
      %dma_wait3A_1253 = arith.constant 0 : i32
      %dma_wait3A_1254 = tpu.memref_slice %arg10[%dma_wait3A_1252, %dma_wait3A_1253] : memref<32x64xf32, #tpu.memory_space<vmem>> -> memref<1x64xf32, #tpu.memory_space<vmem>>
      %dma_wait3A_1255 = tpu.memref_squeeze %dma_wait3A_1254 : memref<1x64xf32, #tpu.memory_space<vmem>> -> memref<64xf32, #tpu.memory_space<vmem>>
      %dma_wait3A_1256 = arith.constant 0 : i32
      %dma_wait3A_1257 = tpu.memref_slice %arg5[%squeeze3A_167, %squeeze3A_171, %dma_wait3A_1256] : memref<125000x8x64xf32, #tpu.memory_space<hbm>> -> memref<1x1x64xf32, #tpu.memory_space<hbm>>
      %dma_wait3A_1258 = tpu.memref_squeeze %dma_wait3A_1257 : memref<1x1x64xf32, #tpu.memory_space<hbm>> -> memref<64xf32, #tpu.memory_space<hbm>>
      %dma_wait3A_1259 = arith.constant 0 : i32
      %dma_wait3A_1260 = tpu.memref_slice %arg10[%dma_wait3A_1252, %dma_wait3A_1259] : memref<32x64xf32, #tpu.memory_space<vmem>> -> memref<1x64xf32, #tpu.memory_space<vmem>>
      %dma_wait3A_1261 = tpu.memref_squeeze %dma_wait3A_1260 : memref<1x64xf32, #tpu.memory_space<vmem>> -> memref<64xf32, #tpu.memory_space<vmem>>
      %dma_wait3A_1262 = arith.constant 0 : i32
      %dma_wait3A_1263 = tpu.memref_slice %arg5[%squeeze3A_167, %squeeze3A_171, %dma_wait3A_1262] : memref<125000x8x64xf32, #tpu.memory_space<hbm>> -> memref<1x1x64xf32, #tpu.memory_space<hbm>>
      %dma_wait3A_1264 = tpu.memref_squeeze %dma_wait3A_1263 : memref<1x1x64xf32, #tpu.memory_space<hbm>> -> memref<64xf32, #tpu.memory_space<hbm>>
      tpu.wait_dma2 semaphore(%arg14 : memref<!tpu.dma_semaphore, #tpu.memory_space<semaphore_mem>>) src(%dma_wait3A_1264 : memref<64xf32, #tpu.memory_space<hbm>>) dst(%dma_wait3A_1261 : memref<64xf32, #tpu.memory_space<vmem>>)
      %dma_wait3A_1265 = arith.constant 5 : i32
      %dma_wait3A_1266 = arith.constant 0 : i32
      %dma_wait3A_1267 = tpu.memref_slice %arg9[%dma_wait3A_1265, %dma_wait3A_1266] : memref<32x64xf32, #tpu.memory_space<vmem>> -> memref<1x64xf32, #tpu.memory_space<vmem>>
      %dma_wait3A_1268 = tpu.memref_squeeze %dma_wait3A_1267 : memref<1x64xf32, #tpu.memory_space<vmem>> -> memref<64xf32, #tpu.memory_space<vmem>>
      %dma_wait3A_1269 = arith.constant 0 : i32
      %dma_wait3A_1270 = tpu.memref_slice %arg4[%squeeze3A_199, %squeeze3A_203, %dma_wait3A_1269] : memref<125000x8x64xf32, #tpu.memory_space<hbm>> -> memref<1x1x64xf32, #tpu.memory_space<hbm>>
      %dma_wait3A_1271 = tpu.memref_squeeze %dma_wait3A_1270 : memref<1x1x64xf32, #tpu.memory_space<hbm>> -> memref<64xf32, #tpu.memory_space<hbm>>
      %dma_wait3A_1272 = arith.constant 0 : i32
      %dma_wait3A_1273 = tpu.memref_slice %arg9[%dma_wait3A_1265, %dma_wait3A_1272] : memref<32x64xf32, #tpu.memory_space<vmem>> -> memref<1x64xf32, #tpu.memory_space<vmem>>
      %dma_wait3A_1274 = tpu.memref_squeeze %dma_wait3A_1273 : memref<1x64xf32, #tpu.memory_space<vmem>> -> memref<64xf32, #tpu.memory_space<vmem>>
      %dma_wait3A_1275 = arith.constant 0 : i32
      %dma_wait3A_1276 = tpu.memref_slice %arg4[%squeeze3A_199, %squeeze3A_203, %dma_wait3A_1275] : memref<125000x8x64xf32, #tpu.memory_space<hbm>> -> memref<1x1x64xf32, #tpu.memory_space<hbm>>
      %dma_wait3A_1277 = tpu.memref_squeeze %dma_wait3A_1276 : memref<1x1x64xf32, #tpu.memory_space<hbm>> -> memref<64xf32, #tpu.memory_space<hbm>>
      tpu.wait_dma2 semaphore(%arg13 : memref<!tpu.dma_semaphore, #tpu.memory_space<semaphore_mem>>) src(%dma_wait3A_1277 : memref<64xf32, #tpu.memory_space<hbm>>) dst(%dma_wait3A_1274 : memref<64xf32, #tpu.memory_space<vmem>>)
      %dma_wait3A_1278 = arith.constant 5 : i32
      %dma_wait3A_1279 = arith.constant 0 : i32
      %dma_wait3A_1280 = tpu.memref_slice %arg10[%dma_wait3A_1278, %dma_wait3A_1279] : memref<32x64xf32, #tpu.memory_space<vmem>> -> memref<1x64xf32, #tpu.memory_space<vmem>>
      %dma_wait3A_1281 = tpu.memref_squeeze %dma_wait3A_1280 : memref<1x64xf32, #tpu.memory_space<vmem>> -> memref<64xf32, #tpu.memory_space<vmem>>
      %dma_wait3A_1282 = arith.constant 0 : i32
      %dma_wait3A_1283 = tpu.memref_slice %arg5[%squeeze3A_201, %squeeze3A_205, %dma_wait3A_1282] : memref<125000x8x64xf32, #tpu.memory_space<hbm>> -> memref<1x1x64xf32, #tpu.memory_space<hbm>>
      %dma_wait3A_1284 = tpu.memref_squeeze %dma_wait3A_1283 : memref<1x1x64xf32, #tpu.memory_space<hbm>> -> memref<64xf32, #tpu.memory_space<hbm>>
      %dma_wait3A_1285 = arith.constant 0 : i32
      %dma_wait3A_1286 = tpu.memref_slice %arg10[%dma_wait3A_1278, %dma_wait3A_1285] : memref<32x64xf32, #tpu.memory_space<vmem>> -> memref<1x64xf32, #tpu.memory_space<vmem>>
      %dma_wait3A_1287 = tpu.memref_squeeze %dma_wait3A_1286 : memref<1x64xf32, #tpu.memory_space<vmem>> -> memref<64xf32, #tpu.memory_space<vmem>>
      %dma_wait3A_1288 = arith.constant 0 : i32
      %dma_wait3A_1289 = tpu.memref_slice %arg5[%squeeze3A_201, %squeeze3A_205, %dma_wait3A_1288] : memref<125000x8x64xf32, #tpu.memory_space<hbm>> -> memref<1x1x64xf32, #tpu.memory_space<hbm>>
      %dma_wait3A_1290 = tpu.memref_squeeze %dma_wait3A_1289 : memref<1x1x64xf32, #tpu.memory_space<hbm>> -> memref<64xf32, #tpu.memory_space<hbm>>
      tpu.wait_dma2 semaphore(%arg14 : memref<!tpu.dma_semaphore, #tpu.memory_space<semaphore_mem>>) src(%dma_wait3A_1290 : memref<64xf32, #tpu.memory_space<hbm>>) dst(%dma_wait3A_1287 : memref<64xf32, #tpu.memory_space<vmem>>)
      %dma_wait3A_1291 = arith.constant 6 : i32
      %dma_wait3A_1292 = arith.constant 0 : i32
      %dma_wait3A_1293 = tpu.memref_slice %arg9[%dma_wait3A_1291, %dma_wait3A_1292] : memref<32x64xf32, #tpu.memory_space<vmem>> -> memref<1x64xf32, #tpu.memory_space<vmem>>
      %dma_wait3A_1294 = tpu.memref_squeeze %dma_wait3A_1293 : memref<1x64xf32, #tpu.memory_space<vmem>> -> memref<64xf32, #tpu.memory_space<vmem>>
      %dma_wait3A_1295 = arith.constant 0 : i32
      %dma_wait3A_1296 = tpu.memref_slice %arg4[%squeeze3A_233, %squeeze3A_237, %dma_wait3A_1295] : memref<125000x8x64xf32, #tpu.memory_space<hbm>> -> memref<1x1x64xf32, #tpu.memory_space<hbm>>
      %dma_wait3A_1297 = tpu.memref_squeeze %dma_wait3A_1296 : memref<1x1x64xf32, #tpu.memory_space<hbm>> -> memref<64xf32, #tpu.memory_space<hbm>>
      %dma_wait3A_1298 = arith.constant 0 : i32
      %dma_wait3A_1299 = tpu.memref_slice %arg9[%dma_wait3A_1291, %dma_wait3A_1298] : memref<32x64xf32, #tpu.memory_space<vmem>> -> memref<1x64xf32, #tpu.memory_space<vmem>>
      %dma_wait3A_1300 = tpu.memref_squeeze %dma_wait3A_1299 : memref<1x64xf32, #tpu.memory_space<vmem>> -> memref<64xf32, #tpu.memory_space<vmem>>
      %dma_wait3A_1301 = arith.constant 0 : i32
      %dma_wait3A_1302 = tpu.memref_slice %arg4[%squeeze3A_233, %squeeze3A_237, %dma_wait3A_1301] : memref<125000x8x64xf32, #tpu.memory_space<hbm>> -> memref<1x1x64xf32, #tpu.memory_space<hbm>>
      %dma_wait3A_1303 = tpu.memref_squeeze %dma_wait3A_1302 : memref<1x1x64xf32, #tpu.memory_space<hbm>> -> memref<64xf32, #tpu.memory_space<hbm>>
      tpu.wait_dma2 semaphore(%arg13 : memref<!tpu.dma_semaphore, #tpu.memory_space<semaphore_mem>>) src(%dma_wait3A_1303 : memref<64xf32, #tpu.memory_space<hbm>>) dst(%dma_wait3A_1300 : memref<64xf32, #tpu.memory_space<vmem>>)
      %dma_wait3A_1304 = arith.constant 6 : i32
      %dma_wait3A_1305 = arith.constant 0 : i32
      %dma_wait3A_1306 = tpu.memref_slice %arg10[%dma_wait3A_1304, %dma_wait3A_1305] : memref<32x64xf32, #tpu.memory_space<vmem>> -> memref<1x64xf32, #tpu.memory_space<vmem>>
      %dma_wait3A_1307 = tpu.memref_squeeze %dma_wait3A_1306 : memref<1x64xf32, #tpu.memory_space<vmem>> -> memref<64xf32, #tpu.memory_space<vmem>>
      %dma_wait3A_1308 = arith.constant 0 : i32
      %dma_wait3A_1309 = tpu.memref_slice %arg5[%squeeze3A_235, %squeeze3A_239, %dma_wait3A_1308] : memref<125000x8x64xf32, #tpu.memory_space<hbm>> -> memref<1x1x64xf32, #tpu.memory_space<hbm>>
      %dma_wait3A_1310 = tpu.memref_squeeze %dma_wait3A_1309 : memref<1x1x64xf32, #tpu.memory_space<hbm>> -> memref<64xf32, #tpu.memory_space<hbm>>
      %dma_wait3A_1311 = arith.constant 0 : i32
      %dma_wait3A_1312 = tpu.memref_slice %arg10[%dma_wait3A_1304, %dma_wait3A_1311] : memref<32x64xf32, #tpu.memory_space<vmem>> -> memref<1x64xf32, #tpu.memory_space<vmem>>
      %dma_wait3A_1313 = tpu.memref_squeeze %dma_wait3A_1312 : memref<1x64xf32, #tpu.memory_space<vmem>> -> memref<64xf32, #tpu.memory_space<vmem>>
      %dma_wait3A_1314 = arith.constant 0 : i32
      %dma_wait3A_1315 = tpu.memref_slice %arg5[%squeeze3A_235, %squeeze3A_239, %dma_wait3A_1314] : memref<125000x8x64xf32, #tpu.memory_space<hbm>> -> memref<1x1x64xf32, #tpu.memory_space<hbm>>
      %dma_wait3A_1316 = tpu.memref_squeeze %dma_wait3A_1315 : memref<1x1x64xf32, #tpu.memory_space<hbm>> -> memref<64xf32, #tpu.memory_space<hbm>>
      tpu.wait_dma2 semaphore(%arg14 : memref<!tpu.dma_semaphore, #tpu.memory_space<semaphore_mem>>) src(%dma_wait3A_1316 : memref<64xf32, #tpu.memory_space<hbm>>) dst(%dma_wait3A_1313 : memref<64xf32, #tpu.memory_space<vmem>>)
      %dma_wait3A_1317 = arith.constant 7 : i32
      %dma_wait3A_1318 = arith.constant 0 : i32
      %dma_wait3A_1319 = tpu.memref_slice %arg9[%dma_wait3A_1317, %dma_wait3A_1318] : memref<32x64xf32, #tpu.memory_space<vmem>> -> memref<1x64xf32, #tpu.memory_space<vmem>>
      %dma_wait3A_1320 = tpu.memref_squeeze %dma_wait3A_1319 : memref<1x64xf32, #tpu.memory_space<vmem>> -> memref<64xf32, #tpu.memory_space<vmem>>
      %dma_wait3A_1321 = arith.constant 0 : i32
      %dma_wait3A_1322 = tpu.memref_slice %arg4[%squeeze3A_267, %squeeze3A_271, %dma_wait3A_1321] : memref<125000x8x64xf32, #tpu.memory_space<hbm>> -> memref<1x1x64xf32, #tpu.memory_space<hbm>>
      %dma_wait3A_1323 = tpu.memref_squeeze %dma_wait3A_1322 : memref<1x1x64xf32, #tpu.memory_space<hbm>> -> memref<64xf32, #tpu.memory_space<hbm>>
      %dma_wait3A_1324 = arith.constant 0 : i32
      %dma_wait3A_1325 = tpu.memref_slice %arg9[%dma_wait3A_1317, %dma_wait3A_1324] : memref<32x64xf32, #tpu.memory_space<vmem>> -> memref<1x64xf32, #tpu.memory_space<vmem>>
      %dma_wait3A_1326 = tpu.memref_squeeze %dma_wait3A_1325 : memref<1x64xf32, #tpu.memory_space<vmem>> -> memref<64xf32, #tpu.memory_space<vmem>>
      %dma_wait3A_1327 = arith.constant 0 : i32
      %dma_wait3A_1328 = tpu.memref_slice %arg4[%squeeze3A_267, %squeeze3A_271, %dma_wait3A_1327] : memref<125000x8x64xf32, #tpu.memory_space<hbm>> -> memref<1x1x64xf32, #tpu.memory_space<hbm>>
      %dma_wait3A_1329 = tpu.memref_squeeze %dma_wait3A_1328 : memref<1x1x64xf32, #tpu.memory_space<hbm>> -> memref<64xf32, #tpu.memory_space<hbm>>
      tpu.wait_dma2 semaphore(%arg13 : memref<!tpu.dma_semaphore, #tpu.memory_space<semaphore_mem>>) src(%dma_wait3A_1329 : memref<64xf32, #tpu.memory_space<hbm>>) dst(%dma_wait3A_1326 : memref<64xf32, #tpu.memory_space<vmem>>)
      %dma_wait3A_1330 = arith.constant 7 : i32
      %dma_wait3A_1331 = arith.constant 0 : i32
      %dma_wait3A_1332 = tpu.memref_slice %arg10[%dma_wait3A_1330, %dma_wait3A_1331] : memref<32x64xf32, #tpu.memory_space<vmem>> -> memref<1x64xf32, #tpu.memory_space<vmem>>
      %dma_wait3A_1333 = tpu.memref_squeeze %dma_wait3A_1332 : memref<1x64xf32, #tpu.memory_space<vmem>> -> memref<64xf32, #tpu.memory_space<vmem>>
      %dma_wait3A_1334 = arith.constant 0 : i32
      %dma_wait3A_1335 = tpu.memref_slice %arg5[%squeeze3A_269, %squeeze3A_273, %dma_wait3A_1334] : memref<125000x8x64xf32, #tpu.memory_space<hbm>> -> memref<1x1x64xf32, #tpu.memory_space<hbm>>
      %dma_wait3A_1336 = tpu.memref_squeeze %dma_wait3A_1335 : memref<1x1x64xf32, #tpu.memory_space<hbm>> -> memref<64xf32, #tpu.memory_space<hbm>>
      %dma_wait3A_1337 = arith.constant 0 : i32
      %dma_wait3A_1338 = tpu.memref_slice %arg10[%dma_wait3A_1330, %dma_wait3A_1337] : memref<32x64xf32, #tpu.memory_space<vmem>> -> memref<1x64xf32, #tpu.memory_space<vmem>>
      %dma_wait3A_1339 = tpu.memref_squeeze %dma_wait3A_1338 : memref<1x64xf32, #tpu.memory_space<vmem>> -> memref<64xf32, #tpu.memory_space<vmem>>
      %dma_wait3A_1340 = arith.constant 0 : i32
      %dma_wait3A_1341 = tpu.memref_slice %arg5[%squeeze3A_269, %squeeze3A_273, %dma_wait3A_1340] : memref<125000x8x64xf32, #tpu.memory_space<hbm>> -> memref<1x1x64xf32, #tpu.memory_space<hbm>>
      %dma_wait3A_1342 = tpu.memref_squeeze %dma_wait3A_1341 : memref<1x1x64xf32, #tpu.memory_space<hbm>> -> memref<64xf32, #tpu.memory_space<hbm>>
      tpu.wait_dma2 semaphore(%arg14 : memref<!tpu.dma_semaphore, #tpu.memory_space<semaphore_mem>>) src(%dma_wait3A_1342 : memref<64xf32, #tpu.memory_space<hbm>>) dst(%dma_wait3A_1339 : memref<64xf32, #tpu.memory_space<vmem>>)
      %dma_wait3A_1343 = arith.constant 8 : i32
      %dma_wait3A_1344 = arith.constant 0 : i32
      %dma_wait3A_1345 = tpu.memref_slice %arg9[%dma_wait3A_1343, %dma_wait3A_1344] : memref<32x64xf32, #tpu.memory_space<vmem>> -> memref<1x64xf32, #tpu.memory_space<vmem>>
      %dma_wait3A_1346 = tpu.memref_squeeze %dma_wait3A_1345 : memref<1x64xf32, #tpu.memory_space<vmem>> -> memref<64xf32, #tpu.memory_space<vmem>>
      %dma_wait3A_1347 = arith.constant 0 : i32
      %dma_wait3A_1348 = tpu.memref_slice %arg4[%squeeze3A_301, %squeeze3A_305, %dma_wait3A_1347] : memref<125000x8x64xf32, #tpu.memory_space<hbm>> -> memref<1x1x64xf32, #tpu.memory_space<hbm>>
      %dma_wait3A_1349 = tpu.memref_squeeze %dma_wait3A_1348 : memref<1x1x64xf32, #tpu.memory_space<hbm>> -> memref<64xf32, #tpu.memory_space<hbm>>
      %dma_wait3A_1350 = arith.constant 0 : i32
      %dma_wait3A_1351 = tpu.memref_slice %arg9[%dma_wait3A_1343, %dma_wait3A_1350] : memref<32x64xf32, #tpu.memory_space<vmem>> -> memref<1x64xf32, #tpu.memory_space<vmem>>
      %dma_wait3A_1352 = tpu.memref_squeeze %dma_wait3A_1351 : memref<1x64xf32, #tpu.memory_space<vmem>> -> memref<64xf32, #tpu.memory_space<vmem>>
      %dma_wait3A_1353 = arith.constant 0 : i32
      %dma_wait3A_1354 = tpu.memref_slice %arg4[%squeeze3A_301, %squeeze3A_305, %dma_wait3A_1353] : memref<125000x8x64xf32, #tpu.memory_space<hbm>> -> memref<1x1x64xf32, #tpu.memory_space<hbm>>
      %dma_wait3A_1355 = tpu.memref_squeeze %dma_wait3A_1354 : memref<1x1x64xf32, #tpu.memory_space<hbm>> -> memref<64xf32, #tpu.memory_space<hbm>>
      tpu.wait_dma2 semaphore(%arg13 : memref<!tpu.dma_semaphore, #tpu.memory_space<semaphore_mem>>) src(%dma_wait3A_1355 : memref<64xf32, #tpu.memory_space<hbm>>) dst(%dma_wait3A_1352 : memref<64xf32, #tpu.memory_space<vmem>>)
      %dma_wait3A_1356 = arith.constant 8 : i32
      %dma_wait3A_1357 = arith.constant 0 : i32
      %dma_wait3A_1358 = tpu.memref_slice %arg10[%dma_wait3A_1356, %dma_wait3A_1357] : memref<32x64xf32, #tpu.memory_space<vmem>> -> memref<1x64xf32, #tpu.memory_space<vmem>>
      %dma_wait3A_1359 = tpu.memref_squeeze %dma_wait3A_1358 : memref<1x64xf32, #tpu.memory_space<vmem>> -> memref<64xf32, #tpu.memory_space<vmem>>
      %dma_wait3A_1360 = arith.constant 0 : i32
      %dma_wait3A_1361 = tpu.memref_slice %arg5[%squeeze3A_303, %squeeze3A_307, %dma_wait3A_1360] : memref<125000x8x64xf32, #tpu.memory_space<hbm>> -> memref<1x1x64xf32, #tpu.memory_space<hbm>>
      %dma_wait3A_1362 = tpu.memref_squeeze %dma_wait3A_1361 : memref<1x1x64xf32, #tpu.memory_space<hbm>> -> memref<64xf32, #tpu.memory_space<hbm>>
      %dma_wait3A_1363 = arith.constant 0 : i32
      %dma_wait3A_1364 = tpu.memref_slice %arg10[%dma_wait3A_1356, %dma_wait3A_1363] : memref<32x64xf32, #tpu.memory_space<vmem>> -> memref<1x64xf32, #tpu.memory_space<vmem>>
      %dma_wait3A_1365 = tpu.memref_squeeze %dma_wait3A_1364 : memref<1x64xf32, #tpu.memory_space<vmem>> -> memref<64xf32, #tpu.memory_space<vmem>>
      %dma_wait3A_1366 = arith.constant 0 : i32
      %dma_wait3A_1367 = tpu.memref_slice %arg5[%squeeze3A_303, %squeeze3A_307, %dma_wait3A_1366] : memref<125000x8x64xf32, #tpu.memory_space<hbm>> -> memref<1x1x64xf32, #tpu.memory_space<hbm>>
      %dma_wait3A_1368 = tpu.memref_squeeze %dma_wait3A_1367 : memref<1x1x64xf32, #tpu.memory_space<hbm>> -> memref<64xf32, #tpu.memory_space<hbm>>
      tpu.wait_dma2 semaphore(%arg14 : memref<!tpu.dma_semaphore, #tpu.memory_space<semaphore_mem>>) src(%dma_wait3A_1368 : memref<64xf32, #tpu.memory_space<hbm>>) dst(%dma_wait3A_1365 : memref<64xf32, #tpu.memory_space<vmem>>)
      %dma_wait3A_1369 = arith.constant 9 : i32
      %dma_wait3A_1370 = arith.constant 0 : i32
      %dma_wait3A_1371 = tpu.memref_slice %arg9[%dma_wait3A_1369, %dma_wait3A_1370] : memref<32x64xf32, #tpu.memory_space<vmem>> -> memref<1x64xf32, #tpu.memory_space<vmem>>
      %dma_wait3A_1372 = tpu.memref_squeeze %dma_wait3A_1371 : memref<1x64xf32, #tpu.memory_space<vmem>> -> memref<64xf32, #tpu.memory_space<vmem>>
      %dma_wait3A_1373 = arith.constant 0 : i32
      %dma_wait3A_1374 = tpu.memref_slice %arg4[%squeeze3A_335, %squeeze3A_339, %dma_wait3A_1373] : memref<125000x8x64xf32, #tpu.memory_space<hbm>> -> memref<1x1x64xf32, #tpu.memory_space<hbm>>
      %dma_wait3A_1375 = tpu.memref_squeeze %dma_wait3A_1374 : memref<1x1x64xf32, #tpu.memory_space<hbm>> -> memref<64xf32, #tpu.memory_space<hbm>>
      %dma_wait3A_1376 = arith.constant 0 : i32
      %dma_wait3A_1377 = tpu.memref_slice %arg9[%dma_wait3A_1369, %dma_wait3A_1376] : memref<32x64xf32, #tpu.memory_space<vmem>> -> memref<1x64xf32, #tpu.memory_space<vmem>>
      %dma_wait3A_1378 = tpu.memref_squeeze %dma_wait3A_1377 : memref<1x64xf32, #tpu.memory_space<vmem>> -> memref<64xf32, #tpu.memory_space<vmem>>
      %dma_wait3A_1379 = arith.constant 0 : i32
      %dma_wait3A_1380 = tpu.memref_slice %arg4[%squeeze3A_335, %squeeze3A_339, %dma_wait3A_1379] : memref<125000x8x64xf32, #tpu.memory_space<hbm>> -> memref<1x1x64xf32, #tpu.memory_space<hbm>>
      %dma_wait3A_1381 = tpu.memref_squeeze %dma_wait3A_1380 : memref<1x1x64xf32, #tpu.memory_space<hbm>> -> memref<64xf32, #tpu.memory_space<hbm>>
      tpu.wait_dma2 semaphore(%arg13 : memref<!tpu.dma_semaphore, #tpu.memory_space<semaphore_mem>>) src(%dma_wait3A_1381 : memref<64xf32, #tpu.memory_space<hbm>>) dst(%dma_wait3A_1378 : memref<64xf32, #tpu.memory_space<vmem>>)
      %dma_wait3A_1382 = arith.constant 9 : i32
      %dma_wait3A_1383 = arith.constant 0 : i32
      %dma_wait3A_1384 = tpu.memref_slice %arg10[%dma_wait3A_1382, %dma_wait3A_1383] : memref<32x64xf32, #tpu.memory_space<vmem>> -> memref<1x64xf32, #tpu.memory_space<vmem>>
      %dma_wait3A_1385 = tpu.memref_squeeze %dma_wait3A_1384 : memref<1x64xf32, #tpu.memory_space<vmem>> -> memref<64xf32, #tpu.memory_space<vmem>>
      %dma_wait3A_1386 = arith.constant 0 : i32
      %dma_wait3A_1387 = tpu.memref_slice %arg5[%squeeze3A_337, %squeeze3A_341, %dma_wait3A_1386] : memref<125000x8x64xf32, #tpu.memory_space<hbm>> -> memref<1x1x64xf32, #tpu.memory_space<hbm>>
      %dma_wait3A_1388 = tpu.memref_squeeze %dma_wait3A_1387 : memref<1x1x64xf32, #tpu.memory_space<hbm>> -> memref<64xf32, #tpu.memory_space<hbm>>
      %dma_wait3A_1389 = arith.constant 0 : i32
      %dma_wait3A_1390 = tpu.memref_slice %arg10[%dma_wait3A_1382, %dma_wait3A_1389] : memref<32x64xf32, #tpu.memory_space<vmem>> -> memref<1x64xf32, #tpu.memory_space<vmem>>
      %dma_wait3A_1391 = tpu.memref_squeeze %dma_wait3A_1390 : memref<1x64xf32, #tpu.memory_space<vmem>> -> memref<64xf32, #tpu.memory_space<vmem>>
      %dma_wait3A_1392 = arith.constant 0 : i32
      %dma_wait3A_1393 = tpu.memref_slice %arg5[%squeeze3A_337, %squeeze3A_341, %dma_wait3A_1392] : memref<125000x8x64xf32, #tpu.memory_space<hbm>> -> memref<1x1x64xf32, #tpu.memory_space<hbm>>
      %dma_wait3A_1394 = tpu.memref_squeeze %dma_wait3A_1393 : memref<1x1x64xf32, #tpu.memory_space<hbm>> -> memref<64xf32, #tpu.memory_space<hbm>>
      tpu.wait_dma2 semaphore(%arg14 : memref<!tpu.dma_semaphore, #tpu.memory_space<semaphore_mem>>) src(%dma_wait3A_1394 : memref<64xf32, #tpu.memory_space<hbm>>) dst(%dma_wait3A_1391 : memref<64xf32, #tpu.memory_space<vmem>>)
      %dma_wait3A_1395 = arith.constant 10 : i32
      %dma_wait3A_1396 = arith.constant 0 : i32
      %dma_wait3A_1397 = tpu.memref_slice %arg9[%dma_wait3A_1395, %dma_wait3A_1396] : memref<32x64xf32, #tpu.memory_space<vmem>> -> memref<1x64xf32, #tpu.memory_space<vmem>>
      %dma_wait3A_1398 = tpu.memref_squeeze %dma_wait3A_1397 : memref<1x64xf32, #tpu.memory_space<vmem>> -> memref<64xf32, #tpu.memory_space<vmem>>
      %dma_wait3A_1399 = arith.constant 0 : i32
      %dma_wait3A_1400 = tpu.memref_slice %arg4[%squeeze3A_369, %squeeze3A_373, %dma_wait3A_1399] : memref<125000x8x64xf32, #tpu.memory_space<hbm>> -> memref<1x1x64xf32, #tpu.memory_space<hbm>>
      %dma_wait3A_1401 = tpu.memref_squeeze %dma_wait3A_1400 : memref<1x1x64xf32, #tpu.memory_space<hbm>> -> memref<64xf32, #tpu.memory_space<hbm>>
      %dma_wait3A_1402 = arith.constant 0 : i32
      %dma_wait3A_1403 = tpu.memref_slice %arg9[%dma_wait3A_1395, %dma_wait3A_1402] : memref<32x64xf32, #tpu.memory_space<vmem>> -> memref<1x64xf32, #tpu.memory_space<vmem>>
      %dma_wait3A_1404 = tpu.memref_squeeze %dma_wait3A_1403 : memref<1x64xf32, #tpu.memory_space<vmem>> -> memref<64xf32, #tpu.memory_space<vmem>>
      %dma_wait3A_1405 = arith.constant 0 : i32
      %dma_wait3A_1406 = tpu.memref_slice %arg4[%squeeze3A_369, %squeeze3A_373, %dma_wait3A_1405] : memref<125000x8x64xf32, #tpu.memory_space<hbm>> -> memref<1x1x64xf32, #tpu.memory_space<hbm>>
      %dma_wait3A_1407 = tpu.memref_squeeze %dma_wait3A_1406 : memref<1x1x64xf32, #tpu.memory_space<hbm>> -> memref<64xf32, #tpu.memory_space<hbm>>
      tpu.wait_dma2 semaphore(%arg13 : memref<!tpu.dma_semaphore, #tpu.memory_space<semaphore_mem>>) src(%dma_wait3A_1407 : memref<64xf32, #tpu.memory_space<hbm>>) dst(%dma_wait3A_1404 : memref<64xf32, #tpu.memory_space<vmem>>)
      %dma_wait3A_1408 = arith.constant 10 : i32
      %dma_wait3A_1409 = arith.constant 0 : i32
      %dma_wait3A_1410 = tpu.memref_slice %arg10[%dma_wait3A_1408, %dma_wait3A_1409] : memref<32x64xf32, #tpu.memory_space<vmem>> -> memref<1x64xf32, #tpu.memory_space<vmem>>
      %dma_wait3A_1411 = tpu.memref_squeeze %dma_wait3A_1410 : memref<1x64xf32, #tpu.memory_space<vmem>> -> memref<64xf32, #tpu.memory_space<vmem>>
      %dma_wait3A_1412 = arith.constant 0 : i32
      %dma_wait3A_1413 = tpu.memref_slice %arg5[%squeeze3A_371, %squeeze3A_375, %dma_wait3A_1412] : memref<125000x8x64xf32, #tpu.memory_space<hbm>> -> memref<1x1x64xf32, #tpu.memory_space<hbm>>
      %dma_wait3A_1414 = tpu.memref_squeeze %dma_wait3A_1413 : memref<1x1x64xf32, #tpu.memory_space<hbm>> -> memref<64xf32, #tpu.memory_space<hbm>>
      %dma_wait3A_1415 = arith.constant 0 : i32
      %dma_wait3A_1416 = tpu.memref_slice %arg10[%dma_wait3A_1408, %dma_wait3A_1415] : memref<32x64xf32, #tpu.memory_space<vmem>> -> memref<1x64xf32, #tpu.memory_space<vmem>>
      %dma_wait3A_1417 = tpu.memref_squeeze %dma_wait3A_1416 : memref<1x64xf32, #tpu.memory_space<vmem>> -> memref<64xf32, #tpu.memory_space<vmem>>
      %dma_wait3A_1418 = arith.constant 0 : i32
      %dma_wait3A_1419 = tpu.memref_slice %arg5[%squeeze3A_371, %squeeze3A_375, %dma_wait3A_1418] : memref<125000x8x64xf32, #tpu.memory_space<hbm>> -> memref<1x1x64xf32, #tpu.memory_space<hbm>>
      %dma_wait3A_1420 = tpu.memref_squeeze %dma_wait3A_1419 : memref<1x1x64xf32, #tpu.memory_space<hbm>> -> memref<64xf32, #tpu.memory_space<hbm>>
      tpu.wait_dma2 semaphore(%arg14 : memref<!tpu.dma_semaphore, #tpu.memory_space<semaphore_mem>>) src(%dma_wait3A_1420 : memref<64xf32, #tpu.memory_space<hbm>>) dst(%dma_wait3A_1417 : memref<64xf32, #tpu.memory_space<vmem>>)
      %dma_wait3A_1421 = arith.constant 11 : i32
      %dma_wait3A_1422 = arith.constant 0 : i32
      %dma_wait3A_1423 = tpu.memref_slice %arg9[%dma_wait3A_1421, %dma_wait3A_1422] : memref<32x64xf32, #tpu.memory_space<vmem>> -> memref<1x64xf32, #tpu.memory_space<vmem>>
      %dma_wait3A_1424 = tpu.memref_squeeze %dma_wait3A_1423 : memref<1x64xf32, #tpu.memory_space<vmem>> -> memref<64xf32, #tpu.memory_space<vmem>>
      %dma_wait3A_1425 = arith.constant 0 : i32
      %dma_wait3A_1426 = tpu.memref_slice %arg4[%squeeze3A_403, %squeeze3A_407, %dma_wait3A_1425] : memref<125000x8x64xf32, #tpu.memory_space<hbm>> -> memref<1x1x64xf32, #tpu.memory_space<hbm>>
      %dma_wait3A_1427 = tpu.memref_squeeze %dma_wait3A_1426 : memref<1x1x64xf32, #tpu.memory_space<hbm>> -> memref<64xf32, #tpu.memory_space<hbm>>
      %dma_wait3A_1428 = arith.constant 0 : i32
      %dma_wait3A_1429 = tpu.memref_slice %arg9[%dma_wait3A_1421, %dma_wait3A_1428] : memref<32x64xf32, #tpu.memory_space<vmem>> -> memref<1x64xf32, #tpu.memory_space<vmem>>
      %dma_wait3A_1430 = tpu.memref_squeeze %dma_wait3A_1429 : memref<1x64xf32, #tpu.memory_space<vmem>> -> memref<64xf32, #tpu.memory_space<vmem>>
      %dma_wait3A_1431 = arith.constant 0 : i32
      %dma_wait3A_1432 = tpu.memref_slice %arg4[%squeeze3A_403, %squeeze3A_407, %dma_wait3A_1431] : memref<125000x8x64xf32, #tpu.memory_space<hbm>> -> memref<1x1x64xf32, #tpu.memory_space<hbm>>
      %dma_wait3A_1433 = tpu.memref_squeeze %dma_wait3A_1432 : memref<1x1x64xf32, #tpu.memory_space<hbm>> -> memref<64xf32, #tpu.memory_space<hbm>>
      tpu.wait_dma2 semaphore(%arg13 : memref<!tpu.dma_semaphore, #tpu.memory_space<semaphore_mem>>) src(%dma_wait3A_1433 : memref<64xf32, #tpu.memory_space<hbm>>) dst(%dma_wait3A_1430 : memref<64xf32, #tpu.memory_space<vmem>>)
      %dma_wait3A_1434 = arith.constant 11 : i32
      %dma_wait3A_1435 = arith.constant 0 : i32
      %dma_wait3A_1436 = tpu.memref_slice %arg10[%dma_wait3A_1434, %dma_wait3A_1435] : memref<32x64xf32, #tpu.memory_space<vmem>> -> memref<1x64xf32, #tpu.memory_space<vmem>>
      %dma_wait3A_1437 = tpu.memref_squeeze %dma_wait3A_1436 : memref<1x64xf32, #tpu.memory_space<vmem>> -> memref<64xf32, #tpu.memory_space<vmem>>
      %dma_wait3A_1438 = arith.constant 0 : i32
      %dma_wait3A_1439 = tpu.memref_slice %arg5[%squeeze3A_405, %squeeze3A_409, %dma_wait3A_1438] : memref<125000x8x64xf32, #tpu.memory_space<hbm>> -> memref<1x1x64xf32, #tpu.memory_space<hbm>>
      %dma_wait3A_1440 = tpu.memref_squeeze %dma_wait3A_1439 : memref<1x1x64xf32, #tpu.memory_space<hbm>> -> memref<64xf32, #tpu.memory_space<hbm>>
      %dma_wait3A_1441 = arith.constant 0 : i32
      %dma_wait3A_1442 = tpu.memref_slice %arg10[%dma_wait3A_1434, %dma_wait3A_1441] : memref<32x64xf32, #tpu.memory_space<vmem>> -> memref<1x64xf32, #tpu.memory_space<vmem>>
      %dma_wait3A_1443 = tpu.memref_squeeze %dma_wait3A_1442 : memref<1x64xf32, #tpu.memory_space<vmem>> -> memref<64xf32, #tpu.memory_space<vmem>>
      %dma_wait3A_1444 = arith.constant 0 : i32
      %dma_wait3A_1445 = tpu.memref_slice %arg5[%squeeze3A_405, %squeeze3A_409, %dma_wait3A_1444] : memref<125000x8x64xf32, #tpu.memory_space<hbm>> -> memref<1x1x64xf32, #tpu.memory_space<hbm>>
      %dma_wait3A_1446 = tpu.memref_squeeze %dma_wait3A_1445 : memref<1x1x64xf32, #tpu.memory_space<hbm>> -> memref<64xf32, #tpu.memory_space<hbm>>
      tpu.wait_dma2 semaphore(%arg14 : memref<!tpu.dma_semaphore, #tpu.memory_space<semaphore_mem>>) src(%dma_wait3A_1446 : memref<64xf32, #tpu.memory_space<hbm>>) dst(%dma_wait3A_1443 : memref<64xf32, #tpu.memory_space<vmem>>)
      %dma_wait3A_1447 = arith.constant 12 : i32
      %dma_wait3A_1448 = arith.constant 0 : i32
      %dma_wait3A_1449 = tpu.memref_slice %arg9[%dma_wait3A_1447, %dma_wait3A_1448] : memref<32x64xf32, #tpu.memory_space<vmem>> -> memref<1x64xf32, #tpu.memory_space<vmem>>
      %dma_wait3A_1450 = tpu.memref_squeeze %dma_wait3A_1449 : memref<1x64xf32, #tpu.memory_space<vmem>> -> memref<64xf32, #tpu.memory_space<vmem>>
      %dma_wait3A_1451 = arith.constant 0 : i32
      %dma_wait3A_1452 = tpu.memref_slice %arg4[%squeeze3A_437, %squeeze3A_441, %dma_wait3A_1451] : memref<125000x8x64xf32, #tpu.memory_space<hbm>> -> memref<1x1x64xf32, #tpu.memory_space<hbm>>
      %dma_wait3A_1453 = tpu.memref_squeeze %dma_wait3A_1452 : memref<1x1x64xf32, #tpu.memory_space<hbm>> -> memref<64xf32, #tpu.memory_space<hbm>>
      %dma_wait3A_1454 = arith.constant 0 : i32
      %dma_wait3A_1455 = tpu.memref_slice %arg9[%dma_wait3A_1447, %dma_wait3A_1454] : memref<32x64xf32, #tpu.memory_space<vmem>> -> memref<1x64xf32, #tpu.memory_space<vmem>>
      %dma_wait3A_1456 = tpu.memref_squeeze %dma_wait3A_1455 : memref<1x64xf32, #tpu.memory_space<vmem>> -> memref<64xf32, #tpu.memory_space<vmem>>
      %dma_wait3A_1457 = arith.constant 0 : i32
      %dma_wait3A_1458 = tpu.memref_slice %arg4[%squeeze3A_437, %squeeze3A_441, %dma_wait3A_1457] : memref<125000x8x64xf32, #tpu.memory_space<hbm>> -> memref<1x1x64xf32, #tpu.memory_space<hbm>>
      %dma_wait3A_1459 = tpu.memref_squeeze %dma_wait3A_1458 : memref<1x1x64xf32, #tpu.memory_space<hbm>> -> memref<64xf32, #tpu.memory_space<hbm>>
      tpu.wait_dma2 semaphore(%arg13 : memref<!tpu.dma_semaphore, #tpu.memory_space<semaphore_mem>>) src(%dma_wait3A_1459 : memref<64xf32, #tpu.memory_space<hbm>>) dst(%dma_wait3A_1456 : memref<64xf32, #tpu.memory_space<vmem>>)
      %dma_wait3A_1460 = arith.constant 12 : i32
      %dma_wait3A_1461 = arith.constant 0 : i32
      %dma_wait3A_1462 = tpu.memref_slice %arg10[%dma_wait3A_1460, %dma_wait3A_1461] : memref<32x64xf32, #tpu.memory_space<vmem>> -> memref<1x64xf32, #tpu.memory_space<vmem>>
      %dma_wait3A_1463 = tpu.memref_squeeze %dma_wait3A_1462 : memref<1x64xf32, #tpu.memory_space<vmem>> -> memref<64xf32, #tpu.memory_space<vmem>>
      %dma_wait3A_1464 = arith.constant 0 : i32
      %dma_wait3A_1465 = tpu.memref_slice %arg5[%squeeze3A_439, %squeeze3A_443, %dma_wait3A_1464] : memref<125000x8x64xf32, #tpu.memory_space<hbm>> -> memref<1x1x64xf32, #tpu.memory_space<hbm>>
      %dma_wait3A_1466 = tpu.memref_squeeze %dma_wait3A_1465 : memref<1x1x64xf32, #tpu.memory_space<hbm>> -> memref<64xf32, #tpu.memory_space<hbm>>
      %dma_wait3A_1467 = arith.constant 0 : i32
      %dma_wait3A_1468 = tpu.memref_slice %arg10[%dma_wait3A_1460, %dma_wait3A_1467] : memref<32x64xf32, #tpu.memory_space<vmem>> -> memref<1x64xf32, #tpu.memory_space<vmem>>
      %dma_wait3A_1469 = tpu.memref_squeeze %dma_wait3A_1468 : memref<1x64xf32, #tpu.memory_space<vmem>> -> memref<64xf32, #tpu.memory_space<vmem>>
      %dma_wait3A_1470 = arith.constant 0 : i32
      %dma_wait3A_1471 = tpu.memref_slice %arg5[%squeeze3A_439, %squeeze3A_443, %dma_wait3A_1470] : memref<125000x8x64xf32, #tpu.memory_space<hbm>> -> memref<1x1x64xf32, #tpu.memory_space<hbm>>
      %dma_wait3A_1472 = tpu.memref_squeeze %dma_wait3A_1471 : memref<1x1x64xf32, #tpu.memory_space<hbm>> -> memref<64xf32, #tpu.memory_space<hbm>>
      tpu.wait_dma2 semaphore(%arg14 : memref<!tpu.dma_semaphore, #tpu.memory_space<semaphore_mem>>) src(%dma_wait3A_1472 : memref<64xf32, #tpu.memory_space<hbm>>) dst(%dma_wait3A_1469 : memref<64xf32, #tpu.memory_space<vmem>>)
      %dma_wait3A_1473 = arith.constant 13 : i32
      %dma_wait3A_1474 = arith.constant 0 : i32
      %dma_wait3A_1475 = tpu.memref_slice %arg9[%dma_wait3A_1473, %dma_wait3A_1474] : memref<32x64xf32, #tpu.memory_space<vmem>> -> memref<1x64xf32, #tpu.memory_space<vmem>>
      %dma_wait3A_1476 = tpu.memref_squeeze %dma_wait3A_1475 : memref<1x64xf32, #tpu.memory_space<vmem>> -> memref<64xf32, #tpu.memory_space<vmem>>
      %dma_wait3A_1477 = arith.constant 0 : i32
      %dma_wait3A_1478 = tpu.memref_slice %arg4[%squeeze3A_471, %squeeze3A_475, %dma_wait3A_1477] : memref<125000x8x64xf32, #tpu.memory_space<hbm>> -> memref<1x1x64xf32, #tpu.memory_space<hbm>>
      %dma_wait3A_1479 = tpu.memref_squeeze %dma_wait3A_1478 : memref<1x1x64xf32, #tpu.memory_space<hbm>> -> memref<64xf32, #tpu.memory_space<hbm>>
      %dma_wait3A_1480 = arith.constant 0 : i32
      %dma_wait3A_1481 = tpu.memref_slice %arg9[%dma_wait3A_1473, %dma_wait3A_1480] : memref<32x64xf32, #tpu.memory_space<vmem>> -> memref<1x64xf32, #tpu.memory_space<vmem>>
      %dma_wait3A_1482 = tpu.memref_squeeze %dma_wait3A_1481 : memref<1x64xf32, #tpu.memory_space<vmem>> -> memref<64xf32, #tpu.memory_space<vmem>>
      %dma_wait3A_1483 = arith.constant 0 : i32
      %dma_wait3A_1484 = tpu.memref_slice %arg4[%squeeze3A_471, %squeeze3A_475, %dma_wait3A_1483] : memref<125000x8x64xf32, #tpu.memory_space<hbm>> -> memref<1x1x64xf32, #tpu.memory_space<hbm>>
      %dma_wait3A_1485 = tpu.memref_squeeze %dma_wait3A_1484 : memref<1x1x64xf32, #tpu.memory_space<hbm>> -> memref<64xf32, #tpu.memory_space<hbm>>
      tpu.wait_dma2 semaphore(%arg13 : memref<!tpu.dma_semaphore, #tpu.memory_space<semaphore_mem>>) src(%dma_wait3A_1485 : memref<64xf32, #tpu.memory_space<hbm>>) dst(%dma_wait3A_1482 : memref<64xf32, #tpu.memory_space<vmem>>)
      %dma_wait3A_1486 = arith.constant 13 : i32
      %dma_wait3A_1487 = arith.constant 0 : i32
      %dma_wait3A_1488 = tpu.memref_slice %arg10[%dma_wait3A_1486, %dma_wait3A_1487] : memref<32x64xf32, #tpu.memory_space<vmem>> -> memref<1x64xf32, #tpu.memory_space<vmem>>
      %dma_wait3A_1489 = tpu.memref_squeeze %dma_wait3A_1488 : memref<1x64xf32, #tpu.memory_space<vmem>> -> memref<64xf32, #tpu.memory_space<vmem>>
      %dma_wait3A_1490 = arith.constant 0 : i32
      %dma_wait3A_1491 = tpu.memref_slice %arg5[%squeeze3A_473, %squeeze3A_477, %dma_wait3A_1490] : memref<125000x8x64xf32, #tpu.memory_space<hbm>> -> memref<1x1x64xf32, #tpu.memory_space<hbm>>
      %dma_wait3A_1492 = tpu.memref_squeeze %dma_wait3A_1491 : memref<1x1x64xf32, #tpu.memory_space<hbm>> -> memref<64xf32, #tpu.memory_space<hbm>>
      %dma_wait3A_1493 = arith.constant 0 : i32
      %dma_wait3A_1494 = tpu.memref_slice %arg10[%dma_wait3A_1486, %dma_wait3A_1493] : memref<32x64xf32, #tpu.memory_space<vmem>> -> memref<1x64xf32, #tpu.memory_space<vmem>>
      %dma_wait3A_1495 = tpu.memref_squeeze %dma_wait3A_1494 : memref<1x64xf32, #tpu.memory_space<vmem>> -> memref<64xf32, #tpu.memory_space<vmem>>
      %dma_wait3A_1496 = arith.constant 0 : i32
      %dma_wait3A_1497 = tpu.memref_slice %arg5[%squeeze3A_473, %squeeze3A_477, %dma_wait3A_1496] : memref<125000x8x64xf32, #tpu.memory_space<hbm>> -> memref<1x1x64xf32, #tpu.memory_space<hbm>>
      %dma_wait3A_1498 = tpu.memref_squeeze %dma_wait3A_1497 : memref<1x1x64xf32, #tpu.memory_space<hbm>> -> memref<64xf32, #tpu.memory_space<hbm>>
      tpu.wait_dma2 semaphore(%arg14 : memref<!tpu.dma_semaphore, #tpu.memory_space<semaphore_mem>>) src(%dma_wait3A_1498 : memref<64xf32, #tpu.memory_space<hbm>>) dst(%dma_wait3A_1495 : memref<64xf32, #tpu.memory_space<vmem>>)
      %dma_wait3A_1499 = arith.constant 14 : i32
      %dma_wait3A_1500 = arith.constant 0 : i32
      %dma_wait3A_1501 = tpu.memref_slice %arg9[%dma_wait3A_1499, %dma_wait3A_1500] : memref<32x64xf32, #tpu.memory_space<vmem>> -> memref<1x64xf32, #tpu.memory_space<vmem>>
      %dma_wait3A_1502 = tpu.memref_squeeze %dma_wait3A_1501 : memref<1x64xf32, #tpu.memory_space<vmem>> -> memref<64xf32, #tpu.memory_space<vmem>>
      %dma_wait3A_1503 = arith.constant 0 : i32
      %dma_wait3A_1504 = tpu.memref_slice %arg4[%squeeze3A_505, %squeeze3A_509, %dma_wait3A_1503] : memref<125000x8x64xf32, #tpu.memory_space<hbm>> -> memref<1x1x64xf32, #tpu.memory_space<hbm>>
      %dma_wait3A_1505 = tpu.memref_squeeze %dma_wait3A_1504 : memref<1x1x64xf32, #tpu.memory_space<hbm>> -> memref<64xf32, #tpu.memory_space<hbm>>
      %dma_wait3A_1506 = arith.constant 0 : i32
      %dma_wait3A_1507 = tpu.memref_slice %arg9[%dma_wait3A_1499, %dma_wait3A_1506] : memref<32x64xf32, #tpu.memory_space<vmem>> -> memref<1x64xf32, #tpu.memory_space<vmem>>
      %dma_wait3A_1508 = tpu.memref_squeeze %dma_wait3A_1507 : memref<1x64xf32, #tpu.memory_space<vmem>> -> memref<64xf32, #tpu.memory_space<vmem>>
      %dma_wait3A_1509 = arith.constant 0 : i32
      %dma_wait3A_1510 = tpu.memref_slice %arg4[%squeeze3A_505, %squeeze3A_509, %dma_wait3A_1509] : memref<125000x8x64xf32, #tpu.memory_space<hbm>> -> memref<1x1x64xf32, #tpu.memory_space<hbm>>
      %dma_wait3A_1511 = tpu.memref_squeeze %dma_wait3A_1510 : memref<1x1x64xf32, #tpu.memory_space<hbm>> -> memref<64xf32, #tpu.memory_space<hbm>>
      tpu.wait_dma2 semaphore(%arg13 : memref<!tpu.dma_semaphore, #tpu.memory_space<semaphore_mem>>) src(%dma_wait3A_1511 : memref<64xf32, #tpu.memory_space<hbm>>) dst(%dma_wait3A_1508 : memref<64xf32, #tpu.memory_space<vmem>>)
      %dma_wait3A_1512 = arith.constant 14 : i32
      %dma_wait3A_1513 = arith.constant 0 : i32
      %dma_wait3A_1514 = tpu.memref_slice %arg10[%dma_wait3A_1512, %dma_wait3A_1513] : memref<32x64xf32, #tpu.memory_space<vmem>> -> memref<1x64xf32, #tpu.memory_space<vmem>>
      %dma_wait3A_1515 = tpu.memref_squeeze %dma_wait3A_1514 : memref<1x64xf32, #tpu.memory_space<vmem>> -> memref<64xf32, #tpu.memory_space<vmem>>
      %dma_wait3A_1516 = arith.constant 0 : i32
      %dma_wait3A_1517 = tpu.memref_slice %arg5[%squeeze3A_507, %squeeze3A_511, %dma_wait3A_1516] : memref<125000x8x64xf32, #tpu.memory_space<hbm>> -> memref<1x1x64xf32, #tpu.memory_space<hbm>>
      %dma_wait3A_1518 = tpu.memref_squeeze %dma_wait3A_1517 : memref<1x1x64xf32, #tpu.memory_space<hbm>> -> memref<64xf32, #tpu.memory_space<hbm>>
      %dma_wait3A_1519 = arith.constant 0 : i32
      %dma_wait3A_1520 = tpu.memref_slice %arg10[%dma_wait3A_1512, %dma_wait3A_1519] : memref<32x64xf32, #tpu.memory_space<vmem>> -> memref<1x64xf32, #tpu.memory_space<vmem>>
      %dma_wait3A_1521 = tpu.memref_squeeze %dma_wait3A_1520 : memref<1x64xf32, #tpu.memory_space<vmem>> -> memref<64xf32, #tpu.memory_space<vmem>>
      %dma_wait3A_1522 = arith.constant 0 : i32
      %dma_wait3A_1523 = tpu.memref_slice %arg5[%squeeze3A_507, %squeeze3A_511, %dma_wait3A_1522] : memref<125000x8x64xf32, #tpu.memory_space<hbm>> -> memref<1x1x64xf32, #tpu.memory_space<hbm>>
      %dma_wait3A_1524 = tpu.memref_squeeze %dma_wait3A_1523 : memref<1x1x64xf32, #tpu.memory_space<hbm>> -> memref<64xf32, #tpu.memory_space<hbm>>
      tpu.wait_dma2 semaphore(%arg14 : memref<!tpu.dma_semaphore, #tpu.memory_space<semaphore_mem>>) src(%dma_wait3A_1524 : memref<64xf32, #tpu.memory_space<hbm>>) dst(%dma_wait3A_1521 : memref<64xf32, #tpu.memory_space<vmem>>)
      %dma_wait3A_1525 = arith.constant 15 : i32
      %dma_wait3A_1526 = arith.constant 0 : i32
      %dma_wait3A_1527 = tpu.memref_slice %arg9[%dma_wait3A_1525, %dma_wait3A_1526] : memref<32x64xf32, #tpu.memory_space<vmem>> -> memref<1x64xf32, #tpu.memory_space<vmem>>
      %dma_wait3A_1528 = tpu.memref_squeeze %dma_wait3A_1527 : memref<1x64xf32, #tpu.memory_space<vmem>> -> memref<64xf32, #tpu.memory_space<vmem>>
      %dma_wait3A_1529 = arith.constant 0 : i32
      %dma_wait3A_1530 = tpu.memref_slice %arg4[%squeeze3A_539, %squeeze3A_543, %dma_wait3A_1529] : memref<125000x8x64xf32, #tpu.memory_space<hbm>> -> memref<1x1x64xf32, #tpu.memory_space<hbm>>
      %dma_wait3A_1531 = tpu.memref_squeeze %dma_wait3A_1530 : memref<1x1x64xf32, #tpu.memory_space<hbm>> -> memref<64xf32, #tpu.memory_space<hbm>>
      %dma_wait3A_1532 = arith.constant 0 : i32
      %dma_wait3A_1533 = tpu.memref_slice %arg9[%dma_wait3A_1525, %dma_wait3A_1532] : memref<32x64xf32, #tpu.memory_space<vmem>> -> memref<1x64xf32, #tpu.memory_space<vmem>>
      %dma_wait3A_1534 = tpu.memref_squeeze %dma_wait3A_1533 : memref<1x64xf32, #tpu.memory_space<vmem>> -> memref<64xf32, #tpu.memory_space<vmem>>
      %dma_wait3A_1535 = arith.constant 0 : i32
      %dma_wait3A_1536 = tpu.memref_slice %arg4[%squeeze3A_539, %squeeze3A_543, %dma_wait3A_1535] : memref<125000x8x64xf32, #tpu.memory_space<hbm>> -> memref<1x1x64xf32, #tpu.memory_space<hbm>>
      %dma_wait3A_1537 = tpu.memref_squeeze %dma_wait3A_1536 : memref<1x1x64xf32, #tpu.memory_space<hbm>> -> memref<64xf32, #tpu.memory_space<hbm>>
      tpu.wait_dma2 semaphore(%arg13 : memref<!tpu.dma_semaphore, #tpu.memory_space<semaphore_mem>>) src(%dma_wait3A_1537 : memref<64xf32, #tpu.memory_space<hbm>>) dst(%dma_wait3A_1534 : memref<64xf32, #tpu.memory_space<vmem>>)
      %dma_wait3A_1538 = arith.constant 15 : i32
      %dma_wait3A_1539 = arith.constant 0 : i32
      %dma_wait3A_1540 = tpu.memref_slice %arg10[%dma_wait3A_1538, %dma_wait3A_1539] : memref<32x64xf32, #tpu.memory_space<vmem>> -> memref<1x64xf32, #tpu.memory_space<vmem>>
      %dma_wait3A_1541 = tpu.memref_squeeze %dma_wait3A_1540 : memref<1x64xf32, #tpu.memory_space<vmem>> -> memref<64xf32, #tpu.memory_space<vmem>>
      %dma_wait3A_1542 = arith.constant 0 : i32
      %dma_wait3A_1543 = tpu.memref_slice %arg5[%squeeze3A_541, %squeeze3A_545, %dma_wait3A_1542] : memref<125000x8x64xf32, #tpu.memory_space<hbm>> -> memref<1x1x64xf32, #tpu.memory_space<hbm>>
      %dma_wait3A_1544 = tpu.memref_squeeze %dma_wait3A_1543 : memref<1x1x64xf32, #tpu.memory_space<hbm>> -> memref<64xf32, #tpu.memory_space<hbm>>
      %dma_wait3A_1545 = arith.constant 0 : i32
      %dma_wait3A_1546 = tpu.memref_slice %arg10[%dma_wait3A_1538, %dma_wait3A_1545] : memref<32x64xf32, #tpu.memory_space<vmem>> -> memref<1x64xf32, #tpu.memory_space<vmem>>
      %dma_wait3A_1547 = tpu.memref_squeeze %dma_wait3A_1546 : memref<1x64xf32, #tpu.memory_space<vmem>> -> memref<64xf32, #tpu.memory_space<vmem>>
      %dma_wait3A_1548 = arith.constant 0 : i32
      %dma_wait3A_1549 = tpu.memref_slice %arg5[%squeeze3A_541, %squeeze3A_545, %dma_wait3A_1548] : memref<125000x8x64xf32, #tpu.memory_space<hbm>> -> memref<1x1x64xf32, #tpu.memory_space<hbm>>
      %dma_wait3A_1550 = tpu.memref_squeeze %dma_wait3A_1549 : memref<1x1x64xf32, #tpu.memory_space<hbm>> -> memref<64xf32, #tpu.memory_space<hbm>>
      tpu.wait_dma2 semaphore(%arg14 : memref<!tpu.dma_semaphore, #tpu.memory_space<semaphore_mem>>) src(%dma_wait3A_1550 : memref<64xf32, #tpu.memory_space<hbm>>) dst(%dma_wait3A_1547 : memref<64xf32, #tpu.memory_space<vmem>>)
      %dma_wait3A_1551 = arith.constant 16 : i32
      %dma_wait3A_1552 = arith.constant 0 : i32
      %dma_wait3A_1553 = tpu.memref_slice %arg9[%dma_wait3A_1551, %dma_wait3A_1552] : memref<32x64xf32, #tpu.memory_space<vmem>> -> memref<1x64xf32, #tpu.memory_space<vmem>>
      %dma_wait3A_1554 = tpu.memref_squeeze %dma_wait3A_1553 : memref<1x64xf32, #tpu.memory_space<vmem>> -> memref<64xf32, #tpu.memory_space<vmem>>
      %dma_wait3A_1555 = arith.constant 0 : i32
      %dma_wait3A_1556 = tpu.memref_slice %arg4[%squeeze3A_593, %squeeze3A_597, %dma_wait3A_1555] : memref<125000x8x64xf32, #tpu.memory_space<hbm>> -> memref<1x1x64xf32, #tpu.memory_space<hbm>>
      %dma_wait3A_1557 = tpu.memref_squeeze %dma_wait3A_1556 : memref<1x1x64xf32, #tpu.memory_space<hbm>> -> memref<64xf32, #tpu.memory_space<hbm>>
      %dma_wait3A_1558 = arith.constant 0 : i32
      %dma_wait3A_1559 = tpu.memref_slice %arg9[%dma_wait3A_1551, %dma_wait3A_1558] : memref<32x64xf32, #tpu.memory_space<vmem>> -> memref<1x64xf32, #tpu.memory_space<vmem>>
      %dma_wait3A_1560 = tpu.memref_squeeze %dma_wait3A_1559 : memref<1x64xf32, #tpu.memory_space<vmem>> -> memref<64xf32, #tpu.memory_space<vmem>>
      %dma_wait3A_1561 = arith.constant 0 : i32
      %dma_wait3A_1562 = tpu.memref_slice %arg4[%squeeze3A_593, %squeeze3A_597, %dma_wait3A_1561] : memref<125000x8x64xf32, #tpu.memory_space<hbm>> -> memref<1x1x64xf32, #tpu.memory_space<hbm>>
      %dma_wait3A_1563 = tpu.memref_squeeze %dma_wait3A_1562 : memref<1x1x64xf32, #tpu.memory_space<hbm>> -> memref<64xf32, #tpu.memory_space<hbm>>
      tpu.wait_dma2 semaphore(%arg13 : memref<!tpu.dma_semaphore, #tpu.memory_space<semaphore_mem>>) src(%dma_wait3A_1563 : memref<64xf32, #tpu.memory_space<hbm>>) dst(%dma_wait3A_1560 : memref<64xf32, #tpu.memory_space<vmem>>)
      %dma_wait3A_1564 = arith.constant 16 : i32
      %dma_wait3A_1565 = arith.constant 0 : i32
      %dma_wait3A_1566 = tpu.memref_slice %arg10[%dma_wait3A_1564, %dma_wait3A_1565] : memref<32x64xf32, #tpu.memory_space<vmem>> -> memref<1x64xf32, #tpu.memory_space<vmem>>
      %dma_wait3A_1567 = tpu.memref_squeeze %dma_wait3A_1566 : memref<1x64xf32, #tpu.memory_space<vmem>> -> memref<64xf32, #tpu.memory_space<vmem>>
      %dma_wait3A_1568 = arith.constant 0 : i32
      %dma_wait3A_1569 = tpu.memref_slice %arg5[%squeeze3A_595, %squeeze3A_599, %dma_wait3A_1568] : memref<125000x8x64xf32, #tpu.memory_space<hbm>> -> memref<1x1x64xf32, #tpu.memory_space<hbm>>
      %dma_wait3A_1570 = tpu.memref_squeeze %dma_wait3A_1569 : memref<1x1x64xf32, #tpu.memory_space<hbm>> -> memref<64xf32, #tpu.memory_space<hbm>>
      %dma_wait3A_1571 = arith.constant 0 : i32
      %dma_wait3A_1572 = tpu.memref_slice %arg10[%dma_wait3A_1564, %dma_wait3A_1571] : memref<32x64xf32, #tpu.memory_space<vmem>> -> memref<1x64xf32, #tpu.memory_space<vmem>>
      %dma_wait3A_1573 = tpu.memref_squeeze %dma_wait3A_1572 : memref<1x64xf32, #tpu.memory_space<vmem>> -> memref<64xf32, #tpu.memory_space<vmem>>
      %dma_wait3A_1574 = arith.constant 0 : i32
      %dma_wait3A_1575 = tpu.memref_slice %arg5[%squeeze3A_595, %squeeze3A_599, %dma_wait3A_1574] : memref<125000x8x64xf32, #tpu.memory_space<hbm>> -> memref<1x1x64xf32, #tpu.memory_space<hbm>>
      %dma_wait3A_1576 = tpu.memref_squeeze %dma_wait3A_1575 : memref<1x1x64xf32, #tpu.memory_space<hbm>> -> memref<64xf32, #tpu.memory_space<hbm>>
      tpu.wait_dma2 semaphore(%arg14 : memref<!tpu.dma_semaphore, #tpu.memory_space<semaphore_mem>>) src(%dma_wait3A_1576 : memref<64xf32, #tpu.memory_space<hbm>>) dst(%dma_wait3A_1573 : memref<64xf32, #tpu.memory_space<vmem>>)
      %dma_wait3A_1577 = arith.constant 17 : i32
      %dma_wait3A_1578 = arith.constant 0 : i32
      %dma_wait3A_1579 = tpu.memref_slice %arg9[%dma_wait3A_1577, %dma_wait3A_1578] : memref<32x64xf32, #tpu.memory_space<vmem>> -> memref<1x64xf32, #tpu.memory_space<vmem>>
      %dma_wait3A_1580 = tpu.memref_squeeze %dma_wait3A_1579 : memref<1x64xf32, #tpu.memory_space<vmem>> -> memref<64xf32, #tpu.memory_space<vmem>>
      %dma_wait3A_1581 = arith.constant 0 : i32
      %dma_wait3A_1582 = tpu.memref_slice %arg4[%squeeze3A_627, %squeeze3A_631, %dma_wait3A_1581] : memref<125000x8x64xf32, #tpu.memory_space<hbm>> -> memref<1x1x64xf32, #tpu.memory_space<hbm>>
      %dma_wait3A_1583 = tpu.memref_squeeze %dma_wait3A_1582 : memref<1x1x64xf32, #tpu.memory_space<hbm>> -> memref<64xf32, #tpu.memory_space<hbm>>
      %dma_wait3A_1584 = arith.constant 0 : i32
      %dma_wait3A_1585 = tpu.memref_slice %arg9[%dma_wait3A_1577, %dma_wait3A_1584] : memref<32x64xf32, #tpu.memory_space<vmem>> -> memref<1x64xf32, #tpu.memory_space<vmem>>
      %dma_wait3A_1586 = tpu.memref_squeeze %dma_wait3A_1585 : memref<1x64xf32, #tpu.memory_space<vmem>> -> memref<64xf32, #tpu.memory_space<vmem>>
      %dma_wait3A_1587 = arith.constant 0 : i32
      %dma_wait3A_1588 = tpu.memref_slice %arg4[%squeeze3A_627, %squeeze3A_631, %dma_wait3A_1587] : memref<125000x8x64xf32, #tpu.memory_space<hbm>> -> memref<1x1x64xf32, #tpu.memory_space<hbm>>
      %dma_wait3A_1589 = tpu.memref_squeeze %dma_wait3A_1588 : memref<1x1x64xf32, #tpu.memory_space<hbm>> -> memref<64xf32, #tpu.memory_space<hbm>>
      tpu.wait_dma2 semaphore(%arg13 : memref<!tpu.dma_semaphore, #tpu.memory_space<semaphore_mem>>) src(%dma_wait3A_1589 : memref<64xf32, #tpu.memory_space<hbm>>) dst(%dma_wait3A_1586 : memref<64xf32, #tpu.memory_space<vmem>>)
      %dma_wait3A_1590 = arith.constant 17 : i32
      %dma_wait3A_1591 = arith.constant 0 : i32
      %dma_wait3A_1592 = tpu.memref_slice %arg10[%dma_wait3A_1590, %dma_wait3A_1591] : memref<32x64xf32, #tpu.memory_space<vmem>> -> memref<1x64xf32, #tpu.memory_space<vmem>>
      %dma_wait3A_1593 = tpu.memref_squeeze %dma_wait3A_1592 : memref<1x64xf32, #tpu.memory_space<vmem>> -> memref<64xf32, #tpu.memory_space<vmem>>
      %dma_wait3A_1594 = arith.constant 0 : i32
      %dma_wait3A_1595 = tpu.memref_slice %arg5[%squeeze3A_629, %squeeze3A_633, %dma_wait3A_1594] : memref<125000x8x64xf32, #tpu.memory_space<hbm>> -> memref<1x1x64xf32, #tpu.memory_space<hbm>>
      %dma_wait3A_1596 = tpu.memref_squeeze %dma_wait3A_1595 : memref<1x1x64xf32, #tpu.memory_space<hbm>> -> memref<64xf32, #tpu.memory_space<hbm>>
      %dma_wait3A_1597 = arith.constant 0 : i32
      %dma_wait3A_1598 = tpu.memref_slice %arg10[%dma_wait3A_1590, %dma_wait3A_1597] : memref<32x64xf32, #tpu.memory_space<vmem>> -> memref<1x64xf32, #tpu.memory_space<vmem>>
      %dma_wait3A_1599 = tpu.memref_squeeze %dma_wait3A_1598 : memref<1x64xf32, #tpu.memory_space<vmem>> -> memref<64xf32, #tpu.memory_space<vmem>>
      %dma_wait3A_1600 = arith.constant 0 : i32
      %dma_wait3A_1601 = tpu.memref_slice %arg5[%squeeze3A_629, %squeeze3A_633, %dma_wait3A_1600] : memref<125000x8x64xf32, #tpu.memory_space<hbm>> -> memref<1x1x64xf32, #tpu.memory_space<hbm>>
      %dma_wait3A_1602 = tpu.memref_squeeze %dma_wait3A_1601 : memref<1x1x64xf32, #tpu.memory_space<hbm>> -> memref<64xf32, #tpu.memory_space<hbm>>
      tpu.wait_dma2 semaphore(%arg14 : memref<!tpu.dma_semaphore, #tpu.memory_space<semaphore_mem>>) src(%dma_wait3A_1602 : memref<64xf32, #tpu.memory_space<hbm>>) dst(%dma_wait3A_1599 : memref<64xf32, #tpu.memory_space<vmem>>)
      %dma_wait3A_1603 = arith.constant 18 : i32
      %dma_wait3A_1604 = arith.constant 0 : i32
      %dma_wait3A_1605 = tpu.memref_slice %arg9[%dma_wait3A_1603, %dma_wait3A_1604] : memref<32x64xf32, #tpu.memory_space<vmem>> -> memref<1x64xf32, #tpu.memory_space<vmem>>
      %dma_wait3A_1606 = tpu.memref_squeeze %dma_wait3A_1605 : memref<1x64xf32, #tpu.memory_space<vmem>> -> memref<64xf32, #tpu.memory_space<vmem>>
      %dma_wait3A_1607 = arith.constant 0 : i32
      %dma_wait3A_1608 = tpu.memref_slice %arg4[%squeeze3A_661, %squeeze3A_665, %dma_wait3A_1607] : memref<125000x8x64xf32, #tpu.memory_space<hbm>> -> memref<1x1x64xf32, #tpu.memory_space<hbm>>
      %dma_wait3A_1609 = tpu.memref_squeeze %dma_wait3A_1608 : memref<1x1x64xf32, #tpu.memory_space<hbm>> -> memref<64xf32, #tpu.memory_space<hbm>>
      %dma_wait3A_1610 = arith.constant 0 : i32
      %dma_wait3A_1611 = tpu.memref_slice %arg9[%dma_wait3A_1603, %dma_wait3A_1610] : memref<32x64xf32, #tpu.memory_space<vmem>> -> memref<1x64xf32, #tpu.memory_space<vmem>>
      %dma_wait3A_1612 = tpu.memref_squeeze %dma_wait3A_1611 : memref<1x64xf32, #tpu.memory_space<vmem>> -> memref<64xf32, #tpu.memory_space<vmem>>
      %dma_wait3A_1613 = arith.constant 0 : i32
      %dma_wait3A_1614 = tpu.memref_slice %arg4[%squeeze3A_661, %squeeze3A_665, %dma_wait3A_1613] : memref<125000x8x64xf32, #tpu.memory_space<hbm>> -> memref<1x1x64xf32, #tpu.memory_space<hbm>>
      %dma_wait3A_1615 = tpu.memref_squeeze %dma_wait3A_1614 : memref<1x1x64xf32, #tpu.memory_space<hbm>> -> memref<64xf32, #tpu.memory_space<hbm>>
      tpu.wait_dma2 semaphore(%arg13 : memref<!tpu.dma_semaphore, #tpu.memory_space<semaphore_mem>>) src(%dma_wait3A_1615 : memref<64xf32, #tpu.memory_space<hbm>>) dst(%dma_wait3A_1612 : memref<64xf32, #tpu.memory_space<vmem>>)
      %dma_wait3A_1616 = arith.constant 18 : i32
      %dma_wait3A_1617 = arith.constant 0 : i32
      %dma_wait3A_1618 = tpu.memref_slice %arg10[%dma_wait3A_1616, %dma_wait3A_1617] : memref<32x64xf32, #tpu.memory_space<vmem>> -> memref<1x64xf32, #tpu.memory_space<vmem>>
      %dma_wait3A_1619 = tpu.memref_squeeze %dma_wait3A_1618 : memref<1x64xf32, #tpu.memory_space<vmem>> -> memref<64xf32, #tpu.memory_space<vmem>>
      %dma_wait3A_1620 = arith.constant 0 : i32
      %dma_wait3A_1621 = tpu.memref_slice %arg5[%squeeze3A_663, %squeeze3A_667, %dma_wait3A_1620] : memref<125000x8x64xf32, #tpu.memory_space<hbm>> -> memref<1x1x64xf32, #tpu.memory_space<hbm>>
      %dma_wait3A_1622 = tpu.memref_squeeze %dma_wait3A_1621 : memref<1x1x64xf32, #tpu.memory_space<hbm>> -> memref<64xf32, #tpu.memory_space<hbm>>
      %dma_wait3A_1623 = arith.constant 0 : i32
      %dma_wait3A_1624 = tpu.memref_slice %arg10[%dma_wait3A_1616, %dma_wait3A_1623] : memref<32x64xf32, #tpu.memory_space<vmem>> -> memref<1x64xf32, #tpu.memory_space<vmem>>
      %dma_wait3A_1625 = tpu.memref_squeeze %dma_wait3A_1624 : memref<1x64xf32, #tpu.memory_space<vmem>> -> memref<64xf32, #tpu.memory_space<vmem>>
      %dma_wait3A_1626 = arith.constant 0 : i32
      %dma_wait3A_1627 = tpu.memref_slice %arg5[%squeeze3A_663, %squeeze3A_667, %dma_wait3A_1626] : memref<125000x8x64xf32, #tpu.memory_space<hbm>> -> memref<1x1x64xf32, #tpu.memory_space<hbm>>
      %dma_wait3A_1628 = tpu.memref_squeeze %dma_wait3A_1627 : memref<1x1x64xf32, #tpu.memory_space<hbm>> -> memref<64xf32, #tpu.memory_space<hbm>>
      tpu.wait_dma2 semaphore(%arg14 : memref<!tpu.dma_semaphore, #tpu.memory_space<semaphore_mem>>) src(%dma_wait3A_1628 : memref<64xf32, #tpu.memory_space<hbm>>) dst(%dma_wait3A_1625 : memref<64xf32, #tpu.memory_space<vmem>>)
      %dma_wait3A_1629 = arith.constant 19 : i32
      %dma_wait3A_1630 = arith.constant 0 : i32
      %dma_wait3A_1631 = tpu.memref_slice %arg9[%dma_wait3A_1629, %dma_wait3A_1630] : memref<32x64xf32, #tpu.memory_space<vmem>> -> memref<1x64xf32, #tpu.memory_space<vmem>>
      %dma_wait3A_1632 = tpu.memref_squeeze %dma_wait3A_1631 : memref<1x64xf32, #tpu.memory_space<vmem>> -> memref<64xf32, #tpu.memory_space<vmem>>
      %dma_wait3A_1633 = arith.constant 0 : i32
      %dma_wait3A_1634 = tpu.memref_slice %arg4[%squeeze3A_695, %squeeze3A_699, %dma_wait3A_1633] : memref<125000x8x64xf32, #tpu.memory_space<hbm>> -> memref<1x1x64xf32, #tpu.memory_space<hbm>>
      %dma_wait3A_1635 = tpu.memref_squeeze %dma_wait3A_1634 : memref<1x1x64xf32, #tpu.memory_space<hbm>> -> memref<64xf32, #tpu.memory_space<hbm>>
      %dma_wait3A_1636 = arith.constant 0 : i32
      %dma_wait3A_1637 = tpu.memref_slice %arg9[%dma_wait3A_1629, %dma_wait3A_1636] : memref<32x64xf32, #tpu.memory_space<vmem>> -> memref<1x64xf32, #tpu.memory_space<vmem>>
      %dma_wait3A_1638 = tpu.memref_squeeze %dma_wait3A_1637 : memref<1x64xf32, #tpu.memory_space<vmem>> -> memref<64xf32, #tpu.memory_space<vmem>>
      %dma_wait3A_1639 = arith.constant 0 : i32
      %dma_wait3A_1640 = tpu.memref_slice %arg4[%squeeze3A_695, %squeeze3A_699, %dma_wait3A_1639] : memref<125000x8x64xf32, #tpu.memory_space<hbm>> -> memref<1x1x64xf32, #tpu.memory_space<hbm>>
      %dma_wait3A_1641 = tpu.memref_squeeze %dma_wait3A_1640 : memref<1x1x64xf32, #tpu.memory_space<hbm>> -> memref<64xf32, #tpu.memory_space<hbm>>
      tpu.wait_dma2 semaphore(%arg13 : memref<!tpu.dma_semaphore, #tpu.memory_space<semaphore_mem>>) src(%dma_wait3A_1641 : memref<64xf32, #tpu.memory_space<hbm>>) dst(%dma_wait3A_1638 : memref<64xf32, #tpu.memory_space<vmem>>)
      %dma_wait3A_1642 = arith.constant 19 : i32
      %dma_wait3A_1643 = arith.constant 0 : i32
      %dma_wait3A_1644 = tpu.memref_slice %arg10[%dma_wait3A_1642, %dma_wait3A_1643] : memref<32x64xf32, #tpu.memory_space<vmem>> -> memref<1x64xf32, #tpu.memory_space<vmem>>
      %dma_wait3A_1645 = tpu.memref_squeeze %dma_wait3A_1644 : memref<1x64xf32, #tpu.memory_space<vmem>> -> memref<64xf32, #tpu.memory_space<vmem>>
      %dma_wait3A_1646 = arith.constant 0 : i32
      %dma_wait3A_1647 = tpu.memref_slice %arg5[%squeeze3A_697, %squeeze3A_701, %dma_wait3A_1646] : memref<125000x8x64xf32, #tpu.memory_space<hbm>> -> memref<1x1x64xf32, #tpu.memory_space<hbm>>
      %dma_wait3A_1648 = tpu.memref_squeeze %dma_wait3A_1647 : memref<1x1x64xf32, #tpu.memory_space<hbm>> -> memref<64xf32, #tpu.memory_space<hbm>>
      %dma_wait3A_1649 = arith.constant 0 : i32
      %dma_wait3A_1650 = tpu.memref_slice %arg10[%dma_wait3A_1642, %dma_wait3A_1649] : memref<32x64xf32, #tpu.memory_space<vmem>> -> memref<1x64xf32, #tpu.memory_space<vmem>>
      %dma_wait3A_1651 = tpu.memref_squeeze %dma_wait3A_1650 : memref<1x64xf32, #tpu.memory_space<vmem>> -> memref<64xf32, #tpu.memory_space<vmem>>
      %dma_wait3A_1652 = arith.constant 0 : i32
      %dma_wait3A_1653 = tpu.memref_slice %arg5[%squeeze3A_697, %squeeze3A_701, %dma_wait3A_1652] : memref<125000x8x64xf32, #tpu.memory_space<hbm>> -> memref<1x1x64xf32, #tpu.memory_space<hbm>>
      %dma_wait3A_1654 = tpu.memref_squeeze %dma_wait3A_1653 : memref<1x1x64xf32, #tpu.memory_space<hbm>> -> memref<64xf32, #tpu.memory_space<hbm>>
      tpu.wait_dma2 semaphore(%arg14 : memref<!tpu.dma_semaphore, #tpu.memory_space<semaphore_mem>>) src(%dma_wait3A_1654 : memref<64xf32, #tpu.memory_space<hbm>>) dst(%dma_wait3A_1651 : memref<64xf32, #tpu.memory_space<vmem>>)
      %dma_wait3A_1655 = arith.constant 20 : i32
      %dma_wait3A_1656 = arith.constant 0 : i32
      %dma_wait3A_1657 = tpu.memref_slice %arg9[%dma_wait3A_1655, %dma_wait3A_1656] : memref<32x64xf32, #tpu.memory_space<vmem>> -> memref<1x64xf32, #tpu.memory_space<vmem>>
      %dma_wait3A_1658 = tpu.memref_squeeze %dma_wait3A_1657 : memref<1x64xf32, #tpu.memory_space<vmem>> -> memref<64xf32, #tpu.memory_space<vmem>>
      %dma_wait3A_1659 = arith.constant 0 : i32
      %dma_wait3A_1660 = tpu.memref_slice %arg4[%squeeze3A_729, %squeeze3A_733, %dma_wait3A_1659] : memref<125000x8x64xf32, #tpu.memory_space<hbm>> -> memref<1x1x64xf32, #tpu.memory_space<hbm>>
      %dma_wait3A_1661 = tpu.memref_squeeze %dma_wait3A_1660 : memref<1x1x64xf32, #tpu.memory_space<hbm>> -> memref<64xf32, #tpu.memory_space<hbm>>
      %dma_wait3A_1662 = arith.constant 0 : i32
      %dma_wait3A_1663 = tpu.memref_slice %arg9[%dma_wait3A_1655, %dma_wait3A_1662] : memref<32x64xf32, #tpu.memory_space<vmem>> -> memref<1x64xf32, #tpu.memory_space<vmem>>
      %dma_wait3A_1664 = tpu.memref_squeeze %dma_wait3A_1663 : memref<1x64xf32, #tpu.memory_space<vmem>> -> memref<64xf32, #tpu.memory_space<vmem>>
      %dma_wait3A_1665 = arith.constant 0 : i32
      %dma_wait3A_1666 = tpu.memref_slice %arg4[%squeeze3A_729, %squeeze3A_733, %dma_wait3A_1665] : memref<125000x8x64xf32, #tpu.memory_space<hbm>> -> memref<1x1x64xf32, #tpu.memory_space<hbm>>
      %dma_wait3A_1667 = tpu.memref_squeeze %dma_wait3A_1666 : memref<1x1x64xf32, #tpu.memory_space<hbm>> -> memref<64xf32, #tpu.memory_space<hbm>>
      tpu.wait_dma2 semaphore(%arg13 : memref<!tpu.dma_semaphore, #tpu.memory_space<semaphore_mem>>) src(%dma_wait3A_1667 : memref<64xf32, #tpu.memory_space<hbm>>) dst(%dma_wait3A_1664 : memref<64xf32, #tpu.memory_space<vmem>>)
      %dma_wait3A_1668 = arith.constant 20 : i32
      %dma_wait3A_1669 = arith.constant 0 : i32
      %dma_wait3A_1670 = tpu.memref_slice %arg10[%dma_wait3A_1668, %dma_wait3A_1669] : memref<32x64xf32, #tpu.memory_space<vmem>> -> memref<1x64xf32, #tpu.memory_space<vmem>>
      %dma_wait3A_1671 = tpu.memref_squeeze %dma_wait3A_1670 : memref<1x64xf32, #tpu.memory_space<vmem>> -> memref<64xf32, #tpu.memory_space<vmem>>
      %dma_wait3A_1672 = arith.constant 0 : i32
      %dma_wait3A_1673 = tpu.memref_slice %arg5[%squeeze3A_731, %squeeze3A_735, %dma_wait3A_1672] : memref<125000x8x64xf32, #tpu.memory_space<hbm>> -> memref<1x1x64xf32, #tpu.memory_space<hbm>>
      %dma_wait3A_1674 = tpu.memref_squeeze %dma_wait3A_1673 : memref<1x1x64xf32, #tpu.memory_space<hbm>> -> memref<64xf32, #tpu.memory_space<hbm>>
      %dma_wait3A_1675 = arith.constant 0 : i32
      %dma_wait3A_1676 = tpu.memref_slice %arg10[%dma_wait3A_1668, %dma_wait3A_1675] : memref<32x64xf32, #tpu.memory_space<vmem>> -> memref<1x64xf32, #tpu.memory_space<vmem>>
      %dma_wait3A_1677 = tpu.memref_squeeze %dma_wait3A_1676 : memref<1x64xf32, #tpu.memory_space<vmem>> -> memref<64xf32, #tpu.memory_space<vmem>>
      %dma_wait3A_1678 = arith.constant 0 : i32
      %dma_wait3A_1679 = tpu.memref_slice %arg5[%squeeze3A_731, %squeeze3A_735, %dma_wait3A_1678] : memref<125000x8x64xf32, #tpu.memory_space<hbm>> -> memref<1x1x64xf32, #tpu.memory_space<hbm>>
      %dma_wait3A_1680 = tpu.memref_squeeze %dma_wait3A_1679 : memref<1x1x64xf32, #tpu.memory_space<hbm>> -> memref<64xf32, #tpu.memory_space<hbm>>
      tpu.wait_dma2 semaphore(%arg14 : memref<!tpu.dma_semaphore, #tpu.memory_space<semaphore_mem>>) src(%dma_wait3A_1680 : memref<64xf32, #tpu.memory_space<hbm>>) dst(%dma_wait3A_1677 : memref<64xf32, #tpu.memory_space<vmem>>)
      %dma_wait3A_1681 = arith.constant 21 : i32
      %dma_wait3A_1682 = arith.constant 0 : i32
      %dma_wait3A_1683 = tpu.memref_slice %arg9[%dma_wait3A_1681, %dma_wait3A_1682] : memref<32x64xf32, #tpu.memory_space<vmem>> -> memref<1x64xf32, #tpu.memory_space<vmem>>
      %dma_wait3A_1684 = tpu.memref_squeeze %dma_wait3A_1683 : memref<1x64xf32, #tpu.memory_space<vmem>> -> memref<64xf32, #tpu.memory_space<vmem>>
      %dma_wait3A_1685 = arith.constant 0 : i32
      %dma_wait3A_1686 = tpu.memref_slice %arg4[%squeeze3A_763, %squeeze3A_767, %dma_wait3A_1685] : memref<125000x8x64xf32, #tpu.memory_space<hbm>> -> memref<1x1x64xf32, #tpu.memory_space<hbm>>
      %dma_wait3A_1687 = tpu.memref_squeeze %dma_wait3A_1686 : memref<1x1x64xf32, #tpu.memory_space<hbm>> -> memref<64xf32, #tpu.memory_space<hbm>>
      %dma_wait3A_1688 = arith.constant 0 : i32
      %dma_wait3A_1689 = tpu.memref_slice %arg9[%dma_wait3A_1681, %dma_wait3A_1688] : memref<32x64xf32, #tpu.memory_space<vmem>> -> memref<1x64xf32, #tpu.memory_space<vmem>>
      %dma_wait3A_1690 = tpu.memref_squeeze %dma_wait3A_1689 : memref<1x64xf32, #tpu.memory_space<vmem>> -> memref<64xf32, #tpu.memory_space<vmem>>
      %dma_wait3A_1691 = arith.constant 0 : i32
      %dma_wait3A_1692 = tpu.memref_slice %arg4[%squeeze3A_763, %squeeze3A_767, %dma_wait3A_1691] : memref<125000x8x64xf32, #tpu.memory_space<hbm>> -> memref<1x1x64xf32, #tpu.memory_space<hbm>>
      %dma_wait3A_1693 = tpu.memref_squeeze %dma_wait3A_1692 : memref<1x1x64xf32, #tpu.memory_space<hbm>> -> memref<64xf32, #tpu.memory_space<hbm>>
      tpu.wait_dma2 semaphore(%arg13 : memref<!tpu.dma_semaphore, #tpu.memory_space<semaphore_mem>>) src(%dma_wait3A_1693 : memref<64xf32, #tpu.memory_space<hbm>>) dst(%dma_wait3A_1690 : memref<64xf32, #tpu.memory_space<vmem>>)
      %dma_wait3A_1694 = arith.constant 21 : i32
      %dma_wait3A_1695 = arith.constant 0 : i32
      %dma_wait3A_1696 = tpu.memref_slice %arg10[%dma_wait3A_1694, %dma_wait3A_1695] : memref<32x64xf32, #tpu.memory_space<vmem>> -> memref<1x64xf32, #tpu.memory_space<vmem>>
      %dma_wait3A_1697 = tpu.memref_squeeze %dma_wait3A_1696 : memref<1x64xf32, #tpu.memory_space<vmem>> -> memref<64xf32, #tpu.memory_space<vmem>>
      %dma_wait3A_1698 = arith.constant 0 : i32
      %dma_wait3A_1699 = tpu.memref_slice %arg5[%squeeze3A_765, %squeeze3A_769, %dma_wait3A_1698] : memref<125000x8x64xf32, #tpu.memory_space<hbm>> -> memref<1x1x64xf32, #tpu.memory_space<hbm>>
      %dma_wait3A_1700 = tpu.memref_squeeze %dma_wait3A_1699 : memref<1x1x64xf32, #tpu.memory_space<hbm>> -> memref<64xf32, #tpu.memory_space<hbm>>
      %dma_wait3A_1701 = arith.constant 0 : i32
      %dma_wait3A_1702 = tpu.memref_slice %arg10[%dma_wait3A_1694, %dma_wait3A_1701] : memref<32x64xf32, #tpu.memory_space<vmem>> -> memref<1x64xf32, #tpu.memory_space<vmem>>
      %dma_wait3A_1703 = tpu.memref_squeeze %dma_wait3A_1702 : memref<1x64xf32, #tpu.memory_space<vmem>> -> memref<64xf32, #tpu.memory_space<vmem>>
      %dma_wait3A_1704 = arith.constant 0 : i32
      %dma_wait3A_1705 = tpu.memref_slice %arg5[%squeeze3A_765, %squeeze3A_769, %dma_wait3A_1704] : memref<125000x8x64xf32, #tpu.memory_space<hbm>> -> memref<1x1x64xf32, #tpu.memory_space<hbm>>
      %dma_wait3A_1706 = tpu.memref_squeeze %dma_wait3A_1705 : memref<1x1x64xf32, #tpu.memory_space<hbm>> -> memref<64xf32, #tpu.memory_space<hbm>>
      tpu.wait_dma2 semaphore(%arg14 : memref<!tpu.dma_semaphore, #tpu.memory_space<semaphore_mem>>) src(%dma_wait3A_1706 : memref<64xf32, #tpu.memory_space<hbm>>) dst(%dma_wait3A_1703 : memref<64xf32, #tpu.memory_space<vmem>>)
      %dma_wait3A_1707 = arith.constant 22 : i32
      %dma_wait3A_1708 = arith.constant 0 : i32
      %dma_wait3A_1709 = tpu.memref_slice %arg9[%dma_wait3A_1707, %dma_wait3A_1708] : memref<32x64xf32, #tpu.memory_space<vmem>> -> memref<1x64xf32, #tpu.memory_space<vmem>>
      %dma_wait3A_1710 = tpu.memref_squeeze %dma_wait3A_1709 : memref<1x64xf32, #tpu.memory_space<vmem>> -> memref<64xf32, #tpu.memory_space<vmem>>
      %dma_wait3A_1711 = arith.constant 0 : i32
      %dma_wait3A_1712 = tpu.memref_slice %arg4[%squeeze3A_797, %squeeze3A_801, %dma_wait3A_1711] : memref<125000x8x64xf32, #tpu.memory_space<hbm>> -> memref<1x1x64xf32, #tpu.memory_space<hbm>>
      %dma_wait3A_1713 = tpu.memref_squeeze %dma_wait3A_1712 : memref<1x1x64xf32, #tpu.memory_space<hbm>> -> memref<64xf32, #tpu.memory_space<hbm>>
      %dma_wait3A_1714 = arith.constant 0 : i32
      %dma_wait3A_1715 = tpu.memref_slice %arg9[%dma_wait3A_1707, %dma_wait3A_1714] : memref<32x64xf32, #tpu.memory_space<vmem>> -> memref<1x64xf32, #tpu.memory_space<vmem>>
      %dma_wait3A_1716 = tpu.memref_squeeze %dma_wait3A_1715 : memref<1x64xf32, #tpu.memory_space<vmem>> -> memref<64xf32, #tpu.memory_space<vmem>>
      %dma_wait3A_1717 = arith.constant 0 : i32
      %dma_wait3A_1718 = tpu.memref_slice %arg4[%squeeze3A_797, %squeeze3A_801, %dma_wait3A_1717] : memref<125000x8x64xf32, #tpu.memory_space<hbm>> -> memref<1x1x64xf32, #tpu.memory_space<hbm>>
      %dma_wait3A_1719 = tpu.memref_squeeze %dma_wait3A_1718 : memref<1x1x64xf32, #tpu.memory_space<hbm>> -> memref<64xf32, #tpu.memory_space<hbm>>
      tpu.wait_dma2 semaphore(%arg13 : memref<!tpu.dma_semaphore, #tpu.memory_space<semaphore_mem>>) src(%dma_wait3A_1719 : memref<64xf32, #tpu.memory_space<hbm>>) dst(%dma_wait3A_1716 : memref<64xf32, #tpu.memory_space<vmem>>)
      %dma_wait3A_1720 = arith.constant 22 : i32
      %dma_wait3A_1721 = arith.constant 0 : i32
      %dma_wait3A_1722 = tpu.memref_slice %arg10[%dma_wait3A_1720, %dma_wait3A_1721] : memref<32x64xf32, #tpu.memory_space<vmem>> -> memref<1x64xf32, #tpu.memory_space<vmem>>
      %dma_wait3A_1723 = tpu.memref_squeeze %dma_wait3A_1722 : memref<1x64xf32, #tpu.memory_space<vmem>> -> memref<64xf32, #tpu.memory_space<vmem>>
      %dma_wait3A_1724 = arith.constant 0 : i32
      %dma_wait3A_1725 = tpu.memref_slice %arg5[%squeeze3A_799, %squeeze3A_803, %dma_wait3A_1724] : memref<125000x8x64xf32, #tpu.memory_space<hbm>> -> memref<1x1x64xf32, #tpu.memory_space<hbm>>
      %dma_wait3A_1726 = tpu.memref_squeeze %dma_wait3A_1725 : memref<1x1x64xf32, #tpu.memory_space<hbm>> -> memref<64xf32, #tpu.memory_space<hbm>>
      %dma_wait3A_1727 = arith.constant 0 : i32
      %dma_wait3A_1728 = tpu.memref_slice %arg10[%dma_wait3A_1720, %dma_wait3A_1727] : memref<32x64xf32, #tpu.memory_space<vmem>> -> memref<1x64xf32, #tpu.memory_space<vmem>>
      %dma_wait3A_1729 = tpu.memref_squeeze %dma_wait3A_1728 : memref<1x64xf32, #tpu.memory_space<vmem>> -> memref<64xf32, #tpu.memory_space<vmem>>
      %dma_wait3A_1730 = arith.constant 0 : i32
      %dma_wait3A_1731 = tpu.memref_slice %arg5[%squeeze3A_799, %squeeze3A_803, %dma_wait3A_1730] : memref<125000x8x64xf32, #tpu.memory_space<hbm>> -> memref<1x1x64xf32, #tpu.memory_space<hbm>>
      %dma_wait3A_1732 = tpu.memref_squeeze %dma_wait3A_1731 : memref<1x1x64xf32, #tpu.memory_space<hbm>> -> memref<64xf32, #tpu.memory_space<hbm>>
      tpu.wait_dma2 semaphore(%arg14 : memref<!tpu.dma_semaphore, #tpu.memory_space<semaphore_mem>>) src(%dma_wait3A_1732 : memref<64xf32, #tpu.memory_space<hbm>>) dst(%dma_wait3A_1729 : memref<64xf32, #tpu.memory_space<vmem>>)
      %dma_wait3A_1733 = arith.constant 23 : i32
      %dma_wait3A_1734 = arith.constant 0 : i32
      %dma_wait3A_1735 = tpu.memref_slice %arg9[%dma_wait3A_1733, %dma_wait3A_1734] : memref<32x64xf32, #tpu.memory_space<vmem>> -> memref<1x64xf32, #tpu.memory_space<vmem>>
      %dma_wait3A_1736 = tpu.memref_squeeze %dma_wait3A_1735 : memref<1x64xf32, #tpu.memory_space<vmem>> -> memref<64xf32, #tpu.memory_space<vmem>>
      %dma_wait3A_1737 = arith.constant 0 : i32
      %dma_wait3A_1738 = tpu.memref_slice %arg4[%squeeze3A_831, %squeeze3A_835, %dma_wait3A_1737] : memref<125000x8x64xf32, #tpu.memory_space<hbm>> -> memref<1x1x64xf32, #tpu.memory_space<hbm>>
      %dma_wait3A_1739 = tpu.memref_squeeze %dma_wait3A_1738 : memref<1x1x64xf32, #tpu.memory_space<hbm>> -> memref<64xf32, #tpu.memory_space<hbm>>
      %dma_wait3A_1740 = arith.constant 0 : i32
      %dma_wait3A_1741 = tpu.memref_slice %arg9[%dma_wait3A_1733, %dma_wait3A_1740] : memref<32x64xf32, #tpu.memory_space<vmem>> -> memref<1x64xf32, #tpu.memory_space<vmem>>
      %dma_wait3A_1742 = tpu.memref_squeeze %dma_wait3A_1741 : memref<1x64xf32, #tpu.memory_space<vmem>> -> memref<64xf32, #tpu.memory_space<vmem>>
      %dma_wait3A_1743 = arith.constant 0 : i32
      %dma_wait3A_1744 = tpu.memref_slice %arg4[%squeeze3A_831, %squeeze3A_835, %dma_wait3A_1743] : memref<125000x8x64xf32, #tpu.memory_space<hbm>> -> memref<1x1x64xf32, #tpu.memory_space<hbm>>
      %dma_wait3A_1745 = tpu.memref_squeeze %dma_wait3A_1744 : memref<1x1x64xf32, #tpu.memory_space<hbm>> -> memref<64xf32, #tpu.memory_space<hbm>>
      tpu.wait_dma2 semaphore(%arg13 : memref<!tpu.dma_semaphore, #tpu.memory_space<semaphore_mem>>) src(%dma_wait3A_1745 : memref<64xf32, #tpu.memory_space<hbm>>) dst(%dma_wait3A_1742 : memref<64xf32, #tpu.memory_space<vmem>>)
      %dma_wait3A_1746 = arith.constant 23 : i32
      %dma_wait3A_1747 = arith.constant 0 : i32
      %dma_wait3A_1748 = tpu.memref_slice %arg10[%dma_wait3A_1746, %dma_wait3A_1747] : memref<32x64xf32, #tpu.memory_space<vmem>> -> memref<1x64xf32, #tpu.memory_space<vmem>>
      %dma_wait3A_1749 = tpu.memref_squeeze %dma_wait3A_1748 : memref<1x64xf32, #tpu.memory_space<vmem>> -> memref<64xf32, #tpu.memory_space<vmem>>
      %dma_wait3A_1750 = arith.constant 0 : i32
      %dma_wait3A_1751 = tpu.memref_slice %arg5[%squeeze3A_833, %squeeze3A_837, %dma_wait3A_1750] : memref<125000x8x64xf32, #tpu.memory_space<hbm>> -> memref<1x1x64xf32, #tpu.memory_space<hbm>>
      %dma_wait3A_1752 = tpu.memref_squeeze %dma_wait3A_1751 : memref<1x1x64xf32, #tpu.memory_space<hbm>> -> memref<64xf32, #tpu.memory_space<hbm>>
      %dma_wait3A_1753 = arith.constant 0 : i32
      %dma_wait3A_1754 = tpu.memref_slice %arg10[%dma_wait3A_1746, %dma_wait3A_1753] : memref<32x64xf32, #tpu.memory_space<vmem>> -> memref<1x64xf32, #tpu.memory_space<vmem>>
      %dma_wait3A_1755 = tpu.memref_squeeze %dma_wait3A_1754 : memref<1x64xf32, #tpu.memory_space<vmem>> -> memref<64xf32, #tpu.memory_space<vmem>>
      %dma_wait3A_1756 = arith.constant 0 : i32
      %dma_wait3A_1757 = tpu.memref_slice %arg5[%squeeze3A_833, %squeeze3A_837, %dma_wait3A_1756] : memref<125000x8x64xf32, #tpu.memory_space<hbm>> -> memref<1x1x64xf32, #tpu.memory_space<hbm>>
      %dma_wait3A_1758 = tpu.memref_squeeze %dma_wait3A_1757 : memref<1x1x64xf32, #tpu.memory_space<hbm>> -> memref<64xf32, #tpu.memory_space<hbm>>
      tpu.wait_dma2 semaphore(%arg14 : memref<!tpu.dma_semaphore, #tpu.memory_space<semaphore_mem>>) src(%dma_wait3A_1758 : memref<64xf32, #tpu.memory_space<hbm>>) dst(%dma_wait3A_1755 : memref<64xf32, #tpu.memory_space<vmem>>)
      %dma_wait3A_1759 = arith.constant 24 : i32
      %dma_wait3A_1760 = arith.constant 0 : i32
      %dma_wait3A_1761 = tpu.memref_slice %arg9[%dma_wait3A_1759, %dma_wait3A_1760] : memref<32x64xf32, #tpu.memory_space<vmem>> -> memref<1x64xf32, #tpu.memory_space<vmem>>
      %dma_wait3A_1762 = tpu.memref_squeeze %dma_wait3A_1761 : memref<1x64xf32, #tpu.memory_space<vmem>> -> memref<64xf32, #tpu.memory_space<vmem>>
      %dma_wait3A_1763 = arith.constant 0 : i32
      %dma_wait3A_1764 = tpu.memref_slice %arg4[%squeeze3A_865, %squeeze3A_869, %dma_wait3A_1763] : memref<125000x8x64xf32, #tpu.memory_space<hbm>> -> memref<1x1x64xf32, #tpu.memory_space<hbm>>
      %dma_wait3A_1765 = tpu.memref_squeeze %dma_wait3A_1764 : memref<1x1x64xf32, #tpu.memory_space<hbm>> -> memref<64xf32, #tpu.memory_space<hbm>>
      %dma_wait3A_1766 = arith.constant 0 : i32
      %dma_wait3A_1767 = tpu.memref_slice %arg9[%dma_wait3A_1759, %dma_wait3A_1766] : memref<32x64xf32, #tpu.memory_space<vmem>> -> memref<1x64xf32, #tpu.memory_space<vmem>>
      %dma_wait3A_1768 = tpu.memref_squeeze %dma_wait3A_1767 : memref<1x64xf32, #tpu.memory_space<vmem>> -> memref<64xf32, #tpu.memory_space<vmem>>
      %dma_wait3A_1769 = arith.constant 0 : i32
      %dma_wait3A_1770 = tpu.memref_slice %arg4[%squeeze3A_865, %squeeze3A_869, %dma_wait3A_1769] : memref<125000x8x64xf32, #tpu.memory_space<hbm>> -> memref<1x1x64xf32, #tpu.memory_space<hbm>>
      %dma_wait3A_1771 = tpu.memref_squeeze %dma_wait3A_1770 : memref<1x1x64xf32, #tpu.memory_space<hbm>> -> memref<64xf32, #tpu.memory_space<hbm>>
      tpu.wait_dma2 semaphore(%arg13 : memref<!tpu.dma_semaphore, #tpu.memory_space<semaphore_mem>>) src(%dma_wait3A_1771 : memref<64xf32, #tpu.memory_space<hbm>>) dst(%dma_wait3A_1768 : memref<64xf32, #tpu.memory_space<vmem>>)
      %dma_wait3A_1772 = arith.constant 24 : i32
      %dma_wait3A_1773 = arith.constant 0 : i32
      %dma_wait3A_1774 = tpu.memref_slice %arg10[%dma_wait3A_1772, %dma_wait3A_1773] : memref<32x64xf32, #tpu.memory_space<vmem>> -> memref<1x64xf32, #tpu.memory_space<vmem>>
      %dma_wait3A_1775 = tpu.memref_squeeze %dma_wait3A_1774 : memref<1x64xf32, #tpu.memory_space<vmem>> -> memref<64xf32, #tpu.memory_space<vmem>>
      %dma_wait3A_1776 = arith.constant 0 : i32
      %dma_wait3A_1777 = tpu.memref_slice %arg5[%squeeze3A_867, %squeeze3A_871, %dma_wait3A_1776] : memref<125000x8x64xf32, #tpu.memory_space<hbm>> -> memref<1x1x64xf32, #tpu.memory_space<hbm>>
      %dma_wait3A_1778 = tpu.memref_squeeze %dma_wait3A_1777 : memref<1x1x64xf32, #tpu.memory_space<hbm>> -> memref<64xf32, #tpu.memory_space<hbm>>
      %dma_wait3A_1779 = arith.constant 0 : i32
      %dma_wait3A_1780 = tpu.memref_slice %arg10[%dma_wait3A_1772, %dma_wait3A_1779] : memref<32x64xf32, #tpu.memory_space<vmem>> -> memref<1x64xf32, #tpu.memory_space<vmem>>
      %dma_wait3A_1781 = tpu.memref_squeeze %dma_wait3A_1780 : memref<1x64xf32, #tpu.memory_space<vmem>> -> memref<64xf32, #tpu.memory_space<vmem>>
      %dma_wait3A_1782 = arith.constant 0 : i32
      %dma_wait3A_1783 = tpu.memref_slice %arg5[%squeeze3A_867, %squeeze3A_871, %dma_wait3A_1782] : memref<125000x8x64xf32, #tpu.memory_space<hbm>> -> memref<1x1x64xf32, #tpu.memory_space<hbm>>
      %dma_wait3A_1784 = tpu.memref_squeeze %dma_wait3A_1783 : memref<1x1x64xf32, #tpu.memory_space<hbm>> -> memref<64xf32, #tpu.memory_space<hbm>>
      tpu.wait_dma2 semaphore(%arg14 : memref<!tpu.dma_semaphore, #tpu.memory_space<semaphore_mem>>) src(%dma_wait3A_1784 : memref<64xf32, #tpu.memory_space<hbm>>) dst(%dma_wait3A_1781 : memref<64xf32, #tpu.memory_space<vmem>>)
      %dma_wait3A_1785 = arith.constant 25 : i32
      %dma_wait3A_1786 = arith.constant 0 : i32
      %dma_wait3A_1787 = tpu.memref_slice %arg9[%dma_wait3A_1785, %dma_wait3A_1786] : memref<32x64xf32, #tpu.memory_space<vmem>> -> memref<1x64xf32, #tpu.memory_space<vmem>>
      %dma_wait3A_1788 = tpu.memref_squeeze %dma_wait3A_1787 : memref<1x64xf32, #tpu.memory_space<vmem>> -> memref<64xf32, #tpu.memory_space<vmem>>
      %dma_wait3A_1789 = arith.constant 0 : i32
      %dma_wait3A_1790 = tpu.memref_slice %arg4[%squeeze3A_899, %squeeze3A_903, %dma_wait3A_1789] : memref<125000x8x64xf32, #tpu.memory_space<hbm>> -> memref<1x1x64xf32, #tpu.memory_space<hbm>>
      %dma_wait3A_1791 = tpu.memref_squeeze %dma_wait3A_1790 : memref<1x1x64xf32, #tpu.memory_space<hbm>> -> memref<64xf32, #tpu.memory_space<hbm>>
      %dma_wait3A_1792 = arith.constant 0 : i32
      %dma_wait3A_1793 = tpu.memref_slice %arg9[%dma_wait3A_1785, %dma_wait3A_1792] : memref<32x64xf32, #tpu.memory_space<vmem>> -> memref<1x64xf32, #tpu.memory_space<vmem>>
      %dma_wait3A_1794 = tpu.memref_squeeze %dma_wait3A_1793 : memref<1x64xf32, #tpu.memory_space<vmem>> -> memref<64xf32, #tpu.memory_space<vmem>>
      %dma_wait3A_1795 = arith.constant 0 : i32
      %dma_wait3A_1796 = tpu.memref_slice %arg4[%squeeze3A_899, %squeeze3A_903, %dma_wait3A_1795] : memref<125000x8x64xf32, #tpu.memory_space<hbm>> -> memref<1x1x64xf32, #tpu.memory_space<hbm>>
      %dma_wait3A_1797 = tpu.memref_squeeze %dma_wait3A_1796 : memref<1x1x64xf32, #tpu.memory_space<hbm>> -> memref<64xf32, #tpu.memory_space<hbm>>
      tpu.wait_dma2 semaphore(%arg13 : memref<!tpu.dma_semaphore, #tpu.memory_space<semaphore_mem>>) src(%dma_wait3A_1797 : memref<64xf32, #tpu.memory_space<hbm>>) dst(%dma_wait3A_1794 : memref<64xf32, #tpu.memory_space<vmem>>)
      %dma_wait3A_1798 = arith.constant 25 : i32
      %dma_wait3A_1799 = arith.constant 0 : i32
      %dma_wait3A_1800 = tpu.memref_slice %arg10[%dma_wait3A_1798, %dma_wait3A_1799] : memref<32x64xf32, #tpu.memory_space<vmem>> -> memref<1x64xf32, #tpu.memory_space<vmem>>
      %dma_wait3A_1801 = tpu.memref_squeeze %dma_wait3A_1800 : memref<1x64xf32, #tpu.memory_space<vmem>> -> memref<64xf32, #tpu.memory_space<vmem>>
      %dma_wait3A_1802 = arith.constant 0 : i32
      %dma_wait3A_1803 = tpu.memref_slice %arg5[%squeeze3A_901, %squeeze3A_905, %dma_wait3A_1802] : memref<125000x8x64xf32, #tpu.memory_space<hbm>> -> memref<1x1x64xf32, #tpu.memory_space<hbm>>
      %dma_wait3A_1804 = tpu.memref_squeeze %dma_wait3A_1803 : memref<1x1x64xf32, #tpu.memory_space<hbm>> -> memref<64xf32, #tpu.memory_space<hbm>>
      %dma_wait3A_1805 = arith.constant 0 : i32
      %dma_wait3A_1806 = tpu.memref_slice %arg10[%dma_wait3A_1798, %dma_wait3A_1805] : memref<32x64xf32, #tpu.memory_space<vmem>> -> memref<1x64xf32, #tpu.memory_space<vmem>>
      %dma_wait3A_1807 = tpu.memref_squeeze %dma_wait3A_1806 : memref<1x64xf32, #tpu.memory_space<vmem>> -> memref<64xf32, #tpu.memory_space<vmem>>
      %dma_wait3A_1808 = arith.constant 0 : i32
      %dma_wait3A_1809 = tpu.memref_slice %arg5[%squeeze3A_901, %squeeze3A_905, %dma_wait3A_1808] : memref<125000x8x64xf32, #tpu.memory_space<hbm>> -> memref<1x1x64xf32, #tpu.memory_space<hbm>>
      %dma_wait3A_1810 = tpu.memref_squeeze %dma_wait3A_1809 : memref<1x1x64xf32, #tpu.memory_space<hbm>> -> memref<64xf32, #tpu.memory_space<hbm>>
      tpu.wait_dma2 semaphore(%arg14 : memref<!tpu.dma_semaphore, #tpu.memory_space<semaphore_mem>>) src(%dma_wait3A_1810 : memref<64xf32, #tpu.memory_space<hbm>>) dst(%dma_wait3A_1807 : memref<64xf32, #tpu.memory_space<vmem>>)
      %dma_wait3A_1811 = arith.constant 26 : i32
      %dma_wait3A_1812 = arith.constant 0 : i32
      %dma_wait3A_1813 = tpu.memref_slice %arg9[%dma_wait3A_1811, %dma_wait3A_1812] : memref<32x64xf32, #tpu.memory_space<vmem>> -> memref<1x64xf32, #tpu.memory_space<vmem>>
      %dma_wait3A_1814 = tpu.memref_squeeze %dma_wait3A_1813 : memref<1x64xf32, #tpu.memory_space<vmem>> -> memref<64xf32, #tpu.memory_space<vmem>>
      %dma_wait3A_1815 = arith.constant 0 : i32
      %dma_wait3A_1816 = tpu.memref_slice %arg4[%squeeze3A_933, %squeeze3A_937, %dma_wait3A_1815] : memref<125000x8x64xf32, #tpu.memory_space<hbm>> -> memref<1x1x64xf32, #tpu.memory_space<hbm>>
      %dma_wait3A_1817 = tpu.memref_squeeze %dma_wait3A_1816 : memref<1x1x64xf32, #tpu.memory_space<hbm>> -> memref<64xf32, #tpu.memory_space<hbm>>
      %dma_wait3A_1818 = arith.constant 0 : i32
      %dma_wait3A_1819 = tpu.memref_slice %arg9[%dma_wait3A_1811, %dma_wait3A_1818] : memref<32x64xf32, #tpu.memory_space<vmem>> -> memref<1x64xf32, #tpu.memory_space<vmem>>
      %dma_wait3A_1820 = tpu.memref_squeeze %dma_wait3A_1819 : memref<1x64xf32, #tpu.memory_space<vmem>> -> memref<64xf32, #tpu.memory_space<vmem>>
      %dma_wait3A_1821 = arith.constant 0 : i32
      %dma_wait3A_1822 = tpu.memref_slice %arg4[%squeeze3A_933, %squeeze3A_937, %dma_wait3A_1821] : memref<125000x8x64xf32, #tpu.memory_space<hbm>> -> memref<1x1x64xf32, #tpu.memory_space<hbm>>
      %dma_wait3A_1823 = tpu.memref_squeeze %dma_wait3A_1822 : memref<1x1x64xf32, #tpu.memory_space<hbm>> -> memref<64xf32, #tpu.memory_space<hbm>>
      tpu.wait_dma2 semaphore(%arg13 : memref<!tpu.dma_semaphore, #tpu.memory_space<semaphore_mem>>) src(%dma_wait3A_1823 : memref<64xf32, #tpu.memory_space<hbm>>) dst(%dma_wait3A_1820 : memref<64xf32, #tpu.memory_space<vmem>>)
      %dma_wait3A_1824 = arith.constant 26 : i32
      %dma_wait3A_1825 = arith.constant 0 : i32
      %dma_wait3A_1826 = tpu.memref_slice %arg10[%dma_wait3A_1824, %dma_wait3A_1825] : memref<32x64xf32, #tpu.memory_space<vmem>> -> memref<1x64xf32, #tpu.memory_space<vmem>>
      %dma_wait3A_1827 = tpu.memref_squeeze %dma_wait3A_1826 : memref<1x64xf32, #tpu.memory_space<vmem>> -> memref<64xf32, #tpu.memory_space<vmem>>
      %dma_wait3A_1828 = arith.constant 0 : i32
      %dma_wait3A_1829 = tpu.memref_slice %arg5[%squeeze3A_935, %squeeze3A_939, %dma_wait3A_1828] : memref<125000x8x64xf32, #tpu.memory_space<hbm>> -> memref<1x1x64xf32, #tpu.memory_space<hbm>>
      %dma_wait3A_1830 = tpu.memref_squeeze %dma_wait3A_1829 : memref<1x1x64xf32, #tpu.memory_space<hbm>> -> memref<64xf32, #tpu.memory_space<hbm>>
      %dma_wait3A_1831 = arith.constant 0 : i32
      %dma_wait3A_1832 = tpu.memref_slice %arg10[%dma_wait3A_1824, %dma_wait3A_1831] : memref<32x64xf32, #tpu.memory_space<vmem>> -> memref<1x64xf32, #tpu.memory_space<vmem>>
      %dma_wait3A_1833 = tpu.memref_squeeze %dma_wait3A_1832 : memref<1x64xf32, #tpu.memory_space<vmem>> -> memref<64xf32, #tpu.memory_space<vmem>>
      %dma_wait3A_1834 = arith.constant 0 : i32
      %dma_wait3A_1835 = tpu.memref_slice %arg5[%squeeze3A_935, %squeeze3A_939, %dma_wait3A_1834] : memref<125000x8x64xf32, #tpu.memory_space<hbm>> -> memref<1x1x64xf32, #tpu.memory_space<hbm>>
      %dma_wait3A_1836 = tpu.memref_squeeze %dma_wait3A_1835 : memref<1x1x64xf32, #tpu.memory_space<hbm>> -> memref<64xf32, #tpu.memory_space<hbm>>
      tpu.wait_dma2 semaphore(%arg14 : memref<!tpu.dma_semaphore, #tpu.memory_space<semaphore_mem>>) src(%dma_wait3A_1836 : memref<64xf32, #tpu.memory_space<hbm>>) dst(%dma_wait3A_1833 : memref<64xf32, #tpu.memory_space<vmem>>)
      %dma_wait3A_1837 = arith.constant 27 : i32
      %dma_wait3A_1838 = arith.constant 0 : i32
      %dma_wait3A_1839 = tpu.memref_slice %arg9[%dma_wait3A_1837, %dma_wait3A_1838] : memref<32x64xf32, #tpu.memory_space<vmem>> -> memref<1x64xf32, #tpu.memory_space<vmem>>
      %dma_wait3A_1840 = tpu.memref_squeeze %dma_wait3A_1839 : memref<1x64xf32, #tpu.memory_space<vmem>> -> memref<64xf32, #tpu.memory_space<vmem>>
      %dma_wait3A_1841 = arith.constant 0 : i32
      %dma_wait3A_1842 = tpu.memref_slice %arg4[%squeeze3A_967, %squeeze3A_971, %dma_wait3A_1841] : memref<125000x8x64xf32, #tpu.memory_space<hbm>> -> memref<1x1x64xf32, #tpu.memory_space<hbm>>
      %dma_wait3A_1843 = tpu.memref_squeeze %dma_wait3A_1842 : memref<1x1x64xf32, #tpu.memory_space<hbm>> -> memref<64xf32, #tpu.memory_space<hbm>>
      %dma_wait3A_1844 = arith.constant 0 : i32
      %dma_wait3A_1845 = tpu.memref_slice %arg9[%dma_wait3A_1837, %dma_wait3A_1844] : memref<32x64xf32, #tpu.memory_space<vmem>> -> memref<1x64xf32, #tpu.memory_space<vmem>>
      %dma_wait3A_1846 = tpu.memref_squeeze %dma_wait3A_1845 : memref<1x64xf32, #tpu.memory_space<vmem>> -> memref<64xf32, #tpu.memory_space<vmem>>
      %dma_wait3A_1847 = arith.constant 0 : i32
      %dma_wait3A_1848 = tpu.memref_slice %arg4[%squeeze3A_967, %squeeze3A_971, %dma_wait3A_1847] : memref<125000x8x64xf32, #tpu.memory_space<hbm>> -> memref<1x1x64xf32, #tpu.memory_space<hbm>>
      %dma_wait3A_1849 = tpu.memref_squeeze %dma_wait3A_1848 : memref<1x1x64xf32, #tpu.memory_space<hbm>> -> memref<64xf32, #tpu.memory_space<hbm>>
      tpu.wait_dma2 semaphore(%arg13 : memref<!tpu.dma_semaphore, #tpu.memory_space<semaphore_mem>>) src(%dma_wait3A_1849 : memref<64xf32, #tpu.memory_space<hbm>>) dst(%dma_wait3A_1846 : memref<64xf32, #tpu.memory_space<vmem>>)
      %dma_wait3A_1850 = arith.constant 27 : i32
      %dma_wait3A_1851 = arith.constant 0 : i32
      %dma_wait3A_1852 = tpu.memref_slice %arg10[%dma_wait3A_1850, %dma_wait3A_1851] : memref<32x64xf32, #tpu.memory_space<vmem>> -> memref<1x64xf32, #tpu.memory_space<vmem>>
      %dma_wait3A_1853 = tpu.memref_squeeze %dma_wait3A_1852 : memref<1x64xf32, #tpu.memory_space<vmem>> -> memref<64xf32, #tpu.memory_space<vmem>>
      %dma_wait3A_1854 = arith.constant 0 : i32
      %dma_wait3A_1855 = tpu.memref_slice %arg5[%squeeze3A_969, %squeeze3A_973, %dma_wait3A_1854] : memref<125000x8x64xf32, #tpu.memory_space<hbm>> -> memref<1x1x64xf32, #tpu.memory_space<hbm>>
      %dma_wait3A_1856 = tpu.memref_squeeze %dma_wait3A_1855 : memref<1x1x64xf32, #tpu.memory_space<hbm>> -> memref<64xf32, #tpu.memory_space<hbm>>
      %dma_wait3A_1857 = arith.constant 0 : i32
      %dma_wait3A_1858 = tpu.memref_slice %arg10[%dma_wait3A_1850, %dma_wait3A_1857] : memref<32x64xf32, #tpu.memory_space<vmem>> -> memref<1x64xf32, #tpu.memory_space<vmem>>
      %dma_wait3A_1859 = tpu.memref_squeeze %dma_wait3A_1858 : memref<1x64xf32, #tpu.memory_space<vmem>> -> memref<64xf32, #tpu.memory_space<vmem>>
      %dma_wait3A_1860 = arith.constant 0 : i32
      %dma_wait3A_1861 = tpu.memref_slice %arg5[%squeeze3A_969, %squeeze3A_973, %dma_wait3A_1860] : memref<125000x8x64xf32, #tpu.memory_space<hbm>> -> memref<1x1x64xf32, #tpu.memory_space<hbm>>
      %dma_wait3A_1862 = tpu.memref_squeeze %dma_wait3A_1861 : memref<1x1x64xf32, #tpu.memory_space<hbm>> -> memref<64xf32, #tpu.memory_space<hbm>>
      tpu.wait_dma2 semaphore(%arg14 : memref<!tpu.dma_semaphore, #tpu.memory_space<semaphore_mem>>) src(%dma_wait3A_1862 : memref<64xf32, #tpu.memory_space<hbm>>) dst(%dma_wait3A_1859 : memref<64xf32, #tpu.memory_space<vmem>>)
      %dma_wait3A_1863 = arith.constant 28 : i32
      %dma_wait3A_1864 = arith.constant 0 : i32
      %dma_wait3A_1865 = tpu.memref_slice %arg9[%dma_wait3A_1863, %dma_wait3A_1864] : memref<32x64xf32, #tpu.memory_space<vmem>> -> memref<1x64xf32, #tpu.memory_space<vmem>>
      %dma_wait3A_1866 = tpu.memref_squeeze %dma_wait3A_1865 : memref<1x64xf32, #tpu.memory_space<vmem>> -> memref<64xf32, #tpu.memory_space<vmem>>
      %dma_wait3A_1867 = arith.constant 0 : i32
      %dma_wait3A_1868 = tpu.memref_slice %arg4[%squeeze3A_1001, %squeeze3A_1005, %dma_wait3A_1867] : memref<125000x8x64xf32, #tpu.memory_space<hbm>> -> memref<1x1x64xf32, #tpu.memory_space<hbm>>
      %dma_wait3A_1869 = tpu.memref_squeeze %dma_wait3A_1868 : memref<1x1x64xf32, #tpu.memory_space<hbm>> -> memref<64xf32, #tpu.memory_space<hbm>>
      %dma_wait3A_1870 = arith.constant 0 : i32
      %dma_wait3A_1871 = tpu.memref_slice %arg9[%dma_wait3A_1863, %dma_wait3A_1870] : memref<32x64xf32, #tpu.memory_space<vmem>> -> memref<1x64xf32, #tpu.memory_space<vmem>>
      %dma_wait3A_1872 = tpu.memref_squeeze %dma_wait3A_1871 : memref<1x64xf32, #tpu.memory_space<vmem>> -> memref<64xf32, #tpu.memory_space<vmem>>
      %dma_wait3A_1873 = arith.constant 0 : i32
      %dma_wait3A_1874 = tpu.memref_slice %arg4[%squeeze3A_1001, %squeeze3A_1005, %dma_wait3A_1873] : memref<125000x8x64xf32, #tpu.memory_space<hbm>> -> memref<1x1x64xf32, #tpu.memory_space<hbm>>
      %dma_wait3A_1875 = tpu.memref_squeeze %dma_wait3A_1874 : memref<1x1x64xf32, #tpu.memory_space<hbm>> -> memref<64xf32, #tpu.memory_space<hbm>>
      tpu.wait_dma2 semaphore(%arg13 : memref<!tpu.dma_semaphore, #tpu.memory_space<semaphore_mem>>) src(%dma_wait3A_1875 : memref<64xf32, #tpu.memory_space<hbm>>) dst(%dma_wait3A_1872 : memref<64xf32, #tpu.memory_space<vmem>>)
      %dma_wait3A_1876 = arith.constant 28 : i32
      %dma_wait3A_1877 = arith.constant 0 : i32
      %dma_wait3A_1878 = tpu.memref_slice %arg10[%dma_wait3A_1876, %dma_wait3A_1877] : memref<32x64xf32, #tpu.memory_space<vmem>> -> memref<1x64xf32, #tpu.memory_space<vmem>>
      %dma_wait3A_1879 = tpu.memref_squeeze %dma_wait3A_1878 : memref<1x64xf32, #tpu.memory_space<vmem>> -> memref<64xf32, #tpu.memory_space<vmem>>
      %dma_wait3A_1880 = arith.constant 0 : i32
      %dma_wait3A_1881 = tpu.memref_slice %arg5[%squeeze3A_1003, %squeeze3A_1007, %dma_wait3A_1880] : memref<125000x8x64xf32, #tpu.memory_space<hbm>> -> memref<1x1x64xf32, #tpu.memory_space<hbm>>
      %dma_wait3A_1882 = tpu.memref_squeeze %dma_wait3A_1881 : memref<1x1x64xf32, #tpu.memory_space<hbm>> -> memref<64xf32, #tpu.memory_space<hbm>>
      %dma_wait3A_1883 = arith.constant 0 : i32
      %dma_wait3A_1884 = tpu.memref_slice %arg10[%dma_wait3A_1876, %dma_wait3A_1883] : memref<32x64xf32, #tpu.memory_space<vmem>> -> memref<1x64xf32, #tpu.memory_space<vmem>>
      %dma_wait3A_1885 = tpu.memref_squeeze %dma_wait3A_1884 : memref<1x64xf32, #tpu.memory_space<vmem>> -> memref<64xf32, #tpu.memory_space<vmem>>
      %dma_wait3A_1886 = arith.constant 0 : i32
      %dma_wait3A_1887 = tpu.memref_slice %arg5[%squeeze3A_1003, %squeeze3A_1007, %dma_wait3A_1886] : memref<125000x8x64xf32, #tpu.memory_space<hbm>> -> memref<1x1x64xf32, #tpu.memory_space<hbm>>
      %dma_wait3A_1888 = tpu.memref_squeeze %dma_wait3A_1887 : memref<1x1x64xf32, #tpu.memory_space<hbm>> -> memref<64xf32, #tpu.memory_space<hbm>>
      tpu.wait_dma2 semaphore(%arg14 : memref<!tpu.dma_semaphore, #tpu.memory_space<semaphore_mem>>) src(%dma_wait3A_1888 : memref<64xf32, #tpu.memory_space<hbm>>) dst(%dma_wait3A_1885 : memref<64xf32, #tpu.memory_space<vmem>>)
      %dma_wait3A_1889 = arith.constant 29 : i32
      %dma_wait3A_1890 = arith.constant 0 : i32
      %dma_wait3A_1891 = tpu.memref_slice %arg9[%dma_wait3A_1889, %dma_wait3A_1890] : memref<32x64xf32, #tpu.memory_space<vmem>> -> memref<1x64xf32, #tpu.memory_space<vmem>>
      %dma_wait3A_1892 = tpu.memref_squeeze %dma_wait3A_1891 : memref<1x64xf32, #tpu.memory_space<vmem>> -> memref<64xf32, #tpu.memory_space<vmem>>
      %dma_wait3A_1893 = arith.constant 0 : i32
      %dma_wait3A_1894 = tpu.memref_slice %arg4[%squeeze3A_1035, %squeeze3A_1039, %dma_wait3A_1893] : memref<125000x8x64xf32, #tpu.memory_space<hbm>> -> memref<1x1x64xf32, #tpu.memory_space<hbm>>
      %dma_wait3A_1895 = tpu.memref_squeeze %dma_wait3A_1894 : memref<1x1x64xf32, #tpu.memory_space<hbm>> -> memref<64xf32, #tpu.memory_space<hbm>>
      %dma_wait3A_1896 = arith.constant 0 : i32
      %dma_wait3A_1897 = tpu.memref_slice %arg9[%dma_wait3A_1889, %dma_wait3A_1896] : memref<32x64xf32, #tpu.memory_space<vmem>> -> memref<1x64xf32, #tpu.memory_space<vmem>>
      %dma_wait3A_1898 = tpu.memref_squeeze %dma_wait3A_1897 : memref<1x64xf32, #tpu.memory_space<vmem>> -> memref<64xf32, #tpu.memory_space<vmem>>
      %dma_wait3A_1899 = arith.constant 0 : i32
      %dma_wait3A_1900 = tpu.memref_slice %arg4[%squeeze3A_1035, %squeeze3A_1039, %dma_wait3A_1899] : memref<125000x8x64xf32, #tpu.memory_space<hbm>> -> memref<1x1x64xf32, #tpu.memory_space<hbm>>
      %dma_wait3A_1901 = tpu.memref_squeeze %dma_wait3A_1900 : memref<1x1x64xf32, #tpu.memory_space<hbm>> -> memref<64xf32, #tpu.memory_space<hbm>>
      tpu.wait_dma2 semaphore(%arg13 : memref<!tpu.dma_semaphore, #tpu.memory_space<semaphore_mem>>) src(%dma_wait3A_1901 : memref<64xf32, #tpu.memory_space<hbm>>) dst(%dma_wait3A_1898 : memref<64xf32, #tpu.memory_space<vmem>>)
      %dma_wait3A_1902 = arith.constant 29 : i32
      %dma_wait3A_1903 = arith.constant 0 : i32
      %dma_wait3A_1904 = tpu.memref_slice %arg10[%dma_wait3A_1902, %dma_wait3A_1903] : memref<32x64xf32, #tpu.memory_space<vmem>> -> memref<1x64xf32, #tpu.memory_space<vmem>>
      %dma_wait3A_1905 = tpu.memref_squeeze %dma_wait3A_1904 : memref<1x64xf32, #tpu.memory_space<vmem>> -> memref<64xf32, #tpu.memory_space<vmem>>
      %dma_wait3A_1906 = arith.constant 0 : i32
      %dma_wait3A_1907 = tpu.memref_slice %arg5[%squeeze3A_1037, %squeeze3A_1041, %dma_wait3A_1906] : memref<125000x8x64xf32, #tpu.memory_space<hbm>> -> memref<1x1x64xf32, #tpu.memory_space<hbm>>
      %dma_wait3A_1908 = tpu.memref_squeeze %dma_wait3A_1907 : memref<1x1x64xf32, #tpu.memory_space<hbm>> -> memref<64xf32, #tpu.memory_space<hbm>>
      %dma_wait3A_1909 = arith.constant 0 : i32
      %dma_wait3A_1910 = tpu.memref_slice %arg10[%dma_wait3A_1902, %dma_wait3A_1909] : memref<32x64xf32, #tpu.memory_space<vmem>> -> memref<1x64xf32, #tpu.memory_space<vmem>>
      %dma_wait3A_1911 = tpu.memref_squeeze %dma_wait3A_1910 : memref<1x64xf32, #tpu.memory_space<vmem>> -> memref<64xf32, #tpu.memory_space<vmem>>
      %dma_wait3A_1912 = arith.constant 0 : i32
      %dma_wait3A_1913 = tpu.memref_slice %arg5[%squeeze3A_1037, %squeeze3A_1041, %dma_wait3A_1912] : memref<125000x8x64xf32, #tpu.memory_space<hbm>> -> memref<1x1x64xf32, #tpu.memory_space<hbm>>
      %dma_wait3A_1914 = tpu.memref_squeeze %dma_wait3A_1913 : memref<1x1x64xf32, #tpu.memory_space<hbm>> -> memref<64xf32, #tpu.memory_space<hbm>>
      tpu.wait_dma2 semaphore(%arg14 : memref<!tpu.dma_semaphore, #tpu.memory_space<semaphore_mem>>) src(%dma_wait3A_1914 : memref<64xf32, #tpu.memory_space<hbm>>) dst(%dma_wait3A_1911 : memref<64xf32, #tpu.memory_space<vmem>>)
      %dma_wait3A_1915 = arith.constant 30 : i32
      %dma_wait3A_1916 = arith.constant 0 : i32
      %dma_wait3A_1917 = tpu.memref_slice %arg9[%dma_wait3A_1915, %dma_wait3A_1916] : memref<32x64xf32, #tpu.memory_space<vmem>> -> memref<1x64xf32, #tpu.memory_space<vmem>>
      %dma_wait3A_1918 = tpu.memref_squeeze %dma_wait3A_1917 : memref<1x64xf32, #tpu.memory_space<vmem>> -> memref<64xf32, #tpu.memory_space<vmem>>
      %dma_wait3A_1919 = arith.constant 0 : i32
      %dma_wait3A_1920 = tpu.memref_slice %arg4[%squeeze3A_1069, %squeeze3A_1073, %dma_wait3A_1919] : memref<125000x8x64xf32, #tpu.memory_space<hbm>> -> memref<1x1x64xf32, #tpu.memory_space<hbm>>
      %dma_wait3A_1921 = tpu.memref_squeeze %dma_wait3A_1920 : memref<1x1x64xf32, #tpu.memory_space<hbm>> -> memref<64xf32, #tpu.memory_space<hbm>>
      %dma_wait3A_1922 = arith.constant 0 : i32
      %dma_wait3A_1923 = tpu.memref_slice %arg9[%dma_wait3A_1915, %dma_wait3A_1922] : memref<32x64xf32, #tpu.memory_space<vmem>> -> memref<1x64xf32, #tpu.memory_space<vmem>>
      %dma_wait3A_1924 = tpu.memref_squeeze %dma_wait3A_1923 : memref<1x64xf32, #tpu.memory_space<vmem>> -> memref<64xf32, #tpu.memory_space<vmem>>
      %dma_wait3A_1925 = arith.constant 0 : i32
      %dma_wait3A_1926 = tpu.memref_slice %arg4[%squeeze3A_1069, %squeeze3A_1073, %dma_wait3A_1925] : memref<125000x8x64xf32, #tpu.memory_space<hbm>> -> memref<1x1x64xf32, #tpu.memory_space<hbm>>
      %dma_wait3A_1927 = tpu.memref_squeeze %dma_wait3A_1926 : memref<1x1x64xf32, #tpu.memory_space<hbm>> -> memref<64xf32, #tpu.memory_space<hbm>>
      tpu.wait_dma2 semaphore(%arg13 : memref<!tpu.dma_semaphore, #tpu.memory_space<semaphore_mem>>) src(%dma_wait3A_1927 : memref<64xf32, #tpu.memory_space<hbm>>) dst(%dma_wait3A_1924 : memref<64xf32, #tpu.memory_space<vmem>>)
      %dma_wait3A_1928 = arith.constant 30 : i32
      %dma_wait3A_1929 = arith.constant 0 : i32
      %dma_wait3A_1930 = tpu.memref_slice %arg10[%dma_wait3A_1928, %dma_wait3A_1929] : memref<32x64xf32, #tpu.memory_space<vmem>> -> memref<1x64xf32, #tpu.memory_space<vmem>>
      %dma_wait3A_1931 = tpu.memref_squeeze %dma_wait3A_1930 : memref<1x64xf32, #tpu.memory_space<vmem>> -> memref<64xf32, #tpu.memory_space<vmem>>
      %dma_wait3A_1932 = arith.constant 0 : i32
      %dma_wait3A_1933 = tpu.memref_slice %arg5[%squeeze3A_1071, %squeeze3A_1075, %dma_wait3A_1932] : memref<125000x8x64xf32, #tpu.memory_space<hbm>> -> memref<1x1x64xf32, #tpu.memory_space<hbm>>
      %dma_wait3A_1934 = tpu.memref_squeeze %dma_wait3A_1933 : memref<1x1x64xf32, #tpu.memory_space<hbm>> -> memref<64xf32, #tpu.memory_space<hbm>>
      %dma_wait3A_1935 = arith.constant 0 : i32
      %dma_wait3A_1936 = tpu.memref_slice %arg10[%dma_wait3A_1928, %dma_wait3A_1935] : memref<32x64xf32, #tpu.memory_space<vmem>> -> memref<1x64xf32, #tpu.memory_space<vmem>>
      %dma_wait3A_1937 = tpu.memref_squeeze %dma_wait3A_1936 : memref<1x64xf32, #tpu.memory_space<vmem>> -> memref<64xf32, #tpu.memory_space<vmem>>
      %dma_wait3A_1938 = arith.constant 0 : i32
      %dma_wait3A_1939 = tpu.memref_slice %arg5[%squeeze3A_1071, %squeeze3A_1075, %dma_wait3A_1938] : memref<125000x8x64xf32, #tpu.memory_space<hbm>> -> memref<1x1x64xf32, #tpu.memory_space<hbm>>
      %dma_wait3A_1940 = tpu.memref_squeeze %dma_wait3A_1939 : memref<1x1x64xf32, #tpu.memory_space<hbm>> -> memref<64xf32, #tpu.memory_space<hbm>>
      tpu.wait_dma2 semaphore(%arg14 : memref<!tpu.dma_semaphore, #tpu.memory_space<semaphore_mem>>) src(%dma_wait3A_1940 : memref<64xf32, #tpu.memory_space<hbm>>) dst(%dma_wait3A_1937 : memref<64xf32, #tpu.memory_space<vmem>>)
      %dma_wait3A_1941 = arith.constant 31 : i32
      %dma_wait3A_1942 = arith.constant 0 : i32
      %dma_wait3A_1943 = tpu.memref_slice %arg9[%dma_wait3A_1941, %dma_wait3A_1942] : memref<32x64xf32, #tpu.memory_space<vmem>> -> memref<1x64xf32, #tpu.memory_space<vmem>>
      %dma_wait3A_1944 = tpu.memref_squeeze %dma_wait3A_1943 : memref<1x64xf32, #tpu.memory_space<vmem>> -> memref<64xf32, #tpu.memory_space<vmem>>
      %dma_wait3A_1945 = arith.constant 0 : i32
      %dma_wait3A_1946 = tpu.memref_slice %arg4[%squeeze3A_1103, %squeeze3A_1107, %dma_wait3A_1945] : memref<125000x8x64xf32, #tpu.memory_space<hbm>> -> memref<1x1x64xf32, #tpu.memory_space<hbm>>
      %dma_wait3A_1947 = tpu.memref_squeeze %dma_wait3A_1946 : memref<1x1x64xf32, #tpu.memory_space<hbm>> -> memref<64xf32, #tpu.memory_space<hbm>>
      %dma_wait3A_1948 = arith.constant 0 : i32
      %dma_wait3A_1949 = tpu.memref_slice %arg9[%dma_wait3A_1941, %dma_wait3A_1948] : memref<32x64xf32, #tpu.memory_space<vmem>> -> memref<1x64xf32, #tpu.memory_space<vmem>>
      %dma_wait3A_1950 = tpu.memref_squeeze %dma_wait3A_1949 : memref<1x64xf32, #tpu.memory_space<vmem>> -> memref<64xf32, #tpu.memory_space<vmem>>
      %dma_wait3A_1951 = arith.constant 0 : i32
      %dma_wait3A_1952 = tpu.memref_slice %arg4[%squeeze3A_1103, %squeeze3A_1107, %dma_wait3A_1951] : memref<125000x8x64xf32, #tpu.memory_space<hbm>> -> memref<1x1x64xf32, #tpu.memory_space<hbm>>
      %dma_wait3A_1953 = tpu.memref_squeeze %dma_wait3A_1952 : memref<1x1x64xf32, #tpu.memory_space<hbm>> -> memref<64xf32, #tpu.memory_space<hbm>>
      tpu.wait_dma2 semaphore(%arg13 : memref<!tpu.dma_semaphore, #tpu.memory_space<semaphore_mem>>) src(%dma_wait3A_1953 : memref<64xf32, #tpu.memory_space<hbm>>) dst(%dma_wait3A_1950 : memref<64xf32, #tpu.memory_space<vmem>>)
      %dma_wait3A_1954 = arith.constant 31 : i32
      %dma_wait3A_1955 = arith.constant 0 : i32
      %dma_wait3A_1956 = tpu.memref_slice %arg10[%dma_wait3A_1954, %dma_wait3A_1955] : memref<32x64xf32, #tpu.memory_space<vmem>> -> memref<1x64xf32, #tpu.memory_space<vmem>>
      %dma_wait3A_1957 = tpu.memref_squeeze %dma_wait3A_1956 : memref<1x64xf32, #tpu.memory_space<vmem>> -> memref<64xf32, #tpu.memory_space<vmem>>
      %dma_wait3A_1958 = arith.constant 0 : i32
      %dma_wait3A_1959 = tpu.memref_slice %arg5[%squeeze3A_1105, %squeeze3A_1109, %dma_wait3A_1958] : memref<125000x8x64xf32, #tpu.memory_space<hbm>> -> memref<1x1x64xf32, #tpu.memory_space<hbm>>
      %dma_wait3A_1960 = tpu.memref_squeeze %dma_wait3A_1959 : memref<1x1x64xf32, #tpu.memory_space<hbm>> -> memref<64xf32, #tpu.memory_space<hbm>>
      %dma_wait3A_1961 = arith.constant 0 : i32
      %dma_wait3A_1962 = tpu.memref_slice %arg10[%dma_wait3A_1954, %dma_wait3A_1961] : memref<32x64xf32, #tpu.memory_space<vmem>> -> memref<1x64xf32, #tpu.memory_space<vmem>>
      %dma_wait3A_1963 = tpu.memref_squeeze %dma_wait3A_1962 : memref<1x64xf32, #tpu.memory_space<vmem>> -> memref<64xf32, #tpu.memory_space<vmem>>
      %dma_wait3A_1964 = arith.constant 0 : i32
      %dma_wait3A_1965 = tpu.memref_slice %arg5[%squeeze3A_1105, %squeeze3A_1109, %dma_wait3A_1964] : memref<125000x8x64xf32, #tpu.memory_space<hbm>> -> memref<1x1x64xf32, #tpu.memory_space<hbm>>
      %dma_wait3A_1966 = tpu.memref_squeeze %dma_wait3A_1965 : memref<1x1x64xf32, #tpu.memory_space<hbm>> -> memref<64xf32, #tpu.memory_space<hbm>>
      tpu.wait_dma2 semaphore(%arg14 : memref<!tpu.dma_semaphore, #tpu.memory_space<semaphore_mem>>) src(%dma_wait3A_1966 : memref<64xf32, #tpu.memory_space<hbm>>) dst(%dma_wait3A_1963 : memref<64xf32, #tpu.memory_space<vmem>>)
      %get3A_1967 = arith.constant 0 : i32
      %get3A_1968 = arith.index_cast %get3A_1967 : i32 to index
      %get3A_1969 = arith.constant 0 : index
      %get3A_1970 = tpu.vector_load %arg9[%get3A_1968, %get3A_1969] {strides = array<i32>} : memref<32x64xf32, #tpu.memory_space<vmem>>, vector<16xf32>,
      %get3A_1971 = arith.constant 0 : i32
      %get3A_1972 = arith.index_cast %get3A_1971 : i32 to index
      %get3A_1973 = arith.constant 0 : index
      %get3A_1974 = tpu.vector_load %arg10[%get3A_1972, %get3A_1973] {strides = array<i32>} : memref<32x64xf32, #tpu.memory_space<vmem>>, vector<16xf32>,
      %mul3A_1975 = arith.mulf %get3A_1970, %get3A_1974 : vector<16xf32>
      %get3A_1976 = arith.constant 0 : i32
      %get3A_1977 = arith.index_cast %get3A_1976 : i32 to index
      %get3A_1978 = arith.constant 16 : index
      %get3A_1979 = tpu.vector_load %arg9[%get3A_1977, %get3A_1978] {strides = array<i32>} : memref<32x64xf32, #tpu.memory_space<vmem>>, vector<16xf32>,
      %get3A_1980 = arith.constant 0 : i32
      %get3A_1981 = arith.index_cast %get3A_1980 : i32 to index
      %get3A_1982 = arith.constant 16 : index
      %get3A_1983 = tpu.vector_load %arg10[%get3A_1981, %get3A_1982] {strides = array<i32>} : memref<32x64xf32, #tpu.memory_space<vmem>>, vector<16xf32>,
      %mul3A_1984 = arith.mulf %get3A_1979, %get3A_1983 : vector<16xf32>
      %add3A_1985 = arith.addf %mul3A_1975, %mul3A_1984 : vector<16xf32>
      %get3A_1986 = arith.constant 0 : i32
      %get3A_1987 = arith.index_cast %get3A_1986 : i32 to index
      %get3A_1988 = arith.constant 32 : index
      %get3A_1989 = tpu.vector_load %arg9[%get3A_1987, %get3A_1988] {strides = array<i32>} : memref<32x64xf32, #tpu.memory_space<vmem>>, vector<16xf32>,
      %get3A_1990 = arith.constant 0 : i32
      %get3A_1991 = arith.index_cast %get3A_1990 : i32 to index
      %get3A_1992 = arith.constant 32 : index
      %get3A_1993 = tpu.vector_load %arg10[%get3A_1991, %get3A_1992] {strides = array<i32>} : memref<32x64xf32, #tpu.memory_space<vmem>>, vector<16xf32>,
      %mul3A_1994 = arith.mulf %get3A_1989, %get3A_1993 : vector<16xf32>
      %add3A_1995 = arith.addf %add3A_1985, %mul3A_1994 : vector<16xf32>
      %get3A_1996 = arith.constant 0 : i32
      %get3A_1997 = arith.index_cast %get3A_1996 : i32 to index
      %get3A_1998 = arith.constant 48 : index
      %get3A_1999 = tpu.vector_load %arg9[%get3A_1997, %get3A_1998] {strides = array<i32>} : memref<32x64xf32, #tpu.memory_space<vmem>>, vector<16xf32>,
      %get3A_2000 = arith.constant 0 : i32
      %get3A_2001 = arith.index_cast %get3A_2000 : i32 to index
      %get3A_2002 = arith.constant 48 : index
      %get3A_2003 = tpu.vector_load %arg10[%get3A_2001, %get3A_2002] {strides = array<i32>} : memref<32x64xf32, #tpu.memory_space<vmem>>, vector<16xf32>,
      %mul3A_2004 = arith.mulf %get3A_1999, %get3A_2003 : vector<16xf32>
      %add3A_2005 = arith.addf %add3A_1995, %mul3A_2004 : vector<16xf32>
      %swap3A = arith.constant 0 : index
      %swap3A_2006 = tpu.vector_load %arg11[%swap3A] {strides = array<i32>} : memref<256xf32, #tpu.memory_space<vmem>>, vector<16xf32>,
      tpu.vector_store %arg11[%swap3A], %add3A_2005 {strides = array<i32>} : memref<256xf32, #tpu.memory_space<vmem>>, vector<16xf32>,
      %get3A_2007 = arith.constant 1 : i32
      %get3A_2008 = arith.index_cast %get3A_2007 : i32 to index
      %get3A_2009 = arith.constant 0 : index
      %get3A_2010 = tpu.vector_load %arg9[%get3A_2008, %get3A_2009] {strides = array<i32>} : memref<32x64xf32, #tpu.memory_space<vmem>>, vector<16xf32>,
      %get3A_2011 = arith.constant 1 : i32
      %get3A_2012 = arith.index_cast %get3A_2011 : i32 to index
      %get3A_2013 = arith.constant 0 : index
      %get3A_2014 = tpu.vector_load %arg10[%get3A_2012, %get3A_2013] {strides = array<i32>} : memref<32x64xf32, #tpu.memory_space<vmem>>, vector<16xf32>,
      %mul3A_2015 = arith.mulf %get3A_2010, %get3A_2014 : vector<16xf32>
      %get3A_2016 = arith.constant 1 : i32
      %get3A_2017 = arith.index_cast %get3A_2016 : i32 to index
      %get3A_2018 = arith.constant 16 : index
      %get3A_2019 = tpu.vector_load %arg9[%get3A_2017, %get3A_2018] {strides = array<i32>} : memref<32x64xf32, #tpu.memory_space<vmem>>, vector<16xf32>,
      %get3A_2020 = arith.constant 1 : i32
      %get3A_2021 = arith.index_cast %get3A_2020 : i32 to index
      %get3A_2022 = arith.constant 16 : index
      %get3A_2023 = tpu.vector_load %arg10[%get3A_2021, %get3A_2022] {strides = array<i32>} : memref<32x64xf32, #tpu.memory_space<vmem>>, vector<16xf32>,
      %mul3A_2024 = arith.mulf %get3A_2019, %get3A_2023 : vector<16xf32>
      %add3A_2025 = arith.addf %mul3A_2015, %mul3A_2024 : vector<16xf32>
      %get3A_2026 = arith.constant 1 : i32
      %get3A_2027 = arith.index_cast %get3A_2026 : i32 to index
      %get3A_2028 = arith.constant 32 : index
      %get3A_2029 = tpu.vector_load %arg9[%get3A_2027, %get3A_2028] {strides = array<i32>} : memref<32x64xf32, #tpu.memory_space<vmem>>, vector<16xf32>,
      %get3A_2030 = arith.constant 1 : i32
      %get3A_2031 = arith.index_cast %get3A_2030 : i32 to index
      %get3A_2032 = arith.constant 32 : index
      %get3A_2033 = tpu.vector_load %arg10[%get3A_2031, %get3A_2032] {strides = array<i32>} : memref<32x64xf32, #tpu.memory_space<vmem>>, vector<16xf32>,
      %mul3A_2034 = arith.mulf %get3A_2029, %get3A_2033 : vector<16xf32>
      %add3A_2035 = arith.addf %add3A_2025, %mul3A_2034 : vector<16xf32>
      %get3A_2036 = arith.constant 1 : i32
      %get3A_2037 = arith.index_cast %get3A_2036 : i32 to index
      %get3A_2038 = arith.constant 48 : index
      %get3A_2039 = tpu.vector_load %arg9[%get3A_2037, %get3A_2038] {strides = array<i32>} : memref<32x64xf32, #tpu.memory_space<vmem>>, vector<16xf32>,
      %get3A_2040 = arith.constant 1 : i32
      %get3A_2041 = arith.index_cast %get3A_2040 : i32 to index
      %get3A_2042 = arith.constant 48 : index
      %get3A_2043 = tpu.vector_load %arg10[%get3A_2041, %get3A_2042] {strides = array<i32>} : memref<32x64xf32, #tpu.memory_space<vmem>>, vector<16xf32>,
      %mul3A_2044 = arith.mulf %get3A_2039, %get3A_2043 : vector<16xf32>
      %add3A_2045 = arith.addf %add3A_2035, %mul3A_2044 : vector<16xf32>
      %swap3A_2046 = arith.constant 16 : index
      %swap3A_2047 = tpu.vector_load %arg11[%swap3A_2046] {strides = array<i32>} : memref<256xf32, #tpu.memory_space<vmem>>, vector<16xf32>,
      tpu.vector_store %arg11[%swap3A_2046], %add3A_2045 {strides = array<i32>} : memref<256xf32, #tpu.memory_space<vmem>>, vector<16xf32>,
      %get3A_2048 = arith.constant 2 : i32
      %get3A_2049 = arith.index_cast %get3A_2048 : i32 to index
      %get3A_2050 = arith.constant 0 : index
      %get3A_2051 = tpu.vector_load %arg9[%get3A_2049, %get3A_2050] {strides = array<i32>} : memref<32x64xf32, #tpu.memory_space<vmem>>, vector<16xf32>,
      %get3A_2052 = arith.constant 2 : i32
      %get3A_2053 = arith.index_cast %get3A_2052 : i32 to index
      %get3A_2054 = arith.constant 0 : index
      %get3A_2055 = tpu.vector_load %arg10[%get3A_2053, %get3A_2054] {strides = array<i32>} : memref<32x64xf32, #tpu.memory_space<vmem>>, vector<16xf32>,
      %mul3A_2056 = arith.mulf %get3A_2051, %get3A_2055 : vector<16xf32>
      %get3A_2057 = arith.constant 2 : i32
      %get3A_2058 = arith.index_cast %get3A_2057 : i32 to index
      %get3A_2059 = arith.constant 16 : index
      %get3A_2060 = tpu.vector_load %arg9[%get3A_2058, %get3A_2059] {strides = array<i32>} : memref<32x64xf32, #tpu.memory_space<vmem>>, vector<16xf32>,
      %get3A_2061 = arith.constant 2 : i32
      %get3A_2062 = arith.index_cast %get3A_2061 : i32 to index
      %get3A_2063 = arith.constant 16 : index
      %get3A_2064 = tpu.vector_load %arg10[%get3A_2062, %get3A_2063] {strides = array<i32>} : memref<32x64xf32, #tpu.memory_space<vmem>>, vector<16xf32>,
      %mul3A_2065 = arith.mulf %get3A_2060, %get3A_2064 : vector<16xf32>
      %add3A_2066 = arith.addf %mul3A_2056, %mul3A_2065 : vector<16xf32>
      %get3A_2067 = arith.constant 2 : i32
      %get3A_2068 = arith.index_cast %get3A_2067 : i32 to index
      %get3A_2069 = arith.constant 32 : index
      %get3A_2070 = tpu.vector_load %arg9[%get3A_2068, %get3A_2069] {strides = array<i32>} : memref<32x64xf32, #tpu.memory_space<vmem>>, vector<16xf32>,
      %get3A_2071 = arith.constant 2 : i32
      %get3A_2072 = arith.index_cast %get3A_2071 : i32 to index
      %get3A_2073 = arith.constant 32 : index
      %get3A_2074 = tpu.vector_load %arg10[%get3A_2072, %get3A_2073] {strides = array<i32>} : memref<32x64xf32, #tpu.memory_space<vmem>>, vector<16xf32>,
      %mul3A_2075 = arith.mulf %get3A_2070, %get3A_2074 : vector<16xf32>
      %add3A_2076 = arith.addf %add3A_2066, %mul3A_2075 : vector<16xf32>
      %get3A_2077 = arith.constant 2 : i32
      %get3A_2078 = arith.index_cast %get3A_2077 : i32 to index
      %get3A_2079 = arith.constant 48 : index
      %get3A_2080 = tpu.vector_load %arg9[%get3A_2078, %get3A_2079] {strides = array<i32>} : memref<32x64xf32, #tpu.memory_space<vmem>>, vector<16xf32>,
      %get3A_2081 = arith.constant 2 : i32
      %get3A_2082 = arith.index_cast %get3A_2081 : i32 to index
      %get3A_2083 = arith.constant 48 : index
      %get3A_2084 = tpu.vector_load %arg10[%get3A_2082, %get3A_2083] {strides = array<i32>} : memref<32x64xf32, #tpu.memory_space<vmem>>, vector<16xf32>,
      %mul3A_2085 = arith.mulf %get3A_2080, %get3A_2084 : vector<16xf32>
      %add3A_2086 = arith.addf %add3A_2076, %mul3A_2085 : vector<16xf32>
      %swap3A_2087 = arith.constant 32 : index
      %swap3A_2088 = tpu.vector_load %arg11[%swap3A_2087] {strides = array<i32>} : memref<256xf32, #tpu.memory_space<vmem>>, vector<16xf32>,
      tpu.vector_store %arg11[%swap3A_2087], %add3A_2086 {strides = array<i32>} : memref<256xf32, #tpu.memory_space<vmem>>, vector<16xf32>,
      %get3A_2089 = arith.constant 3 : i32
      %get3A_2090 = arith.index_cast %get3A_2089 : i32 to index
      %get3A_2091 = arith.constant 0 : index
      %get3A_2092 = tpu.vector_load %arg9[%get3A_2090, %get3A_2091] {strides = array<i32>} : memref<32x64xf32, #tpu.memory_space<vmem>>, vector<16xf32>,
      %get3A_2093 = arith.constant 3 : i32
      %get3A_2094 = arith.index_cast %get3A_2093 : i32 to index
      %get3A_2095 = arith.constant 0 : index
      %get3A_2096 = tpu.vector_load %arg10[%get3A_2094, %get3A_2095] {strides = array<i32>} : memref<32x64xf32, #tpu.memory_space<vmem>>, vector<16xf32>,
      %mul3A_2097 = arith.mulf %get3A_2092, %get3A_2096 : vector<16xf32>
      %get3A_2098 = arith.constant 3 : i32
      %get3A_2099 = arith.index_cast %get3A_2098 : i32 to index
      %get3A_2100 = arith.constant 16 : index
      %get3A_2101 = tpu.vector_load %arg9[%get3A_2099, %get3A_2100] {strides = array<i32>} : memref<32x64xf32, #tpu.memory_space<vmem>>, vector<16xf32>,
      %get3A_2102 = arith.constant 3 : i32
      %get3A_2103 = arith.index_cast %get3A_2102 : i32 to index
      %get3A_2104 = arith.constant 16 : index
      %get3A_2105 = tpu.vector_load %arg10[%get3A_2103, %get3A_2104] {strides = array<i32>} : memref<32x64xf32, #tpu.memory_space<vmem>>, vector<16xf32>,
      %mul3A_2106 = arith.mulf %get3A_2101, %get3A_2105 : vector<16xf32>
      %add3A_2107 = arith.addf %mul3A_2097, %mul3A_2106 : vector<16xf32>
      %get3A_2108 = arith.constant 3 : i32
      %get3A_2109 = arith.index_cast %get3A_2108 : i32 to index
      %get3A_2110 = arith.constant 32 : index
      %get3A_2111 = tpu.vector_load %arg9[%get3A_2109, %get3A_2110] {strides = array<i32>} : memref<32x64xf32, #tpu.memory_space<vmem>>, vector<16xf32>,
      %get3A_2112 = arith.constant 3 : i32
      %get3A_2113 = arith.index_cast %get3A_2112 : i32 to index
      %get3A_2114 = arith.constant 32 : index
      %get3A_2115 = tpu.vector_load %arg10[%get3A_2113, %get3A_2114] {strides = array<i32>} : memref<32x64xf32, #tpu.memory_space<vmem>>, vector<16xf32>,
      %mul3A_2116 = arith.mulf %get3A_2111, %get3A_2115 : vector<16xf32>
      %add3A_2117 = arith.addf %add3A_2107, %mul3A_2116 : vector<16xf32>
      %get3A_2118 = arith.constant 3 : i32
      %get3A_2119 = arith.index_cast %get3A_2118 : i32 to index
      %get3A_2120 = arith.constant 48 : index
      %get3A_2121 = tpu.vector_load %arg9[%get3A_2119, %get3A_2120] {strides = array<i32>} : memref<32x64xf32, #tpu.memory_space<vmem>>, vector<16xf32>,
      %get3A_2122 = arith.constant 3 : i32
      %get3A_2123 = arith.index_cast %get3A_2122 : i32 to index
      %get3A_2124 = arith.constant 48 : index
      %get3A_2125 = tpu.vector_load %arg10[%get3A_2123, %get3A_2124] {strides = array<i32>} : memref<32x64xf32, #tpu.memory_space<vmem>>, vector<16xf32>,
      %mul3A_2126 = arith.mulf %get3A_2121, %get3A_2125 : vector<16xf32>
      %add3A_2127 = arith.addf %add3A_2117, %mul3A_2126 : vector<16xf32>
      %swap3A_2128 = arith.constant 48 : index
      %swap3A_2129 = tpu.vector_load %arg11[%swap3A_2128] {strides = array<i32>} : memref<256xf32, #tpu.memory_space<vmem>>, vector<16xf32>,
      tpu.vector_store %arg11[%swap3A_2128], %add3A_2127 {strides = array<i32>} : memref<256xf32, #tpu.memory_space<vmem>>, vector<16xf32>,
      %get3A_2130 = arith.constant 4 : i32
      %get3A_2131 = arith.index_cast %get3A_2130 : i32 to index
      %get3A_2132 = arith.constant 0 : index
      %get3A_2133 = tpu.vector_load %arg9[%get3A_2131, %get3A_2132] {strides = array<i32>} : memref<32x64xf32, #tpu.memory_space<vmem>>, vector<16xf32>,
      %get3A_2134 = arith.constant 4 : i32
      %get3A_2135 = arith.index_cast %get3A_2134 : i32 to index
      %get3A_2136 = arith.constant 0 : index
      %get3A_2137 = tpu.vector_load %arg10[%get3A_2135, %get3A_2136] {strides = array<i32>} : memref<32x64xf32, #tpu.memory_space<vmem>>, vector<16xf32>,
      %mul3A_2138 = arith.mulf %get3A_2133, %get3A_2137 : vector<16xf32>
      %get3A_2139 = arith.constant 4 : i32
      %get3A_2140 = arith.index_cast %get3A_2139 : i32 to index
      %get3A_2141 = arith.constant 16 : index
      %get3A_2142 = tpu.vector_load %arg9[%get3A_2140, %get3A_2141] {strides = array<i32>} : memref<32x64xf32, #tpu.memory_space<vmem>>, vector<16xf32>,
      %get3A_2143 = arith.constant 4 : i32
      %get3A_2144 = arith.index_cast %get3A_2143 : i32 to index
      %get3A_2145 = arith.constant 16 : index
      %get3A_2146 = tpu.vector_load %arg10[%get3A_2144, %get3A_2145] {strides = array<i32>} : memref<32x64xf32, #tpu.memory_space<vmem>>, vector<16xf32>,
      %mul3A_2147 = arith.mulf %get3A_2142, %get3A_2146 : vector<16xf32>
      %add3A_2148 = arith.addf %mul3A_2138, %mul3A_2147 : vector<16xf32>
      %get3A_2149 = arith.constant 4 : i32
      %get3A_2150 = arith.index_cast %get3A_2149 : i32 to index
      %get3A_2151 = arith.constant 32 : index
      %get3A_2152 = tpu.vector_load %arg9[%get3A_2150, %get3A_2151] {strides = array<i32>} : memref<32x64xf32, #tpu.memory_space<vmem>>, vector<16xf32>,
      %get3A_2153 = arith.constant 4 : i32
      %get3A_2154 = arith.index_cast %get3A_2153 : i32 to index
      %get3A_2155 = arith.constant 32 : index
      %get3A_2156 = tpu.vector_load %arg10[%get3A_2154, %get3A_2155] {strides = array<i32>} : memref<32x64xf32, #tpu.memory_space<vmem>>, vector<16xf32>,
      %mul3A_2157 = arith.mulf %get3A_2152, %get3A_2156 : vector<16xf32>
      %add3A_2158 = arith.addf %add3A_2148, %mul3A_2157 : vector<16xf32>
      %get3A_2159 = arith.constant 4 : i32
      %get3A_2160 = arith.index_cast %get3A_2159 : i32 to index
      %get3A_2161 = arith.constant 48 : index
      %get3A_2162 = tpu.vector_load %arg9[%get3A_2160, %get3A_2161] {strides = array<i32>} : memref<32x64xf32, #tpu.memory_space<vmem>>, vector<16xf32>,
      %get3A_2163 = arith.constant 4 : i32
      %get3A_2164 = arith.index_cast %get3A_2163 : i32 to index
      %get3A_2165 = arith.constant 48 : index
      %get3A_2166 = tpu.vector_load %arg10[%get3A_2164, %get3A_2165] {strides = array<i32>} : memref<32x64xf32, #tpu.memory_space<vmem>>, vector<16xf32>,
      %mul3A_2167 = arith.mulf %get3A_2162, %get3A_2166 : vector<16xf32>
      %add3A_2168 = arith.addf %add3A_2158, %mul3A_2167 : vector<16xf32>
      %swap3A_2169 = arith.constant 64 : index
      %swap3A_2170 = tpu.vector_load %arg11[%swap3A_2169] {strides = array<i32>} : memref<256xf32, #tpu.memory_space<vmem>>, vector<16xf32>,
      tpu.vector_store %arg11[%swap3A_2169], %add3A_2168 {strides = array<i32>} : memref<256xf32, #tpu.memory_space<vmem>>, vector<16xf32>,
      %get3A_2171 = arith.constant 5 : i32
      %get3A_2172 = arith.index_cast %get3A_2171 : i32 to index
      %get3A_2173 = arith.constant 0 : index
      %get3A_2174 = tpu.vector_load %arg9[%get3A_2172, %get3A_2173] {strides = array<i32>} : memref<32x64xf32, #tpu.memory_space<vmem>>, vector<16xf32>,
      %get3A_2175 = arith.constant 5 : i32
      %get3A_2176 = arith.index_cast %get3A_2175 : i32 to index
      %get3A_2177 = arith.constant 0 : index
      %get3A_2178 = tpu.vector_load %arg10[%get3A_2176, %get3A_2177] {strides = array<i32>} : memref<32x64xf32, #tpu.memory_space<vmem>>, vector<16xf32>,
      %mul3A_2179 = arith.mulf %get3A_2174, %get3A_2178 : vector<16xf32>
      %get3A_2180 = arith.constant 5 : i32
      %get3A_2181 = arith.index_cast %get3A_2180 : i32 to index
      %get3A_2182 = arith.constant 16 : index
      %get3A_2183 = tpu.vector_load %arg9[%get3A_2181, %get3A_2182] {strides = array<i32>} : memref<32x64xf32, #tpu.memory_space<vmem>>, vector<16xf32>,
      %get3A_2184 = arith.constant 5 : i32
      %get3A_2185 = arith.index_cast %get3A_2184 : i32 to index
      %get3A_2186 = arith.constant 16 : index
      %get3A_2187 = tpu.vector_load %arg10[%get3A_2185, %get3A_2186] {strides = array<i32>} : memref<32x64xf32, #tpu.memory_space<vmem>>, vector<16xf32>,
      %mul3A_2188 = arith.mulf %get3A_2183, %get3A_2187 : vector<16xf32>
      %add3A_2189 = arith.addf %mul3A_2179, %mul3A_2188 : vector<16xf32>
      %get3A_2190 = arith.constant 5 : i32
      %get3A_2191 = arith.index_cast %get3A_2190 : i32 to index
      %get3A_2192 = arith.constant 32 : index
      %get3A_2193 = tpu.vector_load %arg9[%get3A_2191, %get3A_2192] {strides = array<i32>} : memref<32x64xf32, #tpu.memory_space<vmem>>, vector<16xf32>,
      %get3A_2194 = arith.constant 5 : i32
      %get3A_2195 = arith.index_cast %get3A_2194 : i32 to index
      %get3A_2196 = arith.constant 32 : index
      %get3A_2197 = tpu.vector_load %arg10[%get3A_2195, %get3A_2196] {strides = array<i32>} : memref<32x64xf32, #tpu.memory_space<vmem>>, vector<16xf32>,
      %mul3A_2198 = arith.mulf %get3A_2193, %get3A_2197 : vector<16xf32>
      %add3A_2199 = arith.addf %add3A_2189, %mul3A_2198 : vector<16xf32>
      %get3A_2200 = arith.constant 5 : i32
      %get3A_2201 = arith.index_cast %get3A_2200 : i32 to index
      %get3A_2202 = arith.constant 48 : index
      %get3A_2203 = tpu.vector_load %arg9[%get3A_2201, %get3A_2202] {strides = array<i32>} : memref<32x64xf32, #tpu.memory_space<vmem>>, vector<16xf32>,
      %get3A_2204 = arith.constant 5 : i32
      %get3A_2205 = arith.index_cast %get3A_2204 : i32 to index
      %get3A_2206 = arith.constant 48 : index
      %get3A_2207 = tpu.vector_load %arg10[%get3A_2205, %get3A_2206] {strides = array<i32>} : memref<32x64xf32, #tpu.memory_space<vmem>>, vector<16xf32>,
      %mul3A_2208 = arith.mulf %get3A_2203, %get3A_2207 : vector<16xf32>
      %add3A_2209 = arith.addf %add3A_2199, %mul3A_2208 : vector<16xf32>
      %swap3A_2210 = arith.constant 80 : index
      %swap3A_2211 = tpu.vector_load %arg11[%swap3A_2210] {strides = array<i32>} : memref<256xf32, #tpu.memory_space<vmem>>, vector<16xf32>,
      tpu.vector_store %arg11[%swap3A_2210], %add3A_2209 {strides = array<i32>} : memref<256xf32, #tpu.memory_space<vmem>>, vector<16xf32>,
      %get3A_2212 = arith.constant 6 : i32
      %get3A_2213 = arith.index_cast %get3A_2212 : i32 to index
      %get3A_2214 = arith.constant 0 : index
      %get3A_2215 = tpu.vector_load %arg9[%get3A_2213, %get3A_2214] {strides = array<i32>} : memref<32x64xf32, #tpu.memory_space<vmem>>, vector<16xf32>,
      %get3A_2216 = arith.constant 6 : i32
      %get3A_2217 = arith.index_cast %get3A_2216 : i32 to index
      %get3A_2218 = arith.constant 0 : index
      %get3A_2219 = tpu.vector_load %arg10[%get3A_2217, %get3A_2218] {strides = array<i32>} : memref<32x64xf32, #tpu.memory_space<vmem>>, vector<16xf32>,
      %mul3A_2220 = arith.mulf %get3A_2215, %get3A_2219 : vector<16xf32>
      %get3A_2221 = arith.constant 6 : i32
      %get3A_2222 = arith.index_cast %get3A_2221 : i32 to index
      %get3A_2223 = arith.constant 16 : index
      %get3A_2224 = tpu.vector_load %arg9[%get3A_2222, %get3A_2223] {strides = array<i32>} : memref<32x64xf32, #tpu.memory_space<vmem>>, vector<16xf32>,
      %get3A_2225 = arith.constant 6 : i32
      %get3A_2226 = arith.index_cast %get3A_2225 : i32 to index
      %get3A_2227 = arith.constant 16 : index
      %get3A_2228 = tpu.vector_load %arg10[%get3A_2226, %get3A_2227] {strides = array<i32>} : memref<32x64xf32, #tpu.memory_space<vmem>>, vector<16xf32>,
      %mul3A_2229 = arith.mulf %get3A_2224, %get3A_2228 : vector<16xf32>
      %add3A_2230 = arith.addf %mul3A_2220, %mul3A_2229 : vector<16xf32>
      %get3A_2231 = arith.constant 6 : i32
      %get3A_2232 = arith.index_cast %get3A_2231 : i32 to index
      %get3A_2233 = arith.constant 32 : index
      %get3A_2234 = tpu.vector_load %arg9[%get3A_2232, %get3A_2233] {strides = array<i32>} : memref<32x64xf32, #tpu.memory_space<vmem>>, vector<16xf32>,
      %get3A_2235 = arith.constant 6 : i32
      %get3A_2236 = arith.index_cast %get3A_2235 : i32 to index
      %get3A_2237 = arith.constant 32 : index
      %get3A_2238 = tpu.vector_load %arg10[%get3A_2236, %get3A_2237] {strides = array<i32>} : memref<32x64xf32, #tpu.memory_space<vmem>>, vector<16xf32>,
      %mul3A_2239 = arith.mulf %get3A_2234, %get3A_2238 : vector<16xf32>
      %add3A_2240 = arith.addf %add3A_2230, %mul3A_2239 : vector<16xf32>
      %get3A_2241 = arith.constant 6 : i32
      %get3A_2242 = arith.index_cast %get3A_2241 : i32 to index
      %get3A_2243 = arith.constant 48 : index
      %get3A_2244 = tpu.vector_load %arg9[%get3A_2242, %get3A_2243] {strides = array<i32>} : memref<32x64xf32, #tpu.memory_space<vmem>>, vector<16xf32>,
      %get3A_2245 = arith.constant 6 : i32
      %get3A_2246 = arith.index_cast %get3A_2245 : i32 to index
      %get3A_2247 = arith.constant 48 : index
      %get3A_2248 = tpu.vector_load %arg10[%get3A_2246, %get3A_2247] {strides = array<i32>} : memref<32x64xf32, #tpu.memory_space<vmem>>, vector<16xf32>,
      %mul3A_2249 = arith.mulf %get3A_2244, %get3A_2248 : vector<16xf32>
      %add3A_2250 = arith.addf %add3A_2240, %mul3A_2249 : vector<16xf32>
      %swap3A_2251 = arith.constant 96 : index
      %swap3A_2252 = tpu.vector_load %arg11[%swap3A_2251] {strides = array<i32>} : memref<256xf32, #tpu.memory_space<vmem>>, vector<16xf32>,
      tpu.vector_store %arg11[%swap3A_2251], %add3A_2250 {strides = array<i32>} : memref<256xf32, #tpu.memory_space<vmem>>, vector<16xf32>,
      %get3A_2253 = arith.constant 7 : i32
      %get3A_2254 = arith.index_cast %get3A_2253 : i32 to index
      %get3A_2255 = arith.constant 0 : index
      %get3A_2256 = tpu.vector_load %arg9[%get3A_2254, %get3A_2255] {strides = array<i32>} : memref<32x64xf32, #tpu.memory_space<vmem>>, vector<16xf32>,
      %get3A_2257 = arith.constant 7 : i32
      %get3A_2258 = arith.index_cast %get3A_2257 : i32 to index
      %get3A_2259 = arith.constant 0 : index
      %get3A_2260 = tpu.vector_load %arg10[%get3A_2258, %get3A_2259] {strides = array<i32>} : memref<32x64xf32, #tpu.memory_space<vmem>>, vector<16xf32>,
      %mul3A_2261 = arith.mulf %get3A_2256, %get3A_2260 : vector<16xf32>
      %get3A_2262 = arith.constant 7 : i32
      %get3A_2263 = arith.index_cast %get3A_2262 : i32 to index
      %get3A_2264 = arith.constant 16 : index
      %get3A_2265 = tpu.vector_load %arg9[%get3A_2263, %get3A_2264] {strides = array<i32>} : memref<32x64xf32, #tpu.memory_space<vmem>>, vector<16xf32>,
      %get3A_2266 = arith.constant 7 : i32
      %get3A_2267 = arith.index_cast %get3A_2266 : i32 to index
      %get3A_2268 = arith.constant 16 : index
      %get3A_2269 = tpu.vector_load %arg10[%get3A_2267, %get3A_2268] {strides = array<i32>} : memref<32x64xf32, #tpu.memory_space<vmem>>, vector<16xf32>,
      %mul3A_2270 = arith.mulf %get3A_2265, %get3A_2269 : vector<16xf32>
      %add3A_2271 = arith.addf %mul3A_2261, %mul3A_2270 : vector<16xf32>
      %get3A_2272 = arith.constant 7 : i32
      %get3A_2273 = arith.index_cast %get3A_2272 : i32 to index
      %get3A_2274 = arith.constant 32 : index
      %get3A_2275 = tpu.vector_load %arg9[%get3A_2273, %get3A_2274] {strides = array<i32>} : memref<32x64xf32, #tpu.memory_space<vmem>>, vector<16xf32>,
      %get3A_2276 = arith.constant 7 : i32
      %get3A_2277 = arith.index_cast %get3A_2276 : i32 to index
      %get3A_2278 = arith.constant 32 : index
      %get3A_2279 = tpu.vector_load %arg10[%get3A_2277, %get3A_2278] {strides = array<i32>} : memref<32x64xf32, #tpu.memory_space<vmem>>, vector<16xf32>,
      %mul3A_2280 = arith.mulf %get3A_2275, %get3A_2279 : vector<16xf32>
      %add3A_2281 = arith.addf %add3A_2271, %mul3A_2280 : vector<16xf32>
      %get3A_2282 = arith.constant 7 : i32
      %get3A_2283 = arith.index_cast %get3A_2282 : i32 to index
      %get3A_2284 = arith.constant 48 : index
      %get3A_2285 = tpu.vector_load %arg9[%get3A_2283, %get3A_2284] {strides = array<i32>} : memref<32x64xf32, #tpu.memory_space<vmem>>, vector<16xf32>,
      %get3A_2286 = arith.constant 7 : i32
      %get3A_2287 = arith.index_cast %get3A_2286 : i32 to index
      %get3A_2288 = arith.constant 48 : index
      %get3A_2289 = tpu.vector_load %arg10[%get3A_2287, %get3A_2288] {strides = array<i32>} : memref<32x64xf32, #tpu.memory_space<vmem>>, vector<16xf32>,
      %mul3A_2290 = arith.mulf %get3A_2285, %get3A_2289 : vector<16xf32>
      %add3A_2291 = arith.addf %add3A_2281, %mul3A_2290 : vector<16xf32>
      %swap3A_2292 = arith.constant 112 : index
      %swap3A_2293 = tpu.vector_load %arg11[%swap3A_2292] {strides = array<i32>} : memref<256xf32, #tpu.memory_space<vmem>>, vector<16xf32>,
      tpu.vector_store %arg11[%swap3A_2292], %add3A_2291 {strides = array<i32>} : memref<256xf32, #tpu.memory_space<vmem>>, vector<16xf32>,
      %get3A_2294 = arith.constant 8 : i32
      %get3A_2295 = arith.index_cast %get3A_2294 : i32 to index
      %get3A_2296 = arith.constant 0 : index
      %get3A_2297 = tpu.vector_load %arg9[%get3A_2295, %get3A_2296] {strides = array<i32>} : memref<32x64xf32, #tpu.memory_space<vmem>>, vector<16xf32>,
      %get3A_2298 = arith.constant 8 : i32
      %get3A_2299 = arith.index_cast %get3A_2298 : i32 to index
      %get3A_2300 = arith.constant 0 : index
      %get3A_2301 = tpu.vector_load %arg10[%get3A_2299, %get3A_2300] {strides = array<i32>} : memref<32x64xf32, #tpu.memory_space<vmem>>, vector<16xf32>,
      %mul3A_2302 = arith.mulf %get3A_2297, %get3A_2301 : vector<16xf32>
      %get3A_2303 = arith.constant 8 : i32
      %get3A_2304 = arith.index_cast %get3A_2303 : i32 to index
      %get3A_2305 = arith.constant 16 : index
      %get3A_2306 = tpu.vector_load %arg9[%get3A_2304, %get3A_2305] {strides = array<i32>} : memref<32x64xf32, #tpu.memory_space<vmem>>, vector<16xf32>,
      %get3A_2307 = arith.constant 8 : i32
      %get3A_2308 = arith.index_cast %get3A_2307 : i32 to index
      %get3A_2309 = arith.constant 16 : index
      %get3A_2310 = tpu.vector_load %arg10[%get3A_2308, %get3A_2309] {strides = array<i32>} : memref<32x64xf32, #tpu.memory_space<vmem>>, vector<16xf32>,
      %mul3A_2311 = arith.mulf %get3A_2306, %get3A_2310 : vector<16xf32>
      %add3A_2312 = arith.addf %mul3A_2302, %mul3A_2311 : vector<16xf32>
      %get3A_2313 = arith.constant 8 : i32
      %get3A_2314 = arith.index_cast %get3A_2313 : i32 to index
      %get3A_2315 = arith.constant 32 : index
      %get3A_2316 = tpu.vector_load %arg9[%get3A_2314, %get3A_2315] {strides = array<i32>} : memref<32x64xf32, #tpu.memory_space<vmem>>, vector<16xf32>,
      %get3A_2317 = arith.constant 8 : i32
      %get3A_2318 = arith.index_cast %get3A_2317 : i32 to index
      %get3A_2319 = arith.constant 32 : index
      %get3A_2320 = tpu.vector_load %arg10[%get3A_2318, %get3A_2319] {strides = array<i32>} : memref<32x64xf32, #tpu.memory_space<vmem>>, vector<16xf32>,
      %mul3A_2321 = arith.mulf %get3A_2316, %get3A_2320 : vector<16xf32>
      %add3A_2322 = arith.addf %add3A_2312, %mul3A_2321 : vector<16xf32>
      %get3A_2323 = arith.constant 8 : i32
      %get3A_2324 = arith.index_cast %get3A_2323 : i32 to index
      %get3A_2325 = arith.constant 48 : index
      %get3A_2326 = tpu.vector_load %arg9[%get3A_2324, %get3A_2325] {strides = array<i32>} : memref<32x64xf32, #tpu.memory_space<vmem>>, vector<16xf32>,
      %get3A_2327 = arith.constant 8 : i32
      %get3A_2328 = arith.index_cast %get3A_2327 : i32 to index
      %get3A_2329 = arith.constant 48 : index
      %get3A_2330 = tpu.vector_load %arg10[%get3A_2328, %get3A_2329] {strides = array<i32>} : memref<32x64xf32, #tpu.memory_space<vmem>>, vector<16xf32>,
      %mul3A_2331 = arith.mulf %get3A_2326, %get3A_2330 : vector<16xf32>
      %add3A_2332 = arith.addf %add3A_2322, %mul3A_2331 : vector<16xf32>
      %swap3A_2333 = arith.constant 128 : index
      %swap3A_2334 = tpu.vector_load %arg11[%swap3A_2333] {strides = array<i32>} : memref<256xf32, #tpu.memory_space<vmem>>, vector<16xf32>,
      tpu.vector_store %arg11[%swap3A_2333], %add3A_2332 {strides = array<i32>} : memref<256xf32, #tpu.memory_space<vmem>>, vector<16xf32>,
      %get3A_2335 = arith.constant 9 : i32
      %get3A_2336 = arith.index_cast %get3A_2335 : i32 to index
      %get3A_2337 = arith.constant 0 : index
      %get3A_2338 = tpu.vector_load %arg9[%get3A_2336, %get3A_2337] {strides = array<i32>} : memref<32x64xf32, #tpu.memory_space<vmem>>, vector<16xf32>,
      %get3A_2339 = arith.constant 9 : i32
      %get3A_2340 = arith.index_cast %get3A_2339 : i32 to index
      %get3A_2341 = arith.constant 0 : index
      %get3A_2342 = tpu.vector_load %arg10[%get3A_2340, %get3A_2341] {strides = array<i32>} : memref<32x64xf32, #tpu.memory_space<vmem>>, vector<16xf32>,
      %mul3A_2343 = arith.mulf %get3A_2338, %get3A_2342 : vector<16xf32>
      %get3A_2344 = arith.constant 9 : i32
      %get3A_2345 = arith.index_cast %get3A_2344 : i32 to index
      %get3A_2346 = arith.constant 16 : index
      %get3A_2347 = tpu.vector_load %arg9[%get3A_2345, %get3A_2346] {strides = array<i32>} : memref<32x64xf32, #tpu.memory_space<vmem>>, vector<16xf32>,
      %get3A_2348 = arith.constant 9 : i32
      %get3A_2349 = arith.index_cast %get3A_2348 : i32 to index
      %get3A_2350 = arith.constant 16 : index
      %get3A_2351 = tpu.vector_load %arg10[%get3A_2349, %get3A_2350] {strides = array<i32>} : memref<32x64xf32, #tpu.memory_space<vmem>>, vector<16xf32>,
      %mul3A_2352 = arith.mulf %get3A_2347, %get3A_2351 : vector<16xf32>
      %add3A_2353 = arith.addf %mul3A_2343, %mul3A_2352 : vector<16xf32>
      %get3A_2354 = arith.constant 9 : i32
      %get3A_2355 = arith.index_cast %get3A_2354 : i32 to index
      %get3A_2356 = arith.constant 32 : index
      %get3A_2357 = tpu.vector_load %arg9[%get3A_2355, %get3A_2356] {strides = array<i32>} : memref<32x64xf32, #tpu.memory_space<vmem>>, vector<16xf32>,
      %get3A_2358 = arith.constant 9 : i32
      %get3A_2359 = arith.index_cast %get3A_2358 : i32 to index
      %get3A_2360 = arith.constant 32 : index
      %get3A_2361 = tpu.vector_load %arg10[%get3A_2359, %get3A_2360] {strides = array<i32>} : memref<32x64xf32, #tpu.memory_space<vmem>>, vector<16xf32>,
      %mul3A_2362 = arith.mulf %get3A_2357, %get3A_2361 : vector<16xf32>
      %add3A_2363 = arith.addf %add3A_2353, %mul3A_2362 : vector<16xf32>
      %get3A_2364 = arith.constant 9 : i32
      %get3A_2365 = arith.index_cast %get3A_2364 : i32 to index
      %get3A_2366 = arith.constant 48 : index
      %get3A_2367 = tpu.vector_load %arg9[%get3A_2365, %get3A_2366] {strides = array<i32>} : memref<32x64xf32, #tpu.memory_space<vmem>>, vector<16xf32>,
      %get3A_2368 = arith.constant 9 : i32
      %get3A_2369 = arith.index_cast %get3A_2368 : i32 to index
      %get3A_2370 = arith.constant 48 : index
      %get3A_2371 = tpu.vector_load %arg10[%get3A_2369, %get3A_2370] {strides = array<i32>} : memref<32x64xf32, #tpu.memory_space<vmem>>, vector<16xf32>,
      %mul3A_2372 = arith.mulf %get3A_2367, %get3A_2371 : vector<16xf32>
      %add3A_2373 = arith.addf %add3A_2363, %mul3A_2372 : vector<16xf32>
      %swap3A_2374 = arith.constant 144 : index
      %swap3A_2375 = tpu.vector_load %arg11[%swap3A_2374] {strides = array<i32>} : memref<256xf32, #tpu.memory_space<vmem>>, vector<16xf32>,
      tpu.vector_store %arg11[%swap3A_2374], %add3A_2373 {strides = array<i32>} : memref<256xf32, #tpu.memory_space<vmem>>, vector<16xf32>,
      %get3A_2376 = arith.constant 10 : i32
      %get3A_2377 = arith.index_cast %get3A_2376 : i32 to index
      %get3A_2378 = arith.constant 0 : index
      %get3A_2379 = tpu.vector_load %arg9[%get3A_2377, %get3A_2378] {strides = array<i32>} : memref<32x64xf32, #tpu.memory_space<vmem>>, vector<16xf32>,
      %get3A_2380 = arith.constant 10 : i32
      %get3A_2381 = arith.index_cast %get3A_2380 : i32 to index
      %get3A_2382 = arith.constant 0 : index
      %get3A_2383 = tpu.vector_load %arg10[%get3A_2381, %get3A_2382] {strides = array<i32>} : memref<32x64xf32, #tpu.memory_space<vmem>>, vector<16xf32>,
      %mul3A_2384 = arith.mulf %get3A_2379, %get3A_2383 : vector<16xf32>
      %get3A_2385 = arith.constant 10 : i32
      %get3A_2386 = arith.index_cast %get3A_2385 : i32 to index
      %get3A_2387 = arith.constant 16 : index
      %get3A_2388 = tpu.vector_load %arg9[%get3A_2386, %get3A_2387] {strides = array<i32>} : memref<32x64xf32, #tpu.memory_space<vmem>>, vector<16xf32>,
      %get3A_2389 = arith.constant 10 : i32
      %get3A_2390 = arith.index_cast %get3A_2389 : i32 to index
      %get3A_2391 = arith.constant 16 : index
      %get3A_2392 = tpu.vector_load %arg10[%get3A_2390, %get3A_2391] {strides = array<i32>} : memref<32x64xf32, #tpu.memory_space<vmem>>, vector<16xf32>,
      %mul3A_2393 = arith.mulf %get3A_2388, %get3A_2392 : vector<16xf32>
      %add3A_2394 = arith.addf %mul3A_2384, %mul3A_2393 : vector<16xf32>
      %get3A_2395 = arith.constant 10 : i32
      %get3A_2396 = arith.index_cast %get3A_2395 : i32 to index
      %get3A_2397 = arith.constant 32 : index
      %get3A_2398 = tpu.vector_load %arg9[%get3A_2396, %get3A_2397] {strides = array<i32>} : memref<32x64xf32, #tpu.memory_space<vmem>>, vector<16xf32>,
      %get3A_2399 = arith.constant 10 : i32
      %get3A_2400 = arith.index_cast %get3A_2399 : i32 to index
      %get3A_2401 = arith.constant 32 : index
      %get3A_2402 = tpu.vector_load %arg10[%get3A_2400, %get3A_2401] {strides = array<i32>} : memref<32x64xf32, #tpu.memory_space<vmem>>, vector<16xf32>,
      %mul3A_2403 = arith.mulf %get3A_2398, %get3A_2402 : vector<16xf32>
      %add3A_2404 = arith.addf %add3A_2394, %mul3A_2403 : vector<16xf32>
      %get3A_2405 = arith.constant 10 : i32
      %get3A_2406 = arith.index_cast %get3A_2405 : i32 to index
      %get3A_2407 = arith.constant 48 : index
      %get3A_2408 = tpu.vector_load %arg9[%get3A_2406, %get3A_2407] {strides = array<i32>} : memref<32x64xf32, #tpu.memory_space<vmem>>, vector<16xf32>,
      %get3A_2409 = arith.constant 10 : i32
      %get3A_2410 = arith.index_cast %get3A_2409 : i32 to index
      %get3A_2411 = arith.constant 48 : index
      %get3A_2412 = tpu.vector_load %arg10[%get3A_2410, %get3A_2411] {strides = array<i32>} : memref<32x64xf32, #tpu.memory_space<vmem>>, vector<16xf32>,
      %mul3A_2413 = arith.mulf %get3A_2408, %get3A_2412 : vector<16xf32>
      %add3A_2414 = arith.addf %add3A_2404, %mul3A_2413 : vector<16xf32>
      %swap3A_2415 = arith.constant 160 : index
      %swap3A_2416 = tpu.vector_load %arg11[%swap3A_2415] {strides = array<i32>} : memref<256xf32, #tpu.memory_space<vmem>>, vector<16xf32>,
      tpu.vector_store %arg11[%swap3A_2415], %add3A_2414 {strides = array<i32>} : memref<256xf32, #tpu.memory_space<vmem>>, vector<16xf32>,
      %get3A_2417 = arith.constant 11 : i32
      %get3A_2418 = arith.index_cast %get3A_2417 : i32 to index
      %get3A_2419 = arith.constant 0 : index
      %get3A_2420 = tpu.vector_load %arg9[%get3A_2418, %get3A_2419] {strides = array<i32>} : memref<32x64xf32, #tpu.memory_space<vmem>>, vector<16xf32>,
      %get3A_2421 = arith.constant 11 : i32
      %get3A_2422 = arith.index_cast %get3A_2421 : i32 to index
      %get3A_2423 = arith.constant 0 : index
      %get3A_2424 = tpu.vector_load %arg10[%get3A_2422, %get3A_2423] {strides = array<i32>} : memref<32x64xf32, #tpu.memory_space<vmem>>, vector<16xf32>,
      %mul3A_2425 = arith.mulf %get3A_2420, %get3A_2424 : vector<16xf32>
      %get3A_2426 = arith.constant 11 : i32
      %get3A_2427 = arith.index_cast %get3A_2426 : i32 to index
      %get3A_2428 = arith.constant 16 : index
      %get3A_2429 = tpu.vector_load %arg9[%get3A_2427, %get3A_2428] {strides = array<i32>} : memref<32x64xf32, #tpu.memory_space<vmem>>, vector<16xf32>,
      %get3A_2430 = arith.constant 11 : i32
      %get3A_2431 = arith.index_cast %get3A_2430 : i32 to index
      %get3A_2432 = arith.constant 16 : index
      %get3A_2433 = tpu.vector_load %arg10[%get3A_2431, %get3A_2432] {strides = array<i32>} : memref<32x64xf32, #tpu.memory_space<vmem>>, vector<16xf32>,
      %mul3A_2434 = arith.mulf %get3A_2429, %get3A_2433 : vector<16xf32>
      %add3A_2435 = arith.addf %mul3A_2425, %mul3A_2434 : vector<16xf32>
      %get3A_2436 = arith.constant 11 : i32
      %get3A_2437 = arith.index_cast %get3A_2436 : i32 to index
      %get3A_2438 = arith.constant 32 : index
      %get3A_2439 = tpu.vector_load %arg9[%get3A_2437, %get3A_2438] {strides = array<i32>} : memref<32x64xf32, #tpu.memory_space<vmem>>, vector<16xf32>,
      %get3A_2440 = arith.constant 11 : i32
      %get3A_2441 = arith.index_cast %get3A_2440 : i32 to index
      %get3A_2442 = arith.constant 32 : index
      %get3A_2443 = tpu.vector_load %arg10[%get3A_2441, %get3A_2442] {strides = array<i32>} : memref<32x64xf32, #tpu.memory_space<vmem>>, vector<16xf32>,
      %mul3A_2444 = arith.mulf %get3A_2439, %get3A_2443 : vector<16xf32>
      %add3A_2445 = arith.addf %add3A_2435, %mul3A_2444 : vector<16xf32>
      %get3A_2446 = arith.constant 11 : i32
      %get3A_2447 = arith.index_cast %get3A_2446 : i32 to index
      %get3A_2448 = arith.constant 48 : index
      %get3A_2449 = tpu.vector_load %arg9[%get3A_2447, %get3A_2448] {strides = array<i32>} : memref<32x64xf32, #tpu.memory_space<vmem>>, vector<16xf32>,
      %get3A_2450 = arith.constant 11 : i32
      %get3A_2451 = arith.index_cast %get3A_2450 : i32 to index
      %get3A_2452 = arith.constant 48 : index
      %get3A_2453 = tpu.vector_load %arg10[%get3A_2451, %get3A_2452] {strides = array<i32>} : memref<32x64xf32, #tpu.memory_space<vmem>>, vector<16xf32>,
      %mul3A_2454 = arith.mulf %get3A_2449, %get3A_2453 : vector<16xf32>
      %add3A_2455 = arith.addf %add3A_2445, %mul3A_2454 : vector<16xf32>
      %swap3A_2456 = arith.constant 176 : index
      %swap3A_2457 = tpu.vector_load %arg11[%swap3A_2456] {strides = array<i32>} : memref<256xf32, #tpu.memory_space<vmem>>, vector<16xf32>,
      tpu.vector_store %arg11[%swap3A_2456], %add3A_2455 {strides = array<i32>} : memref<256xf32, #tpu.memory_space<vmem>>, vector<16xf32>,
      %get3A_2458 = arith.constant 12 : i32
      %get3A_2459 = arith.index_cast %get3A_2458 : i32 to index
      %get3A_2460 = arith.constant 0 : index
      %get3A_2461 = tpu.vector_load %arg9[%get3A_2459, %get3A_2460] {strides = array<i32>} : memref<32x64xf32, #tpu.memory_space<vmem>>, vector<16xf32>,
      %get3A_2462 = arith.constant 12 : i32
      %get3A_2463 = arith.index_cast %get3A_2462 : i32 to index
      %get3A_2464 = arith.constant 0 : index
      %get3A_2465 = tpu.vector_load %arg10[%get3A_2463, %get3A_2464] {strides = array<i32>} : memref<32x64xf32, #tpu.memory_space<vmem>>, vector<16xf32>,
      %mul3A_2466 = arith.mulf %get3A_2461, %get3A_2465 : vector<16xf32>
      %get3A_2467 = arith.constant 12 : i32
      %get3A_2468 = arith.index_cast %get3A_2467 : i32 to index
      %get3A_2469 = arith.constant 16 : index
      %get3A_2470 = tpu.vector_load %arg9[%get3A_2468, %get3A_2469] {strides = array<i32>} : memref<32x64xf32, #tpu.memory_space<vmem>>, vector<16xf32>,
      %get3A_2471 = arith.constant 12 : i32
      %get3A_2472 = arith.index_cast %get3A_2471 : i32 to index
      %get3A_2473 = arith.constant 16 : index
      %get3A_2474 = tpu.vector_load %arg10[%get3A_2472, %get3A_2473] {strides = array<i32>} : memref<32x64xf32, #tpu.memory_space<vmem>>, vector<16xf32>,
      %mul3A_2475 = arith.mulf %get3A_2470, %get3A_2474 : vector<16xf32>
      %add3A_2476 = arith.addf %mul3A_2466, %mul3A_2475 : vector<16xf32>
      %get3A_2477 = arith.constant 12 : i32
      %get3A_2478 = arith.index_cast %get3A_2477 : i32 to index
      %get3A_2479 = arith.constant 32 : index
      %get3A_2480 = tpu.vector_load %arg9[%get3A_2478, %get3A_2479] {strides = array<i32>} : memref<32x64xf32, #tpu.memory_space<vmem>>, vector<16xf32>,
      %get3A_2481 = arith.constant 12 : i32
      %get3A_2482 = arith.index_cast %get3A_2481 : i32 to index
      %get3A_2483 = arith.constant 32 : index
      %get3A_2484 = tpu.vector_load %arg10[%get3A_2482, %get3A_2483] {strides = array<i32>} : memref<32x64xf32, #tpu.memory_space<vmem>>, vector<16xf32>,
      %mul3A_2485 = arith.mulf %get3A_2480, %get3A_2484 : vector<16xf32>
      %add3A_2486 = arith.addf %add3A_2476, %mul3A_2485 : vector<16xf32>
      %get3A_2487 = arith.constant 12 : i32
      %get3A_2488 = arith.index_cast %get3A_2487 : i32 to index
      %get3A_2489 = arith.constant 48 : index
      %get3A_2490 = tpu.vector_load %arg9[%get3A_2488, %get3A_2489] {strides = array<i32>} : memref<32x64xf32, #tpu.memory_space<vmem>>, vector<16xf32>,
      %get3A_2491 = arith.constant 12 : i32
      %get3A_2492 = arith.index_cast %get3A_2491 : i32 to index
      %get3A_2493 = arith.constant 48 : index
      %get3A_2494 = tpu.vector_load %arg10[%get3A_2492, %get3A_2493] {strides = array<i32>} : memref<32x64xf32, #tpu.memory_space<vmem>>, vector<16xf32>,
      %mul3A_2495 = arith.mulf %get3A_2490, %get3A_2494 : vector<16xf32>
      %add3A_2496 = arith.addf %add3A_2486, %mul3A_2495 : vector<16xf32>
      %swap3A_2497 = arith.constant 192 : index
      %swap3A_2498 = tpu.vector_load %arg11[%swap3A_2497] {strides = array<i32>} : memref<256xf32, #tpu.memory_space<vmem>>, vector<16xf32>,
      tpu.vector_store %arg11[%swap3A_2497], %add3A_2496 {strides = array<i32>} : memref<256xf32, #tpu.memory_space<vmem>>, vector<16xf32>,
      %get3A_2499 = arith.constant 13 : i32
      %get3A_2500 = arith.index_cast %get3A_2499 : i32 to index
      %get3A_2501 = arith.constant 0 : index
      %get3A_2502 = tpu.vector_load %arg9[%get3A_2500, %get3A_2501] {strides = array<i32>} : memref<32x64xf32, #tpu.memory_space<vmem>>, vector<16xf32>,
      %get3A_2503 = arith.constant 13 : i32
      %get3A_2504 = arith.index_cast %get3A_2503 : i32 to index
      %get3A_2505 = arith.constant 0 : index
      %get3A_2506 = tpu.vector_load %arg10[%get3A_2504, %get3A_2505] {strides = array<i32>} : memref<32x64xf32, #tpu.memory_space<vmem>>, vector<16xf32>,
      %mul3A_2507 = arith.mulf %get3A_2502, %get3A_2506 : vector<16xf32>
      %get3A_2508 = arith.constant 13 : i32
      %get3A_2509 = arith.index_cast %get3A_2508 : i32 to index
      %get3A_2510 = arith.constant 16 : index
      %get3A_2511 = tpu.vector_load %arg9[%get3A_2509, %get3A_2510] {strides = array<i32>} : memref<32x64xf32, #tpu.memory_space<vmem>>, vector<16xf32>,
      %get3A_2512 = arith.constant 13 : i32
      %get3A_2513 = arith.index_cast %get3A_2512 : i32 to index
      %get3A_2514 = arith.constant 16 : index
      %get3A_2515 = tpu.vector_load %arg10[%get3A_2513, %get3A_2514] {strides = array<i32>} : memref<32x64xf32, #tpu.memory_space<vmem>>, vector<16xf32>,
      %mul3A_2516 = arith.mulf %get3A_2511, %get3A_2515 : vector<16xf32>
      %add3A_2517 = arith.addf %mul3A_2507, %mul3A_2516 : vector<16xf32>
      %get3A_2518 = arith.constant 13 : i32
      %get3A_2519 = arith.index_cast %get3A_2518 : i32 to index
      %get3A_2520 = arith.constant 32 : index
      %get3A_2521 = tpu.vector_load %arg9[%get3A_2519, %get3A_2520] {strides = array<i32>} : memref<32x64xf32, #tpu.memory_space<vmem>>, vector<16xf32>,
      %get3A_2522 = arith.constant 13 : i32
      %get3A_2523 = arith.index_cast %get3A_2522 : i32 to index
      %get3A_2524 = arith.constant 32 : index
      %get3A_2525 = tpu.vector_load %arg10[%get3A_2523, %get3A_2524] {strides = array<i32>} : memref<32x64xf32, #tpu.memory_space<vmem>>, vector<16xf32>,
      %mul3A_2526 = arith.mulf %get3A_2521, %get3A_2525 : vector<16xf32>
      %add3A_2527 = arith.addf %add3A_2517, %mul3A_2526 : vector<16xf32>
      %get3A_2528 = arith.constant 13 : i32
      %get3A_2529 = arith.index_cast %get3A_2528 : i32 to index
      %get3A_2530 = arith.constant 48 : index
      %get3A_2531 = tpu.vector_load %arg9[%get3A_2529, %get3A_2530] {strides = array<i32>} : memref<32x64xf32, #tpu.memory_space<vmem>>, vector<16xf32>,
      %get3A_2532 = arith.constant 13 : i32
      %get3A_2533 = arith.index_cast %get3A_2532 : i32 to index
      %get3A_2534 = arith.constant 48 : index
      %get3A_2535 = tpu.vector_load %arg10[%get3A_2533, %get3A_2534] {strides = array<i32>} : memref<32x64xf32, #tpu.memory_space<vmem>>, vector<16xf32>,
      %mul3A_2536 = arith.mulf %get3A_2531, %get3A_2535 : vector<16xf32>
      %add3A_2537 = arith.addf %add3A_2527, %mul3A_2536 : vector<16xf32>
      %swap3A_2538 = arith.constant 208 : index
      %swap3A_2539 = tpu.vector_load %arg11[%swap3A_2538] {strides = array<i32>} : memref<256xf32, #tpu.memory_space<vmem>>, vector<16xf32>,
      tpu.vector_store %arg11[%swap3A_2538], %add3A_2537 {strides = array<i32>} : memref<256xf32, #tpu.memory_space<vmem>>, vector<16xf32>,
      %get3A_2540 = arith.constant 14 : i32
      %get3A_2541 = arith.index_cast %get3A_2540 : i32 to index
      %get3A_2542 = arith.constant 0 : index
      %get3A_2543 = tpu.vector_load %arg9[%get3A_2541, %get3A_2542] {strides = array<i32>} : memref<32x64xf32, #tpu.memory_space<vmem>>, vector<16xf32>,
      %get3A_2544 = arith.constant 14 : i32
      %get3A_2545 = arith.index_cast %get3A_2544 : i32 to index
      %get3A_2546 = arith.constant 0 : index
      %get3A_2547 = tpu.vector_load %arg10[%get3A_2545, %get3A_2546] {strides = array<i32>} : memref<32x64xf32, #tpu.memory_space<vmem>>, vector<16xf32>,
      %mul3A_2548 = arith.mulf %get3A_2543, %get3A_2547 : vector<16xf32>
      %get3A_2549 = arith.constant 14 : i32
      %get3A_2550 = arith.index_cast %get3A_2549 : i32 to index
      %get3A_2551 = arith.constant 16 : index
      %get3A_2552 = tpu.vector_load %arg9[%get3A_2550, %get3A_2551] {strides = array<i32>} : memref<32x64xf32, #tpu.memory_space<vmem>>, vector<16xf32>,
      %get3A_2553 = arith.constant 14 : i32
      %get3A_2554 = arith.index_cast %get3A_2553 : i32 to index
      %get3A_2555 = arith.constant 16 : index
      %get3A_2556 = tpu.vector_load %arg10[%get3A_2554, %get3A_2555] {strides = array<i32>} : memref<32x64xf32, #tpu.memory_space<vmem>>, vector<16xf32>,
      %mul3A_2557 = arith.mulf %get3A_2552, %get3A_2556 : vector<16xf32>
      %add3A_2558 = arith.addf %mul3A_2548, %mul3A_2557 : vector<16xf32>
      %get3A_2559 = arith.constant 14 : i32
      %get3A_2560 = arith.index_cast %get3A_2559 : i32 to index
      %get3A_2561 = arith.constant 32 : index
      %get3A_2562 = tpu.vector_load %arg9[%get3A_2560, %get3A_2561] {strides = array<i32>} : memref<32x64xf32, #tpu.memory_space<vmem>>, vector<16xf32>,
      %get3A_2563 = arith.constant 14 : i32
      %get3A_2564 = arith.index_cast %get3A_2563 : i32 to index
      %get3A_2565 = arith.constant 32 : index
      %get3A_2566 = tpu.vector_load %arg10[%get3A_2564, %get3A_2565] {strides = array<i32>} : memref<32x64xf32, #tpu.memory_space<vmem>>, vector<16xf32>,
      %mul3A_2567 = arith.mulf %get3A_2562, %get3A_2566 : vector<16xf32>
      %add3A_2568 = arith.addf %add3A_2558, %mul3A_2567 : vector<16xf32>
      %get3A_2569 = arith.constant 14 : i32
      %get3A_2570 = arith.index_cast %get3A_2569 : i32 to index
      %get3A_2571 = arith.constant 48 : index
      %get3A_2572 = tpu.vector_load %arg9[%get3A_2570, %get3A_2571] {strides = array<i32>} : memref<32x64xf32, #tpu.memory_space<vmem>>, vector<16xf32>,
      %get3A_2573 = arith.constant 14 : i32
      %get3A_2574 = arith.index_cast %get3A_2573 : i32 to index
      %get3A_2575 = arith.constant 48 : index
      %get3A_2576 = tpu.vector_load %arg10[%get3A_2574, %get3A_2575] {strides = array<i32>} : memref<32x64xf32, #tpu.memory_space<vmem>>, vector<16xf32>,
      %mul3A_2577 = arith.mulf %get3A_2572, %get3A_2576 : vector<16xf32>
      %add3A_2578 = arith.addf %add3A_2568, %mul3A_2577 : vector<16xf32>
      %swap3A_2579 = arith.constant 224 : index
      %swap3A_2580 = tpu.vector_load %arg11[%swap3A_2579] {strides = array<i32>} : memref<256xf32, #tpu.memory_space<vmem>>, vector<16xf32>,
      tpu.vector_store %arg11[%swap3A_2579], %add3A_2578 {strides = array<i32>} : memref<256xf32, #tpu.memory_space<vmem>>, vector<16xf32>,
      %get3A_2581 = arith.constant 15 : i32
      %get3A_2582 = arith.index_cast %get3A_2581 : i32 to index
      %get3A_2583 = arith.constant 0 : index
      %get3A_2584 = tpu.vector_load %arg9[%get3A_2582, %get3A_2583] {strides = array<i32>} : memref<32x64xf32, #tpu.memory_space<vmem>>, vector<16xf32>,
      %get3A_2585 = arith.constant 15 : i32
      %get3A_2586 = arith.index_cast %get3A_2585 : i32 to index
      %get3A_2587 = arith.constant 0 : index
      %get3A_2588 = tpu.vector_load %arg10[%get3A_2586, %get3A_2587] {strides = array<i32>} : memref<32x64xf32, #tpu.memory_space<vmem>>, vector<16xf32>,
      %mul3A_2589 = arith.mulf %get3A_2584, %get3A_2588 : vector<16xf32>
      %get3A_2590 = arith.constant 15 : i32
      %get3A_2591 = arith.index_cast %get3A_2590 : i32 to index
      %get3A_2592 = arith.constant 16 : index
      %get3A_2593 = tpu.vector_load %arg9[%get3A_2591, %get3A_2592] {strides = array<i32>} : memref<32x64xf32, #tpu.memory_space<vmem>>, vector<16xf32>,
      %get3A_2594 = arith.constant 15 : i32
      %get3A_2595 = arith.index_cast %get3A_2594 : i32 to index
      %get3A_2596 = arith.constant 16 : index
      %get3A_2597 = tpu.vector_load %arg10[%get3A_2595, %get3A_2596] {strides = array<i32>} : memref<32x64xf32, #tpu.memory_space<vmem>>, vector<16xf32>,
      %mul3A_2598 = arith.mulf %get3A_2593, %get3A_2597 : vector<16xf32>
      %add3A_2599 = arith.addf %mul3A_2589, %mul3A_2598 : vector<16xf32>
      %get3A_2600 = arith.constant 15 : i32
      %get3A_2601 = arith.index_cast %get3A_2600 : i32 to index
      %get3A_2602 = arith.constant 32 : index
      %get3A_2603 = tpu.vector_load %arg9[%get3A_2601, %get3A_2602] {strides = array<i32>} : memref<32x64xf32, #tpu.memory_space<vmem>>, vector<16xf32>,
      %get3A_2604 = arith.constant 15 : i32
      %get3A_2605 = arith.index_cast %get3A_2604 : i32 to index
      %get3A_2606 = arith.constant 32 : index
      %get3A_2607 = tpu.vector_load %arg10[%get3A_2605, %get3A_2606] {strides = array<i32>} : memref<32x64xf32, #tpu.memory_space<vmem>>, vector<16xf32>,
      %mul3A_2608 = arith.mulf %get3A_2603, %get3A_2607 : vector<16xf32>
      %add3A_2609 = arith.addf %add3A_2599, %mul3A_2608 : vector<16xf32>
      %get3A_2610 = arith.constant 15 : i32
      %get3A_2611 = arith.index_cast %get3A_2610 : i32 to index
      %get3A_2612 = arith.constant 48 : index
      %get3A_2613 = tpu.vector_load %arg9[%get3A_2611, %get3A_2612] {strides = array<i32>} : memref<32x64xf32, #tpu.memory_space<vmem>>, vector<16xf32>,
      %get3A_2614 = arith.constant 15 : i32
      %get3A_2615 = arith.index_cast %get3A_2614 : i32 to index
      %get3A_2616 = arith.constant 48 : index
      %get3A_2617 = tpu.vector_load %arg10[%get3A_2615, %get3A_2616] {strides = array<i32>} : memref<32x64xf32, #tpu.memory_space<vmem>>, vector<16xf32>,
      %mul3A_2618 = arith.mulf %get3A_2613, %get3A_2617 : vector<16xf32>
      %add3A_2619 = arith.addf %add3A_2609, %mul3A_2618 : vector<16xf32>
      %swap3A_2620 = arith.constant 240 : index
      %swap3A_2621 = tpu.vector_load %arg11[%swap3A_2620] {strides = array<i32>} : memref<256xf32, #tpu.memory_space<vmem>>, vector<16xf32>,
      tpu.vector_store %arg11[%swap3A_2620], %add3A_2619 {strides = array<i32>} : memref<256xf32, #tpu.memory_space<vmem>>, vector<16xf32>,
      %gather3A = tpu.vector_load_idx %arg11[%mul3A_5] : memref<256xf32, #tpu.memory_space<vmem>>[vector<16xi32>], vector<16xf32>,
      %add3A_2622 = arith.constant 1 : i32
      %add3A_2623 = vector.broadcast %add3A_2622 : i32 to vector<16xi32>
      %add3A_2624 = arith.addi %mul3A_5, %add3A_2623 : vector<16xi32>
      %gather3A_2625 = tpu.vector_load_idx %arg11[%add3A_2624] : memref<256xf32, #tpu.memory_space<vmem>>[vector<16xi32>], vector<16xf32>,
      %add3A_2626 = arith.addf %gather3A, %gather3A_2625 : vector<16xf32>
      %add3A_2627 = arith.constant 2 : i32
      %add3A_2628 = vector.broadcast %add3A_2627 : i32 to vector<16xi32>
      %add3A_2629 = arith.addi %mul3A_5, %add3A_2628 : vector<16xi32>
      %gather3A_2630 = tpu.vector_load_idx %arg11[%add3A_2629] : memref<256xf32, #tpu.memory_space<vmem>>[vector<16xi32>], vector<16xf32>,
      %add3A_2631 = arith.addf %add3A_2626, %gather3A_2630 : vector<16xf32>
      %add3A_2632 = arith.constant 3 : i32
      %add3A_2633 = vector.broadcast %add3A_2632 : i32 to vector<16xi32>
      %add3A_2634 = arith.addi %mul3A_5, %add3A_2633 : vector<16xi32>
      %gather3A_2635 = tpu.vector_load_idx %arg11[%add3A_2634] : memref<256xf32, #tpu.memory_space<vmem>>[vector<16xi32>], vector<16xf32>,
      %add3A_2636 = arith.addf %add3A_2631, %gather3A_2635 : vector<16xf32>
      %add3A_2637 = arith.constant 4 : i32
      %add3A_2638 = vector.broadcast %add3A_2637 : i32 to vector<16xi32>
      %add3A_2639 = arith.addi %mul3A_5, %add3A_2638 : vector<16xi32>
      %gather3A_2640 = tpu.vector_load_idx %arg11[%add3A_2639] : memref<256xf32, #tpu.memory_space<vmem>>[vector<16xi32>], vector<16xf32>,
      %add3A_2641 = arith.addf %add3A_2636, %gather3A_2640 : vector<16xf32>
      %add3A_2642 = arith.constant 5 : i32
      %add3A_2643 = vector.broadcast %add3A_2642 : i32 to vector<16xi32>
      %add3A_2644 = arith.addi %mul3A_5, %add3A_2643 : vector<16xi32>
      %gather3A_2645 = tpu.vector_load_idx %arg11[%add3A_2644] : memref<256xf32, #tpu.memory_space<vmem>>[vector<16xi32>], vector<16xf32>,
      %add3A_2646 = arith.addf %add3A_2641, %gather3A_2645 : vector<16xf32>
      %add3A_2647 = arith.constant 6 : i32
      %add3A_2648 = vector.broadcast %add3A_2647 : i32 to vector<16xi32>
      %add3A_2649 = arith.addi %mul3A_5, %add3A_2648 : vector<16xi32>
      %gather3A_2650 = tpu.vector_load_idx %arg11[%add3A_2649] : memref<256xf32, #tpu.memory_space<vmem>>[vector<16xi32>], vector<16xf32>,
      %add3A_2651 = arith.addf %add3A_2646, %gather3A_2650 : vector<16xf32>
      %add3A_2652 = arith.constant 7 : i32
      %add3A_2653 = vector.broadcast %add3A_2652 : i32 to vector<16xi32>
      %add3A_2654 = arith.addi %mul3A_5, %add3A_2653 : vector<16xi32>
      %gather3A_2655 = tpu.vector_load_idx %arg11[%add3A_2654] : memref<256xf32, #tpu.memory_space<vmem>>[vector<16xi32>], vector<16xf32>,
      %add3A_2656 = arith.addf %add3A_2651, %gather3A_2655 : vector<16xf32>
      %add3A_2657 = arith.constant 8 : i32
      %add3A_2658 = vector.broadcast %add3A_2657 : i32 to vector<16xi32>
      %add3A_2659 = arith.addi %mul3A_5, %add3A_2658 : vector<16xi32>
      %gather3A_2660 = tpu.vector_load_idx %arg11[%add3A_2659] : memref<256xf32, #tpu.memory_space<vmem>>[vector<16xi32>], vector<16xf32>,
      %add3A_2661 = arith.addf %add3A_2656, %gather3A_2660 : vector<16xf32>
      %add3A_2662 = arith.constant 9 : i32
      %add3A_2663 = vector.broadcast %add3A_2662 : i32 to vector<16xi32>
      %add3A_2664 = arith.addi %mul3A_5, %add3A_2663 : vector<16xi32>
      %gather3A_2665 = tpu.vector_load_idx %arg11[%add3A_2664] : memref<256xf32, #tpu.memory_space<vmem>>[vector<16xi32>], vector<16xf32>,
      %add3A_2666 = arith.addf %add3A_2661, %gather3A_2665 : vector<16xf32>
      %add3A_2667 = arith.constant 10 : i32
      %add3A_2668 = vector.broadcast %add3A_2667 : i32 to vector<16xi32>
      %add3A_2669 = arith.addi %mul3A_5, %add3A_2668 : vector<16xi32>
      %gather3A_2670 = tpu.vector_load_idx %arg11[%add3A_2669] : memref<256xf32, #tpu.memory_space<vmem>>[vector<16xi32>], vector<16xf32>,
      %add3A_2671 = arith.addf %add3A_2666, %gather3A_2670 : vector<16xf32>
      %add3A_2672 = arith.constant 11 : i32
      %add3A_2673 = vector.broadcast %add3A_2672 : i32 to vector<16xi32>
      %add3A_2674 = arith.addi %mul3A_5, %add3A_2673 : vector<16xi32>
      %gather3A_2675 = tpu.vector_load_idx %arg11[%add3A_2674] : memref<256xf32, #tpu.memory_space<vmem>>[vector<16xi32>], vector<16xf32>,
      %add3A_2676 = arith.addf %add3A_2671, %gather3A_2675 : vector<16xf32>
      %add3A_2677 = arith.constant 12 : i32
      %add3A_2678 = vector.broadcast %add3A_2677 : i32 to vector<16xi32>
      %add3A_2679 = arith.addi %mul3A_5, %add3A_2678 : vector<16xi32>
      %gather3A_2680 = tpu.vector_load_idx %arg11[%add3A_2679] : memref<256xf32, #tpu.memory_space<vmem>>[vector<16xi32>], vector<16xf32>,
      %add3A_2681 = arith.addf %add3A_2676, %gather3A_2680 : vector<16xf32>
      %add3A_2682 = arith.constant 13 : i32
      %add3A_2683 = vector.broadcast %add3A_2682 : i32 to vector<16xi32>
      %add3A_2684 = arith.addi %mul3A_5, %add3A_2683 : vector<16xi32>
      %gather3A_2685 = tpu.vector_load_idx %arg11[%add3A_2684] : memref<256xf32, #tpu.memory_space<vmem>>[vector<16xi32>], vector<16xf32>,
      %add3A_2686 = arith.addf %add3A_2681, %gather3A_2685 : vector<16xf32>
      %add3A_2687 = arith.constant 14 : i32
      %add3A_2688 = vector.broadcast %add3A_2687 : i32 to vector<16xi32>
      %add3A_2689 = arith.addi %mul3A_5, %add3A_2688 : vector<16xi32>
      %gather3A_2690 = tpu.vector_load_idx %arg11[%add3A_2689] : memref<256xf32, #tpu.memory_space<vmem>>[vector<16xi32>], vector<16xf32>,
      %add3A_2691 = arith.addf %add3A_2686, %gather3A_2690 : vector<16xf32>
      %add3A_2692 = arith.constant 15 : i32
      %add3A_2693 = vector.broadcast %add3A_2692 : i32 to vector<16xi32>
      %add3A_2694 = arith.addi %mul3A_5, %add3A_2693 : vector<16xi32>
      %gather3A_2695 = tpu.vector_load_idx %arg11[%add3A_2694] : memref<256xf32, #tpu.memory_space<vmem>>[vector<16xi32>], vector<16xf32>,
      %add3A_2696 = arith.addf %add3A_2691, %gather3A_2695 : vector<16xf32>
      %neg3A = arith.constant 0.000000e+00 : f32
      %neg3A_2697 = vector.broadcast %neg3A : f32 to vector<16xf32>
      %neg3A_2698 = arith.subf %neg3A_2697, %add3A_2696 : vector<16xf32>
      %exp3A = math.exp %neg3A_2698 : vector<16xf32>
      %add3A_2699 = arith.constant 1.000000e+00 : f32
      %add3A_2700 = vector.broadcast %add3A_2699 : f32 to vector<16xf32>
      %add3A_2701 = arith.addf %add3A_2700, %exp3A : vector<16xf32>
      %div3A = arith.constant 1.000000e+00 : f32
      %div3A_2702 = vector.broadcast %div3A : f32 to vector<16xf32>
      %div3A_2703 = arith.divf %div3A_2702, %add3A_2701 : vector<16xf32>
      %add3A_2704 = arith.constant 0 : i32
      %add3A_2705 = arith.addi %mul3A_13, %add3A_2704 : i32
      %swap3A_2706 = arith.index_cast %add3A_2705 : i32 to index
      %swap3A_2707 = tpu.vector_load %arg12[%swap3A_2706] {strides = array<i32>} : memref<512xf32, #tpu.memory_space<vmem>>, vector<16xf32>,
      tpu.vector_store %arg12[%swap3A_2706], %div3A_2703 {strides = array<i32>} : memref<512xf32, #tpu.memory_space<vmem>>, vector<16xf32>,
      %get3A_2708 = arith.constant 16 : i32
      %get3A_2709 = arith.index_cast %get3A_2708 : i32 to index
      %get3A_2710 = arith.constant 0 : index
      %get3A_2711 = tpu.vector_load %arg9[%get3A_2709, %get3A_2710] {strides = array<i32>} : memref<32x64xf32, #tpu.memory_space<vmem>>, vector<16xf32>,
      %get3A_2712 = arith.constant 16 : i32
      %get3A_2713 = arith.index_cast %get3A_2712 : i32 to index
      %get3A_2714 = arith.constant 0 : index
      %get3A_2715 = tpu.vector_load %arg10[%get3A_2713, %get3A_2714] {strides = array<i32>} : memref<32x64xf32, #tpu.memory_space<vmem>>, vector<16xf32>,
      %mul3A_2716 = arith.mulf %get3A_2711, %get3A_2715 : vector<16xf32>
      %get3A_2717 = arith.constant 16 : i32
      %get3A_2718 = arith.index_cast %get3A_2717 : i32 to index
      %get3A_2719 = arith.constant 16 : index
      %get3A_2720 = tpu.vector_load %arg9[%get3A_2718, %get3A_2719] {strides = array<i32>} : memref<32x64xf32, #tpu.memory_space<vmem>>, vector<16xf32>,
      %get3A_2721 = arith.constant 16 : i32
      %get3A_2722 = arith.index_cast %get3A_2721 : i32 to index
      %get3A_2723 = arith.constant 16 : index
      %get3A_2724 = tpu.vector_load %arg10[%get3A_2722, %get3A_2723] {strides = array<i32>} : memref<32x64xf32, #tpu.memory_space<vmem>>, vector<16xf32>,
      %mul3A_2725 = arith.mulf %get3A_2720, %get3A_2724 : vector<16xf32>
      %add3A_2726 = arith.addf %mul3A_2716, %mul3A_2725 : vector<16xf32>
      %get3A_2727 = arith.constant 16 : i32
      %get3A_2728 = arith.index_cast %get3A_2727 : i32 to index
      %get3A_2729 = arith.constant 32 : index
      %get3A_2730 = tpu.vector_load %arg9[%get3A_2728, %get3A_2729] {strides = array<i32>} : memref<32x64xf32, #tpu.memory_space<vmem>>, vector<16xf32>,
      %get3A_2731 = arith.constant 16 : i32
      %get3A_2732 = arith.index_cast %get3A_2731 : i32 to index
      %get3A_2733 = arith.constant 32 : index
      %get3A_2734 = tpu.vector_load %arg10[%get3A_2732, %get3A_2733] {strides = array<i32>} : memref<32x64xf32, #tpu.memory_space<vmem>>, vector<16xf32>,
      %mul3A_2735 = arith.mulf %get3A_2730, %get3A_2734 : vector<16xf32>
      %add3A_2736 = arith.addf %add3A_2726, %mul3A_2735 : vector<16xf32>
      %get3A_2737 = arith.constant 16 : i32
      %get3A_2738 = arith.index_cast %get3A_2737 : i32 to index
      %get3A_2739 = arith.constant 48 : index
      %get3A_2740 = tpu.vector_load %arg9[%get3A_2738, %get3A_2739] {strides = array<i32>} : memref<32x64xf32, #tpu.memory_space<vmem>>, vector<16xf32>,
      %get3A_2741 = arith.constant 16 : i32
      %get3A_2742 = arith.index_cast %get3A_2741 : i32 to index
      %get3A_2743 = arith.constant 48 : index
      %get3A_2744 = tpu.vector_load %arg10[%get3A_2742, %get3A_2743] {strides = array<i32>} : memref<32x64xf32, #tpu.memory_space<vmem>>, vector<16xf32>,
      %mul3A_2745 = arith.mulf %get3A_2740, %get3A_2744 : vector<16xf32>
      %add3A_2746 = arith.addf %add3A_2736, %mul3A_2745 : vector<16xf32>
      %swap3A_2747 = arith.constant 0 : index
      %swap3A_2748 = tpu.vector_load %arg11[%swap3A_2747] {strides = array<i32>} : memref<256xf32, #tpu.memory_space<vmem>>, vector<16xf32>,
      tpu.vector_store %arg11[%swap3A_2747], %add3A_2746 {strides = array<i32>} : memref<256xf32, #tpu.memory_space<vmem>>, vector<16xf32>,
      %get3A_2749 = arith.constant 17 : i32
      %get3A_2750 = arith.index_cast %get3A_2749 : i32 to index
      %get3A_2751 = arith.constant 0 : index
      %get3A_2752 = tpu.vector_load %arg9[%get3A_2750, %get3A_2751] {strides = array<i32>} : memref<32x64xf32, #tpu.memory_space<vmem>>, vector<16xf32>,
      %get3A_2753 = arith.constant 17 : i32
      %get3A_2754 = arith.index_cast %get3A_2753 : i32 to index
      %get3A_2755 = arith.constant 0 : index
      %get3A_2756 = tpu.vector_load %arg10[%get3A_2754, %get3A_2755] {strides = array<i32>} : memref<32x64xf32, #tpu.memory_space<vmem>>, vector<16xf32>,
      %mul3A_2757 = arith.mulf %get3A_2752, %get3A_2756 : vector<16xf32>
      %get3A_2758 = arith.constant 17 : i32
      %get3A_2759 = arith.index_cast %get3A_2758 : i32 to index
      %get3A_2760 = arith.constant 16 : index
      %get3A_2761 = tpu.vector_load %arg9[%get3A_2759, %get3A_2760] {strides = array<i32>} : memref<32x64xf32, #tpu.memory_space<vmem>>, vector<16xf32>,
      %get3A_2762 = arith.constant 17 : i32
      %get3A_2763 = arith.index_cast %get3A_2762 : i32 to index
      %get3A_2764 = arith.constant 16 : index
      %get3A_2765 = tpu.vector_load %arg10[%get3A_2763, %get3A_2764] {strides = array<i32>} : memref<32x64xf32, #tpu.memory_space<vmem>>, vector<16xf32>,
      %mul3A_2766 = arith.mulf %get3A_2761, %get3A_2765 : vector<16xf32>
      %add3A_2767 = arith.addf %mul3A_2757, %mul3A_2766 : vector<16xf32>
      %get3A_2768 = arith.constant 17 : i32
      %get3A_2769 = arith.index_cast %get3A_2768 : i32 to index
      %get3A_2770 = arith.constant 32 : index
      %get3A_2771 = tpu.vector_load %arg9[%get3A_2769, %get3A_2770] {strides = array<i32>} : memref<32x64xf32, #tpu.memory_space<vmem>>, vector<16xf32>,
      %get3A_2772 = arith.constant 17 : i32
      %get3A_2773 = arith.index_cast %get3A_2772 : i32 to index
      %get3A_2774 = arith.constant 32 : index
      %get3A_2775 = tpu.vector_load %arg10[%get3A_2773, %get3A_2774] {strides = array<i32>} : memref<32x64xf32, #tpu.memory_space<vmem>>, vector<16xf32>,
      %mul3A_2776 = arith.mulf %get3A_2771, %get3A_2775 : vector<16xf32>
      %add3A_2777 = arith.addf %add3A_2767, %mul3A_2776 : vector<16xf32>
      %get3A_2778 = arith.constant 17 : i32
      %get3A_2779 = arith.index_cast %get3A_2778 : i32 to index
      %get3A_2780 = arith.constant 48 : index
      %get3A_2781 = tpu.vector_load %arg9[%get3A_2779, %get3A_2780] {strides = array<i32>} : memref<32x64xf32, #tpu.memory_space<vmem>>, vector<16xf32>,
      %get3A_2782 = arith.constant 17 : i32
      %get3A_2783 = arith.index_cast %get3A_2782 : i32 to index
      %get3A_2784 = arith.constant 48 : index
      %get3A_2785 = tpu.vector_load %arg10[%get3A_2783, %get3A_2784] {strides = array<i32>} : memref<32x64xf32, #tpu.memory_space<vmem>>, vector<16xf32>,
      %mul3A_2786 = arith.mulf %get3A_2781, %get3A_2785 : vector<16xf32>
      %add3A_2787 = arith.addf %add3A_2777, %mul3A_2786 : vector<16xf32>
      %swap3A_2788 = arith.constant 16 : index
      %swap3A_2789 = tpu.vector_load %arg11[%swap3A_2788] {strides = array<i32>} : memref<256xf32, #tpu.memory_space<vmem>>, vector<16xf32>,
      tpu.vector_store %arg11[%swap3A_2788], %add3A_2787 {strides = array<i32>} : memref<256xf32, #tpu.memory_space<vmem>>, vector<16xf32>,
      %get3A_2790 = arith.constant 18 : i32
      %get3A_2791 = arith.index_cast %get3A_2790 : i32 to index
      %get3A_2792 = arith.constant 0 : index
      %get3A_2793 = tpu.vector_load %arg9[%get3A_2791, %get3A_2792] {strides = array<i32>} : memref<32x64xf32, #tpu.memory_space<vmem>>, vector<16xf32>,
      %get3A_2794 = arith.constant 18 : i32
      %get3A_2795 = arith.index_cast %get3A_2794 : i32 to index
      %get3A_2796 = arith.constant 0 : index
      %get3A_2797 = tpu.vector_load %arg10[%get3A_2795, %get3A_2796] {strides = array<i32>} : memref<32x64xf32, #tpu.memory_space<vmem>>, vector<16xf32>,
      %mul3A_2798 = arith.mulf %get3A_2793, %get3A_2797 : vector<16xf32>
      %get3A_2799 = arith.constant 18 : i32
      %get3A_2800 = arith.index_cast %get3A_2799 : i32 to index
      %get3A_2801 = arith.constant 16 : index
      %get3A_2802 = tpu.vector_load %arg9[%get3A_2800, %get3A_2801] {strides = array<i32>} : memref<32x64xf32, #tpu.memory_space<vmem>>, vector<16xf32>,
      %get3A_2803 = arith.constant 18 : i32
      %get3A_2804 = arith.index_cast %get3A_2803 : i32 to index
      %get3A_2805 = arith.constant 16 : index
      %get3A_2806 = tpu.vector_load %arg10[%get3A_2804, %get3A_2805] {strides = array<i32>} : memref<32x64xf32, #tpu.memory_space<vmem>>, vector<16xf32>,
      %mul3A_2807 = arith.mulf %get3A_2802, %get3A_2806 : vector<16xf32>
      %add3A_2808 = arith.addf %mul3A_2798, %mul3A_2807 : vector<16xf32>
      %get3A_2809 = arith.constant 18 : i32
      %get3A_2810 = arith.index_cast %get3A_2809 : i32 to index
      %get3A_2811 = arith.constant 32 : index
      %get3A_2812 = tpu.vector_load %arg9[%get3A_2810, %get3A_2811] {strides = array<i32>} : memref<32x64xf32, #tpu.memory_space<vmem>>, vector<16xf32>,
      %get3A_2813 = arith.constant 18 : i32
      %get3A_2814 = arith.index_cast %get3A_2813 : i32 to index
      %get3A_2815 = arith.constant 32 : index
      %get3A_2816 = tpu.vector_load %arg10[%get3A_2814, %get3A_2815] {strides = array<i32>} : memref<32x64xf32, #tpu.memory_space<vmem>>, vector<16xf32>,
      %mul3A_2817 = arith.mulf %get3A_2812, %get3A_2816 : vector<16xf32>
      %add3A_2818 = arith.addf %add3A_2808, %mul3A_2817 : vector<16xf32>
      %get3A_2819 = arith.constant 18 : i32
      %get3A_2820 = arith.index_cast %get3A_2819 : i32 to index
      %get3A_2821 = arith.constant 48 : index
      %get3A_2822 = tpu.vector_load %arg9[%get3A_2820, %get3A_2821] {strides = array<i32>} : memref<32x64xf32, #tpu.memory_space<vmem>>, vector<16xf32>,
      %get3A_2823 = arith.constant 18 : i32
      %get3A_2824 = arith.index_cast %get3A_2823 : i32 to index
      %get3A_2825 = arith.constant 48 : index
      %get3A_2826 = tpu.vector_load %arg10[%get3A_2824, %get3A_2825] {strides = array<i32>} : memref<32x64xf32, #tpu.memory_space<vmem>>, vector<16xf32>,
      %mul3A_2827 = arith.mulf %get3A_2822, %get3A_2826 : vector<16xf32>
      %add3A_2828 = arith.addf %add3A_2818, %mul3A_2827 : vector<16xf32>
      %swap3A_2829 = arith.constant 32 : index
      %swap3A_2830 = tpu.vector_load %arg11[%swap3A_2829] {strides = array<i32>} : memref<256xf32, #tpu.memory_space<vmem>>, vector<16xf32>,
      tpu.vector_store %arg11[%swap3A_2829], %add3A_2828 {strides = array<i32>} : memref<256xf32, #tpu.memory_space<vmem>>, vector<16xf32>,
      %get3A_2831 = arith.constant 19 : i32
      %get3A_2832 = arith.index_cast %get3A_2831 : i32 to index
      %get3A_2833 = arith.constant 0 : index
      %get3A_2834 = tpu.vector_load %arg9[%get3A_2832, %get3A_2833] {strides = array<i32>} : memref<32x64xf32, #tpu.memory_space<vmem>>, vector<16xf32>,
      %get3A_2835 = arith.constant 19 : i32
      %get3A_2836 = arith.index_cast %get3A_2835 : i32 to index
      %get3A_2837 = arith.constant 0 : index
      %get3A_2838 = tpu.vector_load %arg10[%get3A_2836, %get3A_2837] {strides = array<i32>} : memref<32x64xf32, #tpu.memory_space<vmem>>, vector<16xf32>,
      %mul3A_2839 = arith.mulf %get3A_2834, %get3A_2838 : vector<16xf32>
      %get3A_2840 = arith.constant 19 : i32
      %get3A_2841 = arith.index_cast %get3A_2840 : i32 to index
      %get3A_2842 = arith.constant 16 : index
      %get3A_2843 = tpu.vector_load %arg9[%get3A_2841, %get3A_2842] {strides = array<i32>} : memref<32x64xf32, #tpu.memory_space<vmem>>, vector<16xf32>,
      %get3A_2844 = arith.constant 19 : i32
      %get3A_2845 = arith.index_cast %get3A_2844 : i32 to index
      %get3A_2846 = arith.constant 16 : index
      %get3A_2847 = tpu.vector_load %arg10[%get3A_2845, %get3A_2846] {strides = array<i32>} : memref<32x64xf32, #tpu.memory_space<vmem>>, vector<16xf32>,
      %mul3A_2848 = arith.mulf %get3A_2843, %get3A_2847 : vector<16xf32>
      %add3A_2849 = arith.addf %mul3A_2839, %mul3A_2848 : vector<16xf32>
      %get3A_2850 = arith.constant 19 : i32
      %get3A_2851 = arith.index_cast %get3A_2850 : i32 to index
      %get3A_2852 = arith.constant 32 : index
      %get3A_2853 = tpu.vector_load %arg9[%get3A_2851, %get3A_2852] {strides = array<i32>} : memref<32x64xf32, #tpu.memory_space<vmem>>, vector<16xf32>,
      %get3A_2854 = arith.constant 19 : i32
      %get3A_2855 = arith.index_cast %get3A_2854 : i32 to index
      %get3A_2856 = arith.constant 32 : index
      %get3A_2857 = tpu.vector_load %arg10[%get3A_2855, %get3A_2856] {strides = array<i32>} : memref<32x64xf32, #tpu.memory_space<vmem>>, vector<16xf32>,
      %mul3A_2858 = arith.mulf %get3A_2853, %get3A_2857 : vector<16xf32>
      %add3A_2859 = arith.addf %add3A_2849, %mul3A_2858 : vector<16xf32>
      %get3A_2860 = arith.constant 19 : i32
      %get3A_2861 = arith.index_cast %get3A_2860 : i32 to index
      %get3A_2862 = arith.constant 48 : index
      %get3A_2863 = tpu.vector_load %arg9[%get3A_2861, %get3A_2862] {strides = array<i32>} : memref<32x64xf32, #tpu.memory_space<vmem>>, vector<16xf32>,
      %get3A_2864 = arith.constant 19 : i32
      %get3A_2865 = arith.index_cast %get3A_2864 : i32 to index
      %get3A_2866 = arith.constant 48 : index
      %get3A_2867 = tpu.vector_load %arg10[%get3A_2865, %get3A_2866] {strides = array<i32>} : memref<32x64xf32, #tpu.memory_space<vmem>>, vector<16xf32>,
      %mul3A_2868 = arith.mulf %get3A_2863, %get3A_2867 : vector<16xf32>
      %add3A_2869 = arith.addf %add3A_2859, %mul3A_2868 : vector<16xf32>
      %swap3A_2870 = arith.constant 48 : index
      %swap3A_2871 = tpu.vector_load %arg11[%swap3A_2870] {strides = array<i32>} : memref<256xf32, #tpu.memory_space<vmem>>, vector<16xf32>,
      tpu.vector_store %arg11[%swap3A_2870], %add3A_2869 {strides = array<i32>} : memref<256xf32, #tpu.memory_space<vmem>>, vector<16xf32>,
      %get3A_2872 = arith.constant 20 : i32
      %get3A_2873 = arith.index_cast %get3A_2872 : i32 to index
      %get3A_2874 = arith.constant 0 : index
      %get3A_2875 = tpu.vector_load %arg9[%get3A_2873, %get3A_2874] {strides = array<i32>} : memref<32x64xf32, #tpu.memory_space<vmem>>, vector<16xf32>,
      %get3A_2876 = arith.constant 20 : i32
      %get3A_2877 = arith.index_cast %get3A_2876 : i32 to index
      %get3A_2878 = arith.constant 0 : index
      %get3A_2879 = tpu.vector_load %arg10[%get3A_2877, %get3A_2878] {strides = array<i32>} : memref<32x64xf32, #tpu.memory_space<vmem>>, vector<16xf32>,
      %mul3A_2880 = arith.mulf %get3A_2875, %get3A_2879 : vector<16xf32>
      %get3A_2881 = arith.constant 20 : i32
      %get3A_2882 = arith.index_cast %get3A_2881 : i32 to index
      %get3A_2883 = arith.constant 16 : index
      %get3A_2884 = tpu.vector_load %arg9[%get3A_2882, %get3A_2883] {strides = array<i32>} : memref<32x64xf32, #tpu.memory_space<vmem>>, vector<16xf32>,
      %get3A_2885 = arith.constant 20 : i32
      %get3A_2886 = arith.index_cast %get3A_2885 : i32 to index
      %get3A_2887 = arith.constant 16 : index
      %get3A_2888 = tpu.vector_load %arg10[%get3A_2886, %get3A_2887] {strides = array<i32>} : memref<32x64xf32, #tpu.memory_space<vmem>>, vector<16xf32>,
      %mul3A_2889 = arith.mulf %get3A_2884, %get3A_2888 : vector<16xf32>
      %add3A_2890 = arith.addf %mul3A_2880, %mul3A_2889 : vector<16xf32>
      %get3A_2891 = arith.constant 20 : i32
      %get3A_2892 = arith.index_cast %get3A_2891 : i32 to index
      %get3A_2893 = arith.constant 32 : index
      %get3A_2894 = tpu.vector_load %arg9[%get3A_2892, %get3A_2893] {strides = array<i32>} : memref<32x64xf32, #tpu.memory_space<vmem>>, vector<16xf32>,
      %get3A_2895 = arith.constant 20 : i32
      %get3A_2896 = arith.index_cast %get3A_2895 : i32 to index
      %get3A_2897 = arith.constant 32 : index
      %get3A_2898 = tpu.vector_load %arg10[%get3A_2896, %get3A_2897] {strides = array<i32>} : memref<32x64xf32, #tpu.memory_space<vmem>>, vector<16xf32>,
      %mul3A_2899 = arith.mulf %get3A_2894, %get3A_2898 : vector<16xf32>
      %add3A_2900 = arith.addf %add3A_2890, %mul3A_2899 : vector<16xf32>
      %get3A_2901 = arith.constant 20 : i32
      %get3A_2902 = arith.index_cast %get3A_2901 : i32 to index
      %get3A_2903 = arith.constant 48 : index
      %get3A_2904 = tpu.vector_load %arg9[%get3A_2902, %get3A_2903] {strides = array<i32>} : memref<32x64xf32, #tpu.memory_space<vmem>>, vector<16xf32>,
      %get3A_2905 = arith.constant 20 : i32
      %get3A_2906 = arith.index_cast %get3A_2905 : i32 to index
      %get3A_2907 = arith.constant 48 : index
      %get3A_2908 = tpu.vector_load %arg10[%get3A_2906, %get3A_2907] {strides = array<i32>} : memref<32x64xf32, #tpu.memory_space<vmem>>, vector<16xf32>,
      %mul3A_2909 = arith.mulf %get3A_2904, %get3A_2908 : vector<16xf32>
      %add3A_2910 = arith.addf %add3A_2900, %mul3A_2909 : vector<16xf32>
      %swap3A_2911 = arith.constant 64 : index
      %swap3A_2912 = tpu.vector_load %arg11[%swap3A_2911] {strides = array<i32>} : memref<256xf32, #tpu.memory_space<vmem>>, vector<16xf32>,
      tpu.vector_store %arg11[%swap3A_2911], %add3A_2910 {strides = array<i32>} : memref<256xf32, #tpu.memory_space<vmem>>, vector<16xf32>,
      %get3A_2913 = arith.constant 21 : i32
      %get3A_2914 = arith.index_cast %get3A_2913 : i32 to index
      %get3A_2915 = arith.constant 0 : index
      %get3A_2916 = tpu.vector_load %arg9[%get3A_2914, %get3A_2915] {strides = array<i32>} : memref<32x64xf32, #tpu.memory_space<vmem>>, vector<16xf32>,
      %get3A_2917 = arith.constant 21 : i32
      %get3A_2918 = arith.index_cast %get3A_2917 : i32 to index
      %get3A_2919 = arith.constant 0 : index
      %get3A_2920 = tpu.vector_load %arg10[%get3A_2918, %get3A_2919] {strides = array<i32>} : memref<32x64xf32, #tpu.memory_space<vmem>>, vector<16xf32>,
      %mul3A_2921 = arith.mulf %get3A_2916, %get3A_2920 : vector<16xf32>
      %get3A_2922 = arith.constant 21 : i32
      %get3A_2923 = arith.index_cast %get3A_2922 : i32 to index
      %get3A_2924 = arith.constant 16 : index
      %get3A_2925 = tpu.vector_load %arg9[%get3A_2923, %get3A_2924] {strides = array<i32>} : memref<32x64xf32, #tpu.memory_space<vmem>>, vector<16xf32>,
      %get3A_2926 = arith.constant 21 : i32
      %get3A_2927 = arith.index_cast %get3A_2926 : i32 to index
      %get3A_2928 = arith.constant 16 : index
      %get3A_2929 = tpu.vector_load %arg10[%get3A_2927, %get3A_2928] {strides = array<i32>} : memref<32x64xf32, #tpu.memory_space<vmem>>, vector<16xf32>,
      %mul3A_2930 = arith.mulf %get3A_2925, %get3A_2929 : vector<16xf32>
      %add3A_2931 = arith.addf %mul3A_2921, %mul3A_2930 : vector<16xf32>
      %get3A_2932 = arith.constant 21 : i32
      %get3A_2933 = arith.index_cast %get3A_2932 : i32 to index
      %get3A_2934 = arith.constant 32 : index
      %get3A_2935 = tpu.vector_load %arg9[%get3A_2933, %get3A_2934] {strides = array<i32>} : memref<32x64xf32, #tpu.memory_space<vmem>>, vector<16xf32>,
      %get3A_2936 = arith.constant 21 : i32
      %get3A_2937 = arith.index_cast %get3A_2936 : i32 to index
      %get3A_2938 = arith.constant 32 : index
      %get3A_2939 = tpu.vector_load %arg10[%get3A_2937, %get3A_2938] {strides = array<i32>} : memref<32x64xf32, #tpu.memory_space<vmem>>, vector<16xf32>,
      %mul3A_2940 = arith.mulf %get3A_2935, %get3A_2939 : vector<16xf32>
      %add3A_2941 = arith.addf %add3A_2931, %mul3A_2940 : vector<16xf32>
      %get3A_2942 = arith.constant 21 : i32
      %get3A_2943 = arith.index_cast %get3A_2942 : i32 to index
      %get3A_2944 = arith.constant 48 : index
      %get3A_2945 = tpu.vector_load %arg9[%get3A_2943, %get3A_2944] {strides = array<i32>} : memref<32x64xf32, #tpu.memory_space<vmem>>, vector<16xf32>,
      %get3A_2946 = arith.constant 21 : i32
      %get3A_2947 = arith.index_cast %get3A_2946 : i32 to index
      %get3A_2948 = arith.constant 48 : index
      %get3A_2949 = tpu.vector_load %arg10[%get3A_2947, %get3A_2948] {strides = array<i32>} : memref<32x64xf32, #tpu.memory_space<vmem>>, vector<16xf32>,
      %mul3A_2950 = arith.mulf %get3A_2945, %get3A_2949 : vector<16xf32>
      %add3A_2951 = arith.addf %add3A_2941, %mul3A_2950 : vector<16xf32>
      %swap3A_2952 = arith.constant 80 : index
      %swap3A_2953 = tpu.vector_load %arg11[%swap3A_2952] {strides = array<i32>} : memref<256xf32, #tpu.memory_space<vmem>>, vector<16xf32>,
      tpu.vector_store %arg11[%swap3A_2952], %add3A_2951 {strides = array<i32>} : memref<256xf32, #tpu.memory_space<vmem>>, vector<16xf32>,
      %get3A_2954 = arith.constant 22 : i32
      %get3A_2955 = arith.index_cast %get3A_2954 : i32 to index
      %get3A_2956 = arith.constant 0 : index
      %get3A_2957 = tpu.vector_load %arg9[%get3A_2955, %get3A_2956] {strides = array<i32>} : memref<32x64xf32, #tpu.memory_space<vmem>>, vector<16xf32>,
      %get3A_2958 = arith.constant 22 : i32
      %get3A_2959 = arith.index_cast %get3A_2958 : i32 to index
      %get3A_2960 = arith.constant 0 : index
      %get3A_2961 = tpu.vector_load %arg10[%get3A_2959, %get3A_2960] {strides = array<i32>} : memref<32x64xf32, #tpu.memory_space<vmem>>, vector<16xf32>,
      %mul3A_2962 = arith.mulf %get3A_2957, %get3A_2961 : vector<16xf32>
      %get3A_2963 = arith.constant 22 : i32
      %get3A_2964 = arith.index_cast %get3A_2963 : i32 to index
      %get3A_2965 = arith.constant 16 : index
      %get3A_2966 = tpu.vector_load %arg9[%get3A_2964, %get3A_2965] {strides = array<i32>} : memref<32x64xf32, #tpu.memory_space<vmem>>, vector<16xf32>,
      %get3A_2967 = arith.constant 22 : i32
      %get3A_2968 = arith.index_cast %get3A_2967 : i32 to index
      %get3A_2969 = arith.constant 16 : index
      %get3A_2970 = tpu.vector_load %arg10[%get3A_2968, %get3A_2969] {strides = array<i32>} : memref<32x64xf32, #tpu.memory_space<vmem>>, vector<16xf32>,
      %mul3A_2971 = arith.mulf %get3A_2966, %get3A_2970 : vector<16xf32>
      %add3A_2972 = arith.addf %mul3A_2962, %mul3A_2971 : vector<16xf32>
      %get3A_2973 = arith.constant 22 : i32
      %get3A_2974 = arith.index_cast %get3A_2973 : i32 to index
      %get3A_2975 = arith.constant 32 : index
      %get3A_2976 = tpu.vector_load %arg9[%get3A_2974, %get3A_2975] {strides = array<i32>} : memref<32x64xf32, #tpu.memory_space<vmem>>, vector<16xf32>,
      %get3A_2977 = arith.constant 22 : i32
      %get3A_2978 = arith.index_cast %get3A_2977 : i32 to index
      %get3A_2979 = arith.constant 32 : index
      %get3A_2980 = tpu.vector_load %arg10[%get3A_2978, %get3A_2979] {strides = array<i32>} : memref<32x64xf32, #tpu.memory_space<vmem>>, vector<16xf32>,
      %mul3A_2981 = arith.mulf %get3A_2976, %get3A_2980 : vector<16xf32>
      %add3A_2982 = arith.addf %add3A_2972, %mul3A_2981 : vector<16xf32>
      %get3A_2983 = arith.constant 22 : i32
      %get3A_2984 = arith.index_cast %get3A_2983 : i32 to index
      %get3A_2985 = arith.constant 48 : index
      %get3A_2986 = tpu.vector_load %arg9[%get3A_2984, %get3A_2985] {strides = array<i32>} : memref<32x64xf32, #tpu.memory_space<vmem>>, vector<16xf32>,
      %get3A_2987 = arith.constant 22 : i32
      %get3A_2988 = arith.index_cast %get3A_2987 : i32 to index
      %get3A_2989 = arith.constant 48 : index
      %get3A_2990 = tpu.vector_load %arg10[%get3A_2988, %get3A_2989] {strides = array<i32>} : memref<32x64xf32, #tpu.memory_space<vmem>>, vector<16xf32>,
      %mul3A_2991 = arith.mulf %get3A_2986, %get3A_2990 : vector<16xf32>
      %add3A_2992 = arith.addf %add3A_2982, %mul3A_2991 : vector<16xf32>
      %swap3A_2993 = arith.constant 96 : index
      %swap3A_2994 = tpu.vector_load %arg11[%swap3A_2993] {strides = array<i32>} : memref<256xf32, #tpu.memory_space<vmem>>, vector<16xf32>,
      tpu.vector_store %arg11[%swap3A_2993], %add3A_2992 {strides = array<i32>} : memref<256xf32, #tpu.memory_space<vmem>>, vector<16xf32>,
      %get3A_2995 = arith.constant 23 : i32
      %get3A_2996 = arith.index_cast %get3A_2995 : i32 to index
      %get3A_2997 = arith.constant 0 : index
      %get3A_2998 = tpu.vector_load %arg9[%get3A_2996, %get3A_2997] {strides = array<i32>} : memref<32x64xf32, #tpu.memory_space<vmem>>, vector<16xf32>,
      %get3A_2999 = arith.constant 23 : i32
      %get3A_3000 = arith.index_cast %get3A_2999 : i32 to index
      %get3A_3001 = arith.constant 0 : index
      %get3A_3002 = tpu.vector_load %arg10[%get3A_3000, %get3A_3001] {strides = array<i32>} : memref<32x64xf32, #tpu.memory_space<vmem>>, vector<16xf32>,
      %mul3A_3003 = arith.mulf %get3A_2998, %get3A_3002 : vector<16xf32>
      %get3A_3004 = arith.constant 23 : i32
      %get3A_3005 = arith.index_cast %get3A_3004 : i32 to index
      %get3A_3006 = arith.constant 16 : index
      %get3A_3007 = tpu.vector_load %arg9[%get3A_3005, %get3A_3006] {strides = array<i32>} : memref<32x64xf32, #tpu.memory_space<vmem>>, vector<16xf32>,
      %get3A_3008 = arith.constant 23 : i32
      %get3A_3009 = arith.index_cast %get3A_3008 : i32 to index
      %get3A_3010 = arith.constant 16 : index
      %get3A_3011 = tpu.vector_load %arg10[%get3A_3009, %get3A_3010] {strides = array<i32>} : memref<32x64xf32, #tpu.memory_space<vmem>>, vector<16xf32>,
      %mul3A_3012 = arith.mulf %get3A_3007, %get3A_3011 : vector<16xf32>
      %add3A_3013 = arith.addf %mul3A_3003, %mul3A_3012 : vector<16xf32>
      %get3A_3014 = arith.constant 23 : i32
      %get3A_3015 = arith.index_cast %get3A_3014 : i32 to index
      %get3A_3016 = arith.constant 32 : index
      %get3A_3017 = tpu.vector_load %arg9[%get3A_3015, %get3A_3016] {strides = array<i32>} : memref<32x64xf32, #tpu.memory_space<vmem>>, vector<16xf32>,
      %get3A_3018 = arith.constant 23 : i32
      %get3A_3019 = arith.index_cast %get3A_3018 : i32 to index
      %get3A_3020 = arith.constant 32 : index
      %get3A_3021 = tpu.vector_load %arg10[%get3A_3019, %get3A_3020] {strides = array<i32>} : memref<32x64xf32, #tpu.memory_space<vmem>>, vector<16xf32>,
      %mul3A_3022 = arith.mulf %get3A_3017, %get3A_3021 : vector<16xf32>
      %add3A_3023 = arith.addf %add3A_3013, %mul3A_3022 : vector<16xf32>
      %get3A_3024 = arith.constant 23 : i32
      %get3A_3025 = arith.index_cast %get3A_3024 : i32 to index
      %get3A_3026 = arith.constant 48 : index
      %get3A_3027 = tpu.vector_load %arg9[%get3A_3025, %get3A_3026] {strides = array<i32>} : memref<32x64xf32, #tpu.memory_space<vmem>>, vector<16xf32>,
      %get3A_3028 = arith.constant 23 : i32
      %get3A_3029 = arith.index_cast %get3A_3028 : i32 to index
      %get3A_3030 = arith.constant 48 : index
      %get3A_3031 = tpu.vector_load %arg10[%get3A_3029, %get3A_3030] {strides = array<i32>} : memref<32x64xf32, #tpu.memory_space<vmem>>, vector<16xf32>,
      %mul3A_3032 = arith.mulf %get3A_3027, %get3A_3031 : vector<16xf32>
      %add3A_3033 = arith.addf %add3A_3023, %mul3A_3032 : vector<16xf32>
      %swap3A_3034 = arith.constant 112 : index
      %swap3A_3035 = tpu.vector_load %arg11[%swap3A_3034] {strides = array<i32>} : memref<256xf32, #tpu.memory_space<vmem>>, vector<16xf32>,
      tpu.vector_store %arg11[%swap3A_3034], %add3A_3033 {strides = array<i32>} : memref<256xf32, #tpu.memory_space<vmem>>, vector<16xf32>,
      %get3A_3036 = arith.constant 24 : i32
      %get3A_3037 = arith.index_cast %get3A_3036 : i32 to index
      %get3A_3038 = arith.constant 0 : index
      %get3A_3039 = tpu.vector_load %arg9[%get3A_3037, %get3A_3038] {strides = array<i32>} : memref<32x64xf32, #tpu.memory_space<vmem>>, vector<16xf32>,
      %get3A_3040 = arith.constant 24 : i32
      %get3A_3041 = arith.index_cast %get3A_3040 : i32 to index
      %get3A_3042 = arith.constant 0 : index
      %get3A_3043 = tpu.vector_load %arg10[%get3A_3041, %get3A_3042] {strides = array<i32>} : memref<32x64xf32, #tpu.memory_space<vmem>>, vector<16xf32>,
      %mul3A_3044 = arith.mulf %get3A_3039, %get3A_3043 : vector<16xf32>
      %get3A_3045 = arith.constant 24 : i32
      %get3A_3046 = arith.index_cast %get3A_3045 : i32 to index
      %get3A_3047 = arith.constant 16 : index
      %get3A_3048 = tpu.vector_load %arg9[%get3A_3046, %get3A_3047] {strides = array<i32>} : memref<32x64xf32, #tpu.memory_space<vmem>>, vector<16xf32>,
      %get3A_3049 = arith.constant 24 : i32
      %get3A_3050 = arith.index_cast %get3A_3049 : i32 to index
      %get3A_3051 = arith.constant 16 : index
      %get3A_3052 = tpu.vector_load %arg10[%get3A_3050, %get3A_3051] {strides = array<i32>} : memref<32x64xf32, #tpu.memory_space<vmem>>, vector<16xf32>,
      %mul3A_3053 = arith.mulf %get3A_3048, %get3A_3052 : vector<16xf32>
      %add3A_3054 = arith.addf %mul3A_3044, %mul3A_3053 : vector<16xf32>
      %get3A_3055 = arith.constant 24 : i32
      %get3A_3056 = arith.index_cast %get3A_3055 : i32 to index
      %get3A_3057 = arith.constant 32 : index
      %get3A_3058 = tpu.vector_load %arg9[%get3A_3056, %get3A_3057] {strides = array<i32>} : memref<32x64xf32, #tpu.memory_space<vmem>>, vector<16xf32>,
      %get3A_3059 = arith.constant 24 : i32
      %get3A_3060 = arith.index_cast %get3A_3059 : i32 to index
      %get3A_3061 = arith.constant 32 : index
      %get3A_3062 = tpu.vector_load %arg10[%get3A_3060, %get3A_3061] {strides = array<i32>} : memref<32x64xf32, #tpu.memory_space<vmem>>, vector<16xf32>,
      %mul3A_3063 = arith.mulf %get3A_3058, %get3A_3062 : vector<16xf32>
      %add3A_3064 = arith.addf %add3A_3054, %mul3A_3063 : vector<16xf32>
      %get3A_3065 = arith.constant 24 : i32
      %get3A_3066 = arith.index_cast %get3A_3065 : i32 to index
      %get3A_3067 = arith.constant 48 : index
      %get3A_3068 = tpu.vector_load %arg9[%get3A_3066, %get3A_3067] {strides = array<i32>} : memref<32x64xf32, #tpu.memory_space<vmem>>, vector<16xf32>,
      %get3A_3069 = arith.constant 24 : i32
      %get3A_3070 = arith.index_cast %get3A_3069 : i32 to index
      %get3A_3071 = arith.constant 48 : index
      %get3A_3072 = tpu.vector_load %arg10[%get3A_3070, %get3A_3071] {strides = array<i32>} : memref<32x64xf32, #tpu.memory_space<vmem>>, vector<16xf32>,
      %mul3A_3073 = arith.mulf %get3A_3068, %get3A_3072 : vector<16xf32>
      %add3A_3074 = arith.addf %add3A_3064, %mul3A_3073 : vector<16xf32>
      %swap3A_3075 = arith.constant 128 : index
      %swap3A_3076 = tpu.vector_load %arg11[%swap3A_3075] {strides = array<i32>} : memref<256xf32, #tpu.memory_space<vmem>>, vector<16xf32>,
      tpu.vector_store %arg11[%swap3A_3075], %add3A_3074 {strides = array<i32>} : memref<256xf32, #tpu.memory_space<vmem>>, vector<16xf32>,
      %get3A_3077 = arith.constant 25 : i32
      %get3A_3078 = arith.index_cast %get3A_3077 : i32 to index
      %get3A_3079 = arith.constant 0 : index
      %get3A_3080 = tpu.vector_load %arg9[%get3A_3078, %get3A_3079] {strides = array<i32>} : memref<32x64xf32, #tpu.memory_space<vmem>>, vector<16xf32>,
      %get3A_3081 = arith.constant 25 : i32
      %get3A_3082 = arith.index_cast %get3A_3081 : i32 to index
      %get3A_3083 = arith.constant 0 : index
      %get3A_3084 = tpu.vector_load %arg10[%get3A_3082, %get3A_3083] {strides = array<i32>} : memref<32x64xf32, #tpu.memory_space<vmem>>, vector<16xf32>,
      %mul3A_3085 = arith.mulf %get3A_3080, %get3A_3084 : vector<16xf32>
      %get3A_3086 = arith.constant 25 : i32
      %get3A_3087 = arith.index_cast %get3A_3086 : i32 to index
      %get3A_3088 = arith.constant 16 : index
      %get3A_3089 = tpu.vector_load %arg9[%get3A_3087, %get3A_3088] {strides = array<i32>} : memref<32x64xf32, #tpu.memory_space<vmem>>, vector<16xf32>,
      %get3A_3090 = arith.constant 25 : i32
      %get3A_3091 = arith.index_cast %get3A_3090 : i32 to index
      %get3A_3092 = arith.constant 16 : index
      %get3A_3093 = tpu.vector_load %arg10[%get3A_3091, %get3A_3092] {strides = array<i32>} : memref<32x64xf32, #tpu.memory_space<vmem>>, vector<16xf32>,
      %mul3A_3094 = arith.mulf %get3A_3089, %get3A_3093 : vector<16xf32>
      %add3A_3095 = arith.addf %mul3A_3085, %mul3A_3094 : vector<16xf32>
      %get3A_3096 = arith.constant 25 : i32
      %get3A_3097 = arith.index_cast %get3A_3096 : i32 to index
      %get3A_3098 = arith.constant 32 : index
      %get3A_3099 = tpu.vector_load %arg9[%get3A_3097, %get3A_3098] {strides = array<i32>} : memref<32x64xf32, #tpu.memory_space<vmem>>, vector<16xf32>,
      %get3A_3100 = arith.constant 25 : i32
      %get3A_3101 = arith.index_cast %get3A_3100 : i32 to index
      %get3A_3102 = arith.constant 32 : index
      %get3A_3103 = tpu.vector_load %arg10[%get3A_3101, %get3A_3102] {strides = array<i32>} : memref<32x64xf32, #tpu.memory_space<vmem>>, vector<16xf32>,
      %mul3A_3104 = arith.mulf %get3A_3099, %get3A_3103 : vector<16xf32>
      %add3A_3105 = arith.addf %add3A_3095, %mul3A_3104 : vector<16xf32>
      %get3A_3106 = arith.constant 25 : i32
      %get3A_3107 = arith.index_cast %get3A_3106 : i32 to index
      %get3A_3108 = arith.constant 48 : index
      %get3A_3109 = tpu.vector_load %arg9[%get3A_3107, %get3A_3108] {strides = array<i32>} : memref<32x64xf32, #tpu.memory_space<vmem>>, vector<16xf32>,
      %get3A_3110 = arith.constant 25 : i32
      %get3A_3111 = arith.index_cast %get3A_3110 : i32 to index
      %get3A_3112 = arith.constant 48 : index
      %get3A_3113 = tpu.vector_load %arg10[%get3A_3111, %get3A_3112] {strides = array<i32>} : memref<32x64xf32, #tpu.memory_space<vmem>>, vector<16xf32>,
      %mul3A_3114 = arith.mulf %get3A_3109, %get3A_3113 : vector<16xf32>
      %add3A_3115 = arith.addf %add3A_3105, %mul3A_3114 : vector<16xf32>
      %swap3A_3116 = arith.constant 144 : index
      %swap3A_3117 = tpu.vector_load %arg11[%swap3A_3116] {strides = array<i32>} : memref<256xf32, #tpu.memory_space<vmem>>, vector<16xf32>,
      tpu.vector_store %arg11[%swap3A_3116], %add3A_3115 {strides = array<i32>} : memref<256xf32, #tpu.memory_space<vmem>>, vector<16xf32>,
      %get3A_3118 = arith.constant 26 : i32
      %get3A_3119 = arith.index_cast %get3A_3118 : i32 to index
      %get3A_3120 = arith.constant 0 : index
      %get3A_3121 = tpu.vector_load %arg9[%get3A_3119, %get3A_3120] {strides = array<i32>} : memref<32x64xf32, #tpu.memory_space<vmem>>, vector<16xf32>,
      %get3A_3122 = arith.constant 26 : i32
      %get3A_3123 = arith.index_cast %get3A_3122 : i32 to index
      %get3A_3124 = arith.constant 0 : index
      %get3A_3125 = tpu.vector_load %arg10[%get3A_3123, %get3A_3124] {strides = array<i32>} : memref<32x64xf32, #tpu.memory_space<vmem>>, vector<16xf32>,
      %mul3A_3126 = arith.mulf %get3A_3121, %get3A_3125 : vector<16xf32>
      %get3A_3127 = arith.constant 26 : i32
      %get3A_3128 = arith.index_cast %get3A_3127 : i32 to index
      %get3A_3129 = arith.constant 16 : index
      %get3A_3130 = tpu.vector_load %arg9[%get3A_3128, %get3A_3129] {strides = array<i32>} : memref<32x64xf32, #tpu.memory_space<vmem>>, vector<16xf32>,
      %get3A_3131 = arith.constant 26 : i32
      %get3A_3132 = arith.index_cast %get3A_3131 : i32 to index
      %get3A_3133 = arith.constant 16 : index
      %get3A_3134 = tpu.vector_load %arg10[%get3A_3132, %get3A_3133] {strides = array<i32>} : memref<32x64xf32, #tpu.memory_space<vmem>>, vector<16xf32>,
      %mul3A_3135 = arith.mulf %get3A_3130, %get3A_3134 : vector<16xf32>
      %add3A_3136 = arith.addf %mul3A_3126, %mul3A_3135 : vector<16xf32>
      %get3A_3137 = arith.constant 26 : i32
      %get3A_3138 = arith.index_cast %get3A_3137 : i32 to index
      %get3A_3139 = arith.constant 32 : index
      %get3A_3140 = tpu.vector_load %arg9[%get3A_3138, %get3A_3139] {strides = array<i32>} : memref<32x64xf32, #tpu.memory_space<vmem>>, vector<16xf32>,
      %get3A_3141 = arith.constant 26 : i32
      %get3A_3142 = arith.index_cast %get3A_3141 : i32 to index
      %get3A_3143 = arith.constant 32 : index
      %get3A_3144 = tpu.vector_load %arg10[%get3A_3142, %get3A_3143] {strides = array<i32>} : memref<32x64xf32, #tpu.memory_space<vmem>>, vector<16xf32>,
      %mul3A_3145 = arith.mulf %get3A_3140, %get3A_3144 : vector<16xf32>
      %add3A_3146 = arith.addf %add3A_3136, %mul3A_3145 : vector<16xf32>
      %get3A_3147 = arith.constant 26 : i32
      %get3A_3148 = arith.index_cast %get3A_3147 : i32 to index
      %get3A_3149 = arith.constant 48 : index
      %get3A_3150 = tpu.vector_load %arg9[%get3A_3148, %get3A_3149] {strides = array<i32>} : memref<32x64xf32, #tpu.memory_space<vmem>>, vector<16xf32>,
      %get3A_3151 = arith.constant 26 : i32
      %get3A_3152 = arith.index_cast %get3A_3151 : i32 to index
      %get3A_3153 = arith.constant 48 : index
      %get3A_3154 = tpu.vector_load %arg10[%get3A_3152, %get3A_3153] {strides = array<i32>} : memref<32x64xf32, #tpu.memory_space<vmem>>, vector<16xf32>,
      %mul3A_3155 = arith.mulf %get3A_3150, %get3A_3154 : vector<16xf32>
      %add3A_3156 = arith.addf %add3A_3146, %mul3A_3155 : vector<16xf32>
      %swap3A_3157 = arith.constant 160 : index
      %swap3A_3158 = tpu.vector_load %arg11[%swap3A_3157] {strides = array<i32>} : memref<256xf32, #tpu.memory_space<vmem>>, vector<16xf32>,
      tpu.vector_store %arg11[%swap3A_3157], %add3A_3156 {strides = array<i32>} : memref<256xf32, #tpu.memory_space<vmem>>, vector<16xf32>,
      %get3A_3159 = arith.constant 27 : i32
      %get3A_3160 = arith.index_cast %get3A_3159 : i32 to index
      %get3A_3161 = arith.constant 0 : index
      %get3A_3162 = tpu.vector_load %arg9[%get3A_3160, %get3A_3161] {strides = array<i32>} : memref<32x64xf32, #tpu.memory_space<vmem>>, vector<16xf32>,
      %get3A_3163 = arith.constant 27 : i32
      %get3A_3164 = arith.index_cast %get3A_3163 : i32 to index
      %get3A_3165 = arith.constant 0 : index
      %get3A_3166 = tpu.vector_load %arg10[%get3A_3164, %get3A_3165] {strides = array<i32>} : memref<32x64xf32, #tpu.memory_space<vmem>>, vector<16xf32>,
      %mul3A_3167 = arith.mulf %get3A_3162, %get3A_3166 : vector<16xf32>
      %get3A_3168 = arith.constant 27 : i32
      %get3A_3169 = arith.index_cast %get3A_3168 : i32 to index
      %get3A_3170 = arith.constant 16 : index
      %get3A_3171 = tpu.vector_load %arg9[%get3A_3169, %get3A_3170] {strides = array<i32>} : memref<32x64xf32, #tpu.memory_space<vmem>>, vector<16xf32>,
      %get3A_3172 = arith.constant 27 : i32
      %get3A_3173 = arith.index_cast %get3A_3172 : i32 to index
      %get3A_3174 = arith.constant 16 : index
      %get3A_3175 = tpu.vector_load %arg10[%get3A_3173, %get3A_3174] {strides = array<i32>} : memref<32x64xf32, #tpu.memory_space<vmem>>, vector<16xf32>,
      %mul3A_3176 = arith.mulf %get3A_3171, %get3A_3175 : vector<16xf32>
      %add3A_3177 = arith.addf %mul3A_3167, %mul3A_3176 : vector<16xf32>
      %get3A_3178 = arith.constant 27 : i32
      %get3A_3179 = arith.index_cast %get3A_3178 : i32 to index
      %get3A_3180 = arith.constant 32 : index
      %get3A_3181 = tpu.vector_load %arg9[%get3A_3179, %get3A_3180] {strides = array<i32>} : memref<32x64xf32, #tpu.memory_space<vmem>>, vector<16xf32>,
      %get3A_3182 = arith.constant 27 : i32
      %get3A_3183 = arith.index_cast %get3A_3182 : i32 to index
      %get3A_3184 = arith.constant 32 : index
      %get3A_3185 = tpu.vector_load %arg10[%get3A_3183, %get3A_3184] {strides = array<i32>} : memref<32x64xf32, #tpu.memory_space<vmem>>, vector<16xf32>,
      %mul3A_3186 = arith.mulf %get3A_3181, %get3A_3185 : vector<16xf32>
      %add3A_3187 = arith.addf %add3A_3177, %mul3A_3186 : vector<16xf32>
      %get3A_3188 = arith.constant 27 : i32
      %get3A_3189 = arith.index_cast %get3A_3188 : i32 to index
      %get3A_3190 = arith.constant 48 : index
      %get3A_3191 = tpu.vector_load %arg9[%get3A_3189, %get3A_3190] {strides = array<i32>} : memref<32x64xf32, #tpu.memory_space<vmem>>, vector<16xf32>,
      %get3A_3192 = arith.constant 27 : i32
      %get3A_3193 = arith.index_cast %get3A_3192 : i32 to index
      %get3A_3194 = arith.constant 48 : index
      %get3A_3195 = tpu.vector_load %arg10[%get3A_3193, %get3A_3194] {strides = array<i32>} : memref<32x64xf32, #tpu.memory_space<vmem>>, vector<16xf32>,
      %mul3A_3196 = arith.mulf %get3A_3191, %get3A_3195 : vector<16xf32>
      %add3A_3197 = arith.addf %add3A_3187, %mul3A_3196 : vector<16xf32>
      %swap3A_3198 = arith.constant 176 : index
      %swap3A_3199 = tpu.vector_load %arg11[%swap3A_3198] {strides = array<i32>} : memref<256xf32, #tpu.memory_space<vmem>>, vector<16xf32>,
      tpu.vector_store %arg11[%swap3A_3198], %add3A_3197 {strides = array<i32>} : memref<256xf32, #tpu.memory_space<vmem>>, vector<16xf32>,
      %get3A_3200 = arith.constant 28 : i32
      %get3A_3201 = arith.index_cast %get3A_3200 : i32 to index
      %get3A_3202 = arith.constant 0 : index
      %get3A_3203 = tpu.vector_load %arg9[%get3A_3201, %get3A_3202] {strides = array<i32>} : memref<32x64xf32, #tpu.memory_space<vmem>>, vector<16xf32>,
      %get3A_3204 = arith.constant 28 : i32
      %get3A_3205 = arith.index_cast %get3A_3204 : i32 to index
      %get3A_3206 = arith.constant 0 : index
      %get3A_3207 = tpu.vector_load %arg10[%get3A_3205, %get3A_3206] {strides = array<i32>} : memref<32x64xf32, #tpu.memory_space<vmem>>, vector<16xf32>,
      %mul3A_3208 = arith.mulf %get3A_3203, %get3A_3207 : vector<16xf32>
      %get3A_3209 = arith.constant 28 : i32
      %get3A_3210 = arith.index_cast %get3A_3209 : i32 to index
      %get3A_3211 = arith.constant 16 : index
      %get3A_3212 = tpu.vector_load %arg9[%get3A_3210, %get3A_3211] {strides = array<i32>} : memref<32x64xf32, #tpu.memory_space<vmem>>, vector<16xf32>,
      %get3A_3213 = arith.constant 28 : i32
      %get3A_3214 = arith.index_cast %get3A_3213 : i32 to index
      %get3A_3215 = arith.constant 16 : index
      %get3A_3216 = tpu.vector_load %arg10[%get3A_3214, %get3A_3215] {strides = array<i32>} : memref<32x64xf32, #tpu.memory_space<vmem>>, vector<16xf32>,
      %mul3A_3217 = arith.mulf %get3A_3212, %get3A_3216 : vector<16xf32>
      %add3A_3218 = arith.addf %mul3A_3208, %mul3A_3217 : vector<16xf32>
      %get3A_3219 = arith.constant 28 : i32
      %get3A_3220 = arith.index_cast %get3A_3219 : i32 to index
      %get3A_3221 = arith.constant 32 : index
      %get3A_3222 = tpu.vector_load %arg9[%get3A_3220, %get3A_3221] {strides = array<i32>} : memref<32x64xf32, #tpu.memory_space<vmem>>, vector<16xf32>,
      %get3A_3223 = arith.constant 28 : i32
      %get3A_3224 = arith.index_cast %get3A_3223 : i32 to index
      %get3A_3225 = arith.constant 32 : index
      %get3A_3226 = tpu.vector_load %arg10[%get3A_3224, %get3A_3225] {strides = array<i32>} : memref<32x64xf32, #tpu.memory_space<vmem>>, vector<16xf32>,
      %mul3A_3227 = arith.mulf %get3A_3222, %get3A_3226 : vector<16xf32>
      %add3A_3228 = arith.addf %add3A_3218, %mul3A_3227 : vector<16xf32>
      %get3A_3229 = arith.constant 28 : i32
      %get3A_3230 = arith.index_cast %get3A_3229 : i32 to index
      %get3A_3231 = arith.constant 48 : index
      %get3A_3232 = tpu.vector_load %arg9[%get3A_3230, %get3A_3231] {strides = array<i32>} : memref<32x64xf32, #tpu.memory_space<vmem>>, vector<16xf32>,
      %get3A_3233 = arith.constant 28 : i32
      %get3A_3234 = arith.index_cast %get3A_3233 : i32 to index
      %get3A_3235 = arith.constant 48 : index
      %get3A_3236 = tpu.vector_load %arg10[%get3A_3234, %get3A_3235] {strides = array<i32>} : memref<32x64xf32, #tpu.memory_space<vmem>>, vector<16xf32>,
      %mul3A_3237 = arith.mulf %get3A_3232, %get3A_3236 : vector<16xf32>
      %add3A_3238 = arith.addf %add3A_3228, %mul3A_3237 : vector<16xf32>
      %swap3A_3239 = arith.constant 192 : index
      %swap3A_3240 = tpu.vector_load %arg11[%swap3A_3239] {strides = array<i32>} : memref<256xf32, #tpu.memory_space<vmem>>, vector<16xf32>,
      tpu.vector_store %arg11[%swap3A_3239], %add3A_3238 {strides = array<i32>} : memref<256xf32, #tpu.memory_space<vmem>>, vector<16xf32>,
      %get3A_3241 = arith.constant 29 : i32
      %get3A_3242 = arith.index_cast %get3A_3241 : i32 to index
      %get3A_3243 = arith.constant 0 : index
      %get3A_3244 = tpu.vector_load %arg9[%get3A_3242, %get3A_3243] {strides = array<i32>} : memref<32x64xf32, #tpu.memory_space<vmem>>, vector<16xf32>,
      %get3A_3245 = arith.constant 29 : i32
      %get3A_3246 = arith.index_cast %get3A_3245 : i32 to index
      %get3A_3247 = arith.constant 0 : index
      %get3A_3248 = tpu.vector_load %arg10[%get3A_3246, %get3A_3247] {strides = array<i32>} : memref<32x64xf32, #tpu.memory_space<vmem>>, vector<16xf32>,
      %mul3A_3249 = arith.mulf %get3A_3244, %get3A_3248 : vector<16xf32>
      %get3A_3250 = arith.constant 29 : i32
      %get3A_3251 = arith.index_cast %get3A_3250 : i32 to index
      %get3A_3252 = arith.constant 16 : index
      %get3A_3253 = tpu.vector_load %arg9[%get3A_3251, %get3A_3252] {strides = array<i32>} : memref<32x64xf32, #tpu.memory_space<vmem>>, vector<16xf32>,
      %get3A_3254 = arith.constant 29 : i32
      %get3A_3255 = arith.index_cast %get3A_3254 : i32 to index
      %get3A_3256 = arith.constant 16 : index
      %get3A_3257 = tpu.vector_load %arg10[%get3A_3255, %get3A_3256] {strides = array<i32>} : memref<32x64xf32, #tpu.memory_space<vmem>>, vector<16xf32>,
      %mul3A_3258 = arith.mulf %get3A_3253, %get3A_3257 : vector<16xf32>
      %add3A_3259 = arith.addf %mul3A_3249, %mul3A_3258 : vector<16xf32>
      %get3A_3260 = arith.constant 29 : i32
      %get3A_3261 = arith.index_cast %get3A_3260 : i32 to index
      %get3A_3262 = arith.constant 32 : index
      %get3A_3263 = tpu.vector_load %arg9[%get3A_3261, %get3A_3262] {strides = array<i32>} : memref<32x64xf32, #tpu.memory_space<vmem>>, vector<16xf32>,
      %get3A_3264 = arith.constant 29 : i32
      %get3A_3265 = arith.index_cast %get3A_3264 : i32 to index
      %get3A_3266 = arith.constant 32 : index
      %get3A_3267 = tpu.vector_load %arg10[%get3A_3265, %get3A_3266] {strides = array<i32>} : memref<32x64xf32, #tpu.memory_space<vmem>>, vector<16xf32>,
      %mul3A_3268 = arith.mulf %get3A_3263, %get3A_3267 : vector<16xf32>
      %add3A_3269 = arith.addf %add3A_3259, %mul3A_3268 : vector<16xf32>
      %get3A_3270 = arith.constant 29 : i32
      %get3A_3271 = arith.index_cast %get3A_3270 : i32 to index
      %get3A_3272 = arith.constant 48 : index
      %get3A_3273 = tpu.vector_load %arg9[%get3A_3271, %get3A_3272] {strides = array<i32>} : memref<32x64xf32, #tpu.memory_space<vmem>>, vector<16xf32>,
      %get3A_3274 = arith.constant 29 : i32
      %get3A_3275 = arith.index_cast %get3A_3274 : i32 to index
      %get3A_3276 = arith.constant 48 : index
      %get3A_3277 = tpu.vector_load %arg10[%get3A_3275, %get3A_3276] {strides = array<i32>} : memref<32x64xf32, #tpu.memory_space<vmem>>, vector<16xf32>,
      %mul3A_3278 = arith.mulf %get3A_3273, %get3A_3277 : vector<16xf32>
      %add3A_3279 = arith.addf %add3A_3269, %mul3A_3278 : vector<16xf32>
      %swap3A_3280 = arith.constant 208 : index
      %swap3A_3281 = tpu.vector_load %arg11[%swap3A_3280] {strides = array<i32>} : memref<256xf32, #tpu.memory_space<vmem>>, vector<16xf32>,
      tpu.vector_store %arg11[%swap3A_3280], %add3A_3279 {strides = array<i32>} : memref<256xf32, #tpu.memory_space<vmem>>, vector<16xf32>,
      %get3A_3282 = arith.constant 30 : i32
      %get3A_3283 = arith.index_cast %get3A_3282 : i32 to index
      %get3A_3284 = arith.constant 0 : index
      %get3A_3285 = tpu.vector_load %arg9[%get3A_3283, %get3A_3284] {strides = array<i32>} : memref<32x64xf32, #tpu.memory_space<vmem>>, vector<16xf32>,
      %get3A_3286 = arith.constant 30 : i32
      %get3A_3287 = arith.index_cast %get3A_3286 : i32 to index
      %get3A_3288 = arith.constant 0 : index
      %get3A_3289 = tpu.vector_load %arg10[%get3A_3287, %get3A_3288] {strides = array<i32>} : memref<32x64xf32, #tpu.memory_space<vmem>>, vector<16xf32>,
      %mul3A_3290 = arith.mulf %get3A_3285, %get3A_3289 : vector<16xf32>
      %get3A_3291 = arith.constant 30 : i32
      %get3A_3292 = arith.index_cast %get3A_3291 : i32 to index
      %get3A_3293 = arith.constant 16 : index
      %get3A_3294 = tpu.vector_load %arg9[%get3A_3292, %get3A_3293] {strides = array<i32>} : memref<32x64xf32, #tpu.memory_space<vmem>>, vector<16xf32>,
      %get3A_3295 = arith.constant 30 : i32
      %get3A_3296 = arith.index_cast %get3A_3295 : i32 to index
      %get3A_3297 = arith.constant 16 : index
      %get3A_3298 = tpu.vector_load %arg10[%get3A_3296, %get3A_3297] {strides = array<i32>} : memref<32x64xf32, #tpu.memory_space<vmem>>, vector<16xf32>,
      %mul3A_3299 = arith.mulf %get3A_3294, %get3A_3298 : vector<16xf32>
      %add3A_3300 = arith.addf %mul3A_3290, %mul3A_3299 : vector<16xf32>
      %get3A_3301 = arith.constant 30 : i32
      %get3A_3302 = arith.index_cast %get3A_3301 : i32 to index
      %get3A_3303 = arith.constant 32 : index
      %get3A_3304 = tpu.vector_load %arg9[%get3A_3302, %get3A_3303] {strides = array<i32>} : memref<32x64xf32, #tpu.memory_space<vmem>>, vector<16xf32>,
      %get3A_3305 = arith.constant 30 : i32
      %get3A_3306 = arith.index_cast %get3A_3305 : i32 to index
      %get3A_3307 = arith.constant 32 : index
      %get3A_3308 = tpu.vector_load %arg10[%get3A_3306, %get3A_3307] {strides = array<i32>} : memref<32x64xf32, #tpu.memory_space<vmem>>, vector<16xf32>,
      %mul3A_3309 = arith.mulf %get3A_3304, %get3A_3308 : vector<16xf32>
      %add3A_3310 = arith.addf %add3A_3300, %mul3A_3309 : vector<16xf32>
      %get3A_3311 = arith.constant 30 : i32
      %get3A_3312 = arith.index_cast %get3A_3311 : i32 to index
      %get3A_3313 = arith.constant 48 : index
      %get3A_3314 = tpu.vector_load %arg9[%get3A_3312, %get3A_3313] {strides = array<i32>} : memref<32x64xf32, #tpu.memory_space<vmem>>, vector<16xf32>,
      %get3A_3315 = arith.constant 30 : i32
      %get3A_3316 = arith.index_cast %get3A_3315 : i32 to index
      %get3A_3317 = arith.constant 48 : index
      %get3A_3318 = tpu.vector_load %arg10[%get3A_3316, %get3A_3317] {strides = array<i32>} : memref<32x64xf32, #tpu.memory_space<vmem>>, vector<16xf32>,
      %mul3A_3319 = arith.mulf %get3A_3314, %get3A_3318 : vector<16xf32>
      %add3A_3320 = arith.addf %add3A_3310, %mul3A_3319 : vector<16xf32>
      %swap3A_3321 = arith.constant 224 : index
      %swap3A_3322 = tpu.vector_load %arg11[%swap3A_3321] {strides = array<i32>} : memref<256xf32, #tpu.memory_space<vmem>>, vector<16xf32>,
      tpu.vector_store %arg11[%swap3A_3321], %add3A_3320 {strides = array<i32>} : memref<256xf32, #tpu.memory_space<vmem>>, vector<16xf32>,
      %get3A_3323 = arith.constant 31 : i32
      %get3A_3324 = arith.index_cast %get3A_3323 : i32 to index
      %get3A_3325 = arith.constant 0 : index
      %get3A_3326 = tpu.vector_load %arg9[%get3A_3324, %get3A_3325] {strides = array<i32>} : memref<32x64xf32, #tpu.memory_space<vmem>>, vector<16xf32>,
      %get3A_3327 = arith.constant 31 : i32
      %get3A_3328 = arith.index_cast %get3A_3327 : i32 to index
      %get3A_3329 = arith.constant 0 : index
      %get3A_3330 = tpu.vector_load %arg10[%get3A_3328, %get3A_3329] {strides = array<i32>} : memref<32x64xf32, #tpu.memory_space<vmem>>, vector<16xf32>,
      %mul3A_3331 = arith.mulf %get3A_3326, %get3A_3330 : vector<16xf32>
      %get3A_3332 = arith.constant 31 : i32
      %get3A_3333 = arith.index_cast %get3A_3332 : i32 to index
      %get3A_3334 = arith.constant 16 : index
      %get3A_3335 = tpu.vector_load %arg9[%get3A_3333, %get3A_3334] {strides = array<i32>} : memref<32x64xf32, #tpu.memory_space<vmem>>, vector<16xf32>,
      %get3A_3336 = arith.constant 31 : i32
      %get3A_3337 = arith.index_cast %get3A_3336 : i32 to index
      %get3A_3338 = arith.constant 16 : index
      %get3A_3339 = tpu.vector_load %arg10[%get3A_3337, %get3A_3338] {strides = array<i32>} : memref<32x64xf32, #tpu.memory_space<vmem>>, vector<16xf32>,
      %mul3A_3340 = arith.mulf %get3A_3335, %get3A_3339 : vector<16xf32>
      %add3A_3341 = arith.addf %mul3A_3331, %mul3A_3340 : vector<16xf32>
      %get3A_3342 = arith.constant 31 : i32
      %get3A_3343 = arith.index_cast %get3A_3342 : i32 to index
      %get3A_3344 = arith.constant 32 : index
      %get3A_3345 = tpu.vector_load %arg9[%get3A_3343, %get3A_3344] {strides = array<i32>} : memref<32x64xf32, #tpu.memory_space<vmem>>, vector<16xf32>,
      %get3A_3346 = arith.constant 31 : i32
      %get3A_3347 = arith.index_cast %get3A_3346 : i32 to index
      %get3A_3348 = arith.constant 32 : index
      %get3A_3349 = tpu.vector_load %arg10[%get3A_3347, %get3A_3348] {strides = array<i32>} : memref<32x64xf32, #tpu.memory_space<vmem>>, vector<16xf32>,
      %mul3A_3350 = arith.mulf %get3A_3345, %get3A_3349 : vector<16xf32>
      %add3A_3351 = arith.addf %add3A_3341, %mul3A_3350 : vector<16xf32>
      %get3A_3352 = arith.constant 31 : i32
      %get3A_3353 = arith.index_cast %get3A_3352 : i32 to index
      %get3A_3354 = arith.constant 48 : index
      %get3A_3355 = tpu.vector_load %arg9[%get3A_3353, %get3A_3354] {strides = array<i32>} : memref<32x64xf32, #tpu.memory_space<vmem>>, vector<16xf32>,
      %get3A_3356 = arith.constant 31 : i32
      %get3A_3357 = arith.index_cast %get3A_3356 : i32 to index
      %get3A_3358 = arith.constant 48 : index
      %get3A_3359 = tpu.vector_load %arg10[%get3A_3357, %get3A_3358] {strides = array<i32>} : memref<32x64xf32, #tpu.memory_space<vmem>>, vector<16xf32>,
      %mul3A_3360 = arith.mulf %get3A_3355, %get3A_3359 : vector<16xf32>
      %add3A_3361 = arith.addf %add3A_3351, %mul3A_3360 : vector<16xf32>
      %swap3A_3362 = arith.constant 240 : index
      %swap3A_3363 = tpu.vector_load %arg11[%swap3A_3362] {strides = array<i32>} : memref<256xf32, #tpu.memory_space<vmem>>, vector<16xf32>,
      tpu.vector_store %arg11[%swap3A_3362], %add3A_3361 {strides = array<i32>} : memref<256xf32, #tpu.memory_space<vmem>>, vector<16xf32>,
      %gather3A_3364 = tpu.vector_load_idx %arg11[%mul3A_5] : memref<256xf32, #tpu.memory_space<vmem>>[vector<16xi32>], vector<16xf32>,
      %add3A_3365 = arith.constant 1 : i32
      %add3A_3366 = vector.broadcast %add3A_3365 : i32 to vector<16xi32>
      %add3A_3367 = arith.addi %mul3A_5, %add3A_3366 : vector<16xi32>
      %gather3A_3368 = tpu.vector_load_idx %arg11[%add3A_3367] : memref<256xf32, #tpu.memory_space<vmem>>[vector<16xi32>], vector<16xf32>,
      %add3A_3369 = arith.addf %gather3A_3364, %gather3A_3368 : vector<16xf32>
      %add3A_3370 = arith.constant 2 : i32
      %add3A_3371 = vector.broadcast %add3A_3370 : i32 to vector<16xi32>
      %add3A_3372 = arith.addi %mul3A_5, %add3A_3371 : vector<16xi32>
      %gather3A_3373 = tpu.vector_load_idx %arg11[%add3A_3372] : memref<256xf32, #tpu.memory_space<vmem>>[vector<16xi32>], vector<16xf32>,
      %add3A_3374 = arith.addf %add3A_3369, %gather3A_3373 : vector<16xf32>
      %add3A_3375 = arith.constant 3 : i32
      %add3A_3376 = vector.broadcast %add3A_3375 : i32 to vector<16xi32>
      %add3A_3377 = arith.addi %mul3A_5, %add3A_3376 : vector<16xi32>
      %gather3A_3378 = tpu.vector_load_idx %arg11[%add3A_3377] : memref<256xf32, #tpu.memory_space<vmem>>[vector<16xi32>], vector<16xf32>,
      %add3A_3379 = arith.addf %add3A_3374, %gather3A_3378 : vector<16xf32>
      %add3A_3380 = arith.constant 4 : i32
      %add3A_3381 = vector.broadcast %add3A_3380 : i32 to vector<16xi32>
      %add3A_3382 = arith.addi %mul3A_5, %add3A_3381 : vector<16xi32>
      %gather3A_3383 = tpu.vector_load_idx %arg11[%add3A_3382] : memref<256xf32, #tpu.memory_space<vmem>>[vector<16xi32>], vector<16xf32>,
      %add3A_3384 = arith.addf %add3A_3379, %gather3A_3383 : vector<16xf32>
      %add3A_3385 = arith.constant 5 : i32
      %add3A_3386 = vector.broadcast %add3A_3385 : i32 to vector<16xi32>
      %add3A_3387 = arith.addi %mul3A_5, %add3A_3386 : vector<16xi32>
      %gather3A_3388 = tpu.vector_load_idx %arg11[%add3A_3387] : memref<256xf32, #tpu.memory_space<vmem>>[vector<16xi32>], vector<16xf32>,
      %add3A_3389 = arith.addf %add3A_3384, %gather3A_3388 : vector<16xf32>
      %add3A_3390 = arith.constant 6 : i32
      %add3A_3391 = vector.broadcast %add3A_3390 : i32 to vector<16xi32>
      %add3A_3392 = arith.addi %mul3A_5, %add3A_3391 : vector<16xi32>
      %gather3A_3393 = tpu.vector_load_idx %arg11[%add3A_3392] : memref<256xf32, #tpu.memory_space<vmem>>[vector<16xi32>], vector<16xf32>,
      %add3A_3394 = arith.addf %add3A_3389, %gather3A_3393 : vector<16xf32>
      %add3A_3395 = arith.constant 7 : i32
      %add3A_3396 = vector.broadcast %add3A_3395 : i32 to vector<16xi32>
      %add3A_3397 = arith.addi %mul3A_5, %add3A_3396 : vector<16xi32>
      %gather3A_3398 = tpu.vector_load_idx %arg11[%add3A_3397] : memref<256xf32, #tpu.memory_space<vmem>>[vector<16xi32>], vector<16xf32>,
      %add3A_3399 = arith.addf %add3A_3394, %gather3A_3398 : vector<16xf32>
      %add3A_3400 = arith.constant 8 : i32
      %add3A_3401 = vector.broadcast %add3A_3400 : i32 to vector<16xi32>
      %add3A_3402 = arith.addi %mul3A_5, %add3A_3401 : vector<16xi32>
      %gather3A_3403 = tpu.vector_load_idx %arg11[%add3A_3402] : memref<256xf32, #tpu.memory_space<vmem>>[vector<16xi32>], vector<16xf32>,
      %add3A_3404 = arith.addf %add3A_3399, %gather3A_3403 : vector<16xf32>
      %add3A_3405 = arith.constant 9 : i32
      %add3A_3406 = vector.broadcast %add3A_3405 : i32 to vector<16xi32>
      %add3A_3407 = arith.addi %mul3A_5, %add3A_3406 : vector<16xi32>
      %gather3A_3408 = tpu.vector_load_idx %arg11[%add3A_3407] : memref<256xf32, #tpu.memory_space<vmem>>[vector<16xi32>], vector<16xf32>,
      %add3A_3409 = arith.addf %add3A_3404, %gather3A_3408 : vector<16xf32>
      %add3A_3410 = arith.constant 10 : i32
      %add3A_3411 = vector.broadcast %add3A_3410 : i32 to vector<16xi32>
      %add3A_3412 = arith.addi %mul3A_5, %add3A_3411 : vector<16xi32>
      %gather3A_3413 = tpu.vector_load_idx %arg11[%add3A_3412] : memref<256xf32, #tpu.memory_space<vmem>>[vector<16xi32>], vector<16xf32>,
      %add3A_3414 = arith.addf %add3A_3409, %gather3A_3413 : vector<16xf32>
      %add3A_3415 = arith.constant 11 : i32
      %add3A_3416 = vector.broadcast %add3A_3415 : i32 to vector<16xi32>
      %add3A_3417 = arith.addi %mul3A_5, %add3A_3416 : vector<16xi32>
      %gather3A_3418 = tpu.vector_load_idx %arg11[%add3A_3417] : memref<256xf32, #tpu.memory_space<vmem>>[vector<16xi32>], vector<16xf32>,
      %add3A_3419 = arith.addf %add3A_3414, %gather3A_3418 : vector<16xf32>
      %add3A_3420 = arith.constant 12 : i32
      %add3A_3421 = vector.broadcast %add3A_3420 : i32 to vector<16xi32>
      %add3A_3422 = arith.addi %mul3A_5, %add3A_3421 : vector<16xi32>
      %gather3A_3423 = tpu.vector_load_idx %arg11[%add3A_3422] : memref<256xf32, #tpu.memory_space<vmem>>[vector<16xi32>], vector<16xf32>,
      %add3A_3424 = arith.addf %add3A_3419, %gather3A_3423 : vector<16xf32>
      %add3A_3425 = arith.constant 13 : i32
      %add3A_3426 = vector.broadcast %add3A_3425 : i32 to vector<16xi32>
      %add3A_3427 = arith.addi %mul3A_5, %add3A_3426 : vector<16xi32>
      %gather3A_3428 = tpu.vector_load_idx %arg11[%add3A_3427] : memref<256xf32, #tpu.memory_space<vmem>>[vector<16xi32>], vector<16xf32>,
      %add3A_3429 = arith.addf %add3A_3424, %gather3A_3428 : vector<16xf32>
      %add3A_3430 = arith.constant 14 : i32
      %add3A_3431 = vector.broadcast %add3A_3430 : i32 to vector<16xi32>
      %add3A_3432 = arith.addi %mul3A_5, %add3A_3431 : vector<16xi32>
      %gather3A_3433 = tpu.vector_load_idx %arg11[%add3A_3432] : memref<256xf32, #tpu.memory_space<vmem>>[vector<16xi32>], vector<16xf32>,
      %add3A_3434 = arith.addf %add3A_3429, %gather3A_3433 : vector<16xf32>
      %add3A_3435 = arith.constant 15 : i32
      %add3A_3436 = vector.broadcast %add3A_3435 : i32 to vector<16xi32>
      %add3A_3437 = arith.addi %mul3A_5, %add3A_3436 : vector<16xi32>
      %gather3A_3438 = tpu.vector_load_idx %arg11[%add3A_3437] : memref<256xf32, #tpu.memory_space<vmem>>[vector<16xi32>], vector<16xf32>,
      %add3A_3439 = arith.addf %add3A_3434, %gather3A_3438 : vector<16xf32>
      %neg3A_3440 = arith.constant 0.000000e+00 : f32
      %neg3A_3441 = vector.broadcast %neg3A_3440 : f32 to vector<16xf32>
      %neg3A_3442 = arith.subf %neg3A_3441, %add3A_3439 : vector<16xf32>
      %exp3A_3443 = math.exp %neg3A_3442 : vector<16xf32>
      %add3A_3444 = arith.constant 1.000000e+00 : f32
      %add3A_3445 = vector.broadcast %add3A_3444 : f32 to vector<16xf32>
      %add3A_3446 = arith.addf %add3A_3445, %exp3A_3443 : vector<16xf32>
      %div3A_3447 = arith.constant 1.000000e+00 : f32
      %div3A_3448 = vector.broadcast %div3A_3447 : f32 to vector<16xf32>
      %div3A_3449 = arith.divf %div3A_3448, %add3A_3446 : vector<16xf32>
      %add3A_3450 = arith.constant 16 : i32
      %add3A_3451 = arith.addi %mul3A_13, %add3A_3450 : i32
      %swap3A_3452 = arith.index_cast %add3A_3451 : i32 to index
      %swap3A_3453 = tpu.vector_load %arg12[%swap3A_3452] {strides = array<i32>} : memref<512xf32, #tpu.memory_space<vmem>>, vector<16xf32>,
      tpu.vector_store %arg12[%swap3A_3452], %div3A_3449 {strides = array<i32>} : memref<512xf32, #tpu.memory_space<vmem>>, vector<16xf32>,
    }
    %scan3A_10 = arith.constant 16 : i32
    "tpu.region"() ({
      %run_scoped3A = tpu.sem_alloc : memref<!tpu.dma_semaphore, #tpu.memory_space<semaphore_mem>>
      %dma_start3A = tpu.memref_slice %arg6[%mul3A_2] : memref<16384xf32, #tpu.memory_space<hbm>> -> memref<512xf32, #tpu.memory_space<hbm>>
      %dma_start3A_11 = tpu.memref_slice %arg6[%mul3A_2] : memref<16384xf32, #tpu.memory_space<hbm>> -> memref<512xf32, #tpu.memory_space<hbm>>
      tpu.enqueue_dma source(%arg12 : memref<512xf32, #tpu.memory_space<vmem>>) target(%dma_start3A_11 : memref<512xf32, #tpu.memory_space<hbm>>) target_semaphore(%run_scoped3A : memref<!tpu.dma_semaphore, #tpu.memory_space<semaphore_mem>>)
      %dma_wait3A = tpu.memref_slice %arg6[%mul3A_2] : memref<16384xf32, #tpu.memory_space<hbm>> -> memref<512xf32, #tpu.memory_space<hbm>>
      %dma_wait3A_12 = tpu.memref_slice %arg6[%mul3A_2] : memref<16384xf32, #tpu.memory_space<hbm>> -> memref<512xf32, #tpu.memory_space<hbm>>
      tpu.wait_dma2 semaphore(%run_scoped3A : memref<!tpu.dma_semaphore, #tpu.memory_space<semaphore_mem>>) src(%arg12 : memref<512xf32, #tpu.memory_space<vmem>>) dst(%dma_wait3A_12 : memref<512xf32, #tpu.memory_space<hbm>>)
      tpu.yield
    }) : () -> ()
    return
  }
}

</mosaic_0001>

<sc_bundles>
// kernel: kernel.3.cloned.1.call-start
scs
__scs_entry_jumppad:
0x0: {  	(pc) =	sbr.rel $0x88, $3  }
0x1: {  	(tag) =	ssettag $0x0;
	lr =	simm.s32 $0x1  }
0x2: {  	[smem:$0x3F9D] =	sst lr;
	_ =	strace $0xD0000000  }
0x3: {  	_ = 	snop  }
0x4: {  	_ = 	snop  }
0x5: {  	_ = 	snop  }
0x6: {  	_ = 	snop  }
0x7: {  	_ = 	snop  }
__scs_overlays_trampoline_lowered:
0x8: {  	[smem:$0x3FAC] =	sst s0  }
0x9: {  	[smem:$0x3FAD] =	sst s1  }
0xa: {  	[smem:$0x3FAE] =	sst s2  }
0xb: {  	[smem:$0x3FAF] =	sst s3  }
0xc: {  	[smem:$0x3FB0] =	sst s4  }
0xd: {  	[smem:$0x3FB1] =	sst s5  }
0xe: {  	[smem:$0x3FB2] =	sst s6  }
0xf: {  	[smem:$0x3FB3] =	sst s7  }
0x10: {  	[smem:$0x3FB4] =	sst s8  }
0x11: {  	[smem:$0x3FB5] =	sst s9;
	s0 =	simm.s32 @!p0 $0x0  }
0x12: {  	s1 =	sld [smem:$0x3F9B];
	s0 =	simm.s32 @p0 $0x1  }
0x13: {  	[smem:$0x3FB6] =	sst s0;
	s0 =	simm.s32 @!p1 $0x0  }
0x14: {  	s2 =	sld [smem:$0x3F9A];
	s0 =	simm.s32 @p1 $0x1  }
0x15: {  	[smem:$0x3FB7] =	sst s0;
	s0 =	simm.s32 @!p2 $0x0  }
0x16: {  	s3 =	sld [smem:$0x3FDB];
	s0 =	simm.s32 @p2 $0x1  }
0x17: {  	s4 =	simm.s32 $0x1BF5;
	[smem:$0x3FB9] =	sst s0  }
0x18: {  	s0 =	sld [smem:$0x3F9C];
	_ =	swait.ge [sflag:s4], $0x0  }
0x19: {  	s7 =	sld [smem:$0x3F9D]  }
0x1a: {  	s8 =	sadd.s32 $0xFFFFE003, lr  }
0x1b: {  	s9 =	sadd.s32 $0xFFFFFEF7, lr;
	s5 =	simm.s32 $0xFFFFFFFF;
	p2 =	slt.u32 s8, $0xFFFFF086  }
0x1c: {  	p1 =	slt.u32 s9, $0xF7A;
	s5 =	simm.s32 @!p2 $0x0  }
0x1d: {  	s5 =	simm.s32 @p1 $0x1;
	p0 =	seq.s32 s7, s2  }
0x1e: {  	s7 =	smul.u32 @!p0 $0xF7A, s2;
	p2 =	seq.s32 @!p0 s5, $0x0  }
0x1f: {  	s9 =	smul.u32 $0xF7A, s1;
	s8 =	simm.s32 @!p0 $0x1BF5;
	p2 =	por !p2, p0  }
0x20: {  	[sflag:s8] =	ssyncset.s32 @!p0 $0xFFFFF086;
	s6 =	sadd.s32 @!p0 s3, s7;
	s7 =	simm.s32 @!p0 $0x108  }
0x21: {  	s3 =	sadd.s32 s3, s9;
	s6 =	sadd.s32 @!p0 $0x88, s6;
	s7 =	simm.s32 @p2 $0x1082  }
0x22: {  	[simem:s7], [sflag:s8] =	dma.local @!p0 [hbm:s6], $0xF7A  }
0x23: {  	s9 =	sor.u32 $0xD0000000, s2;
	s6 =	simm.s32 $0x108;
	_ =	swait.ge @!p0 [sflag:s8], $0x0  }
0x24: {  	s3 =	sadd.s32 $0x88, s3;
	s6 =	simm.s32 @!p1 $0x1082;
	[sflag:s4] =	ssyncset.s32 $0xFFFFF086  }
0x25: {  	[simem:s6], [sflag:s4] =	dma.local [hbm:s3], $0xF7A  }
0x26: {  	[smem:$0x3F9D] =	sst s1;
	(tag) =	ssettag s2;
	_ =	strace s9  }
0x27: {  	s1 =	sld [smem:$0x3FAD]  }
0x28: {  	s2 =	sld [smem:$0x3FAE]  }
0x29: {  	s4 =	sld [smem:$0x3FB0]  }
0x2a: {  	p0 =	seq.s32 s5, $0x0;
	s5 =	sld [smem:$0x3FB1]  }
0x2b: {  	s6 =	sld [smem:$0x3FB2]  }
0x2c: {  	s7 =	sld [smem:$0x3FB3]  }
0x2d: {  	s3 =	simm.s32 $0x108;
	s8 =	sld [smem:$0x3FB4]  }
0x2e: {  	s3 =	simm.s32 @!p0 $0x1082;
	s9 =	sld [smem:$0x3FB5]  }
0x2f: {  	lr =	sadd.s32 s0, s3;
	s0 =	sld [smem:$0x3FAC]  }
0x30: {  	s3 =	sld [smem:$0x3FAF]  }
0x31: {  	[smem:$0x3FB8] =	sst s10  }
0x32: {  	s10 =	sld [smem:$0x3FB6];
	_ =	sdelay $0x3  }
0x33: {  	p0 =	seq.s32 s10, $0x1;
	s10 =	sld [smem:$0x3FB8];
	_ =	sdelay $0x3  }
0x34: {  	[smem:$0x3FB8] =	sst s10  }
0x35: {  	s10 =	sld [smem:$0x3FB7];
	_ =	sdelay $0x3  }
0x36: {  	p1 =	seq.s32 s10, $0x1;
	s10 =	sld [smem:$0x3FB8];
	_ =	sdelay $0x3  }
0x37: {  	[smem:$0x3FB8] =	sst s10  }
0x38: {  	s10 =	sld [smem:$0x3FB9]  }
0x39: {  	_ = 	snop;
	(pc) =	sbr.ind lr, $3  }
0x3a: {  	_ = 	snop  }
0x3b: {  	_ = 	snop  }
0x3c: {  	p2 =	seq.s32 s10, $0x1;
	s10 =	sld [smem:$0x3FB8]  }
0x3d: {  	_ =	shalt  }
0x3e: {  	_ =	shalt  }
0x3f: {  	_ =	shalt  }
0x40: {  	_ =	shalt  }
0x41: {  	_ =	shalt  }
0x42: {  	_ =	shalt  }
0x43: {  	_ =	shalt  }
0x44: {  	_ =	shalt  }
0x45: {  	_ =	shalt  }
0x46: {  	_ =	shalt  }
0x47: {  	_ =	shalt  }
0x48: {  	_ =	shalt  }
0x49: {  	_ =	shalt  }
0x4a: {  	_ =	shalt  }
0x4b: {  	_ =	shalt  }
0x4c: {  	_ =	shalt  }
0x4d: {  	_ =	shalt  }
0x4e: {  	_ =	shalt  }
0x4f: {  	_ =	shalt  }
0x50: {  	_ =	shalt  }
0x51: {  	_ =	shalt  }
0x52: {  	_ =	shalt  }
0x53: {  	_ =	shalt  }
0x54: {  	_ =	shalt  }
0x55: {  	_ =	shalt  }
0x56: {  	_ =	shalt  }
0x57: {  	_ =	shalt  }
0x58: {  	_ =	shalt  }
0x59: {  	_ =	shalt  }
0x5a: {  	_ =	shalt  }
0x5b: {  	_ =	shalt  }
0x5c: {  	_ =	shalt  }
0x5d: {  	_ =	shalt  }
0x5e: {  	_ =	shalt  }
0x5f: {  	_ =	shalt  }
0x60: {  	_ =	shalt  }
0x61: {  	_ =	shalt  }
0x62: {  	_ =	shalt  }
0x63: {  	_ =	shalt  }
0x64: {  	_ =	shalt  }
0x65: {  	_ =	shalt  }
0x66: {  	_ =	shalt  }
0x67: {  	_ =	shalt  }
0x68: {  	_ =	shalt  }
0x69: {  	_ =	shalt  }
0x6a: {  	_ =	shalt  }
0x6b: {  	_ =	shalt  }
0x6c: {  	_ =	shalt  }
0x6d: {  	_ =	shalt  }
0x6e: {  	_ =	shalt  }
0x6f: {  	_ =	shalt  }
0x70: {  	_ =	shalt  }
0x71: {  	_ =	shalt  }
0x72: {  	_ =	shalt  }
0x73: {  	_ =	shalt  }
0x74: {  	_ =	shalt  }
0x75: {  	_ =	shalt  }
0x76: {  	_ =	shalt  }
0x77: {  	_ =	shalt  }
0x78: {  	_ =	shalt  }
0x79: {  	_ =	shalt  }
0x7a: {  	_ =	shalt  }
0x7b: {  	_ =	shalt  }
0x7c: {  	_ =	shalt  }
0x7d: {  	_ =	shalt  }
0x7e: {  	_ =	shalt  }
0x7f: {  	_ =	shalt  }
0x80: {  	_ =	shalt  }
0x81: {  	_ =	shalt  }
0x82: {  	_ =	shalt  }
0x83: {  	_ =	shalt  }
0x84: {  	_ =	shalt  }
0x85: {  	_ =	shalt  }
0x86: {  	_ =	shalt  }
0x87: {  	_ =	shalt  }
.Lfunc_end0:
.L_simem_size_0:
called_computation_lowered:
.L_overlay_start_0:
0x88: {  	s2 =	sld [smem:$0x3FD9]  }
0x89: {  	s3 =	sld [smem:$0x3FFE];
	_ =	sdelay $0x1  }
0x8a: {  	s1 =	srdreg.scid  }
0x8b: {  	s0 =	sand.u32 $0x1, s1  }
0x8c: {  	s17 =	sshll.u32 s0, $0xA;
	s2 =	sadd.s32 s3, s2  }
0x8d: {  	s2 =	sadd.s32 s2, s17  }
0x8e: {  	[smem:$0x3FC4] =	sst s2  }
0x8f: {  	_ = 	snop  }
0x90: {  	s2 =	sld [smem:$0x3FC9]  }
0x91: {  	s18 =	sld [smem:$0x3FC8]  }
0x92: {  	s4 =	sld [smem:$0x3FD0];
	(tm) =	ssettm $0x1  }
0x93: {  	s5 =	sld [smem:$0x3FFB];
	_ =	sdelay $0x3  }
0x94: {  	_ =	strace s5  }
0x95: {  	s5 =	sld [smem:$0x3FFC];
	_ =	sdelay $0x3  }
0x96: {  	_ =	strace s5  }
0x97: {  	s5 =	sld [smem:$0x3FFD];
	_ =	sdelay $0x3  }
0x98: {  	_ =	strace s5  }
0x99: {  	_ =	strace $0x8FFFFFFF  }
0x9a: {  	s19 =	sld [smem:$0x3FDB];
	_ =	sdelay $0x1  }
0x9b: {  	s6 =	simm.s32 $_scs_section_size  }
0x9c: {  	s7 =	simm.s32 $_size__tile_overlayer_lowered;
	s8 =	simm.s32 $_tile_overlayer_lowered  }
0x9d: {  	s22 =	simm.s32 $0x1BFF;
	s21 =	sshll.u32 s8, $0x1;
	s5 =	sadd.s32 s6, s19  }
0x9e: {  	s9 =	simm.s32 $0x0;
	s20 =	sshll.u32 s7, $0x1;
	s7 =	sadd.s32 s21, s5  }
0x9f: {  	[timem:s9], [sflag:s22] =	dma.local [hbm:s7], s20  }
0xa0: {  	_ =	swait.ge [sflag:s22], s20  }
0xa1: {  	s6 =	ssub.s32 $0x0, s20;
	[sflag:s22] =	ssyncset.done $0x0  }
0xa2: {  	[sflag:s22] =	ssyncadd.s32 s6;
	_ =	sdelay $0x1  }
0xa3: {  	s23 =	simm.s32 $0x1B8B  }
0xa4: {  	_ =	swait.ge [sflag:s23], $0x1  }
0xa5: {  	[sflag:s23] =	ssyncset.done $0x0  }
0xa6: {  	s25 =	simm.s32 $0x1B8E;
	s24 =	sld [smem:$0x3FFE];
	[sflag:s23] =	ssyncadd.s32 $0xFFFFFFFF  }
0xa7: {  	s26 =	simm.s32 $execute0_lowered;
	[smem:$0x3FD2] =	sst s25  }
0xa8: {  	s7 =	sshll.u32 s26, $0x1;
	_ =	strace $0x80000046;
	[dreg:$0x1] =	wrdreg $0xFFFFFFFF  }
0xa9: {  	s28 =	simm.s32 $_size_execute0_lowered;
	s5 =	sadd.s32 s5, s7;
	[dreg:$0x0] =	wrdreg $0x0  }
0xaa: {  	s7 =	sshll.u32 s28, $0x1;
	[dreg:$0x2] =	wrdreg s5  }
0xab: {  	[dreg:$0x3] =	wrdreg s7  }
0xac: {  	[dreg:$0x4] =	wrdreg $0xC0  }
0xad: {  	_ =	task [dreg:s9], $0x5FFFF  }
0xae: {  	[dreg:$0x1] =	wrdreg $0xFFFFFFFF  }
0xaf: {  	[dreg:$0x0] =	wrdreg $0x60  }
0xb0: {  	[dreg:$0x2] =	wrdreg s2  }
0xb1: {  	[dreg:$0x3] =	wrdreg s18  }
0xb2: {  	[dreg:$0x4] =	wrdreg s24  }
0xb3: {  	[dreg:$0x5] =	wrdreg s4  }
0xb4: {  	[dreg:$0x6] =	wrdreg $0x9  }
0xb5: {  	_ =	task.clear_ibuf [dreg:s9], $0x7FFFF;
	_ =	strace $0x90000046  }
0xb6: {  	s29 =	simm.s32 $0x9;
	_ =	strace $0x80000048  }
0xb7: {  	_ =	swait.ge [sflag:s29], $0x1  }
0xb8: {  	[sflag:s29] =	ssyncadd.s32 $0xFFFFFFFF  }
0xb9: {  	_ =	strace $0x90000048  }
0xba: {  	_ =	sfence  }
0xbb: {  	s30 =	sld [smem:$0x0];
	_ =	sdelay $0x2  }
0xbc: {  	s31 =	sshll.u32 s1, $0xD;
	s1 =	sshrl.u32 s1, $0x2  }
0xbd: {  	s3 =	sand.u32 $0x4000, s31;
	s1 =	sadd.s32 s1, s30  }
0xbe: {  	s0 =	sor.u32 s3, s0;
	s1 =	sshll.u32 s1, $0x11  }
0xbf: {  	s0 =	sor.u32 s1, s0  }
0xc0: {  	s0 =	sadd.s32 $0x8F2B, s0  }
0xc1: {  	[sflag:s0] =	ssyncadd.remote.s32 $0x1  }
0xc2: {  	_ =	sfence.sel $0xFFFF  }
0xc3: {  	[dreg:$0x0] =	wrdreg $0xFFFFFFFF;
	(pc) =	sbr.abs _section_cstart, $3  }
0xc4: {  	[dreg:$0x1] =	wrdreg $0xFFFFFFFF  }
0xc5: {  	_ =	task.clear_ibuf [dreg:s9], $0x2FFFF;
	_ =	strace $0x9FFFFFFF  }
0xc6: {  	(tm) =	ssettm $0x7FFFFFFF  }
0xc7: {  	_ =	shalt  }
tec
execute0_lowered:
.L_overlay_start_1:
0x0: {  	(tag) =	ssettag $0x1  }
0x1: {  	s5 =	rddreg [dreg:$0x0]  }
0x2: {  	s6 =	rddreg [dreg:$0x1]  }
0x3: {  	s3 =	rddreg [dreg:$0x2]  }
0x4: {  	s7 =	rddreg [dreg:$0x3]  }
0x5: {  	s0 =	rddreg [dreg:$0x4];
	s1 =	simm.s32 $0x0  }
0x6: {  	s2 =	simm.s32 $0x400;
	[smem:$0x7FF] =	sst s1  }
0x7: {  	s17 =	simm.s32 $0x1400;
	_ =	strace $0x80000047;
	[dreg:$0x5] =	wrdreg s2  }
0x8: {  	s18 =	simm.s32 $0x480;
	[dreg:$0x6] =	wrdreg s17  }
0x9: {  	s19 =	simm.s32 $0x1480;
	[dreg:$0x7] =	wrdreg s18  }
0xa: {  	s20 =	simm.s32 $0x500;
	[dreg:$0x8] =	wrdreg s19  }
0xb: {  	s21 =	simm.s32 $0x1500;
	[dreg:$0x9] =	wrdreg s20  }
0xc: {  	s22 =	simm.s32 $0x580;
	[dreg:$0xa] =	wrdreg s21  }
0xd: {  	s23 =	simm.s32 $0x1580;
	[dreg:$0xb] =	wrdreg s22  }
0xe: {  	s24 =	simm.s32 $0x600;
	[dreg:$0xc] =	wrdreg s23  }
0xf: {  	s25 =	simm.s32 $0x1600;
	[dreg:$0xd] =	wrdreg s24  }
0x10: {  	s26 =	simm.s32 $0x680;
	[dreg:$0xe] =	wrdreg s25  }
0x11: {  	s28 =	simm.s32 $0x1680;
	[dreg:$0xf] =	wrdreg s26  }
0x12: {  	s29 =	simm.s32 $0x700;
	[dreg:$0x10] =	wrdreg s28  }
0x13: {  	s30 =	simm.s32 $0x1700;
	[dreg:$0x11] =	wrdreg s29  }
0x14: {  	s31 =	simm.s32 $0x780;
	[dreg:$0x12] =	wrdreg s30  }
0x15: {  	s4 =	simm.s32 $0x1780;
	[dreg:$0x13] =	wrdreg s31  }
0x16: {  	s8 =	simm.s32 $0x800;
	[dreg:$0x14] =	wrdreg s4  }
0x17: {  	s9 =	simm.s32 $0x1800;
	[dreg:$0x15] =	wrdreg s8  }
0x18: {  	s10 =	simm.s32 $0x880;
	[dreg:$0x16] =	wrdreg s9  }
0x19: {  	s11 =	simm.s32 $0x1880;
	[dreg:$0x17] =	wrdreg s10  }
0x1a: {  	s12 =	simm.s32 $0x900;
	[dreg:$0x18] =	wrdreg s11  }
0x1b: {  	s13 =	simm.s32 $0x1900;
	[dreg:$0x19] =	wrdreg s12  }
0x1c: {  	s14 =	simm.s32 $0x980;
	[dreg:$0x1a] =	wrdreg s13  }
0x1d: {  	s15 =	simm.s32 $0x1980;
	[dreg:$0x1b] =	wrdreg s14  }
0x1e: {  	s16 =	simm.s32 $0xA00;
	[dreg:$0x1c] =	wrdreg s15  }
0x1f: {  	[dreg:$0x1d] =	wrdreg s16;
	s17 =	simm.s32 $0x1A00  }
0x20: {  	s18 =	simm.s32 $0xA80;
	[dreg:$0x1e] =	wrdreg s17  }
0x21: {  	s19 =	simm.s32 $0x1A80;
	[dreg:$0x1f] =	wrdreg s18  }
0x22: {  	s20 =	simm.s32 $0xB00;
	[smem:$0x7D9] =	sst s19  }
0x23: {  	s21 =	simm.s32 $0x1B00;
	[smem:$0x7DA] =	sst s20  }
0x24: {  	s22 =	simm.s32 $0xB80;
	[smem:$0x7DB] =	sst s21  }
0x25: {  	s23 =	simm.s32 $0x1B80;
	[smem:$0x7DC] =	sst s22  }
0x26: {  	s24 =	simm.s32 $0xC00;
	[smem:$0x7DD] =	sst s23  }
0x27: {  	s25 =	simm.s32 $0x1C00;
	[smem:$0x7DE] =	sst s24  }
0x28: {  	s26 =	simm.s32 $0xC80;
	[smem:$0x7DF] =	sst s25  }
0x29: {  	s28 =	simm.s32 $0x1C80;
	[smem:$0x7E0] =	sst s26  }
0x2a: {  	s29 =	simm.s32 $0xD00;
	[smem:$0x7E1] =	sst s28  }
0x2b: {  	s30 =	simm.s32 $0x1D00;
	[smem:$0x7E2] =	sst s29  }
0x2c: {  	s31 =	simm.s32 $0xD80;
	[smem:$0x7E3] =	sst s30  }
0x2d: {  	s4 =	simm.s32 $0x1D80;
	[smem:$0x7E4] =	sst s31  }
0x2e: {  	s8 =	simm.s32 $0xE00;
	[smem:$0x7E5] =	sst s4  }
0x2f: {  	s9 =	simm.s32 $0x1E00;
	[smem:$0x7E6] =	sst s8  }
0x30: {  	s10 =	simm.s32 $0xE80;
	[smem:$0x7E7] =	sst s9  }
0x31: {  	s11 =	simm.s32 $0x1E80;
	[smem:$0x7E8] =	sst s10  }
0x32: {  	s12 =	simm.s32 $0xF00;
	[smem:$0x7E9] =	sst s11  }
0x33: {  	s13 =	simm.s32 $0x1F00;
	[smem:$0x7EA] =	sst s12  }
0x34: {  	s14 =	simm.s32 $0x1F80;
	[smem:$0x7EB] =	sst s13  }
0x35: {  	s15 =	simm.s32 $0x1000;
	[smem:$0x7ED] =	sst s14  }
0x36: {  	s16 =	simm.s32 $0x1080;
	[smem:$0x7EE] =	sst s15  }
0x37: {  	v0 =	vlaneseq.u32;
	s4 =	simm.s32 $0xF80;
	[smem:$0x7F0] =	sst s16  }
0x38: {  	v4 =	vmul.u32 $0x10, v0;
	s9 =	simm.s32 $0x2000;
	[smem:$0x7EC] =	sst s4  }
0x39: {  	s17 =	simm.s32 $0x2080;
	[smem:$0x7EF] =	sst s9  }
0x3a: {  	s18 =	simm.s32 $0x1100;
	v5 =	vor.u32 $0x1, v4;
	[tilespmem:$0x1FF00] =	vst v4;
	[smem:$0x7F1] =	sst s17  }
0x3b: {  	s2 =	sadd.s32 $0x400, s3;
	s19 =	simm.s32 $0x2100;
	v6 =	vor.u32 $0x2, v4;
	[smem:$0x7F2] =	sst s18;
	[tilespmem:$0x1FF10] =	vst v5  }
0x3c: {  	s3 =	sadd.s32 $0xF42800, s3;
	s20 =	simm.s32 $0x1180;
	v7 =	vor.u32 $0x3, v4;
	[smem:$0x7F3] =	sst s19;
	[tilespmem:$0x1FF20] =	vst v6  }
0x3d: {  	s8 =	srdreg.scid;
	s22 =	simm.s32 $0x2180;
	v8 =	vor.u32 $0x4, v4;
	[smem:$0x7F4] =	sst s20;
	[tilespmem:$0x1FF30] =	vst v7  }
0x3e: {  	s23 =	simm.s32 $0x1200;
	s24 =	simm.s32 $0x2200;
	v9 =	vor.u32 $0x5, v4;
	[smem:$0x7F5] =	sst s22;
	[tilespmem:$0x1FF40] =	vst v8  }
0x3f: {  	s25 =	simm.s32 $0x1280;
	s26 =	simm.s32 $0x2280;
	v10 =	vor.u32 $0x6, v4;
	[smem:$0x7F6] =	sst s23;
	[tilespmem:$0x1FF50] =	vst v9  }
0x40: {  	s28 =	simm.s32 $0x1300;
	s29 =	simm.s32 $0x2300;
	v11 =	vor.u32 $0x7, v4;
	[smem:$0x7F7] =	sst s24;
	[tilespmem:$0x1FF60] =	vst v10  }
0x41: {  	s30 =	simm.s32 $0x1380;
	s31 =	simm.s32 $0x2380;
	v12 =	vor.u32 $0x8, v4;
	[smem:$0x7F8] =	sst s25;
	[tilespmem:$0x1FF70] =	vst v11  }
0x42: {  	v13 =	vor.u32 $0x9, v4;
	s12 =	simm.s32 $0x2;
	s13 =	simm.s32 $0x2400;
	[smem:$0x7F9] =	sst s26;
	[tilespmem:$0x1FF80] =	vst v12  }
0x43: {  	v14 =	vor.u32 $0xA, v4;
	s14 =	simm.s32 $0x2500;
	s15 =	simm.s32 $0x0;
	[smem:$0x7FA] =	sst s28;
	[tilespmem:$0x1FF90] =	vst v13  }
0x44: {  	v15 =	vor.u32 $0xB, v4;
	s4 =	stileid.u32;
	s8 =	sand.u32 $0x1, s8;
	[smem:$0x7FB] =	sst s29;
	[tilespmem:$0x1FFA0] =	vst v14  }
0x45: {  	v16 =	vor.u32 $0xC, v4;
	s9 =	simm.s32 $0x3;
	[smem:$0x7FC] =	sst s30;
	[tilespmem:$0x1FFB0] =	vst v15;
	s10 =	ssub.s32 $0x2, s8  }
0x46: {  	v17 =	vor.u32 $0xD, v4;
	[tilespmem:$0x1FFC0] =	vst v16;
	s21 =	sshll.u32 s4, $0x7;
	s8 =	sshll.u32 s8, $0x6;
	s11 =	sshrl.u32 s10, $0x1  }
0x47: {  	v18 =	vor.u32 $0xE, v4;
	[smem:$0x7FD] =	sst s31;
	[tilespmem:$0x1FFD0] =	vst v17;
	s8 =	sor.u32 s8, s21;
	s10 =	ssub.s32 s10, s11  }
0x48: {  	v19 =	vor.u32 $0xF, v4;
	[tilespmem:$0x1FFE0] =	vst v18;
	s5 =	sadd.s32 s5, s8;
	s6 =	sadd.s32 s6, s8;
	s7 =	sadd.s32 s7, s8  }
0x49: {  	[tilespmem:$0x1FFF0] =	vst v19;
	s11 =	simm.s32 $0x1;
	s8 =	smax.u32 s10, $0x1;
	s10 =	simm.s32 $0x200  }
.LBB2_1:
0x4a: {  	[tilespmem:s1], [sflag:$0x3] =	stream.linear.gather [hbm4b:s5+s1], $0x200, $0x38;
	[tilespmem:$0x2700] =	vst v63  }
0x4b: {  	_ =	swait.ge [sflag:s9], $0x200  }
0x4c: {  	[sflag:s9] =	ssyncset.done $0x0  }
0x4d: {  	[sflag:s9] =	ssyncadd.s32 $0xFFFFFE00  }
0x4e: {  	[tilespmem:s10], [sflag:$0x3] =	stream.linear.gather [hbm4b:s6+s1], $0x200, $0x38;
	[tilespmem:$0x2700] =	vst v63  }
0x4f: {  	_ =	swait.ge [sflag:s9], $0x200  }
0x50: {  	[sflag:s9] =	ssyncset.done $0x0  }
0x51: {  	s16 =	simm.s32 $0x0;
	[sflag:s9] =	ssyncadd.s32 $0xFFFFFE00  }
.LBB2_2:
0x52: {  	s17 =	sshra.s32 s16, $0x2  }
0x53: {  	v16 =	vld [tilespmem:s17+$0x0];
	_ =	sdelay $0x2  }
0x54: {  	v20 =	vld [tilespmem:s17+$0x200];
	_ =	sdelay $0x1  }
0x55: {  	v17 =	vshrl.u32 v16, $0x3  }
0x56: {  	v16 =	vand.u32 $0x7, v16;
	v18 =	vshll.u32 v17, $0xA  }
0x57: {  	v19 =	vshll.u32 v16, $0x7;
	(v2sf) =	vpush v18, $0x0  }
0x58: {  	v3 =	vshrl.u32 v20, $0x3;
	(v2sf) =	vpush v19, $0x0  }
0x59: {  	v4 =	vand.u32 $0x7, v20;
	v16 =	vshll.u32 v3, $0xA  }
0x5a: {  	v17 =	vshll.u32 v4, $0x7;
	(v2sf) =	vpush v16, $0x0  }
0x5b: {  	(v2sf) =	vpush v17, $0x0;
	_ =	sdelay $0x2  }
0x5c: {  	(v2sf) =	vpush v18, $0x1;
	_ =	sdelay $0x1  }
0x5d: {  	(v2sf) =	vpush v19, $0x1;
	_ =	sdelay $0x5  }
0x5e: {  	s18 =	spop (v2sf);
	(v2sf) =	vpush v16, $0x1  }
0x5f: {  	s19 =	spop (v2sf);
	(v2sf) =	vpush v17, $0x1;
	_ =	sdelay $0x1  }
0x60: {  	s22 =	spop (v2sf);
	(v2sf) =	vpush v18, $0x2  }
0x61: {  	s23 =	spop (v2sf);
	(v2sf) =	vpush v19, $0x2  }
0x62: {  	s18 =	sor.u32 s19, s18  }
0x63: {  	s18 =	sshrl.u32 s18, $0x3  }
0x64: {  	s21 =	rddreg [dreg:$0x5];
	s18 =	sadd.s32 s2, s18;
	s25 =	spop (v2sf);
	(v2sf) =	vpush v16, $0x2  }
0x65: {  	[tilespmem:s21], [sflag:$0x1] =	stream.linear.gather [hbm4b:s18+s1], $0x80, $0x38;
	[tilespmem:$0x2700] =	vst v63  }
0x66: {  	s26 =	spop (v2sf);
	(v2sf) =	vpush v17, $0x2  }
0x67: {  	s18 =	sor.u32 s23, s22  }
0x68: {  	s18 =	sshrl.u32 s18, $0x3  }
0x69: {  	s24 =	rddreg [dreg:$0x6];
	s18 =	sadd.s32 s3, s18  }
0x6a: {  	[tilespmem:s24], [sflag:$0x2] =	stream.linear.gather [hbm4b:s18+s1], $0x80, $0x38;
	[tilespmem:$0x2700] =	vst v63  }
0x6b: {  	s18 =	sor.u32 s26, s25  }
0x6c: {  	s18 =	sshrl.u32 s18, $0x3;
	s29 =	spop (v2sf);
	(v2sf) =	vpush v18, $0x3  }
0x6d: {  	s28 =	rddreg [dreg:$0x7];
	s18 =	sadd.s32 s2, s18;
	s30 =	spop (v2sf);
	(v2sf) =	vpush v19, $0x3  }
0x6e: {  	[tilespmem:s28], [sflag:$0x1] =	stream.linear.gather [hbm4b:s18+s1], $0x80, $0x38;
	[tilespmem:$0x2700] =	vst v63  }
0x6f: {  	s19 =	spop (v2sf);
	(v2sf) =	vpush v16, $0x3  }
0x70: {  	s20 =	spop (v2sf);
	(v2sf) =	vpush v17, $0x3  }
0x71: {  	s18 =	sor.u32 s30, s29  }
0x72: {  	s18 =	sshrl.u32 s18, $0x3  }
0x73: {  	s31 =	rddreg [dreg:$0x8];
	s18 =	sadd.s32 s3, s18;
	s22 =	spop (v2sf);
	(v2sf) =	vpush v18, $0x4  }
0x74: {  	[tilespmem:s31], [sflag:$0x2] =	stream.linear.gather [hbm4b:s18+s1], $0x80, $0x38;
	[tilespmem:$0x2700] =	vst v63  }
0x75: {  	s23 =	spop (v2sf);
	(v2sf) =	vpush v19, $0x4  }
0x76: {  	s18 =	sor.u32 s20, s19  }
0x77: {  	s18 =	sshrl.u32 s18, $0x3  }
0x78: {  	s21 =	rddreg [dreg:$0x9];
	s18 =	sadd.s32 s2, s18  }
0x79: {  	[tilespmem:s21], [sflag:$0x1] =	stream.linear.gather [hbm4b:s18+s1], $0x80, $0x38;
	[tilespmem:$0x2700] =	vst v63  }
0x7a: {  	s18 =	sor.u32 s23, s22  }
0x7b: {  	s18 =	sshrl.u32 s18, $0x3;
	s25 =	spop (v2sf);
	(v2sf) =	vpush v16, $0x4  }
0x7c: {  	s24 =	rddreg [dreg:$0xa];
	s18 =	sadd.s32 s3, s18;
	s26 =	spop (v2sf);
	(v2sf) =	vpush v17, $0x4  }
0x7d: {  	[tilespmem:s24], [sflag:$0x2] =	stream.linear.gather [hbm4b:s18+s1], $0x80, $0x38;
	[tilespmem:$0x2700] =	vst v63  }
0x7e: {  	s29 =	spop (v2sf);
	(v2sf) =	vpush v18, $0x5  }
0x7f: {  	s30 =	spop (v2sf);
	(v2sf) =	vpush v19, $0x5  }
0x80: {  	s18 =	sor.u32 s26, s25  }
0x81: {  	s18 =	sshrl.u32 s18, $0x3  }
0x82: {  	s28 =	rddreg [dreg:$0xb];
	s18 =	sadd.s32 s2, s18;
	s19 =	spop (v2sf);
	(v2sf) =	vpush v16, $0x5  }
0x83: {  	[tilespmem:s28], [sflag:$0x1] =	stream.linear.gather [hbm4b:s18+s1], $0x80, $0x38;
	[tilespmem:$0x2700] =	vst v63  }
0x84: {  	s20 =	spop (v2sf);
	(v2sf) =	vpush v17, $0x5  }
0x85: {  	s18 =	sor.u32 s30, s29  }
0x86: {  	s18 =	sshrl.u32 s18, $0x3  }
0x87: {  	s31 =	rddreg [dreg:$0xc];
	s18 =	sadd.s32 s3, s18  }
0x88: {  	[tilespmem:s31], [sflag:$0x2] =	stream.linear.gather [hbm4b:s18+s1], $0x80, $0x38;
	[tilespmem:$0x2700] =	vst v63  }
0x89: {  	s18 =	sor.u32 s20, s19  }
0x8a: {  	s18 =	sshrl.u32 s18, $0x3;
	s22 =	spop (v2sf);
	(v2sf) =	vpush v18, $0x6  }
0x8b: {  	s21 =	rddreg [dreg:$0xd];
	s18 =	sadd.s32 s2, s18;
	s23 =	spop (v2sf);
	(v2sf) =	vpush v19, $0x6  }
0x8c: {  	[tilespmem:s21], [sflag:$0x1] =	stream.linear.gather [hbm4b:s18+s1], $0x80, $0x38;
	[tilespmem:$0x2700] =	vst v63  }
0x8d: {  	s25 =	spop (v2sf);
	(v2sf) =	vpush v16, $0x6  }
0x8e: {  	s26 =	spop (v2sf);
	(v2sf) =	vpush v17, $0x6  }
0x8f: {  	s18 =	sor.u32 s23, s22  }
0x90: {  	s18 =	sshrl.u32 s18, $0x3  }
0x91: {  	s24 =	rddreg [dreg:$0xe];
	s18 =	sadd.s32 s3, s18;
	s29 =	spop (v2sf);
	(v2sf) =	vpush v18, $0x7  }
0x92: {  	[tilespmem:s24], [sflag:$0x2] =	stream.linear.gather [hbm4b:s18+s1], $0x80, $0x38;
	[tilespmem:$0x2700] =	vst v63  }
0x93: {  	s30 =	spop (v2sf);
	(v2sf) =	vpush v19, $0x7  }
0x94: {  	s18 =	sor.u32 s26, s25  }
0x95: {  	s18 =	sshrl.u32 s18, $0x3  }
0x96: {  	s28 =	rddreg [dreg:$0xf];
	s18 =	sadd.s32 s2, s18  }
0x97: {  	[tilespmem:s28], [sflag:$0x1] =	stream.linear.gather [hbm4b:s18+s1], $0x80, $0x38;
	[tilespmem:$0x2700] =	vst v63  }
0x98: {  	s18 =	sor.u32 s30, s29  }
0x99: {  	s18 =	sshrl.u32 s18, $0x3;
	s19 =	spop (v2sf);
	(v2sf) =	vpush v16, $0x7  }
0x9a: {  	s31 =	rddreg [dreg:$0x10];
	s18 =	sadd.s32 s3, s18;
	s20 =	spop (v2sf);
	(v2sf) =	vpush v17, $0x7  }
0x9b: {  	[tilespmem:s31], [sflag:$0x2] =	stream.linear.gather [hbm4b:s18+s1], $0x80, $0x38;
	[tilespmem:$0x2700] =	vst v63  }
0x9c: {  	s22 =	spop (v2sf);
	(v2sf) =	vpush v18, $0x8  }
0x9d: {  	s23 =	spop (v2sf);
	(v2sf) =	vpush v19, $0x8  }
0x9e: {  	s18 =	sor.u32 s20, s19  }
0x9f: {  	s18 =	sshrl.u32 s18, $0x3  }
0xa0: {  	s21 =	rddreg [dreg:$0x11];
	s18 =	sadd.s32 s2, s18;
	s25 =	spop (v2sf);
	(v2sf) =	vpush v16, $0x8  }
0xa1: {  	[tilespmem:s21], [sflag:$0x1] =	stream.linear.gather [hbm4b:s18+s1], $0x80, $0x38;
	[tilespmem:$0x2700] =	vst v63  }
0xa2: {  	s26 =	spop (v2sf);
	(v2sf) =	vpush v17, $0x8  }
0xa3: {  	s18 =	sor.u32 s23, s22  }
0xa4: {  	s18 =	sshrl.u32 s18, $0x3  }
0xa5: {  	s24 =	rddreg [dreg:$0x12];
	s18 =	sadd.s32 s3, s18  }
0xa6: {  	[tilespmem:s24], [sflag:$0x2] =	stream.linear.gather [hbm4b:s18+s1], $0x80, $0x38;
	[tilespmem:$0x2700] =	vst v63  }
0xa7: {  	s18 =	sor.u32 s26, s25  }
0xa8: {  	s18 =	sshrl.u32 s18, $0x3;
	s29 =	spop (v2sf);
	(v2sf) =	vpush v18, $0x9  }
0xa9: {  	s28 =	rddreg [dreg:$0x13];
	s18 =	sadd.s32 s2, s18;
	s30 =	spop (v2sf);
	(v2sf) =	vpush v19, $0x9  }
0xaa: {  	[tilespmem:s28], [sflag:$0x1] =	stream.linear.gather [hbm4b:s18+s1], $0x80, $0x38;
	[tilespmem:$0x2700] =	vst v63  }
0xab: {  	s19 =	spop (v2sf);
	(v2sf) =	vpush v16, $0x9  }
0xac: {  	s20 =	spop (v2sf);
	(v2sf) =	vpush v17, $0x9  }
0xad: {  	s18 =	sor.u32 s30, s29  }
0xae: {  	s18 =	sshrl.u32 s18, $0x3  }
0xaf: {  	s31 =	rddreg [dreg:$0x14];
	s18 =	sadd.s32 s3, s18;
	s22 =	spop (v2sf);
	(v2sf) =	vpush v18, $0xA  }
0xb0: {  	[tilespmem:s31], [sflag:$0x2] =	stream.linear.gather [hbm4b:s18+s1], $0x80, $0x38;
	[tilespmem:$0x2700] =	vst v63  }
0xb1: {  	s23 =	spop (v2sf);
	(v2sf) =	vpush v19, $0xA  }
0xb2: {  	s18 =	sor.u32 s20, s19  }
0xb3: {  	s18 =	sshrl.u32 s18, $0x3  }
0xb4: {  	s21 =	rddreg [dreg:$0x15];
	s18 =	sadd.s32 s2, s18  }
0xb5: {  	[tilespmem:s21], [sflag:$0x1] =	stream.linear.gather [hbm4b:s18+s1], $0x80, $0x38;
	[tilespmem:$0x2700] =	vst v63  }
0xb6: {  	s18 =	sor.u32 s23, s22  }
0xb7: {  	s18 =	sshrl.u32 s18, $0x3;
	s25 =	spop (v2sf);
	(v2sf) =	vpush v16, $0xA  }
0xb8: {  	s24 =	rddreg [dreg:$0x16];
	s18 =	sadd.s32 s3, s18;
	s26 =	spop (v2sf);
	(v2sf) =	vpush v17, $0xA  }
0xb9: {  	[tilespmem:s24], [sflag:$0x2] =	stream.linear.gather [hbm4b:s18+s1], $0x80, $0x38;
	[tilespmem:$0x2700] =	vst v63  }
0xba: {  	s29 =	spop (v2sf);
	(v2sf) =	vpush v18, $0xB  }
0xbb: {  	s30 =	spop (v2sf);
	(v2sf) =	vpush v19, $0xB  }
0xbc: {  	s18 =	sor.u32 s26, s25  }
0xbd: {  	s18 =	sshrl.u32 s18, $0x3  }
0xbe: {  	s28 =	rddreg [dreg:$0x17];
	s18 =	sadd.s32 s2, s18;
	s19 =	spop (v2sf);
	(v2sf) =	vpush v16, $0xB  }
0xbf: {  	[tilespmem:s28], [sflag:$0x1] =	stream.linear.gather [hbm4b:s18+s1], $0x80, $0x38;
	[tilespmem:$0x2700] =	vst v63  }
0xc0: {  	s20 =	spop (v2sf);
	(v2sf) =	vpush v17, $0xB  }
0xc1: {  	s18 =	sor.u32 s30, s29  }
0xc2: {  	s18 =	sshrl.u32 s18, $0x3  }
0xc3: {  	s31 =	rddreg [dreg:$0x18];
	s18 =	sadd.s32 s3, s18  }
0xc4: {  	[tilespmem:s31], [sflag:$0x2] =	stream.linear.gather [hbm4b:s18+s1], $0x80, $0x38;
	[tilespmem:$0x2700] =	vst v63  }
0xc5: {  	s18 =	sor.u32 s20, s19  }
0xc6: {  	s18 =	sshrl.u32 s18, $0x3;
	s22 =	spop (v2sf);
	(v2sf) =	vpush v18, $0xC  }
0xc7: {  	s21 =	rddreg [dreg:$0x19];
	s18 =	sadd.s32 s2, s18;
	s23 =	spop (v2sf);
	(v2sf) =	vpush v19, $0xC  }
0xc8: {  	[tilespmem:s21], [sflag:$0x1] =	stream.linear.gather [hbm4b:s18+s1], $0x80, $0x38;
	[tilespmem:$0x2700] =	vst v63  }
0xc9: {  	s25 =	spop (v2sf);
	(v2sf) =	vpush v16, $0xC  }
0xca: {  	s26 =	spop (v2sf);
	(v2sf) =	vpush v17, $0xC  }
0xcb: {  	s18 =	sor.u32 s23, s22  }
0xcc: {  	s18 =	sshrl.u32 s18, $0x3  }
0xcd: {  	s24 =	rddreg [dreg:$0x1a];
	s18 =	sadd.s32 s3, s18;
	s29 =	spop (v2sf);
	(v2sf) =	vpush v18, $0xD  }
0xce: {  	[tilespmem:s24], [sflag:$0x2] =	stream.linear.gather [hbm4b:s18+s1], $0x80, $0x38;
	[tilespmem:$0x2700] =	vst v63  }
0xcf: {  	s30 =	spop (v2sf);
	(v2sf) =	vpush v19, $0xD  }
0xd0: {  	s18 =	sor.u32 s26, s25  }
0xd1: {  	s18 =	sshrl.u32 s18, $0x3  }
0xd2: {  	s28 =	rddreg [dreg:$0x1b];
	s18 =	sadd.s32 s2, s18  }
0xd3: {  	[tilespmem:s28], [sflag:$0x1] =	stream.linear.gather [hbm4b:s18+s1], $0x80, $0x38;
	[tilespmem:$0x2700] =	vst v63  }
0xd4: {  	s18 =	sor.u32 s30, s29  }
0xd5: {  	s18 =	sshrl.u32 s18, $0x3;
	s19 =	spop (v2sf);
	(v2sf) =	vpush v16, $0xD  }
0xd6: {  	s31 =	rddreg [dreg:$0x1c];
	s18 =	sadd.s32 s3, s18;
	s20 =	spop (v2sf);
	(v2sf) =	vpush v17, $0xD  }
0xd7: {  	[tilespmem:s31], [sflag:$0x2] =	stream.linear.gather [hbm4b:s18+s1], $0x80, $0x38;
	[tilespmem:$0x2700] =	vst v63  }
0xd8: {  	s22 =	spop (v2sf);
	(v2sf) =	vpush v18, $0xE  }
0xd9: {  	s23 =	spop (v2sf);
	(v2sf) =	vpush v19, $0xE  }
0xda: {  	s18 =	sor.u32 s20, s19  }
0xdb: {  	s18 =	sshrl.u32 s18, $0x3  }
0xdc: {  	s21 =	rddreg [dreg:$0x1d];
	s18 =	sadd.s32 s2, s18;
	s25 =	spop (v2sf)  }
0xdd: {  	(v2sf) =	vpush v16, $0xE;
	[tilespmem:s21], [sflag:$0x1] =	stream.linear.gather [hbm4b:s18+s1], $0x80, $0x38;
	[tilespmem:$0x2700] =	vst v63  }
0xde: {  	s26 =	spop (v2sf);
	(v2sf) =	vpush v17, $0xE  }
0xdf: {  	s18 =	sor.u32 s23, s22  }
0xe0: {  	s18 =	sshrl.u32 s18, $0x3  }
0xe1: {  	s24 =	rddreg [dreg:$0x1e];
	s18 =	sadd.s32 s3, s18  }
0xe2: {  	[tilespmem:s24], [sflag:$0x2] =	stream.linear.gather [hbm4b:s18+s1], $0x80, $0x38;
	[tilespmem:$0x2700] =	vst v63  }
0xe3: {  	s18 =	sor.u32 s26, s25  }
0xe4: {  	s18 =	sshrl.u32 s18, $0x3;
	s29 =	spop (v2sf);
	(v2sf) =	vpush v18, $0xF  }
0xe5: {  	s28 =	rddreg [dreg:$0x1f];
	s18 =	sadd.s32 s2, s18;
	s30 =	spop (v2sf);
	(v2sf) =	vpush v19, $0xF  }
0xe6: {  	[tilespmem:s28], [sflag:$0x1] =	stream.linear.gather [hbm4b:s18+s1], $0x80, $0x38;
	[tilespmem:$0x2700] =	vst v63  }
0xe7: {  	s31 =	sld [smem:$0x7D9];
	s18 =	sor.u32 s30, s29;
	s19 =	spop (v2sf);
	(v2sf) =	vpush v16, $0xF  }
0xe8: {  	s18 =	sshrl.u32 s18, $0x3;
	s20 =	spop (v2sf);
	(v2sf) =	vpush v17, $0xF  }
0xe9: {  	s18 =	sadd.s32 s3, s18  }
0xea: {  	[tilespmem:s31], [sflag:$0x2] =	stream.linear.gather [hbm4b:s18+s1], $0x80, $0x38;
	[tilespmem:$0x2700] =	vst v63  }
0xeb: {  	s21 =	sld [smem:$0x7DA];
	s18 =	sor.u32 s20, s19  }
0xec: {  	s22 =	spop (v2sf);
	s18 =	sshrl.u32 s18, $0x3  }
0xed: {  	s23 =	spop (v2sf);
	s18 =	sadd.s32 s2, s18  }
0xee: {  	[tilespmem:s21], [sflag:$0x1] =	stream.linear.gather [hbm4b:s18+s1], $0x80, $0x38;
	[tilespmem:$0x2700] =	vst v63  }
0xef: {  	s24 =	sld [smem:$0x7DB];
	s18 =	sor.u32 s23, s22  }
0xf0: {  	s18 =	sshrl.u32 s18, $0x3  }
0xf1: {  	s18 =	sadd.s32 s3, s18  }
0xf2: {  	[tilespmem:s24], [sflag:$0x2] =	stream.linear.gather [hbm4b:s18+s1], $0x80, $0x38;
	[tilespmem:$0x2700] =	vst v63  }
0xf3: {  	s25 =	spop (v2sf)  }
0xf4: {  	s26 =	spop (v2sf)  }
0xf5: {  	s28 =	sld [smem:$0x7DC];
	s18 =	sor.u32 s26, s25  }
0xf6: {  	s29 =	spop (v2sf);
	s18 =	sshrl.u32 s18, $0x3  }
0xf7: {  	s30 =	spop (v2sf);
	s18 =	sadd.s32 s2, s18  }
0xf8: {  	[tilespmem:s28], [sflag:$0x1] =	stream.linear.gather [hbm4b:s18+s1], $0x80, $0x38;
	[tilespmem:$0x2700] =	vst v63  }
0xf9: {  	s31 =	sld [smem:$0x7DD];
	s18 =	sor.u32 s30, s29  }
0xfa: {  	s18 =	sshrl.u32 s18, $0x3  }
0xfb: {  	s18 =	sadd.s32 s3, s18  }
0xfc: {  	[tilespmem:s31], [sflag:$0x2] =	stream.linear.gather [hbm4b:s18+s1], $0x80, $0x38;
	[tilespmem:$0x2700] =	vst v63  }
0xfd: {  	v5 =	vld [tilespmem:s17+$0x10];
	_ =	sdelay $0x4  }
0xfe: {  	v6 =	vshrl.u32 v5, $0x3  }
0xff: {  	v16 =	vand.u32 $0x7, v5;
	v8 =	vshll.u32 v6, $0xA  }
0x100: {  	v9 =	vshll.u32 v16, $0x7;
	(v2sf) =	vpush v8, $0x0  }
0x101: {  	(v2sf) =	vpush v9, $0x0;
	_ =	sdelay $0x2  }
0x102: {  	v7 =	vld [tilespmem:s17+$0x210];
	_ =	sdelay $0x4  }
0x103: {  	v10 =	vshrl.u32 v7, $0x3  }
0x104: {  	v11 =	vand.u32 $0x7, v7;
	v16 =	vshll.u32 v10, $0xA  }
0x105: {  	v17 =	vshll.u32 v11, $0x7;
	(v2sf) =	vpush v16, $0x0  }
0x106: {  	(v2sf) =	vpush v17, $0x0  }
0x107: {  	(v2sf) =	vpush v8, $0x1  }
0x108: {  	(v2sf) =	vpush v9, $0x1  }
0x109: {  	s19 =	spop (v2sf);
	(v2sf) =	vpush v16, $0x1  }
0x10a: {  	s20 =	spop (v2sf);
	(v2sf) =	vpush v17, $0x1;
	_ =	sdelay $0x9  }
0x10b: {  	s22 =	spop (v2sf);
	(v2sf) =	vpush v8, $0x2  }
0x10c: {  	s23 =	spop (v2sf);
	(v2sf) =	vpush v9, $0x2  }
0x10d: {  	s25 =	spop (v2sf);
	(v2sf) =	vpush v16, $0x2  }
0x10e: {  	s26 =	spop (v2sf);
	(v2sf) =	vpush v17, $0x2  }
0x10f: {  	s29 =	spop (v2sf);
	(v2sf) =	vpush v8, $0x3  }
0x110: {  	s30 =	spop (v2sf);
	(v2sf) =	vpush v9, $0x3;
	_ =	sdelay $0x1  }
0x111: {  	s21 =	sld [smem:$0x7DE];
	s18 =	sor.u32 s20, s19  }
0x112: {  	s18 =	sshrl.u32 s18, $0x3  }
0x113: {  	s18 =	sadd.s32 s2, s18  }
0x114: {  	[tilespmem:s21], [sflag:$0x1] =	stream.linear.gather [hbm4b:s18+s1], $0x80, $0x38;
	[tilespmem:$0x2700] =	vst v63  }
0x115: {  	s24 =	sld [smem:$0x7DF];
	s18 =	sor.u32 s23, s22  }
0x116: {  	s18 =	sshrl.u32 s18, $0x3  }
0x117: {  	s18 =	sadd.s32 s3, s18  }
0x118: {  	[tilespmem:s24], [sflag:$0x2] =	stream.linear.gather [hbm4b:s18+s1], $0x80, $0x38;
	[tilespmem:$0x2700] =	vst v63  }
0x119: {  	s19 =	spop (v2sf);
	(v2sf) =	vpush v16, $0x3  }
0x11a: {  	s20 =	spop (v2sf);
	(v2sf) =	vpush v17, $0x3  }
0x11b: {  	s22 =	spop (v2sf);
	(v2sf) =	vpush v8, $0x4  }
0x11c: {  	s28 =	sld [smem:$0x7E0];
	s18 =	sor.u32 s26, s25;
	s23 =	spop (v2sf);
	(v2sf) =	vpush v9, $0x4  }
0x11d: {  	s18 =	sshrl.u32 s18, $0x3;
	s25 =	spop (v2sf);
	(v2sf) =	vpush v16, $0x4  }
0x11e: {  	s18 =	sadd.s32 s2, s18;
	s26 =	spop (v2sf);
	(v2sf) =	vpush v17, $0x4  }
0x11f: {  	[tilespmem:s28], [sflag:$0x1] =	stream.linear.gather [hbm4b:s18+s1], $0x80, $0x38;
	[tilespmem:$0x2700] =	vst v63  }
0x120: {  	s31 =	sld [smem:$0x7E1];
	s18 =	sor.u32 s30, s29  }
0x121: {  	s18 =	sshrl.u32 s18, $0x3  }
0x122: {  	s18 =	sadd.s32 s3, s18  }
0x123: {  	[tilespmem:s31], [sflag:$0x2] =	stream.linear.gather [hbm4b:s18+s1], $0x80, $0x38;
	[tilespmem:$0x2700] =	vst v63  }
0x124: {  	s21 =	sld [smem:$0x7E2];
	s18 =	sor.u32 s20, s19  }
0x125: {  	s18 =	sshrl.u32 s18, $0x3  }
0x126: {  	s18 =	sadd.s32 s2, s18  }
0x127: {  	[tilespmem:s21], [sflag:$0x1] =	stream.linear.gather [hbm4b:s18+s1], $0x80, $0x38;
	[tilespmem:$0x2700] =	vst v63  }
0x128: {  	s29 =	spop (v2sf);
	(v2sf) =	vpush v8, $0x5  }
0x129: {  	s30 =	spop (v2sf);
	(v2sf) =	vpush v9, $0x5  }
0x12a: {  	s19 =	spop (v2sf);
	(v2sf) =	vpush v16, $0x5  }
0x12b: {  	s24 =	sld [smem:$0x7E3];
	s18 =	sor.u32 s23, s22;
	s20 =	spop (v2sf);
	(v2sf) =	vpush v17, $0x5  }
0x12c: {  	s18 =	sshrl.u32 s18, $0x3;
	s22 =	spop (v2sf);
	(v2sf) =	vpush v8, $0x6  }
0x12d: {  	s18 =	sadd.s32 s3, s18;
	s23 =	spop (v2sf);
	(v2sf) =	vpush v9, $0x6  }
0x12e: {  	[tilespmem:s24], [sflag:$0x2] =	stream.linear.gather [hbm4b:s18+s1], $0x80, $0x38;
	[tilespmem:$0x2700] =	vst v63  }
0x12f: {  	s28 =	sld [smem:$0x7E4];
	s18 =	sor.u32 s26, s25  }
0x130: {  	s18 =	sshrl.u32 s18, $0x3  }
0x131: {  	s18 =	sadd.s32 s2, s18  }
0x132: {  	[tilespmem:s28], [sflag:$0x1] =	stream.linear.gather [hbm4b:s18+s1], $0x80, $0x38;
	[tilespmem:$0x2700] =	vst v63  }
0x133: {  	s31 =	sld [smem:$0x7E5];
	s18 =	sor.u32 s30, s29  }
0x134: {  	s18 =	sshrl.u32 s18, $0x3  }
0x135: {  	s18 =	sadd.s32 s3, s18  }
0x136: {  	[tilespmem:s31], [sflag:$0x2] =	stream.linear.gather [hbm4b:s18+s1], $0x80, $0x38;
	[tilespmem:$0x2700] =	vst v63  }
0x137: {  	s25 =	spop (v2sf);
	(v2sf) =	vpush v16, $0x6  }
0x138: {  	s26 =	spop (v2sf);
	(v2sf) =	vpush v17, $0x6  }
0x139: {  	s29 =	spop (v2sf);
	(v2sf) =	vpush v8, $0x7  }
0x13a: {  	s21 =	sld [smem:$0x7E6];
	s18 =	sor.u32 s20, s19;
	s30 =	spop (v2sf);
	(v2sf) =	vpush v9, $0x7  }
0x13b: {  	s18 =	sshrl.u32 s18, $0x3;
	s19 =	spop (v2sf);
	(v2sf) =	vpush v16, $0x7  }
0x13c: {  	s18 =	sadd.s32 s2, s18;
	s20 =	spop (v2sf);
	(v2sf) =	vpush v17, $0x7  }
0x13d: {  	[tilespmem:s21], [sflag:$0x1] =	stream.linear.gather [hbm4b:s18+s1], $0x80, $0x38;
	[tilespmem:$0x2700] =	vst v63  }
0x13e: {  	s24 =	sld [smem:$0x7E7];
	s18 =	sor.u32 s23, s22  }
0x13f: {  	s18 =	sshrl.u32 s18, $0x3  }
0x140: {  	s18 =	sadd.s32 s3, s18  }
0x141: {  	[tilespmem:s24], [sflag:$0x2] =	stream.linear.gather [hbm4b:s18+s1], $0x80, $0x38;
	[tilespmem:$0x2700] =	vst v63  }
0x142: {  	s28 =	sld [smem:$0x7E8];
	s18 =	sor.u32 s26, s25  }
0x143: {  	s18 =	sshrl.u32 s18, $0x3  }
0x144: {  	s18 =	sadd.s32 s2, s18  }
0x145: {  	[tilespmem:s28], [sflag:$0x1] =	stream.linear.gather [hbm4b:s18+s1], $0x80, $0x38;
	[tilespmem:$0x2700] =	vst v63  }
0x146: {  	s22 =	spop (v2sf);
	(v2sf) =	vpush v8, $0x8  }
0x147: {  	s23 =	spop (v2sf);
	(v2sf) =	vpush v9, $0x8  }
0x148: {  	s25 =	spop (v2sf);
	(v2sf) =	vpush v16, $0x8  }
0x149: {  	s31 =	sld [smem:$0x7E9];
	s18 =	sor.u32 s30, s29;
	s26 =	spop (v2sf);
	(v2sf) =	vpush v17, $0x8  }
0x14a: {  	s18 =	sshrl.u32 s18, $0x3;
	s29 =	spop (v2sf);
	(v2sf) =	vpush v8, $0x9  }
0x14b: {  	s18 =	sadd.s32 s3, s18;
	s30 =	spop (v2sf);
	(v2sf) =	vpush v9, $0x9  }
0x14c: {  	[tilespmem:s31], [sflag:$0x2] =	stream.linear.gather [hbm4b:s18+s1], $0x80, $0x38;
	[tilespmem:$0x2700] =	vst v63  }
0x14d: {  	s21 =	sld [smem:$0x7EA];
	s18 =	sor.u32 s20, s19  }
0x14e: {  	s18 =	sshrl.u32 s18, $0x3  }
0x14f: {  	s18 =	sadd.s32 s2, s18  }
0x150: {  	[tilespmem:s21], [sflag:$0x1] =	stream.linear.gather [hbm4b:s18+s1], $0x80, $0x38;
	[tilespmem:$0x2700] =	vst v63  }
0x151: {  	s24 =	sld [smem:$0x7EB];
	s18 =	sor.u32 s23, s22  }
0x152: {  	s18 =	sshrl.u32 s18, $0x3  }
0x153: {  	s18 =	sadd.s32 s3, s18  }
0x154: {  	[tilespmem:s24], [sflag:$0x2] =	stream.linear.gather [hbm4b:s18+s1], $0x80, $0x38;
	[tilespmem:$0x2700] =	vst v63  }
0x155: {  	s19 =	spop (v2sf);
	(v2sf) =	vpush v16, $0x9  }
0x156: {  	s20 =	spop (v2sf);
	(v2sf) =	vpush v17, $0x9  }
0x157: {  	s22 =	spop (v2sf);
	(v2sf) =	vpush v8, $0xA  }
0x158: {  	s28 =	sld [smem:$0x7EC];
	s18 =	sor.u32 s26, s25;
	s23 =	spop (v2sf);
	(v2sf) =	vpush v9, $0xA  }
0x159: {  	s18 =	sshrl.u32 s18, $0x3;
	s25 =	spop (v2sf);
	(v2sf) =	vpush v16, $0xA  }
0x15a: {  	s18 =	sadd.s32 s2, s18;
	s26 =	spop (v2sf);
	(v2sf) =	vpush v17, $0xA  }
0x15b: {  	[tilespmem:s28], [sflag:$0x1] =	stream.linear.gather [hbm4b:s18+s1], $0x80, $0x38;
	[tilespmem:$0x2700] =	vst v63  }
0x15c: {  	s31 =	sld [smem:$0x7ED];
	s18 =	sor.u32 s30, s29  }
0x15d: {  	s18 =	sshrl.u32 s18, $0x3  }
0x15e: {  	s18 =	sadd.s32 s3, s18  }
0x15f: {  	[tilespmem:s31], [sflag:$0x2] =	stream.linear.gather [hbm4b:s18+s1], $0x80, $0x38;
	[tilespmem:$0x2700] =	vst v63  }
0x160: {  	s21 =	sld [smem:$0x7EE];
	s18 =	sor.u32 s20, s19  }
0x161: {  	s18 =	sshrl.u32 s18, $0x3  }
0x162: {  	s18 =	sadd.s32 s2, s18  }
0x163: {  	[tilespmem:s21], [sflag:$0x1] =	stream.linear.gather [hbm4b:s18+s1], $0x80, $0x38;
	[tilespmem:$0x2700] =	vst v63  }
0x164: {  	s29 =	spop (v2sf);
	(v2sf) =	vpush v8, $0xB  }
0x165: {  	s30 =	spop (v2sf);
	(v2sf) =	vpush v9, $0xB  }
0x166: {  	s19 =	spop (v2sf);
	(v2sf) =	vpush v16, $0xB  }
0x167: {  	s24 =	sld [smem:$0x7EF];
	s18 =	sor.u32 s23, s22;
	s20 =	spop (v2sf);
	(v2sf) =	vpush v17, $0xB  }
0x168: {  	s18 =	sshrl.u32 s18, $0x3;
	s22 =	spop (v2sf);
	(v2sf) =	vpush v8, $0xC  }
0x169: {  	s18 =	sadd.s32 s3, s18;
	s23 =	spop (v2sf);
	(v2sf) =	vpush v9, $0xC  }
0x16a: {  	[tilespmem:s24], [sflag:$0x2] =	stream.linear.gather [hbm4b:s18+s1], $0x80, $0x38;
	[tilespmem:$0x2700] =	vst v63  }
0x16b: {  	s28 =	sld [smem:$0x7F0];
	s18 =	sor.u32 s26, s25  }
0x16c: {  	s18 =	sshrl.u32 s18, $0x3  }
0x16d: {  	s18 =	sadd.s32 s2, s18  }
0x16e: {  	[tilespmem:s28], [sflag:$0x1] =	stream.linear.gather [hbm4b:s18+s1], $0x80, $0x38;
	[tilespmem:$0x2700] =	vst v63  }
0x16f: {  	s31 =	sld [smem:$0x7F1];
	s18 =	sor.u32 s30, s29  }
0x170: {  	s18 =	sshrl.u32 s18, $0x3  }
0x171: {  	s18 =	sadd.s32 s3, s18  }
0x172: {  	[tilespmem:s31], [sflag:$0x2] =	stream.linear.gather [hbm4b:s18+s1], $0x80, $0x38;
	[tilespmem:$0x2700] =	vst v63  }
0x173: {  	s25 =	spop (v2sf)  }
0x174: {  	s26 =	spop (v2sf)  }
0x175: {  	s29 =	spop (v2sf)  }
0x176: {  	s21 =	sld [smem:$0x7F2];
	s18 =	sor.u32 s20, s19;
	s30 =	spop (v2sf)  }
0x177: {  	s18 =	sshrl.u32 s18, $0x3;
	s19 =	spop (v2sf);
	(v2sf) =	vpush v16, $0xC  }
0x178: {  	s18 =	sadd.s32 s2, s18;
	s20 =	spop (v2sf);
	(v2sf) =	vpush v17, $0xC  }
0x179: {  	[tilespmem:s21], [sflag:$0x1] =	stream.linear.gather [hbm4b:s18+s1], $0x80, $0x38;
	[tilespmem:$0x2700] =	vst v63  }
0x17a: {  	s24 =	sld [smem:$0x7F3];
	s18 =	sor.u32 s23, s22  }
0x17b: {  	s18 =	sshrl.u32 s18, $0x3;
	(v2sf) =	vpush v8, $0xD  }
0x17c: {  	s18 =	sadd.s32 s3, s18;
	(v2sf) =	vpush v9, $0xD  }
0x17d: {  	[tilespmem:s24], [sflag:$0x2] =	stream.linear.gather [hbm4b:s18+s1], $0x80, $0x38;
	[tilespmem:$0x2700] =	vst v63  }
0x17e: {  	s28 =	sld [smem:$0x7F4];
	s18 =	sor.u32 s26, s25;
	(v2sf) =	vpush v16, $0xD  }
0x17f: {  	s18 =	sshrl.u32 s18, $0x3  }
0x180: {  	s18 =	sadd.s32 s2, s18;
	(v2sf) =	vpush v17, $0xD  }
0x181: {  	[tilespmem:s28], [sflag:$0x1] =	stream.linear.gather [hbm4b:s18+s1], $0x80, $0x38;
	[tilespmem:$0x2700] =	vst v63  }
0x182: {  	s31 =	sld [smem:$0x7F5];
	s18 =	sor.u32 s30, s29  }
0x183: {  	s18 =	sshrl.u32 s18, $0x3  }
0x184: {  	s18 =	sadd.s32 s3, s18  }
0x185: {  	[tilespmem:s31], [sflag:$0x2] =	stream.linear.gather [hbm4b:s18+s1], $0x80, $0x38;
	[tilespmem:$0x2700] =	vst v63  }
0x186: {  	s21 =	sld [smem:$0x7F6];
	s18 =	sor.u32 s20, s19;
	s22 =	spop (v2sf);
	(v2sf) =	vpush v8, $0xE  }
0x187: {  	s18 =	sshrl.u32 s18, $0x3;
	s23 =	spop (v2sf);
	(v2sf) =	vpush v9, $0xE  }
0x188: {  	s18 =	sadd.s32 s2, s18  }
0x189: {  	[tilespmem:s21], [sflag:$0x1] =	stream.linear.gather [hbm4b:s18+s1], $0x80, $0x38;
	[tilespmem:$0x2700] =	vst v63  }
0x18a: {  	s25 =	spop (v2sf);
	(v2sf) =	vpush v16, $0xE  }
0x18b: {  	s24 =	sld [smem:$0x7F7];
	s18 =	sor.u32 s23, s22;
	s26 =	spop (v2sf);
	(v2sf) =	vpush v17, $0xE  }
0x18c: {  	s18 =	sshrl.u32 s18, $0x3  }
0x18d: {  	s18 =	sadd.s32 s3, s18;
	s29 =	spop (v2sf)  }
0x18e: {  	(v2sf) =	vpush v8, $0xF;
	[tilespmem:s24], [sflag:$0x2] =	stream.linear.gather [hbm4b:s18+s1], $0x80, $0x38;
	[tilespmem:$0x2700] =	vst v63  }
0x18f: {  	s30 =	spop (v2sf);
	(v2sf) =	vpush v9, $0xF  }
0x190: {  	s28 =	sld [smem:$0x7F8];
	s18 =	sor.u32 s26, s25  }
0x191: {  	s18 =	sshrl.u32 s18, $0x3  }
0x192: {  	s18 =	sadd.s32 s2, s18  }
0x193: {  	[tilespmem:s28], [sflag:$0x1] =	stream.linear.gather [hbm4b:s18+s1], $0x80, $0x38;
	[tilespmem:$0x2700] =	vst v63  }
0x194: {  	s31 =	sld [smem:$0x7F9];
	s18 =	sor.u32 s30, s29  }
0x195: {  	s18 =	sshrl.u32 s18, $0x3;
	s19 =	spop (v2sf);
	(v2sf) =	vpush v16, $0xF  }
0x196: {  	s18 =	sadd.s32 s3, s18;
	s20 =	spop (v2sf);
	(v2sf) =	vpush v17, $0xF  }
0x197: {  	[tilespmem:s31], [sflag:$0x2] =	stream.linear.gather [hbm4b:s18+s1], $0x80, $0x38;
	[tilespmem:$0x2700] =	vst v63  }
0x198: {  	s21 =	sld [smem:$0x7FA];
	s18 =	sor.u32 s20, s19  }
0x199: {  	s22 =	spop (v2sf);
	s18 =	sshrl.u32 s18, $0x3  }
0x19a: {  	s23 =	spop (v2sf);
	s18 =	sadd.s32 s2, s18  }
0x19b: {  	[tilespmem:s21], [sflag:$0x1] =	stream.linear.gather [hbm4b:s18+s1], $0x80, $0x38;
	[tilespmem:$0x2700] =	vst v63  }
0x19c: {  	s24 =	sld [smem:$0x7FB];
	s18 =	sor.u32 s23, s22  }
0x19d: {  	s25 =	spop (v2sf);
	s18 =	sshrl.u32 s18, $0x3  }
0x19e: {  	s26 =	spop (v2sf);
	s18 =	sadd.s32 s3, s18  }
0x19f: {  	[tilespmem:s24], [sflag:$0x2] =	stream.linear.gather [hbm4b:s18+s1], $0x80, $0x38;
	[tilespmem:$0x2700] =	vst v63  }
0x1a0: {  	s28 =	sld [smem:$0x7FC];
	s18 =	sor.u32 s26, s25  }
0x1a1: {  	s18 =	sshrl.u32 s18, $0x3  }
0x1a2: {  	s18 =	sadd.s32 s2, s18  }
0x1a3: {  	[tilespmem:s28], [sflag:$0x1] =	stream.linear.gather [hbm4b:s18+s1], $0x80, $0x38;
	[tilespmem:$0x2700] =	vst v63  }
0x1a4: {  	s29 =	spop (v2sf)  }
0x1a5: {  	s30 =	spop (v2sf)  }
0x1a6: {  	s31 =	sld [smem:$0x7FD];
	s18 =	sor.u32 s30, s29  }
0x1a7: {  	s18 =	sshrl.u32 s18, $0x3  }
0x1a8: {  	s18 =	sadd.s32 s3, s18  }
0x1a9: {  	[tilespmem:s31], [sflag:$0x2] =	stream.linear.gather [hbm4b:s18+s1], $0x80, $0x38;
	[tilespmem:$0x2700] =	vst v63  }
0x1aa: {  	_ =	swait.ge [sflag:s11], $0x80  }
0x1ab: {  	[sflag:s11] =	ssyncset.done $0x0  }
0x1ac: {  	[sflag:s11] =	ssyncadd.s32 $0xFFFFFF80  }
0x1ad: {  	_ =	swait.ge [sflag:s12], $0x80  }
0x1ae: {  	[sflag:s12] =	ssyncset.done $0x0  }
0x1af: {  	[sflag:s12] =	ssyncadd.s32 $0xFFFFFF80  }
0x1b0: {  	_ =	swait.ge [sflag:s11], $0x80  }
0x1b1: {  	[sflag:s11] =	ssyncset.done $0x0  }
0x1b2: {  	[sflag:s11] =	ssyncadd.s32 $0xFFFFFF80  }
0x1b3: {  	_ =	swait.ge [sflag:s12], $0x80  }
0x1b4: {  	[sflag:s12] =	ssyncset.done $0x0  }
0x1b5: {  	[sflag:s12] =	ssyncadd.s32 $0xFFFFFF80  }
0x1b6: {  	_ =	swait.ge [sflag:s11], $0x80  }
0x1b7: {  	[sflag:s11] =	ssyncset.done $0x0  }
0x1b8: {  	[sflag:s11] =	ssyncadd.s32 $0xFFFFFF80  }
0x1b9: {  	_ =	swait.ge [sflag:s12], $0x80  }
0x1ba: {  	[sflag:s12] =	ssyncset.done $0x0  }
0x1bb: {  	[sflag:s12] =	ssyncadd.s32 $0xFFFFFF80  }
0x1bc: {  	_ =	swait.ge [sflag:s11], $0x80  }
0x1bd: {  	[sflag:s11] =	ssyncset.done $0x0  }
0x1be: {  	[sflag:s11] =	ssyncadd.s32 $0xFFFFFF80  }
0x1bf: {  	_ =	swait.ge [sflag:s12], $0x80  }
0x1c0: {  	[sflag:s12] =	ssyncset.done $0x0  }
0x1c1: {  	[sflag:s12] =	ssyncadd.s32 $0xFFFFFF80  }
0x1c2: {  	_ =	swait.ge [sflag:s11], $0x80  }
0x1c3: {  	[sflag:s11] =	ssyncset.done $0x0  }
0x1c4: {  	[sflag:s11] =	ssyncadd.s32 $0xFFFFFF80  }
0x1c5: {  	_ =	swait.ge [sflag:s12], $0x80  }
0x1c6: {  	[sflag:s12] =	ssyncset.done $0x0  }
0x1c7: {  	[sflag:s12] =	ssyncadd.s32 $0xFFFFFF80  }
0x1c8: {  	_ =	swait.ge [sflag:s11], $0x80  }
0x1c9: {  	[sflag:s11] =	ssyncset.done $0x0  }
0x1ca: {  	[sflag:s11] =	ssyncadd.s32 $0xFFFFFF80  }
0x1cb: {  	_ =	swait.ge [sflag:s12], $0x80  }
0x1cc: {  	[sflag:s12] =	ssyncset.done $0x0  }
0x1cd: {  	[sflag:s12] =	ssyncadd.s32 $0xFFFFFF80  }
0x1ce: {  	_ =	swait.ge [sflag:s11], $0x80  }
0x1cf: {  	[sflag:s11] =	ssyncset.done $0x0  }
0x1d0: {  	[sflag:s11] =	ssyncadd.s32 $0xFFFFFF80  }
0x1d1: {  	_ =	swait.ge [sflag:s12], $0x80  }
0x1d2: {  	[sflag:s12] =	ssyncset.done $0x0  }
0x1d3: {  	[sflag:s12] =	ssyncadd.s32 $0xFFFFFF80  }
0x1d4: {  	_ =	swait.ge [sflag:s11], $0x80  }
0x1d5: {  	[sflag:s11] =	ssyncset.done $0x0  }
0x1d6: {  	[sflag:s11] =	ssyncadd.s32 $0xFFFFFF80  }
0x1d7: {  	_ =	swait.ge [sflag:s12], $0x80  }
0x1d8: {  	[sflag:s12] =	ssyncset.done $0x0  }
0x1d9: {  	[sflag:s12] =	ssyncadd.s32 $0xFFFFFF80  }
0x1da: {  	_ =	swait.ge [sflag:s11], $0x80  }
0x1db: {  	[sflag:s11] =	ssyncset.done $0x0  }
0x1dc: {  	[sflag:s11] =	ssyncadd.s32 $0xFFFFFF80  }
0x1dd: {  	_ =	swait.ge [sflag:s12], $0x80  }
0x1de: {  	[sflag:s12] =	ssyncset.done $0x0  }
0x1df: {  	[sflag:s12] =	ssyncadd.s32 $0xFFFFFF80  }
0x1e0: {  	_ =	swait.ge [sflag:s11], $0x80  }
0x1e1: {  	[sflag:s11] =	ssyncset.done $0x0  }
0x1e2: {  	[sflag:s11] =	ssyncadd.s32 $0xFFFFFF80  }
0x1e3: {  	_ =	swait.ge [sflag:s12], $0x80  }
0x1e4: {  	[sflag:s12] =	ssyncset.done $0x0  }
0x1e5: {  	[sflag:s12] =	ssyncadd.s32 $0xFFFFFF80  }
0x1e6: {  	_ =	swait.ge [sflag:s11], $0x80  }
0x1e7: {  	[sflag:s11] =	ssyncset.done $0x0  }
0x1e8: {  	[sflag:s11] =	ssyncadd.s32 $0xFFFFFF80  }
0x1e9: {  	_ =	swait.ge [sflag:s12], $0x80  }
0x1ea: {  	[sflag:s12] =	ssyncset.done $0x0  }
0x1eb: {  	[sflag:s12] =	ssyncadd.s32 $0xFFFFFF80  }
0x1ec: {  	_ =	swait.ge [sflag:s11], $0x80  }
0x1ed: {  	[sflag:s11] =	ssyncset.done $0x0  }
0x1ee: {  	[sflag:s11] =	ssyncadd.s32 $0xFFFFFF80  }
0x1ef: {  	_ =	swait.ge [sflag:s12], $0x80  }
0x1f0: {  	[sflag:s12] =	ssyncset.done $0x0  }
0x1f1: {  	[sflag:s12] =	ssyncadd.s32 $0xFFFFFF80  }
0x1f2: {  	_ =	swait.ge [sflag:s11], $0x80  }
0x1f3: {  	[sflag:s11] =	ssyncset.done $0x0  }
0x1f4: {  	[sflag:s11] =	ssyncadd.s32 $0xFFFFFF80  }
0x1f5: {  	_ =	swait.ge [sflag:s12], $0x80  }
0x1f6: {  	[sflag:s12] =	ssyncset.done $0x0  }
0x1f7: {  	[sflag:s12] =	ssyncadd.s32 $0xFFFFFF80  }
0x1f8: {  	_ =	swait.ge [sflag:s11], $0x80  }
0x1f9: {  	[sflag:s11] =	ssyncset.done $0x0  }
0x1fa: {  	[sflag:s11] =	ssyncadd.s32 $0xFFFFFF80  }
0x1fb: {  	_ =	swait.ge [sflag:s12], $0x80  }
0x1fc: {  	[sflag:s12] =	ssyncset.done $0x0  }
0x1fd: {  	[sflag:s12] =	ssyncadd.s32 $0xFFFFFF80  }
0x1fe: {  	_ =	swait.ge [sflag:s11], $0x80  }
0x1ff: {  	[sflag:s11] =	ssyncset.done $0x0  }
0x200: {  	[sflag:s11] =	ssyncadd.s32 $0xFFFFFF80  }
0x201: {  	_ =	swait.ge [sflag:s12], $0x80  }
0x202: {  	[sflag:s12] =	ssyncset.done $0x0  }
0x203: {  	[sflag:s12] =	ssyncadd.s32 $0xFFFFFF80  }
0x204: {  	_ =	swait.ge [sflag:s11], $0x80  }
0x205: {  	[sflag:s11] =	ssyncset.done $0x0  }
0x206: {  	[sflag:s11] =	ssyncadd.s32 $0xFFFFFF80  }
0x207: {  	_ =	swait.ge [sflag:s12], $0x80  }
0x208: {  	[sflag:s12] =	ssyncset.done $0x0  }
0x209: {  	[sflag:s12] =	ssyncadd.s32 $0xFFFFFF80  }
0x20a: {  	_ =	swait.ge [sflag:s11], $0x80  }
0x20b: {  	[sflag:s11] =	ssyncset.done $0x0  }
0x20c: {  	[sflag:s11] =	ssyncadd.s32 $0xFFFFFF80  }
0x20d: {  	_ =	swait.ge [sflag:s12], $0x80  }
0x20e: {  	[sflag:s12] =	ssyncset.done $0x0  }
0x20f: {  	[sflag:s12] =	ssyncadd.s32 $0xFFFFFF80  }
0x210: {  	_ =	swait.ge [sflag:s11], $0x80  }
0x211: {  	[sflag:s11] =	ssyncset.done $0x0  }
0x212: {  	[sflag:s11] =	ssyncadd.s32 $0xFFFFFF80  }
0x213: {  	_ =	swait.ge [sflag:s12], $0x80  }
0x214: {  	[sflag:s12] =	ssyncset.done $0x0  }
0x215: {  	[sflag:s12] =	ssyncadd.s32 $0xFFFFFF80  }
0x216: {  	_ =	swait.ge [sflag:s11], $0x80  }
0x217: {  	[sflag:s11] =	ssyncset.done $0x0  }
0x218: {  	[sflag:s11] =	ssyncadd.s32 $0xFFFFFF80  }
0x219: {  	_ =	swait.ge [sflag:s12], $0x80  }
0x21a: {  	[sflag:s12] =	ssyncset.done $0x0  }
0x21b: {  	[sflag:s12] =	ssyncadd.s32 $0xFFFFFF80  }
0x21c: {  	_ =	swait.ge [sflag:s11], $0x80  }
0x21d: {  	[sflag:s11] =	ssyncset.done $0x0  }
0x21e: {  	[sflag:s11] =	ssyncadd.s32 $0xFFFFFF80  }
0x21f: {  	_ =	swait.ge [sflag:s12], $0x80  }
0x220: {  	[sflag:s12] =	ssyncset.done $0x0  }
0x221: {  	[sflag:s12] =	ssyncadd.s32 $0xFFFFFF80  }
0x222: {  	_ =	swait.ge [sflag:s11], $0x80  }
0x223: {  	[sflag:s11] =	ssyncset.done $0x0  }
0x224: {  	[sflag:s11] =	ssyncadd.s32 $0xFFFFFF80  }
0x225: {  	_ =	swait.ge [sflag:s12], $0x80  }
0x226: {  	[sflag:s12] =	ssyncset.done $0x0  }
0x227: {  	[sflag:s12] =	ssyncadd.s32 $0xFFFFFF80  }
0x228: {  	_ =	swait.ge [sflag:s11], $0x80  }
0x229: {  	[sflag:s11] =	ssyncset.done $0x0  }
0x22a: {  	[sflag:s11] =	ssyncadd.s32 $0xFFFFFF80  }
0x22b: {  	_ =	swait.ge [sflag:s12], $0x80  }
0x22c: {  	[sflag:s12] =	ssyncset.done $0x0  }
0x22d: {  	[sflag:s12] =	ssyncadd.s32 $0xFFFFFF80  }
0x22e: {  	_ =	swait.ge [sflag:s11], $0x80  }
0x22f: {  	[sflag:s11] =	ssyncset.done $0x0  }
0x230: {  	[sflag:s11] =	ssyncadd.s32 $0xFFFFFF80  }
0x231: {  	_ =	swait.ge [sflag:s12], $0x80  }
0x232: {  	[sflag:s12] =	ssyncset.done $0x0  }
0x233: {  	[sflag:s12] =	ssyncadd.s32 $0xFFFFFF80  }
0x234: {  	_ =	swait.ge [sflag:s11], $0x80  }
0x235: {  	[sflag:s11] =	ssyncset.done $0x0  }
0x236: {  	[sflag:s11] =	ssyncadd.s32 $0xFFFFFF80  }
0x237: {  	_ =	swait.ge [sflag:s12], $0x80  }
0x238: {  	[sflag:s12] =	ssyncset.done $0x0  }
0x239: {  	[sflag:s12] =	ssyncadd.s32 $0xFFFFFF80  }
0x23a: {  	_ =	swait.ge [sflag:s11], $0x80  }
0x23b: {  	[sflag:s11] =	ssyncset.done $0x0  }
0x23c: {  	[sflag:s11] =	ssyncadd.s32 $0xFFFFFF80  }
0x23d: {  	_ =	swait.ge [sflag:s12], $0x80  }
0x23e: {  	[sflag:s12] =	ssyncset.done $0x0  }
0x23f: {  	[sflag:s12] =	ssyncadd.s32 $0xFFFFFF80  }
0x240: {  	_ =	swait.ge [sflag:s11], $0x80  }
0x241: {  	[sflag:s11] =	ssyncset.done $0x0  }
0x242: {  	[sflag:s11] =	ssyncadd.s32 $0xFFFFFF80  }
0x243: {  	_ =	swait.ge [sflag:s12], $0x80  }
0x244: {  	[sflag:s12] =	ssyncset.done $0x0  }
0x245: {  	[sflag:s12] =	ssyncadd.s32 $0xFFFFFF80  }
0x246: {  	_ =	swait.ge [sflag:s11], $0x80  }
0x247: {  	[sflag:s11] =	ssyncset.done $0x0  }
0x248: {  	[sflag:s11] =	ssyncadd.s32 $0xFFFFFF80  }
0x249: {  	_ =	swait.ge [sflag:s12], $0x80  }
0x24a: {  	[sflag:s12] =	ssyncset.done $0x0  }
0x24b: {  	[sflag:s12] =	ssyncadd.s32 $0xFFFFFF80  }
0x24c: {  	_ =	swait.ge [sflag:s11], $0x80  }
0x24d: {  	[sflag:s11] =	ssyncset.done $0x0  }
0x24e: {  	[sflag:s11] =	ssyncadd.s32 $0xFFFFFF80  }
0x24f: {  	_ =	swait.ge [sflag:s12], $0x80  }
0x250: {  	[sflag:s12] =	ssyncset.done $0x0  }
0x251: {  	[sflag:s12] =	ssyncadd.s32 $0xFFFFFF80  }
0x252: {  	_ =	swait.ge [sflag:s11], $0x80  }
0x253: {  	[sflag:s11] =	ssyncset.done $0x0  }
0x254: {  	[sflag:s11] =	ssyncadd.s32 $0xFFFFFF80  }
0x255: {  	_ =	swait.ge [sflag:s12], $0x80  }
0x256: {  	[sflag:s12] =	ssyncset.done $0x0  }
0x257: {  	[sflag:s12] =	ssyncadd.s32 $0xFFFFFF80  }
0x258: {  	_ =	swait.ge [sflag:s11], $0x80  }
0x259: {  	[sflag:s11] =	ssyncset.done $0x0  }
0x25a: {  	[sflag:s11] =	ssyncadd.s32 $0xFFFFFF80  }
0x25b: {  	_ =	swait.ge [sflag:s12], $0x80  }
0x25c: {  	[sflag:s12] =	ssyncset.done $0x0  }
0x25d: {  	[sflag:s12] =	ssyncadd.s32 $0xFFFFFF80  }
0x25e: {  	_ =	swait.ge [sflag:s11], $0x80  }
0x25f: {  	[sflag:s11] =	ssyncset.done $0x0  }
0x260: {  	[sflag:s11] =	ssyncadd.s32 $0xFFFFFF80  }
0x261: {  	_ =	swait.ge [sflag:s12], $0x80  }
0x262: {  	[sflag:s12] =	ssyncset.done $0x0  }
0x263: {  	[sflag:s12] =	ssyncadd.s32 $0xFFFFFF80  }
0x264: {  	_ =	swait.ge [sflag:s11], $0x80  }
0x265: {  	[sflag:s11] =	ssyncset.done $0x0  }
0x266: {  	[sflag:s11] =	ssyncadd.s32 $0xFFFFFF80  }
0x267: {  	_ =	swait.ge [sflag:s12], $0x80  }
0x268: {  	[sflag:s12] =	ssyncset.done $0x0  }
0x269: {  	[sflag:s12] =	ssyncadd.s32 $0xFFFFFF80  }
0x26a: {  	v16 =	vld [tilespmem:$0x400]  }
0x26b: {  	v17 =	vld [tilespmem:$0x1400]  }
0x26c: {  	v18 =	vld [tilespmem:$0x410]  }
0x26d: {  	v19 =	vld [tilespmem:$0x1410]  }
0x26e: {  	v20 =	vld [tilespmem:$0x420]  }
0x26f: {  	v21 =	vld [tilespmem:$0x1420]  }
0x270: {  	v22 =	vld [tilespmem:$0x430]  }
0x271: {  	v23 =	vld [tilespmem:$0x1430]  }
0x272: {  	v24 =	vld [tilespmem:$0x480]  }
0x273: {  	v25 =	vld [tilespmem:$0x1480]  }
0x274: {  	v26 =	vld [tilespmem:$0x490]  }
0x275: {  	v27 =	vld [tilespmem:$0x1490]  }
0x276: {  	v28 =	vld [tilespmem:$0x4A0]  }
0x277: {  	v29 =	vld [tilespmem:$0x14A0]  }
0x278: {  	v0 =	vld [tilespmem:$0x4B0]  }
0x279: {  	v12 =	vld [tilespmem:$0x14B0]  }
0x27a: {  	v32 =	vld [tilespmem:$0x500]  }
0x27b: {  	v33 =	vld [tilespmem:$0x1500]  }
0x27c: {  	v34 =	vld [tilespmem:$0x510]  }
0x27d: {  	v35 =	vld [tilespmem:$0x1510]  }
0x27e: {  	v36 =	vld [tilespmem:$0x520]  }
0x27f: {  	v37 =	vld [tilespmem:$0x1520]  }
0x280: {  	v13 =	vld [tilespmem:$0x530]  }
0x281: {  	v39 =	vld [tilespmem:$0x1530]  }
0x282: {  	v40 =	vld [tilespmem:$0x580]  }
0x283: {  	v41 =	vld [tilespmem:$0x1580]  }
0x284: {  	v42 =	vld [tilespmem:$0x590]  }
0x285: {  	v43 =	vld [tilespmem:$0x1590]  }
0x286: {  	v44 =	vld [tilespmem:$0x5A0]  }
0x287: {  	v45 =	vld [tilespmem:$0x15A0]  }
0x288: {  	v46 =	vld [tilespmem:$0x5B0]  }
0x289: {  	v47 =	vld [tilespmem:$0x15B0]  }
0x28a: {  	v48 =	vld [tilespmem:$0x600]  }
0x28b: {  	v49 =	vld [tilespmem:$0x1600]  }
0x28c: {  	v50 =	vld [tilespmem:$0x610]  }
0x28d: {  	v51 =	vld [tilespmem:$0x1610]  }
0x28e: {  	v14 =	vld [tilespmem:$0x620]  }
0x28f: {  	v15 =	vld [tilespmem:$0x1620]  }
0x290: {  	v30 =	vld [tilespmem:$0x630]  }
0x291: {  	v55 =	vld [tilespmem:$0x1630]  }
0x292: {  	v56 =	vld [tilespmem:$0x680]  }
0x293: {  	v57 =	vld [tilespmem:$0x1680]  }
0x294: {  	v58 =	vld [tilespmem:$0x690]  }
0x295: {  	v59 =	vld [tilespmem:$0x1690]  }
0x296: {  	v60 =	vld [tilespmem:$0x6A0]  }
0x297: {  	v61 =	vld [tilespmem:$0x16A0]  }
0x298: {  	v62 =	vld [tilespmem:$0x6B0]  }
0x299: {  	v63 =	vld [tilespmem:$0x16B0]  }
0x29a: {  	v3 =	vld [tilespmem:$0x710]  }
0x29b: {  	v1 =	vld [tilespmem:$0x720]  }
0x29c: {  	v31 =	vld [tilespmem:$0x1720]  }
0x29d: {  	v38 =	vld [tilespmem:$0x730]  }
0x29e: {  	v52 =	vld [tilespmem:$0x1730]  }
0x29f: {  	v8 =	vld [tilespmem:$0x780]  }
0x2a0: {  	v9 =	vld [tilespmem:$0x1780]  }
0x2a1: {  	v10 =	vld [tilespmem:$0x790]  }
0x2a2: {  	v11 =	vld [tilespmem:$0x1790]  }
0x2a3: {  	v53 =	vld [tilespmem:$0x7B0]  }
0x2a4: {  	v54 =	vld [tilespmem:$0x800]  }
0x2a5: {  	v4 =	vld [tilespmem:$0x1800]  }
0x2a6: {  	v5 =	vld [tilespmem:$0x810]  }
0x2a7: {  	v6 =	vld [tilespmem:$0x820]  }
0x2a8: {  	v7 =	vld [tilespmem:$0x1820]  }
0x2a9: {  	v2 =	vld [tilespmem:$0x8A0]  }
0x2aa: {  	[tilespmem:$0x1FB40] =	vst v15;
	v15 =	vld [tilespmem:$0x700]  }
0x2ab: {  	[tilespmem:$0x1FB10] =	vst v12;
	v12 =	vld [tilespmem:$0x1700]  }
0x2ac: {  	[tilespmem:$0x1FB00] =	vst v0;
	v0 =	vld [tilespmem:$0x1710]  }
0x2ad: {  	[tilespmem:$0x1FB70] =	vst v31;
	v31 =	vld [tilespmem:$0x7A0]  }
0x2ae: {  	[tilespmem:$0x1FB20] =	vst v13;
	v13 =	vld [tilespmem:$0x17A0]  }
0x2af: {  	[tilespmem:$0x1FB80] =	vst v38;
	v38 =	vld [tilespmem:$0x17B0]  }
0x2b0: {  	[tilespmem:$0x1FBA0] =	vst v53;
	v53 =	vld [tilespmem:$0x1810]  }
0x2b1: {  	[tilespmem:$0x1FB30] =	vst v14;
	v14 =	vld [tilespmem:$0x830]  }
0x2b2: {  	[tilespmem:$0x1FB50] =	vst v30;
	v30 =	vld [tilespmem:$0x1830]  }
0x2b3: {  	[tilespmem:$0x1FBD0] =	vst v5;
	v5 =	vld [tilespmem:$0x1880]  }
0x2b4: {  	[tilespmem:$0x1FBC0] =	vst v4;
	v4 =	vld [tilespmem:$0x890]  }
0x2b5: {  	[tilespmem:$0x1FB60] =	vst v1;
	v1 =	vld [tilespmem:$0x1890]  }
0x2b6: {  	[tilespmem:$0x1FB90] =	vst v52;
	v52 =	vld [tilespmem:$0x18A0]  }
0x2b7: {  	[tilespmem:$0x1FBB0] =	vst v54;
	v54 =	vld [tilespmem:$0x8B0]  }
0x2b8: {  	[tilespmem:$0x1FBE0] =	vst v6;
	v6 =	vld [tilespmem:$0x18B0]  }
0x2b9: {  	[tilespmem:$0x1FBF0] =	vst v7;
	v7 =	vld [tilespmem:$0x900]  }
0x2ba: {  	[tilespmem:$0x1FC20] =	vst v2;
	v2 =	vld [tilespmem:$0x1990]  }
0x2bb: {  	v16 =	vmul.f32 v17, v16;
	v17 =	vld [tilespmem:$0x19B0]  }
0x2bc: {  	v18 =	vmul.f32 v19, v18;
	v19 =	vmul.f32 v21, v20;
	v20 =	vld [tilespmem:$0xA00]  }
0x2bd: {  	v21 =	vmul.f32 v25, v24;
	v25 =	vld [tilespmem:$0x1A00]  }
0x2be: {  	v24 =	vmul.f32 v27, v26;
	v27 =	vld [tilespmem:$0x1A10]  }
0x2bf: {  	v26 =	vld [tilespmem:$0x1A20]  }
0x2c0: {  	v43 =	vmul.f32 v43, v42;
	v42 =	vld [tilespmem:$0x1FB10]  }
0x2c1: {  	v47 =	vmul.f32 v47, v46;
	v46 =	vld [tilespmem:$0x1FB80]  }
0x2c2: {  	v49 =	vmul.f32 v49, v48;
	v48 =	vld [tilespmem:$0x1FBA0]  }
0x2c3: {  	v51 =	vmul.f32 v51, v50;
	v50 =	vld [tilespmem:$0x1FBC0]  }
0x2c4: {  	v16 =	vadd.f32 v18, v16;
	v18 =	vmul.f32 v23, v22;
	v23 =	vld [tilespmem:$0xA10]  }
0x2c5: {  	v21 =	vadd.f32 v24, v21;
	v24 =	vld [tilespmem:$0x1A30]  }
0x2c6: {  	v16 =	vadd.f32 v19, v16;
	v19 =	vmul.f32 v41, v40;
	v41 =	vld [tilespmem:$0x1FB00]  }
0x2c7: {  	v40 =	vmul.f32 v37, v36;
	v37 =	vld [tilespmem:$0xA90]  }
0x2c8: {  	v36 =	vmul.f32 v11, v10;
	v10 =	vld [tilespmem:$0xAB0]  }
0x2c9: {  	[tilespmem:$0x1FC00] =	vst v14;
	v14 =	vld [tilespmem:$0x880]  }
0x2ca: {  	[tilespmem:$0x1FC10] =	vst v30;
	v30 =	vld [tilespmem:$0x1900]  }
0x2cb: {  	[tilespmem:$0x1FC30] =	vst v52;
	v52 =	vld [tilespmem:$0x910]  }
0x2cc: {  	[tilespmem:$0x1FC70] =	vst v54;
	v54 =	vld [tilespmem:$0x920]  }
0x2cd: {  	[tilespmem:$0x1FC80] =	vst v6;
	v6 =	vld [tilespmem:$0x1920]  }
0x2ce: {  	[tilespmem:$0x1FC40] =	vst v7;
	v7 =	vld [tilespmem:$0x930]  }
0x2cf: {  	v0 =	vmul.f32 v0, v3;
	v3 =	vld [tilespmem:$0x1AA0]  }
0x2d0: {  	v8 =	vmul.f32 v9, v8;
	v1 =	vmul.f32 v1, v4;
	v4 =	vld [tilespmem:$0x1B10]  }
0x2d1: {  	v19 =	vadd.f32 v43, v19;
	v43 =	vmul.f32 v45, v44;
	v45 =	vld [tilespmem:$0x1FB20]  }
0x2d2: {  	v8 =	vadd.f32 v36, v8;
	v36 =	vld [tilespmem:$0xB10]  }
0x2d3: {  	v61 =	vmul.f32 v61, v60;
	v60 =	vld [tilespmem:$0x1FC40]  }
0x2d4: {  	v19 =	vadd.f32 v43, v19;
	v43 =	vld [tilespmem:$0x1FB60]  }
0x2d5: {  	[tilespmem:$0x1FC90] =	vst v54;
	v54 =	vld [tilespmem:$0x9A0]  }
0x2d6: {  	v33 =	vmul.f32 v33, v32;
	v32 =	vmul.f32 v42, v41;
	v42 =	vld [tilespmem:$0xAA0]  }
0x2d7: {  	v41 =	vld [tilespmem:$0x1B30]  }
0x2d8: {  	[tilespmem:$0x1FC60] =	vst v52;
	v52 =	vld [tilespmem:$0x1910]  }
0x2d9: {  	[tilespmem:$0x1FC50] =	vst v30;
	v30 =	vld [tilespmem:$0x1930]  }
0x2da: {  	[tilespmem:$0x1FCB0] =	vst v54;
	v54 =	vld [tilespmem:$0x19A0]  }
0x2db: {  	[tilespmem:$0x1FCA0] =	vst v6;
	v6 =	vld [tilespmem:$0x1980]  }
0x2dc: {  	[tilespmem:$0x1FCD0] =	vst v7;
	v7 =	vld [tilespmem:$0x990]  }
0x2dd: {  	v19 =	vadd.f32 v47, v19;
	v47 =	vld [tilespmem:$0x1FB90]  }
0x2de: {  	v5 =	vmul.f32 v5, v14;
	v14 =	vld [tilespmem:$0xB20]  }
0x2df: {  	[tilespmem:$0x1FCC0] =	vst v54;
	v54 =	vld [tilespmem:$0x9B0]  }
0x2e0: {  	v22 =	vmul.f32 v39, v45;
	v45 =	vmul.f32 v13, v31;
	v13 =	vld [tilespmem:$0xB00]  }
0x2e1: {  	v31 =	vld [tilespmem:$0x1B00]  }
0x2e2: {  	v63 =	vmul.f32 v63, v62;
	v62 =	vld [tilespmem:$0x1FC60]  }
0x2e3: {  	v8 =	vadd.f32 v45, v8;
	v45 =	vld [tilespmem:$0x1FC90];
	[tilespmem:$0x1FCE0] =	vst v30  }
0x2e4: {  	v35 =	vmul.f32 v35, v34;
	v30 =	vld [tilespmem:$0x980];
	[tilespmem:$0x1FCF0] =	vst v54;
	v54 =	vmul.f32 v29, v28  }
0x2e5: {  	v29 =	vld [tilespmem:$0xA20]  }
0x2e6: {  	v21 =	vadd.f32 v54, v21;
	v54 =	vadd.f32 v35, v33;
	v33 =	vld [tilespmem:$0xA30]  }
0x2e7: {  	v35 =	vld [tilespmem:$0x1A80]  }
0x2e8: {  	v21 =	vadd.f32 v32, v21;
	v32 =	vld [tilespmem:$0xA80]  }
0x2e9: {  	v44 =	vadd.f32 v40, v54;
	v54 =	vmul.f32 v57, v56;
	v57 =	vld [tilespmem:$0x1FB30]  }
0x2ea: {  	v56 =	vmul.f32 v59, v58;
	v58 =	vld [tilespmem:$0x1FB40]  }
0x2eb: {  	v59 =	vld [tilespmem:$0x1FB50]  }
0x2ec: {  	v40 =	vld [tilespmem:$0x1A90]  }
0x2ed: {  	v16 =	vadd.f32 v18, v16;
	v18 =	vadd.f32 v22, v44;
	v44 =	vld [tilespmem:$0x1FB70]  }
0x2ee: {  	v22 =	vadd.f32 v51, v49;
	v49 =	vld [tilespmem:$0x1FBB0]  }
0x2ef: {  	v51 =	vld [tilespmem:$0x1FBD0]  }
0x2f0: {  	v28 =	vadd.f32 v56, v54;
	v54 =	vld [tilespmem:$0x1FBE0]  }
0x2f1: {  	v56 =	vld [tilespmem:$0x1FC00]  }
0x2f2: {  	v39 =	vmul.f32 v55, v59;
	v55 =	vld [tilespmem:$0x1FBF0]  }
0x2f3: {  	v34 =	vmul.f32 v58, v57;
	v57 =	vld [tilespmem:$0x1FC10]  }
0x2f4: {  	v58 =	vld [tilespmem:$0x1FC20]  }
0x2f5: {  	v12 =	vmul.f32 v12, v15;
	v59 =	vld [tilespmem:$0x1FC30]  }
0x2f6: {  	v22 =	vadd.f32 v34, v22;
	v34 =	vadd.f32 v61, v28;
	v61 =	vld [tilespmem:$0x1FC50]  }
0x2f7: {  	v0 =	vadd.f32 v0, v12;
	v12 =	vmul.f32 v44, v43;
	v43 =	vld [tilespmem:$0x1FC70]  }
0x2f8: {  	v44 =	vld [tilespmem:$0x1FC80]  }
0x2f9: {  	v28 =	vmul.f32 v38, v48;
	v48 =	vld [tilespmem:$0x1FCB0]  }
0x2fa: {  	v9 =	vmul.f32 v50, v49;
	v49 =	vld [tilespmem:$0x1FCC0]  }
0x2fb: {  	v50 =	vld [tilespmem:$0x1B80]  }
0x2fc: {  	v4 =	vmul.f32 v4, v36;
	v1 =	vadd.f32 v1, v5;
	v38 =	vmul.f32 v52, v62;
	v52 =	vld [tilespmem:$0x1FCD0]  }
0x2fd: {  	v3 =	vmul.f32 v3, v42;
	v2 =	vmul.f32 v2, v7;
	v11 =	vadd.f32 v39, v22;
	v22 =	vld [tilespmem:$0x1AB0]  }
0x2fe: {  	v62 =	vmul.f32 v40, v37;
	v0 =	vadd.f32 v12, v0;
	v12 =	vmul.f32 v47, v46;
	v39 =	vld [tilespmem:$0xB30]  }
0x2ff: {  	v15 =	vadd.f32 v63, v34;
	v34 =	vmul.f32 v53, v51;
	v63 =	vmul.f32 v6, v30;
	v46 =	vld [tilespmem:$0x1FCA0]  }
0x300: {  	v8 =	vadd.f32 v28, v8;
	v47 =	vld [tilespmem:$0xB80];
	v28 =	vmul.f32 v57, v56;
	v5 =	vmul.f32 v59, v58  }
0x301: {  	v53 =	vld [tilespmem:$0x1FCE0];
	v56 =	vmul.f32 v25, v20;
	v58 =	vmul.f32 v27, v23  }
0x302: {  	v57 =	vld [tilespmem:$0x1B90];
	v59 =	vmul.f32 v26, v29;
	v25 =	vmul.f32 v24, v33  }
0x303: {  	v0 =	vadd.f32 v12, v0;
	v9 =	vadd.f32 v34, v9;
	v12 =	vmul.f32 v55, v54;
	v54 =	vld [tilespmem:$0xB90]  }
0x304: {  	[tilespmem:$0x2400] =	vst v16;
	v2 =	vadd.f32 v2, v63;
	v55 =	vld [tilespmem:$0x1FCF0];
	v1 =	vadd.f32 v5, v1;
	v7 =	vmul.f32 v44, v43  }
0x305: {  	[tilespmem:$0x2430] =	vst v19;
	v34 =	vld [tilespmem:$0x1B20];
	v5 =	vmul.f32 v49, v48;
	v9 =	vadd.f32 v12, v9;
	v12 =	vmul.f32 v61, v60  }
0x306: {  	[tilespmem:$0x2410] =	vst v21;
	v63 =	vld [tilespmem:$0x1BA0];
	v61 =	vmul.f32 v35, v32;
	v30 =	vmul.f32 v46, v45;
	v1 =	vadd.f32 v7, v1  }
0x307: {  	[tilespmem:$0x2420] =	vst v18;
	v60 =	vld [tilespmem:$0xBA0];
	v35 =	vmul.f32 v22, v10;
	v12 =	vadd.f32 v38, v12;
	v9 =	vadd.f32 v28, v9  }
0x308: {  	v26 =	vld [tilespmem:$0xBB0];
	[tilespmem:$0x2440] =	vst v11;
	v27 =	vadd.f32 v62, v61;
	v28 =	vmul.f32 v31, v13;
	v31 =	vmul.f32 v50, v47  }
0x309: {  	v29 =	vld [tilespmem:$0x1BB0];
	[tilespmem:$0x2450] =	vst v15;
	v2 =	vadd.f32 v5, v2;
	v5 =	vmul.f32 v17, v55;
	v32 =	vmul.f32 v57, v54  }
0x30a: {  	[tilespmem:$0x2460] =	vst v0;
	v51 =	vadd.f32 v30, v12;
	v12 =	vmul.f32 v53, v52;
	v0 =	vadd.f32 v3, v27  }
0x30b: {  	[tilespmem:$0x2470] =	vst v8;
	v34 =	vmul.f32 v34, v14;
	v33 =	vadd.f32 v4, v28;
	v2 =	vadd.f32 v5, v2  }
0x30c: {  	v44 =	vld [tilespmem:$0x1FF00];
	[tilespmem:$0x2490] =	vst v1;
	v36 =	vadd.f32 v32, v31;
	v37 =	vmul.f32 v63, v60;
	v7 =	vadd.f32 v12, v51  }
0x30d: {  	v40 =	vmul.f32 v41, v39;
	v45 =	vld [tilespmem:$0x1FF10];
	[tilespmem:$0x2480] =	vst v9;
	v12 =	vadd.f32 v58, v56;
	v3 =	vadd.f32 v34, v33  }
0x30e: {  	v42 =	vmul.f32 v29, v26;
	v0 =	vadd.f32 v35, v0;
	[tilespmem:$0x24B0] =	vst v2;
	v41 =	vadd.f32 v37, v36  }
0x30f: {  	v46 =	vld [tilespmem:$0x1FF20];
	v30 =	vadd.f32 v59, v12;
	[tilespmem:$0x24A0] =	vst v7;
	v3 =	vadd.f32 v40, v3  }
0x310: {  	[tilespmem:$0x24D0] =	vst v0;
	v43 =	vadd.f32 v42, v41  }
0x311: {  	v47 =	vld [tilespmem:$0x1FF30];
	v38 =	vadd.f32 v25, v30;
	[tilespmem:$0x24E0] =	vst v3  }
0x312: {  	v48 =	vld [tilespmem:$0x1FF40];
	[tilespmem:$0x24F0] =	vst v43  }
0x313: {  	v49 =	vld [tilespmem:$0x1FF50];
	[tilespmem:$0x24C0] =	vst v38  }
0x314: {  	v0 =	vld.idx.msk [tilespmem:v44+s13+$0x0], $0xffff  }
0x315: {  	v1 =	vld.idx.msk [tilespmem:v45+s13+$0x0], $0xffff  }
0x316: {  	v50 =	vld [tilespmem:$0x1FF60]  }
0x317: {  	v2 =	vld.idx.msk [tilespmem:v46+s13+$0x0], $0xffff  }
0x318: {  	v51 =	vld [tilespmem:$0x1FF70]  }
0x319: {  	v3 =	vld.idx.msk [tilespmem:v47+s13+$0x0], $0xffff  }
0x31a: {  	v52 =	vld [tilespmem:$0x1FF80];
	v0 =	vadd.f32 v1, v0  }
0x31b: {  	v1 =	vld.idx.msk [tilespmem:v48+s13+$0x0], $0xffff  }
0x31c: {  	v53 =	vld [tilespmem:$0x1FF90];
	v0 =	vadd.f32 v2, v0  }
0x31d: {  	v2 =	vld.idx.msk [tilespmem:v49+s13+$0x0], $0xffff  }
0x31e: {  	v54 =	vld [tilespmem:$0x1FFA0];
	v0 =	vadd.f32 v3, v0  }
0x31f: {  	v3 =	vld.idx.msk [tilespmem:v50+s13+$0x0], $0xffff  }
0x320: {  	v55 =	vld [tilespmem:$0x1FFB0];
	v0 =	vadd.f32 v1, v0  }
0x321: {  	v1 =	vld.idx.msk [tilespmem:v51+s13+$0x0], $0xffff  }
0x322: {  	v56 =	vld [tilespmem:$0x1FFC0];
	v0 =	vadd.f32 v2, v0  }
0x323: {  	v2 =	vld.idx.msk [tilespmem:v52+s13+$0x0], $0xffff  }
0x324: {  	v57 =	vld [tilespmem:$0x1FFD0];
	v0 =	vadd.f32 v3, v0  }
0x325: {  	v3 =	vld.idx.msk [tilespmem:v53+s13+$0x0], $0xffff  }
0x326: {  	v58 =	vld [tilespmem:$0x1FFE0];
	v0 =	vadd.f32 v1, v0  }
0x327: {  	v1 =	vld.idx.msk [tilespmem:v54+s13+$0x0], $0xffff  }
0x328: {  	v59 =	vld [tilespmem:$0x1FFF0];
	v0 =	vadd.f32 v2, v0  }
0x329: {  	v2 =	vld.idx.msk [tilespmem:v55+s13+$0x0], $0xffff  }
0x32a: {  	v0 =	vadd.f32 v3, v0  }
0x32b: {  	v3 =	vld.idx.msk [tilespmem:v56+s13+$0x0], $0xffff  }
0x32c: {  	v0 =	vadd.f32 v1, v0  }
0x32d: {  	v1 =	vld.idx.msk [tilespmem:v57+s13+$0x0], $0xffff  }
0x32e: {  	v0 =	vadd.f32 v2, v0  }
0x32f: {  	v2 =	vld.idx.msk [tilespmem:v58+s13+$0x0], $0xffff  }
0x330: {  	v0 =	vadd.f32 v3, v0  }
0x331: {  	v3 =	vld.idx.msk [tilespmem:v59+s13+$0x0], $0xffff  }
0x332: {  	v0 =	vadd.f32 v1, v0;
	_ =	sdelay $0x1  }
0x333: {  	v0 =	vadd.f32 v2, v0;
	_ =	sdelay $0x1  }
0x334: {  	v0 =	vadd.f32 v3, v0;
	_ =	sdelay $0x1  }
0x335: {  	v0 =	vsub.f32 $0.0e+00, v0;
	_ =	sdelay $0x1  }
0x336: {  	v0 =	vmul.f32 $1.442695020e+00, v0;
	_ =	sdelay $0x1  }
0x337: {  	(erf) = vpow2.f32 v0;
	_ =	sdelay $0x8  }
0x338: {  	v0 =	vpop (erf)  }
0x339: {  	v0 =	vadd.f32 $1.000000000e+00, v0;
	_ =	sdelay $0x1  }
0x33a: {  	(erf) = vrcp.f32 v0;
	_ =	sdelay $0x8  }
0x33b: {  	v0 =	vpop (erf)  }
0x33c: {  	[tilespmem:s17+$0x2500] =	vst v0  }
0x33d: {  	v0 =	vld [tilespmem:$0xC00]  }
0x33e: {  	v1 =	vld [tilespmem:$0x1C00]  }
0x33f: {  	v2 =	vld [tilespmem:$0xC10]  }
0x340: {  	v3 =	vld [tilespmem:$0x1C10]  }
0x341: {  	v4 =	vld [tilespmem:$0xC20]  }
0x342: {  	v5 =	vld [tilespmem:$0x1C20]  }
0x343: {  	v6 =	vld [tilespmem:$0xC30]  }
0x344: {  	v7 =	vld [tilespmem:$0x1C30]  }
0x345: {  	v8 =	vld [tilespmem:$0xC80]  }
0x346: {  	v9 =	vld [tilespmem:$0x1C80]  }
0x347: {  	v10 =	vld [tilespmem:$0xC90]  }
0x348: {  	v11 =	vld [tilespmem:$0x1C90]  }
0x349: {  	v12 =	vld [tilespmem:$0xCA0]  }
0x34a: {  	v13 =	vld [tilespmem:$0x1CA0]  }
0x34b: {  	v60 =	vld [tilespmem:$0xCB0]  }
0x34c: {  	v61 =	vld [tilespmem:$0x1CB0]  }
0x34d: {  	v16 =	vld [tilespmem:$0xD00]  }
0x34e: {  	v17 =	vld [tilespmem:$0x1D00]  }
0x34f: {  	v18 =	vld [tilespmem:$0xD10]  }
0x350: {  	v19 =	vld [tilespmem:$0x1D10]  }
0x351: {  	v20 =	vld [tilespmem:$0xD20]  }
0x352: {  	v21 =	vld [tilespmem:$0x1D20]  }
0x353: {  	v62 =	vld [tilespmem:$0xD30]  }
0x354: {  	v53 =	vld [tilespmem:$0x1D30]  }
0x355: {  	v24 =	vld [tilespmem:$0xD80]  }
0x356: {  	v25 =	vld [tilespmem:$0x1D80]  }
0x357: {  	v26 =	vld [tilespmem:$0xD90]  }
0x358: {  	v27 =	vld [tilespmem:$0x1D90]  }
0x359: {  	v28 =	vld [tilespmem:$0xDA0]  }
0x35a: {  	v29 =	vld [tilespmem:$0x1DA0]  }
0x35b: {  	v30 =	vld [tilespmem:$0xDB0]  }
0x35c: {  	v31 =	vld [tilespmem:$0x1DB0]  }
0x35d: {  	v38 =	vld [tilespmem:$0xE00]  }
0x35e: {  	v33 =	vld [tilespmem:$0x1E00]  }
0x35f: {  	v34 =	vld [tilespmem:$0xE10]  }
0x360: {  	v35 =	vld [tilespmem:$0x1E10]  }
0x361: {  	v63 =	vld [tilespmem:$0xE20]  }
0x362: {  	v22 =	vld [tilespmem:$0x1E20]  }
0x363: {  	v23 =	vld [tilespmem:$0xE30]  }
0x364: {  	v55 =	vld [tilespmem:$0x1E30]  }
0x365: {  	v40 =	vld [tilespmem:$0xE80]  }
0x366: {  	v41 =	vld [tilespmem:$0x1E80]  }
0x367: {  	v42 =	vld [tilespmem:$0xE90]  }
0x368: {  	v43 =	vld [tilespmem:$0x1E90]  }
0x369: {  	v44 =	vld [tilespmem:$0xEA0]  }
0x36a: {  	v45 =	vld [tilespmem:$0x1EA0]  }
0x36b: {  	v46 =	vld [tilespmem:$0xEB0]  }
0x36c: {  	v47 =	vld [tilespmem:$0x1EB0]  }
0x36d: {  	v48 =	vld [tilespmem:$0xF00]  }
0x36e: {  	v49 =	vld [tilespmem:$0x1F00]  }
0x36f: {  	v50 =	vld [tilespmem:$0xF10]  }
0x370: {  	v51 =	vld [tilespmem:$0x1F10]  }
0x371: {  	v32 =	vld [tilespmem:$0xF20]  }
0x372: {  	v36 =	vld [tilespmem:$0x1F20]  }
0x373: {  	v37 =	vld [tilespmem:$0xF30]  }
0x374: {  	v39 =	vld [tilespmem:$0x1F30]  }
0x375: {  	v56 =	vld [tilespmem:$0xF80]  }
0x376: {  	v57 =	vld [tilespmem:$0x1F80]  }
0x377: {  	v58 =	vld [tilespmem:$0xF90]  }
0x378: {  	v59 =	vld [tilespmem:$0x1F90]  }
0x379: {  	v52 =	vld [tilespmem:$0xFB0]  }
0x37a: {  	v54 =	vld [tilespmem:$0x1000]  }
0x37b: {  	v14 =	vld [tilespmem:$0x2090]  }
0x37c: {  	v15 =	vld [tilespmem:$0x2190]  }
0x37d: {  	[tilespmem:$0x1FD00] =	vst v60;
	v60 =	vld [tilespmem:$0xFA0]  }
0x37e: {  	[tilespmem:$0x1FD10] =	vst v61;
	v61 =	vld [tilespmem:$0x1FA0]  }
0x37f: {  	[tilespmem:$0x1FD30] =	vst v63;
	v63 =	vld [tilespmem:$0x1FB0]  }
0x380: {  	[tilespmem:$0x1FD20] =	vst v62;
	v62 =	vld [tilespmem:$0x2000]  }
0x381: {  	[tilespmem:$0x1FD40] =	vst v22;
	v22 =	vld [tilespmem:$0x1010]  }
0x382: {  	[tilespmem:$0x1FDA0] =	vst v52;
	v52 =	vld [tilespmem:$0x2010]  }
0x383: {  	[tilespmem:$0x1FD50] =	vst v23;
	v23 =	vld [tilespmem:$0x1020]  }
0x384: {  	[tilespmem:$0x1FD60] =	vst v32;
	v32 =	vld [tilespmem:$0x2020]  }
0x385: {  	[tilespmem:$0x1FD70] =	vst v36;
	v36 =	vld [tilespmem:$0x1030]  }
0x386: {  	[tilespmem:$0x1FD80] =	vst v37;
	v37 =	vld [tilespmem:$0x2030]  }
0x387: {  	[tilespmem:$0x1FD90] =	vst v39;
	v39 =	vld [tilespmem:$0x10A0]  }
0x388: {  	[tilespmem:$0x1FDB0] =	vst v54;
	v54 =	vld [tilespmem:$0x20A0]  }
0x389: {  	v0 =	vmul.f32 v1, v0;
	v1 =	vld [tilespmem:$0x21B0]  }
0x38a: {  	v2 =	vmul.f32 v3, v2;
	v3 =	vmul.f32 v5, v4;
	v4 =	vld [tilespmem:$0x1200]  }
0x38b: {  	v5 =	vmul.f32 v9, v8;
	v9 =	vld [tilespmem:$0x2200]  }
0x38c: {  	v8 =	vmul.f32 v11, v10;
	v11 =	vld [tilespmem:$0x2210]  }
0x38d: {  	v10 =	vld [tilespmem:$0x2220]  }
0x38e: {  	v31 =	vmul.f32 v31, v30;
	v30 =	vld [tilespmem:$0x1300]  }
0x38f: {  	v27 =	vmul.f32 v27, v26;
	v26 =	vld [tilespmem:$0x1FD10]  }
0x390: {  	v40 =	vmul.f32 v41, v40;
	v41 =	vmul.f32 v43, v42;
	v42 =	vld [tilespmem:$0x1FD30]  }
0x391: {  	v43 =	vld [tilespmem:$0x1FD40]  }
0x392: {  	v0 =	vadd.f32 v2, v0;
	v2 =	vmul.f32 v7, v6;
	v7 =	vld [tilespmem:$0x1210]  }
0x393: {  	v5 =	vadd.f32 v8, v5;
	v8 =	vld [tilespmem:$0x2230]  }
0x394: {  	v0 =	vadd.f32 v3, v0;
	v3 =	vmul.f32 v25, v24;
	v25 =	vld [tilespmem:$0x1FD00]  }
0x395: {  	v24 =	vmul.f32 v21, v20;
	v21 =	vld [tilespmem:$0x1290]  }
0x396: {  	[tilespmem:$0x1FE10] =	vst v37;
	v37 =	vld [tilespmem:$0x1080]  }
0x397: {  	[tilespmem:$0x1FDD0] =	vst v22;
	v22 =	vld [tilespmem:$0x2080]  }
0x398: {  	[tilespmem:$0x1FE00] =	vst v36;
	v36 =	vld [tilespmem:$0x1090]  }
0x399: {  	[tilespmem:$0x1FDC0] =	vst v62;
	v62 =	vld [tilespmem:$0x10B0]  }
0x39a: {  	[tilespmem:$0x1FDE0] =	vst v23;
	v23 =	vld [tilespmem:$0x20B0]  }
0x39b: {  	[tilespmem:$0x1FDF0] =	vst v32;
	v32 =	vld [tilespmem:$0x1100]  }
0x39c: {  	[tilespmem:$0x1FE20] =	vst v39;
	v39 =	vld [tilespmem:$0x2100]  }
0x39d: {  	[tilespmem:$0x1FE30] =	vst v54;
	v54 =	vld [tilespmem:$0x1110]  }
0x39e: {  	v19 =	vmul.f32 v19, v18;
	v3 =	vadd.f32 v27, v3;
	v27 =	vmul.f32 v29, v28;
	v29 =	vld [tilespmem:$0x1FD20]  }
0x39f: {  	v33 =	vmul.f32 v33, v38;
	v18 =	vmul.f32 v43, v42;
	v43 =	vld [tilespmem:$0x1FD80]  }
0x3a0: {  	v38 =	vmul.f32 v35, v34;
	v34 =	vmul.f32 v51, v50;
	v50 =	vld [tilespmem:$0x1FDF0]  }
0x3a1: {  	v51 =	vld [tilespmem:$0x1FE00]  }
0x3a2: {  	v3 =	vadd.f32 v27, v3;
	v27 =	vld [tilespmem:$0x12A0]  }
0x3a3: {  	[tilespmem:$0x1FE70] =	vst v62;
	v62 =	vld [tilespmem:$0x1120]  }
0x3a4: {  	v17 =	vmul.f32 v17, v16;
	v16 =	vmul.f32 v26, v25;
	v25 =	vld [tilespmem:$0x2290]  }
0x3a5: {  	[tilespmem:$0x1FE60] =	vst v54;
	v54 =	vld [tilespmem:$0x2110]  }
0x3a6: {  	[tilespmem:$0x1FE80] =	vst v23;
	v23 =	vld [tilespmem:$0x2120]  }
0x3a7: {  	[tilespmem:$0x1FE40] =	vst v32;
	v32 =	vld [tilespmem:$0x1130]  }
0x3a8: {  	[tilespmem:$0x1FE90] =	vst v62;
	v62 =	vld [tilespmem:$0x11A0]  }
0x3a9: {  	[tilespmem:$0x1FE50] =	vst v39;
	v39 =	vld [tilespmem:$0x2130]  }
0x3aa: {  	v3 =	vadd.f32 v31, v3;
	v31 =	vld [tilespmem:$0x12B0]  }
0x3ab: {  	v22 =	vmul.f32 v22, v37;
	v37 =	vld [tilespmem:$0x2320]  }
0x3ac: {  	v6 =	vmul.f32 v53, v29;
	v53 =	vld [tilespmem:$0x1FD50]  }
0x3ad: {  	[tilespmem:$0x1FEB0] =	vst v62;
	v62 =	vld [tilespmem:$0x21A0]  }
0x3ae: {  	v29 =	vld [tilespmem:$0x22A0]  }
0x3af: {  	v35 =	vmul.f32 v57, v56;
	v56 =	vld [tilespmem:$0x1FE40]  }
0x3b0: {  	v57 =	vld [tilespmem:$0x1FE50]  }
0x3b1: {  	v42 =	vmul.f32 v61, v60;
	v60 =	vld [tilespmem:$0x1FE70]  }
0x3b2: {  	[tilespmem:$0x1FEC0] =	vst v62;
	v62 =	vld [tilespmem:$0x11B0]  }
0x3b3: {  	v61 =	vld [tilespmem:$0x1FE80]  }
0x3b4: {  	[tilespmem:$0x1FEE0] =	vst v39;
	v39 =	vld [tilespmem:$0x1180]  }
0x3b5: {  	[tilespmem:$0x1FEA0] =	vst v23;
	v23 =	vld [tilespmem:$0x2180]  }
0x3b6: {  	[tilespmem:$0x1FED0] =	vst v32;
	v32 =	vld [tilespmem:$0x1190]  }
0x3b7: {  	[tilespmem:$0x1FEF0] =	vst v62;
	v62 =	vmul.f32 v13, v12;
	v13 =	vld [tilespmem:$0x1220]  }
0x3b8: {  	v12 =	vadd.f32 v41, v40;
	v40 =	vld [tilespmem:$0x1FD60]  }
0x3b9: {  	v41 =	vld [tilespmem:$0x1FD70]  }
0x3ba: {  	v5 =	vadd.f32 v62, v5;
	v62 =	vadd.f32 v19, v17;
	v17 =	vld [tilespmem:$0x1230]  }
0x3bb: {  	v19 =	vld [tilespmem:$0x2280]  }
0x3bc: {  	v5 =	vadd.f32 v16, v5;
	v16 =	vld [tilespmem:$0x1280]  }
0x3bd: {  	v28 =	vadd.f32 v24, v62;
	v24 =	vmul.f32 v55, v53;
	v55 =	vmul.f32 v45, v44;
	v44 =	vld [tilespmem:$0x1FD90]  }
0x3be: {  	v45 =	vld [tilespmem:$0x1FDA0]  }
0x3bf: {  	v62 =	vmul.f32 v47, v46;
	v46 =	vld [tilespmem:$0x1FDB0]  }
0x3c0: {  	v47 =	vld [tilespmem:$0x1FDC0]  }
0x3c1: {  	v53 =	vld [tilespmem:$0x1FE20]  }
0x3c2: {  	v0 =	vadd.f32 v2, v0;
	v2 =	vadd.f32 v6, v28;
	v28 =	vld [tilespmem:$0x22B0]  }
0x3c3: {  	v6 =	vadd.f32 v38, v33;
	v33 =	vmul.f32 v49, v48;
	v48 =	vld [tilespmem:$0x1FDD0]  }
0x3c4: {  	v49 =	vld [tilespmem:$0x1FDE0]  }
0x3c5: {  	v12 =	vadd.f32 v55, v12;
	v55 =	vld [tilespmem:$0x1FE30]  }
0x3c6: {  	v38 =	vmul.f32 v59, v58;
	v58 =	vld [tilespmem:$0x1FE60]  }
0x3c7: {  	v59 =	vmul.f32 v23, v39;
	v23 =	vld [tilespmem:$0x2330]  }
0x3c8: {  	v6 =	vadd.f32 v18, v6;
	v18 =	vadd.f32 v34, v33;
	v34 =	vld [tilespmem:$0x2300]  }
0x3c9: {  	v15 =	vmul.f32 v15, v32;
	v20 =	vadd.f32 v38, v35;
	v38 =	vld [tilespmem:$0x1310]  }
0x3ca: {  	v12 =	vadd.f32 v62, v12;
	v62 =	vld [tilespmem:$0x1FE90]  }
0x3cb: {  	v15 =	vadd.f32 v15, v59;
	v59 =	vld [tilespmem:$0x23A0]  }
0x3cc: {  	v33 =	vmul.f32 v63, v45;
	v63 =	vld [tilespmem:$0x1FEA0]  }
0x3cd: {  	v45 =	vld [tilespmem:$0x1FEC0]  }
0x3ce: {  	v26 =	vmul.f32 v47, v46;
	v46 =	vld [tilespmem:$0x2380]  }
0x3cf: {  	v14 =	vmul.f32 v14, v36;
	v6 =	vadd.f32 v24, v6;
	v24 =	vmul.f32 v41, v40;
	v41 =	vld [tilespmem:$0x1330]  }
0x3d0: {  	v4 =	vmul.f32 v9, v4;
	v35 =	vmul.f32 v52, v48;
	v52 =	vld [tilespmem:$0x1FE10]  }
0x3d1: {  	v7 =	vmul.f32 v11, v7;
	v14 =	vadd.f32 v14, v22;
	v22 =	vmul.f32 v55, v53;
	v53 =	vld [tilespmem:$0x1FEF0]  }
0x3d2: {  	v32 =	vmul.f32 v61, v60;
	v20 =	vadd.f32 v42, v20;
	v40 =	vmul.f32 v54, v58;
	v54 =	vld [tilespmem:$0x2390]  }
0x3d3: {  	v61 =	vmul.f32 v29, v27;
	v18 =	vadd.f32 v24, v18;
	v24 =	vmul.f32 v44, v43;
	v44 =	vld [tilespmem:$0x1FEB0]  }
0x3d4: {  	v20 =	vadd.f32 v33, v20;
	v33 =	vmul.f32 v50, v49;
	v49 =	vld [tilespmem:$0x1FED0];
	v26 =	vadd.f32 v35, v26  }
0x3d5: {  	v4 =	vadd.f32 v7, v4;
	v10 =	vmul.f32 v10, v13;
	v60 =	vmul.f32 v8, v17;
	v50 =	vld [tilespmem:$0x1FEE0]  }
0x3d6: {  	[tilespmem:$0x2400] =	vst v0;
	v18 =	vadd.f32 v24, v18;
	v24 =	vld [tilespmem:$0x2310];
	v26 =	vadd.f32 v33, v26;
	v33 =	vmul.f32 v57, v56  }
0x3d7: {  	[tilespmem:$0x2430] =	vst v3;
	v4 =	vadd.f32 v10, v4;
	v14 =	vadd.f32 v22, v14;
	v36 =	vmul.f32 v52, v51;
	v51 =	vld [tilespmem:$0x1390]  }
0x3d8: {  	[tilespmem:$0x2410] =	vst v5;
	v58 =	vmul.f32 v25, v21;
	v57 =	vmul.f32 v19, v16;
	v33 =	vadd.f32 v40, v33;
	v40 =	vld [tilespmem:$0x1380]  }
0x3d9: {  	[tilespmem:$0x2420] =	vst v2;
	v35 =	vld [tilespmem:$0x1320];
	v21 =	vmul.f32 v34, v30;
	v39 =	vmul.f32 v63, v62;
	v47 =	vadd.f32 v32, v14  }
0x3da: {  	[tilespmem:$0x2450] =	vst v12;
	v56 =	vld [tilespmem:$0x13A0];
	v1 =	vmul.f32 v1, v53;
	v22 =	vmul.f32 v45, v44;
	v2 =	vadd.f32 v58, v57  }
0x3db: {  	[tilespmem:$0x2440] =	vst v6;
	v62 =	vld [tilespmem:$0x13B0];
	v32 =	vmul.f32 v50, v49;
	v43 =	vadd.f32 v36, v26;
	v48 =	vadd.f32 v39, v33  }
0x3dc: {  	[tilespmem:$0x2470] =	vst v20;
	v52 =	vadd.f32 v22, v15;
	v22 =	vmul.f32 v24, v38;
	v24 =	vld [tilespmem:$0x23B0];
	v26 =	vadd.f32 v61, v2  }
0x3dd: {  	[tilespmem:$0x2460] =	vst v18;
	v38 =	vadd.f32 v60, v4;
	v9 =	vmul.f32 v54, v51;
	v25 =	vmul.f32 v46, v40  }
0x3de: {  	[tilespmem:$0x2490] =	vst v47;
	v30 =	vmul.f32 v37, v35;
	v55 =	vadd.f32 v32, v48;
	v27 =	vadd.f32 v22, v21;
	v48 =	vld [tilespmem:$0x1FF00]  }
0x3df: {  	v50 =	vld [tilespmem:$0x1FF10];
	[tilespmem:$0x2480] =	vst v43;
	v35 =	vmul.f32 v59, v56;
	v32 =	vmul.f32 v28, v31;
	v33 =	vadd.f32 v9, v25  }
0x3e0: {  	v41 =	vmul.f32 v23, v41;
	v1 =	vadd.f32 v1, v52;
	[tilespmem:$0x24C0] =	vst v38;
	v2 =	vadd.f32 v30, v27  }
0x3e1: {  	v40 =	vld [tilespmem:$0x1FF20];
	[tilespmem:$0x24A0] =	vst v55;
	v0 =	vadd.f32 v32, v26;
	v45 =	vmul.f32 v24, v62;
	v42 =	vadd.f32 v35, v33  }
0x3e2: {  	[tilespmem:$0x24B0] =	vst v1;
	v2 =	vadd.f32 v41, v2  }
0x3e3: {  	v39 =	vld [tilespmem:$0x1FF30];
	[tilespmem:$0x24D0] =	vst v0;
	v49 =	vadd.f32 v45, v42  }
0x3e4: {  	v44 =	vld [tilespmem:$0x1FF40];
	[tilespmem:$0x24E0] =	vst v2  }
0x3e5: {  	v43 =	vld [tilespmem:$0x1FF50];
	[tilespmem:$0x24F0] =	vst v49  }
0x3e6: {  	v0 =	vld.idx.msk [tilespmem:v48+s13+$0x0], $0xffff  }
0x3e7: {  	v51 =	vld.idx.msk [tilespmem:v50+s13+$0x0], $0xffff  }
0x3e8: {  	v34 =	vld [tilespmem:$0x1FF60]  }
0x3e9: {  	v2 =	vld.idx.msk [tilespmem:v40+s13+$0x0], $0xffff  }
0x3ea: {  	v37 =	vld [tilespmem:$0x1FF70]  }
0x3eb: {  	v3 =	vld.idx.msk [tilespmem:v39+s13+$0x0], $0xffff  }
0x3ec: {  	v47 =	vld [tilespmem:$0x1FF80];
	v0 =	vadd.f32 v51, v0  }
0x3ed: {  	v52 =	vld.idx.msk [tilespmem:v44+s13+$0x0], $0xffff  }
0x3ee: {  	v36 =	vld [tilespmem:$0x1FF90];
	v0 =	vadd.f32 v2, v0  }
0x3ef: {  	v53 =	vld.idx.msk [tilespmem:v43+s13+$0x0], $0xffff  }
0x3f0: {  	v29 =	vld [tilespmem:$0x1FFA0];
	v0 =	vadd.f32 v3, v0  }
0x3f1: {  	v54 =	vld.idx.msk [tilespmem:v34+s13+$0x0], $0xffff  }
0x3f2: {  	v46 =	vld [tilespmem:$0x1FFB0];
	v0 =	vadd.f32 v52, v0  }
0x3f3: {  	v55 =	vld.idx.msk [tilespmem:v37+s13+$0x0], $0xffff  }
0x3f4: {  	v16 =	vld [tilespmem:$0x1FFC0];
	v0 =	vadd.f32 v53, v0  }
0x3f5: {  	v56 =	vld.idx.msk [tilespmem:v47+s13+$0x0], $0xffff  }
0x3f6: {  	v17 =	vld [tilespmem:$0x1FFD0];
	v0 =	vadd.f32 v54, v0  }
0x3f7: {  	v57 =	vld.idx.msk [tilespmem:v36+s13+$0x0], $0xffff  }
0x3f8: {  	v63 =	vld [tilespmem:$0x1FFE0];
	v0 =	vadd.f32 v55, v0  }
0x3f9: {  	v58 =	vld.idx.msk [tilespmem:v29+s13+$0x0], $0xffff  }
0x3fa: {  	v19 =	vld [tilespmem:$0x1FFF0];
	v0 =	vadd.f32 v56, v0  }
0x3fb: {  	v59 =	vld.idx.msk [tilespmem:v46+s13+$0x0], $0xffff  }
0x3fc: {  	v0 =	vadd.f32 v57, v0  }
0x3fd: {  	v60 =	vld.idx.msk [tilespmem:v16+s13+$0x0], $0xffff  }
0x3fe: {  	v0 =	vadd.f32 v58, v0  }
0x3ff: {  	v61 =	vld.idx.msk [tilespmem:v17+s13+$0x0], $0xffff  }
0x400: {  	v0 =	vadd.f32 v59, v0  }
0x401: {  	v62 =	vld.idx.msk [tilespmem:v63+s13+$0x0], $0xffff  }
0x402: {  	v0 =	vadd.f32 v60, v0  }
0x403: {  	v63 =	vld.idx.msk [tilespmem:v19+s13+$0x0], $0xffff  }
0x404: {  	v0 =	vadd.f32 v61, v0;
	_ =	sdelay $0x1  }
0x405: {  	v0 =	vadd.f32 v62, v0;
	_ =	sdelay $0x1  }
0x406: {  	v0 =	vadd.f32 v63, v0;
	_ =	sdelay $0x1  }
0x407: {  	v0 =	vsub.f32 $0.0e+00, v0;
	_ =	sdelay $0x1  }
0x408: {  	v0 =	vmul.f32 $1.442695020e+00, v0;
	_ =	sdelay $0x1  }
0x409: {  	(erf) = vpow2.f32 v0;
	_ =	sdelay $0x8  }
0x40a: {  	v0 =	vpop (erf)  }
0x40b: {  	v0 =	vadd.f32 $1.000000000e+00, v0;
	_ =	sdelay $0x1  }
0x40c: {  	(erf) = vrcp.f32 v0;
	_ =	sdelay $0x4  }
0x40d: {  	p0 =	sne.s32 s16, $0x780  }
.Ltmp0:
0x40e: {  	_ = 	snop;
	(pc) =	sbr.rel @p0 .LBB2_2-.Ltmp0, $3  }
0x40f: {  	_ =	sdelay $0x1  }
0x410: {  	v0 =	vpop (erf)  }
0x411: {  	s16 =	sadd.s32 $0x80, s16;
	[tilespmem:s17+$0x2510] =	vst v0  }
0x412: {  	s15 =	sadd.s32 $0x1, s15  }
0x413: {  	p0 =	sne.s32 s15, s8  }
.Ltmp1:
0x414: {  	_ = 	snop;
	(pc) =	sbr.rel @p0 .LBB2_1-.Ltmp1, $4  }
0x415: {  	[hbm4b:s7+s1] =	stream.linear.scatter [tilespmem:s14], [sflag:$0x3], $0x200, $0x38;
	[tilespmem:$0x2700] =	vst v63  }
0x416: {  	_ =	swait.ge [sflag:s9], $0x200  }
0x417: {  	[sflag:s9] =	ssyncset.done $0x0  }
0x418: {  	[sflag:s9] =	ssyncadd.s32 $0xFFFFFE00  }
0x419: {  	_ =	sfence.sel $0x180000  }
0x41a: {  	[bflag:$0x0] =	sbarrier.arrive $0xFFFF  }
0x41b: {  	p0 =	sne.s32 s4, $0x0;
	_ =	strace $0x90000047  }
0x41c: {  	s0 =	sadd.s32 @!p0 $0x100000, s0;
	[bflag:$0x2] =	sbarrier.arrive $0xFFFF  }
0x41d: {  	[sflag:s0] =	ssyncadd.tile.s32 @!p0 $0x1;
	_ =	shalt  }
.Lfunc_end2:
_tile_overlayer_lowered:
.L_overlay_start_2:
0x41e: {  	(tag) =	ssettag $0x2  }
0x41f: {  	s0 =	rddreg [dreg:$0x0];
	s2 =	stileid.u32  }
0x420: {  	s1 =	rddreg [dreg:$0x1];
	p0 =	sne.s32 s2, $0x0  }
0x421: {  	s3 =	rddreg [dreg:$0x2];
	[bflag:$0x3] =	sbarrier.arrive $0xFFFF;
	s2 =	simm.s32 @!p0 $0x1C03  }
0x422: {  	[timem:s3], [sflag:s2] =	dma.local @!p0 [hbm:s0], s1  }
0x423: {  	s0 =	simm.s32 @!p0 $0x3  }
0x424: {  	_ =	swait.ge @!p0 [sflag:s0], s1  }
0x425: {  	s1 =	ssub.s32 @!p0 $0x0, s1;
	[sflag:s0] =	ssyncset.done @!p0 $0x0  }
0x426: {  	[sflag:s0] =	ssyncadd.s32 @!p0 s1  }
0x427: {  	[bflag:$0x3] =	sbarrier.arrive $0xFFFF  }
0x428: {  	_ =	shalt  }

</sc_bundles>
